<compile_context>
chip_gen: v7x
topology: tpu7x:2x2x1
jax: 0.10.2.dev20260603
libtpu: 0.0.44.dev20260713+nightly
codegen_flags: <defaults>
</compile_context>

<pallas_src>
import functools

import jax
import jax.numpy as jnp
from jax import lax
from jax.experimental import pallas as pl
from jax.experimental.pallas import tpu as pltpu
from jax.experimental.pallas import tpu_sc as plsc

N = 1048576
NS = 16
CHUNK = N // NS
L = 16
NVEC = CHUNK // L
J = int((1 - 0.1) * N)
HSTRIDE = 2048
ABS_MASK = 0x7FFFFFFF
U = 8

_LEVELS = ((21, None, 10), (10, 21, 11), (0, 10, 10))

_mesh = plsc.VectorSubcoreMesh(
    core_axis_name="c", subcore_axis_name="s", num_cores=2, num_subcores=NS
)


@functools.partial(
    pl.kernel,
    out_type=(
        jax.ShapeDtypeStruct((128, 8192), jnp.float32),
        jax.ShapeDtypeStruct((8192, 128), jnp.float32),
        jax.ShapeDtypeStruct((2, NS * HSTRIDE), jnp.int32),
    ),
    mesh=_mesh,
    compiler_params=pltpu.CompilerParams(needs_layout_passes=False),
    scratch_types=[
        pltpu.VMEM((512, 128), jnp.float32),
        pltpu.VMEM((NS * HSTRIDE,), jnp.int32),
        pltpu.VMEM((HSTRIDE,), jnp.int32),
        pltpu.SemaphoreType.DMA((4,)),
    ],
)
def _subnet_kernel(a_in, b_in, a_out, b_out, hsc,
                   data_v, hist_v, red_v, sems):
    c = lax.axis_index("c")
    s = lax.axis_index("s")
    lanes = lax.iota(jnp.int32, 16)
    zero16 = jnp.zeros((16,), jnp.int32)
    one16 = jnp.ones((16,), jnp.int32)

    def process(in_ref, out_ref, h_ref, rows, cols):
        Q = CHUNK // 4
        R4 = rows // 4
        dv2 = data_v if cols == 128 else data_v.reshape(rows, cols)
        ld = [
            pltpu.async_copy(
                in_ref.at[pl.ds(s * rows + q * R4, R4), :],
                dv2.at[pl.ds(q * R4, R4), :], sems.at[q])
            for q in range(4)
        ]

        jr = jnp.int32(J)
        prefix = jnp.int32(0)
        last16 = jnp.full((16,), 15, jnp.int32)
        for shift, pshift, bits in _LEVELS:
            width = 1 << bits

            @plsc.parallel_loop(0, width, step=16, unroll=U)
            def _(i):
                hist_v[pl.ds(i, 16)] = zero16

            pfx = prefix

            def scan_range(lo, hi):
                @plsc.parallel_loop(lo, hi, step=16, unroll=U)
                def _(off):
                    a = lax.bitcast_convert_type(
                        data_v[off >> 7, pl.ds(off & 127, 16)],
                        jnp.int32) & ABS_MASK
                    bn = ((a >> shift) & (width - 1) if shift
                          else a & (width - 1))
                    if pshift is None:
                        plsc.addupdate_scatter(hist_v, [bn], one16)
                    else:
                        m = (a >> pshift) == pfx
                        plsc.addupdate_scatter(hist_v, [bn], one16, mask=m)

            if pshift is None:
                for q in range(4):
                    ld[q].wait()
                    scan_range(q * Q, (q + 1) * Q)
            else:
                scan_range(0, CHUNK)

            def lred(ncopies):
                @plsc.parallel_loop(0, width, step=16, unroll=4)
                def _(r):
                    acc = hist_v[pl.ds(r, 16)]
                    for l in range(1, ncopies):
                        acc = acc + hist_v[pl.ds(l * width + r, 16)]
                    red_v[pl.ds(r, 16)] = acc

            pltpu.sync_copy(hist_v.at[pl.ds(0, width)],
                            h_ref.at[pl.ds(s * width, width)])
            plsc.subcore_barrier()
            pltpu.sync_copy(h_ref.at[pl.ds(0, NS * width)],
                            hist_v.at[pl.ds(0, NS * width)])
            lred(NS)

            z16 = jnp.zeros((16,), jnp.int32)

            @plsc.parallel_loop(0, width, step=16, unroll=2,
                                carry=(z16, z16))
            def crow_out(r, carry):
                tot, cnt = carry
                cf = tot + plsc.cumsum(red_v[pl.ds(r, 16)])
                red_v[pl.ds(r, 16)] = cf
                tot = cf.at[last16].get(mode="promise_in_bounds")
                cnt = cnt + jnp.where(cf <= jr, 1, 0)
                return (tot, cnt)

            _, cnt = crow_out
            fbin = jnp.sum(cnt)
            bm1 = jnp.maximum(fbin - 1, 0)
            vrow = red_v[pl.ds((bm1 >> 4) * 16, 16)]
            before_raw = jnp.max(jnp.where(lanes == (bm1 & 15), vrow, 0))
            before = jnp.where(fbin > 0, before_raw, 0)
            jr = jr - before
            prefix = (prefix << bits) | fbin

        t = prefix

        st = []
        for q in range(4):
            @plsc.parallel_loop(q * Q, (q + 1) * Q, step=16, unroll=U)
            def _(off):
                a = lax.bitcast_convert_type(
                    data_v[off >> 7, pl.ds(off & 127, 16)],
                    jnp.int32) & ABS_MASK
                data_v[off >> 7, pl.ds(off & 127, 16)] = jnp.where(
                    a >= t, 1.0, 0.0).astype(jnp.float32)
            st.append(pltpu.async_copy(
                dv2.at[pl.ds(q * R4, R4), :],
                out_ref.at[pl.ds(s * rows + q * R4, R4), :], sems.at[q]))
        for d in st:
            d.wait()

    @pl.when(c == 0)
    def _():
        process(a_in, a_out, hsc.at[0], 8, 8192)

    @pl.when(c == 1)
    def _():
        process(b_in, b_out, hsc.at[1], 512, 128)


def kernel(lora_A_mask, lora_B_mask):
    ma, mb, _ = _subnet_kernel(lora_A_mask, lora_B_mask)
    return ma, mb

# --- scband reference (transcript-rebuilt; emitter-appended) ---
"""Pipeline reference for scband-lora-subnet-59330678227177 (READ-ONLY COPY).

The authoritative reference and input builder live on the scoring server;
editing this copy changes nothing except your own understanding.
"""

import jax, jax.numpy as jnp
import numpy as np

LORA_A_SIZE = (128, 8192)
LORA_B_SIZE = (8192, 128)
SPARSITY = 0.1


def get_subnet(scores, k):
    # Faithful translation of GetSubnet.forward: sort flattened scores,
    # zero out the bottom (1-k) fraction, set the top k fraction to 1.
    flat = scores.reshape(-1)
    idx = jnp.argsort(flat)
    j = int((1 - k) * flat.size)
    out = flat
    out = out.at[idx[:j]].set(0.0)
    out = out.at[idx[j:]].set(1.0)
    return out.reshape(scores.shape)


def setup_inputs(seed: int = 0):
    key = jax.random.key(seed)
    kA, kB = jax.random.split(key)
    # torch kaiming_uniform_ with a=sqrt(5): bound = sqrt(6/((1+a^2)*fan_in)) = 1/sqrt(fan_in)
    bA = 1.0 / np.sqrt(LORA_A_SIZE[1])
    bB = 1.0 / np.sqrt(LORA_B_SIZE[1])
    lora_A_mask = jax.random.uniform(kA, LORA_A_SIZE, jnp.float32, minval=-bA, maxval=bA)
    lora_B_mask = jax.random.uniform(kB, LORA_B_SIZE, jnp.float32, minval=-bB, maxval=bB)
    return {"lora_A_mask": lora_A_mask, "lora_B_mask": lora_B_mask}


def reference(lora_A_mask, lora_B_mask):
    mask_A = get_subnet(jnp.abs(lora_A_mask), SPARSITY)
    mask_B = get_subnet(jnp.abs(lora_B_mask), SPARSITY)
    return (mask_A, mask_B)

if __name__ == "__main__":
    import jax
    _d = setup_inputs()
    print(jax.jit(kernel)(*tuple(_d.values())))

</pallas_src>

<mosaic_0001>
#map = affine_map<(d0, d1) -> (0, 0)>
module attributes {stable_mosaic.version = 14 : i64} {
  func.func @_subnet_kernel(%arg0: i32, %arg1: i32, %arg2: memref<128x8192xf32, #tpu.memory_space<hbm>>, %arg3: memref<8192x128xf32, #tpu.memory_space<hbm>>, %arg4: memref<128x8192xf32, #tpu.memory_space<hbm>>, %arg5: memref<8192x128xf32, #tpu.memory_space<hbm>>, %arg6: memref<2x32768xi32, #tpu.memory_space<hbm>>, %arg7: memref<512x128xf32, #tpu.memory_space<vmem>>, %arg8: memref<32768xi32, #tpu.memory_space<vmem>>, %arg9: memref<2048xi32, #tpu.memory_space<vmem>>, %arg10: memref<4x!tpu.dma_semaphore, #tpu.memory_space<semaphore_mem>>) attributes {dimension_semantics = [#tpu.dimension_semantics<core_parallel>, #tpu.dimension_semantics<subcore_parallel>], iteration_bounds = array<i64: 2, 16>, scalar_prefetch = 0 : i64, scratch_operands = 4 : i64, tpu.core_type = #tpu.core_type<sc_vector_subcore>, window_params = [{transform_indices = #map}, {transform_indices = #map}, {transform_indices = #map}, {transform_indices = #map}, {transform_indices = #map}]} {
    %iota3A = tpu.iota {dimensions = array<i32: 0>} : vector<16xi32>
    %broadcast_in_dim3A = arith.constant 0 : i32
    %broadcast_in_dim3A_0 = vector.broadcast %broadcast_in_dim3A : i32 to vector<16xi32>
    %broadcast_in_dim3A_1 = arith.constant 1 : i32
    %broadcast_in_dim3A_2 = vector.broadcast %broadcast_in_dim3A_1 : i32 to vector<16xi32>
    %eq3A = arith.constant 0 : i32
    %eq3A_3 = arith.cmpi eq, %arg0, %eq3A : i32
    %convert_element_type3A = arith.extui %eq3A_3 : i1 to i32
    %cond3A = arith.constant 0 : i32
    %cond3A_4 = arith.cmpi ne, %convert_element_type3A, %cond3A : i32
    scf.if %cond3A_4 {
      %mul3A = arith.constant 8 : i32
      %mul3A_10 = arith.muli %arg1, %mul3A : i32
      %add3A = arith.constant 0 : i32
      %add3A_11 = arith.addi %mul3A_10, %add3A : i32
      %dma_start3A = arith.constant 0 : i32
      %dma_start3A_12 = tpu.memref_reshape %arg7 : memref<512x128xf32, #tpu.memory_space<vmem>> -> memref<8x8192xf32, #tpu.memory_space<vmem>>
      %dma_start3A_13 = arith.constant 0 : i32
      %dma_start3A_14 = arith.constant 0 : i32
      %dma_start3A_15 = tpu.memref_slice %dma_start3A_12[%dma_start3A_13, %dma_start3A_14] : memref<8x8192xf32, #tpu.memory_space<vmem>> -> memref<2x8192xf32, #tpu.memory_space<vmem>>
      %dma_start3A_16 = arith.constant 0 : i32
      %dma_start3A_17 = tpu.memref_slice %arg2[%add3A_11, %dma_start3A_16] : memref<128x8192xf32, #tpu.memory_space<hbm>> -> memref<2x8192xf32, #tpu.memory_space<hbm>>
      %dma_start3A_18 = tpu.memref_slice %arg10[%dma_start3A] : memref<4x!tpu.dma_semaphore, #tpu.memory_space<semaphore_mem>> -> memref<1x!tpu.dma_semaphore, #tpu.memory_space<semaphore_mem>>
      %dma_start3A_19 = tpu.memref_squeeze %dma_start3A_18 : memref<1x!tpu.dma_semaphore, #tpu.memory_space<semaphore_mem>> -> memref<!tpu.dma_semaphore, #tpu.memory_space<semaphore_mem>>
      %dma_start3A_20 = tpu.memref_reshape %arg7 : memref<512x128xf32, #tpu.memory_space<vmem>> -> memref<8x8192xf32, #tpu.memory_space<vmem>>
      %dma_start3A_21 = arith.constant 0 : i32
      %dma_start3A_22 = arith.constant 0 : i32
      %dma_start3A_23 = tpu.memref_slice %dma_start3A_20[%dma_start3A_21, %dma_start3A_22] : memref<8x8192xf32, #tpu.memory_space<vmem>> -> memref<2x8192xf32, #tpu.memory_space<vmem>>
      %dma_start3A_24 = arith.constant 0 : i32
      %dma_start3A_25 = tpu.memref_slice %arg2[%add3A_11, %dma_start3A_24] : memref<128x8192xf32, #tpu.memory_space<hbm>> -> memref<2x8192xf32, #tpu.memory_space<hbm>>
      tpu.enqueue_dma source(%dma_start3A_25 : memref<2x8192xf32, #tpu.memory_space<hbm>>) target(%dma_start3A_23 : memref<2x8192xf32, #tpu.memory_space<vmem>>) target_semaphore(%dma_start3A_19 : memref<!tpu.dma_semaphore, #tpu.memory_space<semaphore_mem>>)
      %mul3A_26 = arith.constant 8 : i32
      %mul3A_27 = arith.muli %arg1, %mul3A_26 : i32
      %add3A_28 = arith.constant 2 : i32
      %add3A_29 = arith.addi %mul3A_27, %add3A_28 : i32
      %dma_start3A_30 = arith.constant 1 : i32
      %dma_start3A_31 = tpu.memref_reshape %arg7 : memref<512x128xf32, #tpu.memory_space<vmem>> -> memref<8x8192xf32, #tpu.memory_space<vmem>>
      %dma_start3A_32 = arith.constant 2 : i32
      %dma_start3A_33 = arith.constant 0 : i32
      %dma_start3A_34 = tpu.memref_slice %dma_start3A_31[%dma_start3A_32, %dma_start3A_33] : memref<8x8192xf32, #tpu.memory_space<vmem>> -> memref<2x8192xf32, #tpu.memory_space<vmem>>
      %dma_start3A_35 = arith.constant 0 : i32
      %dma_start3A_36 = tpu.memref_slice %arg2[%add3A_29, %dma_start3A_35] : memref<128x8192xf32, #tpu.memory_space<hbm>> -> memref<2x8192xf32, #tpu.memory_space<hbm>>
      %dma_start3A_37 = tpu.memref_slice %arg10[%dma_start3A_30] : memref<4x!tpu.dma_semaphore, #tpu.memory_space<semaphore_mem>> -> memref<1x!tpu.dma_semaphore, #tpu.memory_space<semaphore_mem>>
      %dma_start3A_38 = tpu.memref_squeeze %dma_start3A_37 : memref<1x!tpu.dma_semaphore, #tpu.memory_space<semaphore_mem>> -> memref<!tpu.dma_semaphore, #tpu.memory_space<semaphore_mem>>
      %dma_start3A_39 = tpu.memref_reshape %arg7 : memref<512x128xf32, #tpu.memory_space<vmem>> -> memref<8x8192xf32, #tpu.memory_space<vmem>>
      %dma_start3A_40 = arith.constant 2 : i32
      %dma_start3A_41 = arith.constant 0 : i32
      %dma_start3A_42 = tpu.memref_slice %dma_start3A_39[%dma_start3A_40, %dma_start3A_41] : memref<8x8192xf32, #tpu.memory_space<vmem>> -> memref<2x8192xf32, #tpu.memory_space<vmem>>
      %dma_start3A_43 = arith.constant 0 : i32
      %dma_start3A_44 = tpu.memref_slice %arg2[%add3A_29, %dma_start3A_43] : memref<128x8192xf32, #tpu.memory_space<hbm>> -> memref<2x8192xf32, #tpu.memory_space<hbm>>
      tpu.enqueue_dma source(%dma_start3A_44 : memref<2x8192xf32, #tpu.memory_space<hbm>>) target(%dma_start3A_42 : memref<2x8192xf32, #tpu.memory_space<vmem>>) target_semaphore(%dma_start3A_38 : memref<!tpu.dma_semaphore, #tpu.memory_space<semaphore_mem>>)
      %mul3A_45 = arith.constant 8 : i32
      %mul3A_46 = arith.muli %arg1, %mul3A_45 : i32
      %add3A_47 = arith.constant 4 : i32
      %add3A_48 = arith.addi %mul3A_46, %add3A_47 : i32
      %dma_start3A_49 = arith.constant 2 : i32
      %dma_start3A_50 = tpu.memref_reshape %arg7 : memref<512x128xf32, #tpu.memory_space<vmem>> -> memref<8x8192xf32, #tpu.memory_space<vmem>>
      %dma_start3A_51 = arith.constant 4 : i32
      %dma_start3A_52 = arith.constant 0 : i32
      %dma_start3A_53 = tpu.memref_slice %dma_start3A_50[%dma_start3A_51, %dma_start3A_52] : memref<8x8192xf32, #tpu.memory_space<vmem>> -> memref<2x8192xf32, #tpu.memory_space<vmem>>
      %dma_start3A_54 = arith.constant 0 : i32
      %dma_start3A_55 = tpu.memref_slice %arg2[%add3A_48, %dma_start3A_54] : memref<128x8192xf32, #tpu.memory_space<hbm>> -> memref<2x8192xf32, #tpu.memory_space<hbm>>
      %dma_start3A_56 = tpu.memref_slice %arg10[%dma_start3A_49] : memref<4x!tpu.dma_semaphore, #tpu.memory_space<semaphore_mem>> -> memref<1x!tpu.dma_semaphore, #tpu.memory_space<semaphore_mem>>
      %dma_start3A_57 = tpu.memref_squeeze %dma_start3A_56 : memref<1x!tpu.dma_semaphore, #tpu.memory_space<semaphore_mem>> -> memref<!tpu.dma_semaphore, #tpu.memory_space<semaphore_mem>>
      %dma_start3A_58 = tpu.memref_reshape %arg7 : memref<512x128xf32, #tpu.memory_space<vmem>> -> memref<8x8192xf32, #tpu.memory_space<vmem>>
      %dma_start3A_59 = arith.constant 4 : i32
      %dma_start3A_60 = arith.constant 0 : i32
      %dma_start3A_61 = tpu.memref_slice %dma_start3A_58[%dma_start3A_59, %dma_start3A_60] : memref<8x8192xf32, #tpu.memory_space<vmem>> -> memref<2x8192xf32, #tpu.memory_space<vmem>>
      %dma_start3A_62 = arith.constant 0 : i32
      %dma_start3A_63 = tpu.memref_slice %arg2[%add3A_48, %dma_start3A_62] : memref<128x8192xf32, #tpu.memory_space<hbm>> -> memref<2x8192xf32, #tpu.memory_space<hbm>>
      tpu.enqueue_dma source(%dma_start3A_63 : memref<2x8192xf32, #tpu.memory_space<hbm>>) target(%dma_start3A_61 : memref<2x8192xf32, #tpu.memory_space<vmem>>) target_semaphore(%dma_start3A_57 : memref<!tpu.dma_semaphore, #tpu.memory_space<semaphore_mem>>)
      %mul3A_64 = arith.constant 8 : i32
      %mul3A_65 = arith.muli %arg1, %mul3A_64 : i32
      %add3A_66 = arith.constant 6 : i32
      %add3A_67 = arith.addi %mul3A_65, %add3A_66 : i32
      %dma_start3A_68 = arith.constant 3 : i32
      %dma_start3A_69 = tpu.memref_reshape %arg7 : memref<512x128xf32, #tpu.memory_space<vmem>> -> memref<8x8192xf32, #tpu.memory_space<vmem>>
      %dma_start3A_70 = arith.constant 6 : i32
      %dma_start3A_71 = arith.constant 0 : i32
      %dma_start3A_72 = tpu.memref_slice %dma_start3A_69[%dma_start3A_70, %dma_start3A_71] : memref<8x8192xf32, #tpu.memory_space<vmem>> -> memref<2x8192xf32, #tpu.memory_space<vmem>>
      %dma_start3A_73 = arith.constant 0 : i32
      %dma_start3A_74 = tpu.memref_slice %arg2[%add3A_67, %dma_start3A_73] : memref<128x8192xf32, #tpu.memory_space<hbm>> -> memref<2x8192xf32, #tpu.memory_space<hbm>>
      %dma_start3A_75 = tpu.memref_slice %arg10[%dma_start3A_68] : memref<4x!tpu.dma_semaphore, #tpu.memory_space<semaphore_mem>> -> memref<1x!tpu.dma_semaphore, #tpu.memory_space<semaphore_mem>>
      %dma_start3A_76 = tpu.memref_squeeze %dma_start3A_75 : memref<1x!tpu.dma_semaphore, #tpu.memory_space<semaphore_mem>> -> memref<!tpu.dma_semaphore, #tpu.memory_space<semaphore_mem>>
      %dma_start3A_77 = tpu.memref_reshape %arg7 : memref<512x128xf32, #tpu.memory_space<vmem>> -> memref<8x8192xf32, #tpu.memory_space<vmem>>
      %dma_start3A_78 = arith.constant 6 : i32
      %dma_start3A_79 = arith.constant 0 : i32
      %dma_start3A_80 = tpu.memref_slice %dma_start3A_77[%dma_start3A_78, %dma_start3A_79] : memref<8x8192xf32, #tpu.memory_space<vmem>> -> memref<2x8192xf32, #tpu.memory_space<vmem>>
      %dma_start3A_81 = arith.constant 0 : i32
      %dma_start3A_82 = tpu.memref_slice %arg2[%add3A_67, %dma_start3A_81] : memref<128x8192xf32, #tpu.memory_space<hbm>> -> memref<2x8192xf32, #tpu.memory_space<hbm>>
      tpu.enqueue_dma source(%dma_start3A_82 : memref<2x8192xf32, #tpu.memory_space<hbm>>) target(%dma_start3A_80 : memref<2x8192xf32, #tpu.memory_space<vmem>>) target_semaphore(%dma_start3A_76 : memref<!tpu.dma_semaphore, #tpu.memory_space<semaphore_mem>>)
      %broadcast_in_dim3A_83 = arith.constant 15 : i32
      %broadcast_in_dim3A_84 = vector.broadcast %broadcast_in_dim3A_83 : i32 to vector<16xi32>
      %parallel_loop3A = arith.constant 0 : i32
      %parallel_loop3A_85 = arith.constant 1024 : i32
      %parallel_loop3A_86 = arith.constant 16 : i32
      scf.for %parallel_loop3A_460 = %parallel_loop3A to %parallel_loop3A_85 step %parallel_loop3A_86  : i32 {
        %parallel_loop3A_461 = arith.index_cast %parallel_loop3A_460 : i32 to index
        %parallel_loop3A_462 = tpu.vector_load %arg8[%parallel_loop3A_461] {strides = array<i32>} : memref<32768xi32, #tpu.memory_space<vmem>>, vector<16xi32>,
        tpu.vector_store %arg8[%parallel_loop3A_461], %broadcast_in_dim3A_0 {strides = array<i32>} : memref<32768xi32, #tpu.memory_space<vmem>>, vector<16xi32>,
      } {sc.loop_unroll_factor = 8 : i64, sc.parallel_access}
      %dma_wait3A = arith.constant 0 : i32
      %dma_wait3A_87 = tpu.memref_reshape %arg7 : memref<512x128xf32, #tpu.memory_space<vmem>> -> memref<8x8192xf32, #tpu.memory_space<vmem>>
      %dma_wait3A_88 = arith.constant 0 : i32
      %dma_wait3A_89 = arith.constant 0 : i32
      %dma_wait3A_90 = tpu.memref_slice %dma_wait3A_87[%dma_wait3A_88, %dma_wait3A_89] : memref<8x8192xf32, #tpu.memory_space<vmem>> -> memref<2x8192xf32, #tpu.memory_space<vmem>>
      %dma_wait3A_91 = arith.constant 0 : i32
      %dma_wait3A_92 = tpu.memref_slice %arg2[%add3A_11, %dma_wait3A_91] : memref<128x8192xf32, #tpu.memory_space<hbm>> -> memref<2x8192xf32, #tpu.memory_space<hbm>>
      %dma_wait3A_93 = tpu.memref_slice %arg10[%dma_wait3A] : memref<4x!tpu.dma_semaphore, #tpu.memory_space<semaphore_mem>> -> memref<1x!tpu.dma_semaphore, #tpu.memory_space<semaphore_mem>>
      %dma_wait3A_94 = tpu.memref_squeeze %dma_wait3A_93 : memref<1x!tpu.dma_semaphore, #tpu.memory_space<semaphore_mem>> -> memref<!tpu.dma_semaphore, #tpu.memory_space<semaphore_mem>>
      %dma_wait3A_95 = tpu.memref_reshape %arg7 : memref<512x128xf32, #tpu.memory_space<vmem>> -> memref<8x8192xf32, #tpu.memory_space<vmem>>
      %dma_wait3A_96 = arith.constant 0 : i32
      %dma_wait3A_97 = arith.constant 0 : i32
      %dma_wait3A_98 = tpu.memref_slice %dma_wait3A_95[%dma_wait3A_96, %dma_wait3A_97] : memref<8x8192xf32, #tpu.memory_space<vmem>> -> memref<2x8192xf32, #tpu.memory_space<vmem>>
      %dma_wait3A_99 = arith.constant 0 : i32
      %dma_wait3A_100 = tpu.memref_slice %arg2[%add3A_11, %dma_wait3A_99] : memref<128x8192xf32, #tpu.memory_space<hbm>> -> memref<2x8192xf32, #tpu.memory_space<hbm>>
      tpu.wait_dma2 semaphore(%dma_wait3A_94 : memref<!tpu.dma_semaphore, #tpu.memory_space<semaphore_mem>>) src(%dma_wait3A_100 : memref<2x8192xf32, #tpu.memory_space<hbm>>) dst(%dma_wait3A_98 : memref<2x8192xf32, #tpu.memory_space<vmem>>)
      %parallel_loop3A_101 = arith.constant 0 : i32
      %parallel_loop3A_102 = arith.constant 16384 : i32
      %parallel_loop3A_103 = arith.constant 16 : i32
      scf.for %parallel_loop3A_460 = %parallel_loop3A_101 to %parallel_loop3A_102 step %parallel_loop3A_103  : i32 {
        %parallel_loop3A_461 = arith.constant 7 : i32
        %parallel_loop3A_462 = arith.shrsi %parallel_loop3A_460, %parallel_loop3A_461 : i32
        %parallel_loop3A_463 = arith.constant 127 : i32
        %parallel_loop3A_464 = arith.andi %parallel_loop3A_460, %parallel_loop3A_463 : i32
        %parallel_loop3A_465 = arith.index_cast %parallel_loop3A_462 : i32 to index
        %parallel_loop3A_466 = arith.index_cast %parallel_loop3A_464 : i32 to index
        %parallel_loop3A_467 = tpu.vector_load %arg7[%parallel_loop3A_465, %parallel_loop3A_466] {strides = array<i32>} : memref<512x128xf32, #tpu.memory_space<vmem>>, vector<16xf32>,
        %parallel_loop3A_468 = tpu.bitcast %parallel_loop3A_467 : vector<16xf32> -> vector<16xi32>
        %parallel_loop3A_469 = arith.constant 2147483647 : i32
        %parallel_loop3A_470 = vector.broadcast %parallel_loop3A_469 : i32 to vector<16xi32>
        %parallel_loop3A_471 = arith.andi %parallel_loop3A_468, %parallel_loop3A_470 : vector<16xi32>
        %parallel_loop3A_472 = arith.constant 21 : i32
        %parallel_loop3A_473 = vector.broadcast %parallel_loop3A_472 : i32 to vector<16xi32>
        %parallel_loop3A_474 = arith.shrsi %parallel_loop3A_471, %parallel_loop3A_473 : vector<16xi32>
        %parallel_loop3A_475 = arith.constant 1023 : i32
        %parallel_loop3A_476 = vector.broadcast %parallel_loop3A_475 : i32 to vector<16xi32>
        %parallel_loop3A_477 = arith.andi %parallel_loop3A_474, %parallel_loop3A_476 : vector<16xi32>
        tpu.vector_store_idx %arg8[%parallel_loop3A_477], %broadcast_in_dim3A_2 {add = true} : memref<32768xi32, #tpu.memory_space<vmem>>[vector<16xi32>], vector<16xi32>,
      } {sc.loop_unroll_factor = 8 : i64, sc.parallel_access}
      %dma_wait3A_104 = arith.constant 1 : i32
      %dma_wait3A_105 = tpu.memref_reshape %arg7 : memref<512x128xf32, #tpu.memory_space<vmem>> -> memref<8x8192xf32, #tpu.memory_space<vmem>>
      %dma_wait3A_106 = arith.constant 2 : i32
      %dma_wait3A_107 = arith.constant 0 : i32
      %dma_wait3A_108 = tpu.memref_slice %dma_wait3A_105[%dma_wait3A_106, %dma_wait3A_107] : memref<8x8192xf32, #tpu.memory_space<vmem>> -> memref<2x8192xf32, #tpu.memory_space<vmem>>
      %dma_wait3A_109 = arith.constant 0 : i32
      %dma_wait3A_110 = tpu.memref_slice %arg2[%add3A_29, %dma_wait3A_109] : memref<128x8192xf32, #tpu.memory_space<hbm>> -> memref<2x8192xf32, #tpu.memory_space<hbm>>
      %dma_wait3A_111 = tpu.memref_slice %arg10[%dma_wait3A_104] : memref<4x!tpu.dma_semaphore, #tpu.memory_space<semaphore_mem>> -> memref<1x!tpu.dma_semaphore, #tpu.memory_space<semaphore_mem>>
      %dma_wait3A_112 = tpu.memref_squeeze %dma_wait3A_111 : memref<1x!tpu.dma_semaphore, #tpu.memory_space<semaphore_mem>> -> memref<!tpu.dma_semaphore, #tpu.memory_space<semaphore_mem>>
      %dma_wait3A_113 = tpu.memref_reshape %arg7 : memref<512x128xf32, #tpu.memory_space<vmem>> -> memref<8x8192xf32, #tpu.memory_space<vmem>>
      %dma_wait3A_114 = arith.constant 2 : i32
      %dma_wait3A_115 = arith.constant 0 : i32
      %dma_wait3A_116 = tpu.memref_slice %dma_wait3A_113[%dma_wait3A_114, %dma_wait3A_115] : memref<8x8192xf32, #tpu.memory_space<vmem>> -> memref<2x8192xf32, #tpu.memory_space<vmem>>
      %dma_wait3A_117 = arith.constant 0 : i32
      %dma_wait3A_118 = tpu.memref_slice %arg2[%add3A_29, %dma_wait3A_117] : memref<128x8192xf32, #tpu.memory_space<hbm>> -> memref<2x8192xf32, #tpu.memory_space<hbm>>
      tpu.wait_dma2 semaphore(%dma_wait3A_112 : memref<!tpu.dma_semaphore, #tpu.memory_space<semaphore_mem>>) src(%dma_wait3A_118 : memref<2x8192xf32, #tpu.memory_space<hbm>>) dst(%dma_wait3A_116 : memref<2x8192xf32, #tpu.memory_space<vmem>>)
      %parallel_loop3A_119 = arith.constant 16384 : i32
      %parallel_loop3A_120 = arith.constant 32768 : i32
      %parallel_loop3A_121 = arith.constant 16 : i32
      scf.for %parallel_loop3A_460 = %parallel_loop3A_119 to %parallel_loop3A_120 step %parallel_loop3A_121  : i32 {
        %parallel_loop3A_461 = arith.constant 7 : i32
        %parallel_loop3A_462 = arith.shrsi %parallel_loop3A_460, %parallel_loop3A_461 : i32
        %parallel_loop3A_463 = arith.constant 127 : i32
        %parallel_loop3A_464 = arith.andi %parallel_loop3A_460, %parallel_loop3A_463 : i32
        %parallel_loop3A_465 = arith.index_cast %parallel_loop3A_462 : i32 to index
        %parallel_loop3A_466 = arith.index_cast %parallel_loop3A_464 : i32 to index
        %parallel_loop3A_467 = tpu.vector_load %arg7[%parallel_loop3A_465, %parallel_loop3A_466] {strides = array<i32>} : memref<512x128xf32, #tpu.memory_space<vmem>>, vector<16xf32>,
        %parallel_loop3A_468 = tpu.bitcast %parallel_loop3A_467 : vector<16xf32> -> vector<16xi32>
        %parallel_loop3A_469 = arith.constant 2147483647 : i32
        %parallel_loop3A_470 = vector.broadcast %parallel_loop3A_469 : i32 to vector<16xi32>
        %parallel_loop3A_471 = arith.andi %parallel_loop3A_468, %parallel_loop3A_470 : vector<16xi32>
        %parallel_loop3A_472 = arith.constant 21 : i32
        %parallel_loop3A_473 = vector.broadcast %parallel_loop3A_472 : i32 to vector<16xi32>
        %parallel_loop3A_474 = arith.shrsi %parallel_loop3A_471, %parallel_loop3A_473 : vector<16xi32>
        %parallel_loop3A_475 = arith.constant 1023 : i32
        %parallel_loop3A_476 = vector.broadcast %parallel_loop3A_475 : i32 to vector<16xi32>
        %parallel_loop3A_477 = arith.andi %parallel_loop3A_474, %parallel_loop3A_476 : vector<16xi32>
        tpu.vector_store_idx %arg8[%parallel_loop3A_477], %broadcast_in_dim3A_2 {add = true} : memref<32768xi32, #tpu.memory_space<vmem>>[vector<16xi32>], vector<16xi32>,
      } {sc.loop_unroll_factor = 8 : i64, sc.parallel_access}
      %dma_wait3A_122 = arith.constant 2 : i32
      %dma_wait3A_123 = tpu.memref_reshape %arg7 : memref<512x128xf32, #tpu.memory_space<vmem>> -> memref<8x8192xf32, #tpu.memory_space<vmem>>
      %dma_wait3A_124 = arith.constant 4 : i32
      %dma_wait3A_125 = arith.constant 0 : i32
      %dma_wait3A_126 = tpu.memref_slice %dma_wait3A_123[%dma_wait3A_124, %dma_wait3A_125] : memref<8x8192xf32, #tpu.memory_space<vmem>> -> memref<2x8192xf32, #tpu.memory_space<vmem>>
      %dma_wait3A_127 = arith.constant 0 : i32
      %dma_wait3A_128 = tpu.memref_slice %arg2[%add3A_48, %dma_wait3A_127] : memref<128x8192xf32, #tpu.memory_space<hbm>> -> memref<2x8192xf32, #tpu.memory_space<hbm>>
      %dma_wait3A_129 = tpu.memref_slice %arg10[%dma_wait3A_122] : memref<4x!tpu.dma_semaphore, #tpu.memory_space<semaphore_mem>> -> memref<1x!tpu.dma_semaphore, #tpu.memory_space<semaphore_mem>>
      %dma_wait3A_130 = tpu.memref_squeeze %dma_wait3A_129 : memref<1x!tpu.dma_semaphore, #tpu.memory_space<semaphore_mem>> -> memref<!tpu.dma_semaphore, #tpu.memory_space<semaphore_mem>>
      %dma_wait3A_131 = tpu.memref_reshape %arg7 : memref<512x128xf32, #tpu.memory_space<vmem>> -> memref<8x8192xf32, #tpu.memory_space<vmem>>
      %dma_wait3A_132 = arith.constant 4 : i32
      %dma_wait3A_133 = arith.constant 0 : i32
      %dma_wait3A_134 = tpu.memref_slice %dma_wait3A_131[%dma_wait3A_132, %dma_wait3A_133] : memref<8x8192xf32, #tpu.memory_space<vmem>> -> memref<2x8192xf32, #tpu.memory_space<vmem>>
      %dma_wait3A_135 = arith.constant 0 : i32
      %dma_wait3A_136 = tpu.memref_slice %arg2[%add3A_48, %dma_wait3A_135] : memref<128x8192xf32, #tpu.memory_space<hbm>> -> memref<2x8192xf32, #tpu.memory_space<hbm>>
      tpu.wait_dma2 semaphore(%dma_wait3A_130 : memref<!tpu.dma_semaphore, #tpu.memory_space<semaphore_mem>>) src(%dma_wait3A_136 : memref<2x8192xf32, #tpu.memory_space<hbm>>) dst(%dma_wait3A_134 : memref<2x8192xf32, #tpu.memory_space<vmem>>)
      %parallel_loop3A_137 = arith.constant 32768 : i32
      %parallel_loop3A_138 = arith.constant 49152 : i32
      %parallel_loop3A_139 = arith.constant 16 : i32
      scf.for %parallel_loop3A_460 = %parallel_loop3A_137 to %parallel_loop3A_138 step %parallel_loop3A_139  : i32 {
        %parallel_loop3A_461 = arith.constant 7 : i32
        %parallel_loop3A_462 = arith.shrsi %parallel_loop3A_460, %parallel_loop3A_461 : i32
        %parallel_loop3A_463 = arith.constant 127 : i32
        %parallel_loop3A_464 = arith.andi %parallel_loop3A_460, %parallel_loop3A_463 : i32
        %parallel_loop3A_465 = arith.index_cast %parallel_loop3A_462 : i32 to index
        %parallel_loop3A_466 = arith.index_cast %parallel_loop3A_464 : i32 to index
        %parallel_loop3A_467 = tpu.vector_load %arg7[%parallel_loop3A_465, %parallel_loop3A_466] {strides = array<i32>} : memref<512x128xf32, #tpu.memory_space<vmem>>, vector<16xf32>,
        %parallel_loop3A_468 = tpu.bitcast %parallel_loop3A_467 : vector<16xf32> -> vector<16xi32>
        %parallel_loop3A_469 = arith.constant 2147483647 : i32
        %parallel_loop3A_470 = vector.broadcast %parallel_loop3A_469 : i32 to vector<16xi32>
        %parallel_loop3A_471 = arith.andi %parallel_loop3A_468, %parallel_loop3A_470 : vector<16xi32>
        %parallel_loop3A_472 = arith.constant 21 : i32
        %parallel_loop3A_473 = vector.broadcast %parallel_loop3A_472 : i32 to vector<16xi32>
        %parallel_loop3A_474 = arith.shrsi %parallel_loop3A_471, %parallel_loop3A_473 : vector<16xi32>
        %parallel_loop3A_475 = arith.constant 1023 : i32
        %parallel_loop3A_476 = vector.broadcast %parallel_loop3A_475 : i32 to vector<16xi32>
        %parallel_loop3A_477 = arith.andi %parallel_loop3A_474, %parallel_loop3A_476 : vector<16xi32>
        tpu.vector_store_idx %arg8[%parallel_loop3A_477], %broadcast_in_dim3A_2 {add = true} : memref<32768xi32, #tpu.memory_space<vmem>>[vector<16xi32>], vector<16xi32>,
      } {sc.loop_unroll_factor = 8 : i64, sc.parallel_access}
      %dma_wait3A_140 = arith.constant 3 : i32
      %dma_wait3A_141 = tpu.memref_reshape %arg7 : memref<512x128xf32, #tpu.memory_space<vmem>> -> memref<8x8192xf32, #tpu.memory_space<vmem>>
      %dma_wait3A_142 = arith.constant 6 : i32
      %dma_wait3A_143 = arith.constant 0 : i32
      %dma_wait3A_144 = tpu.memref_slice %dma_wait3A_141[%dma_wait3A_142, %dma_wait3A_143] : memref<8x8192xf32, #tpu.memory_space<vmem>> -> memref<2x8192xf32, #tpu.memory_space<vmem>>
      %dma_wait3A_145 = arith.constant 0 : i32
      %dma_wait3A_146 = tpu.memref_slice %arg2[%add3A_67, %dma_wait3A_145] : memref<128x8192xf32, #tpu.memory_space<hbm>> -> memref<2x8192xf32, #tpu.memory_space<hbm>>
      %dma_wait3A_147 = tpu.memref_slice %arg10[%dma_wait3A_140] : memref<4x!tpu.dma_semaphore, #tpu.memory_space<semaphore_mem>> -> memref<1x!tpu.dma_semaphore, #tpu.memory_space<semaphore_mem>>
      %dma_wait3A_148 = tpu.memref_squeeze %dma_wait3A_147 : memref<1x!tpu.dma_semaphore, #tpu.memory_space<semaphore_mem>> -> memref<!tpu.dma_semaphore, #tpu.memory_space<semaphore_mem>>
      %dma_wait3A_149 = tpu.memref_reshape %arg7 : memref<512x128xf32, #tpu.memory_space<vmem>> -> memref<8x8192xf32, #tpu.memory_space<vmem>>
      %dma_wait3A_150 = arith.constant 6 : i32
      %dma_wait3A_151 = arith.constant 0 : i32
      %dma_wait3A_152 = tpu.memref_slice %dma_wait3A_149[%dma_wait3A_150, %dma_wait3A_151] : memref<8x8192xf32, #tpu.memory_space<vmem>> -> memref<2x8192xf32, #tpu.memory_space<vmem>>
      %dma_wait3A_153 = arith.constant 0 : i32
      %dma_wait3A_154 = tpu.memref_slice %arg2[%add3A_67, %dma_wait3A_153] : memref<128x8192xf32, #tpu.memory_space<hbm>> -> memref<2x8192xf32, #tpu.memory_space<hbm>>
      tpu.wait_dma2 semaphore(%dma_wait3A_148 : memref<!tpu.dma_semaphore, #tpu.memory_space<semaphore_mem>>) src(%dma_wait3A_154 : memref<2x8192xf32, #tpu.memory_space<hbm>>) dst(%dma_wait3A_152 : memref<2x8192xf32, #tpu.memory_space<vmem>>)
      %parallel_loop3A_155 = arith.constant 49152 : i32
      %parallel_loop3A_156 = arith.constant 65536 : i32
      %parallel_loop3A_157 = arith.constant 16 : i32
      scf.for %parallel_loop3A_460 = %parallel_loop3A_155 to %parallel_loop3A_156 step %parallel_loop3A_157  : i32 {
        %parallel_loop3A_461 = arith.constant 7 : i32
        %parallel_loop3A_462 = arith.shrsi %parallel_loop3A_460, %parallel_loop3A_461 : i32
        %parallel_loop3A_463 = arith.constant 127 : i32
        %parallel_loop3A_464 = arith.andi %parallel_loop3A_460, %parallel_loop3A_463 : i32
        %parallel_loop3A_465 = arith.index_cast %parallel_loop3A_462 : i32 to index
        %parallel_loop3A_466 = arith.index_cast %parallel_loop3A_464 : i32 to index
        %parallel_loop3A_467 = tpu.vector_load %arg7[%parallel_loop3A_465, %parallel_loop3A_466] {strides = array<i32>} : memref<512x128xf32, #tpu.memory_space<vmem>>, vector<16xf32>,
        %parallel_loop3A_468 = tpu.bitcast %parallel_loop3A_467 : vector<16xf32> -> vector<16xi32>
        %parallel_loop3A_469 = arith.constant 2147483647 : i32
        %parallel_loop3A_470 = vector.broadcast %parallel_loop3A_469 : i32 to vector<16xi32>
        %parallel_loop3A_471 = arith.andi %parallel_loop3A_468, %parallel_loop3A_470 : vector<16xi32>
        %parallel_loop3A_472 = arith.constant 21 : i32
        %parallel_loop3A_473 = vector.broadcast %parallel_loop3A_472 : i32 to vector<16xi32>
        %parallel_loop3A_474 = arith.shrsi %parallel_loop3A_471, %parallel_loop3A_473 : vector<16xi32>
        %parallel_loop3A_475 = arith.constant 1023 : i32
        %parallel_loop3A_476 = vector.broadcast %parallel_loop3A_475 : i32 to vector<16xi32>
        %parallel_loop3A_477 = arith.andi %parallel_loop3A_474, %parallel_loop3A_476 : vector<16xi32>
        tpu.vector_store_idx %arg8[%parallel_loop3A_477], %broadcast_in_dim3A_2 {add = true} : memref<32768xi32, #tpu.memory_space<vmem>>[vector<16xi32>], vector<16xi32>,
      } {sc.loop_unroll_factor = 8 : i64, sc.parallel_access}
      %mul3A_158 = arith.constant 1024 : i32
      %mul3A_159 = arith.muli %arg1, %mul3A_158 : i32
      %run_scoped3A = arith.constant 0 : i32
      "tpu.region"() ({
        %run_scoped3A_460 = tpu.sem_alloc : memref<!tpu.dma_semaphore, #tpu.memory_space<semaphore_mem>>
        %dma_start3A_461 = arith.constant 0 : i32
        %dma_start3A_462 = tpu.memref_slice %arg8[%dma_start3A_461] : memref<32768xi32, #tpu.memory_space<vmem>> -> memref<1024xi32, #tpu.memory_space<vmem>>
        %dma_start3A_463 = arith.constant 0 : i32
        %dma_start3A_464 = tpu.memref_slice %arg6[%run_scoped3A, %dma_start3A_463] : memref<2x32768xi32, #tpu.memory_space<hbm>> -> memref<1x32768xi32, #tpu.memory_space<hbm>>
        %dma_start3A_465 = tpu.memref_squeeze %dma_start3A_464 : memref<1x32768xi32, #tpu.memory_space<hbm>> -> memref<32768xi32, #tpu.memory_space<hbm>>
        %dma_start3A_466 = tpu.memref_slice %dma_start3A_465[%mul3A_159] : memref<32768xi32, #tpu.memory_space<hbm>> -> memref<1024xi32, #tpu.memory_space<hbm>>
        %dma_start3A_467 = arith.constant 0 : i32
        %dma_start3A_468 = tpu.memref_slice %arg6[%run_scoped3A, %dma_start3A_467] : memref<2x32768xi32, #tpu.memory_space<hbm>> -> memref<1x32768xi32, #tpu.memory_space<hbm>>
        %dma_start3A_469 = tpu.memref_squeeze %dma_start3A_468 : memref<1x32768xi32, #tpu.memory_space<hbm>> -> memref<32768xi32, #tpu.memory_space<hbm>>
        %dma_start3A_470 = tpu.memref_slice %dma_start3A_469[%mul3A_159] : memref<32768xi32, #tpu.memory_space<hbm>> -> memref<1024xi32, #tpu.memory_space<hbm>>
        %dma_start3A_471 = arith.constant 0 : i32
        %dma_start3A_472 = tpu.memref_slice %arg8[%dma_start3A_471] : memref<32768xi32, #tpu.memory_space<vmem>> -> memref<1024xi32, #tpu.memory_space<vmem>>
        tpu.enqueue_dma source(%dma_start3A_472 : memref<1024xi32, #tpu.memory_space<vmem>>) target(%dma_start3A_470 : memref<1024xi32, #tpu.memory_space<hbm>>) target_semaphore(%run_scoped3A_460 : memref<!tpu.dma_semaphore, #tpu.memory_space<semaphore_mem>>)
        %dma_wait3A_473 = arith.constant 0 : i32
        %dma_wait3A_474 = tpu.memref_slice %arg8[%dma_wait3A_473] : memref<32768xi32, #tpu.memory_space<vmem>> -> memref<1024xi32, #tpu.memory_space<vmem>>
        %dma_wait3A_475 = arith.constant 0 : i32
        %dma_wait3A_476 = tpu.memref_slice %arg6[%run_scoped3A, %dma_wait3A_475] : memref<2x32768xi32, #tpu.memory_space<hbm>> -> memref<1x32768xi32, #tpu.memory_space<hbm>>
        %dma_wait3A_477 = tpu.memref_squeeze %dma_wait3A_476 : memref<1x32768xi32, #tpu.memory_space<hbm>> -> memref<32768xi32, #tpu.memory_space<hbm>>
        %dma_wait3A_478 = tpu.memref_slice %dma_wait3A_477[%mul3A_159] : memref<32768xi32, #tpu.memory_space<hbm>> -> memref<1024xi32, #tpu.memory_space<hbm>>
        %dma_wait3A_479 = arith.constant 0 : i32
        %dma_wait3A_480 = tpu.memref_slice %arg6[%run_scoped3A, %dma_wait3A_479] : memref<2x32768xi32, #tpu.memory_space<hbm>> -> memref<1x32768xi32, #tpu.memory_space<hbm>>
        %dma_wait3A_481 = tpu.memref_squeeze %dma_wait3A_480 : memref<1x32768xi32, #tpu.memory_space<hbm>> -> memref<32768xi32, #tpu.memory_space<hbm>>
        %dma_wait3A_482 = tpu.memref_slice %dma_wait3A_481[%mul3A_159] : memref<32768xi32, #tpu.memory_space<hbm>> -> memref<1024xi32, #tpu.memory_space<hbm>>
        %dma_wait3A_483 = arith.constant 0 : i32
        %dma_wait3A_484 = tpu.memref_slice %arg8[%dma_wait3A_483] : memref<32768xi32, #tpu.memory_space<vmem>> -> memref<1024xi32, #tpu.memory_space<vmem>>
        tpu.wait_dma2 semaphore(%run_scoped3A_460 : memref<!tpu.dma_semaphore, #tpu.memory_space<semaphore_mem>>) src(%dma_wait3A_484 : memref<1024xi32, #tpu.memory_space<vmem>>) dst(%dma_wait3A_482 : memref<1024xi32, #tpu.memory_space<hbm>>)
        tpu.yield
      }) : () -> ()
      %barrier3A = arith.constant 0 : index
      tpu.barrier barrier_id(%barrier3A)
      %run_scoped3A_160 = arith.constant 0 : i32
      "tpu.region"() ({
        %run_scoped3A_460 = tpu.sem_alloc : memref<!tpu.dma_semaphore, #tpu.memory_space<semaphore_mem>>
        %dma_start3A_461 = arith.constant 0 : i32
        %dma_start3A_462 = tpu.memref_slice %arg8[%dma_start3A_461] : memref<32768xi32, #tpu.memory_space<vmem>> -> memref<16384xi32, #tpu.memory_space<vmem>>
        %dma_start3A_463 = arith.constant 0 : i32
        %dma_start3A_464 = tpu.memref_slice %arg6[%run_scoped3A_160, %dma_start3A_463] : memref<2x32768xi32, #tpu.memory_space<hbm>> -> memref<1x32768xi32, #tpu.memory_space<hbm>>
        %dma_start3A_465 = tpu.memref_squeeze %dma_start3A_464 : memref<1x32768xi32, #tpu.memory_space<hbm>> -> memref<32768xi32, #tpu.memory_space<hbm>>
        %dma_start3A_466 = arith.constant 0 : i32
        %dma_start3A_467 = tpu.memref_slice %dma_start3A_465[%dma_start3A_466] : memref<32768xi32, #tpu.memory_space<hbm>> -> memref<16384xi32, #tpu.memory_space<hbm>>
        %dma_start3A_468 = arith.constant 0 : i32
        %dma_start3A_469 = tpu.memref_slice %arg8[%dma_start3A_468] : memref<32768xi32, #tpu.memory_space<vmem>> -> memref<16384xi32, #tpu.memory_space<vmem>>
        %dma_start3A_470 = arith.constant 0 : i32
        %dma_start3A_471 = tpu.memref_slice %arg6[%run_scoped3A_160, %dma_start3A_470] : memref<2x32768xi32, #tpu.memory_space<hbm>> -> memref<1x32768xi32, #tpu.memory_space<hbm>>
        %dma_start3A_472 = tpu.memref_squeeze %dma_start3A_471 : memref<1x32768xi32, #tpu.memory_space<hbm>> -> memref<32768xi32, #tpu.memory_space<hbm>>
        %dma_start3A_473 = arith.constant 0 : i32
        %dma_start3A_474 = tpu.memref_slice %dma_start3A_472[%dma_start3A_473] : memref<32768xi32, #tpu.memory_space<hbm>> -> memref<16384xi32, #tpu.memory_space<hbm>>
        tpu.enqueue_dma source(%dma_start3A_474 : memref<16384xi32, #tpu.memory_space<hbm>>) target(%dma_start3A_469 : memref<16384xi32, #tpu.memory_space<vmem>>) target_semaphore(%run_scoped3A_460 : memref<!tpu.dma_semaphore, #tpu.memory_space<semaphore_mem>>)
        %dma_wait3A_475 = arith.constant 0 : i32
        %dma_wait3A_476 = tpu.memref_slice %arg8[%dma_wait3A_475] : memref<32768xi32, #tpu.memory_space<vmem>> -> memref<16384xi32, #tpu.memory_space<vmem>>
        %dma_wait3A_477 = arith.constant 0 : i32
        %dma_wait3A_478 = tpu.memref_slice %arg6[%run_scoped3A_160, %dma_wait3A_477] : memref<2x32768xi32, #tpu.memory_space<hbm>> -> memref<1x32768xi32, #tpu.memory_space<hbm>>
        %dma_wait3A_479 = tpu.memref_squeeze %dma_wait3A_478 : memref<1x32768xi32, #tpu.memory_space<hbm>> -> memref<32768xi32, #tpu.memory_space<hbm>>
        %dma_wait3A_480 = arith.constant 0 : i32
        %dma_wait3A_481 = tpu.memref_slice %dma_wait3A_479[%dma_wait3A_480] : memref<32768xi32, #tpu.memory_space<hbm>> -> memref<16384xi32, #tpu.memory_space<hbm>>
        %dma_wait3A_482 = arith.constant 0 : i32
        %dma_wait3A_483 = tpu.memref_slice %arg8[%dma_wait3A_482] : memref<32768xi32, #tpu.memory_space<vmem>> -> memref<16384xi32, #tpu.memory_space<vmem>>
        %dma_wait3A_484 = arith.constant 0 : i32
        %dma_wait3A_485 = tpu.memref_slice %arg6[%run_scoped3A_160, %dma_wait3A_484] : memref<2x32768xi32, #tpu.memory_space<hbm>> -> memref<1x32768xi32, #tpu.memory_space<hbm>>
        %dma_wait3A_486 = tpu.memref_squeeze %dma_wait3A_485 : memref<1x32768xi32, #tpu.memory_space<hbm>> -> memref<32768xi32, #tpu.memory_space<hbm>>
        %dma_wait3A_487 = arith.constant 0 : i32
        %dma_wait3A_488 = tpu.memref_slice %dma_wait3A_486[%dma_wait3A_487] : memref<32768xi32, #tpu.memory_space<hbm>> -> memref<16384xi32, #tpu.memory_space<hbm>>
        tpu.wait_dma2 semaphore(%run_scoped3A_460 : memref<!tpu.dma_semaphore, #tpu.memory_space<semaphore_mem>>) src(%dma_wait3A_488 : memref<16384xi32, #tpu.memory_space<hbm>>) dst(%dma_wait3A_483 : memref<16384xi32, #tpu.memory_space<vmem>>)
        tpu.yield
      }) : () -> ()
      %parallel_loop3A_161 = arith.constant 0 : i32
      %parallel_loop3A_162 = arith.constant 1024 : i32
      %parallel_loop3A_163 = arith.constant 16 : i32
      scf.for %parallel_loop3A_460 = %parallel_loop3A_161 to %parallel_loop3A_162 step %parallel_loop3A_163  : i32 {
        %parallel_loop3A_461 = arith.index_cast %parallel_loop3A_460 : i32 to index
        %parallel_loop3A_462 = tpu.vector_load %arg8[%parallel_loop3A_461] {strides = array<i32>} : memref<32768xi32, #tpu.memory_space<vmem>>, vector<16xi32>,
        %parallel_loop3A_463 = arith.constant 1024 : i32
        %parallel_loop3A_464 = arith.addi %parallel_loop3A_463, %parallel_loop3A_460 : i32
        %parallel_loop3A_465 = arith.index_cast %parallel_loop3A_464 : i32 to index
        %parallel_loop3A_466 = tpu.vector_load %arg8[%parallel_loop3A_465] {strides = array<i32>} : memref<32768xi32, #tpu.memory_space<vmem>>, vector<16xi32>,
        %parallel_loop3A_467 = arith.addi %parallel_loop3A_462, %parallel_loop3A_466 : vector<16xi32>
        %parallel_loop3A_468 = arith.constant 2048 : i32
        %parallel_loop3A_469 = arith.addi %parallel_loop3A_468, %parallel_loop3A_460 : i32
        %parallel_loop3A_470 = arith.index_cast %parallel_loop3A_469 : i32 to index
        %parallel_loop3A_471 = tpu.vector_load %arg8[%parallel_loop3A_470] {strides = array<i32>} : memref<32768xi32, #tpu.memory_space<vmem>>, vector<16xi32>,
        %parallel_loop3A_472 = arith.addi %parallel_loop3A_467, %parallel_loop3A_471 : vector<16xi32>
        %parallel_loop3A_473 = arith.constant 3072 : i32
        %parallel_loop3A_474 = arith.addi %parallel_loop3A_473, %parallel_loop3A_460 : i32
        %parallel_loop3A_475 = arith.index_cast %parallel_loop3A_474 : i32 to index
        %parallel_loop3A_476 = tpu.vector_load %arg8[%parallel_loop3A_475] {strides = array<i32>} : memref<32768xi32, #tpu.memory_space<vmem>>, vector<16xi32>,
        %parallel_loop3A_477 = arith.addi %parallel_loop3A_472, %parallel_loop3A_476 : vector<16xi32>
        %parallel_loop3A_478 = arith.constant 4096 : i32
        %parallel_loop3A_479 = arith.addi %parallel_loop3A_478, %parallel_loop3A_460 : i32
        %parallel_loop3A_480 = arith.index_cast %parallel_loop3A_479 : i32 to index
        %parallel_loop3A_481 = tpu.vector_load %arg8[%parallel_loop3A_480] {strides = array<i32>} : memref<32768xi32, #tpu.memory_space<vmem>>, vector<16xi32>,
        %parallel_loop3A_482 = arith.addi %parallel_loop3A_477, %parallel_loop3A_481 : vector<16xi32>
        %parallel_loop3A_483 = arith.constant 5120 : i32
        %parallel_loop3A_484 = arith.addi %parallel_loop3A_483, %parallel_loop3A_460 : i32
        %parallel_loop3A_485 = arith.index_cast %parallel_loop3A_484 : i32 to index
        %parallel_loop3A_486 = tpu.vector_load %arg8[%parallel_loop3A_485] {strides = array<i32>} : memref<32768xi32, #tpu.memory_space<vmem>>, vector<16xi32>,
        %parallel_loop3A_487 = arith.addi %parallel_loop3A_482, %parallel_loop3A_486 : vector<16xi32>
        %parallel_loop3A_488 = arith.constant 6144 : i32
        %parallel_loop3A_489 = arith.addi %parallel_loop3A_488, %parallel_loop3A_460 : i32
        %parallel_loop3A_490 = arith.index_cast %parallel_loop3A_489 : i32 to index
        %parallel_loop3A_491 = tpu.vector_load %arg8[%parallel_loop3A_490] {strides = array<i32>} : memref<32768xi32, #tpu.memory_space<vmem>>, vector<16xi32>,
        %parallel_loop3A_492 = arith.addi %parallel_loop3A_487, %parallel_loop3A_491 : vector<16xi32>
        %parallel_loop3A_493 = arith.constant 7168 : i32
        %parallel_loop3A_494 = arith.addi %parallel_loop3A_493, %parallel_loop3A_460 : i32
        %parallel_loop3A_495 = arith.index_cast %parallel_loop3A_494 : i32 to index
        %parallel_loop3A_496 = tpu.vector_load %arg8[%parallel_loop3A_495] {strides = array<i32>} : memref<32768xi32, #tpu.memory_space<vmem>>, vector<16xi32>,
        %parallel_loop3A_497 = arith.addi %parallel_loop3A_492, %parallel_loop3A_496 : vector<16xi32>
        %parallel_loop3A_498 = arith.constant 8192 : i32
        %parallel_loop3A_499 = arith.addi %parallel_loop3A_498, %parallel_loop3A_460 : i32
        %parallel_loop3A_500 = arith.index_cast %parallel_loop3A_499 : i32 to index
        %parallel_loop3A_501 = tpu.vector_load %arg8[%parallel_loop3A_500] {strides = array<i32>} : memref<32768xi32, #tpu.memory_space<vmem>>, vector<16xi32>,
        %parallel_loop3A_502 = arith.addi %parallel_loop3A_497, %parallel_loop3A_501 : vector<16xi32>
        %parallel_loop3A_503 = arith.constant 9216 : i32
        %parallel_loop3A_504 = arith.addi %parallel_loop3A_503, %parallel_loop3A_460 : i32
        %parallel_loop3A_505 = arith.index_cast %parallel_loop3A_504 : i32 to index
        %parallel_loop3A_506 = tpu.vector_load %arg8[%parallel_loop3A_505] {strides = array<i32>} : memref<32768xi32, #tpu.memory_space<vmem>>, vector<16xi32>,
        %parallel_loop3A_507 = arith.addi %parallel_loop3A_502, %parallel_loop3A_506 : vector<16xi32>
        %parallel_loop3A_508 = arith.constant 10240 : i32
        %parallel_loop3A_509 = arith.addi %parallel_loop3A_508, %parallel_loop3A_460 : i32
        %parallel_loop3A_510 = arith.index_cast %parallel_loop3A_509 : i32 to index
        %parallel_loop3A_511 = tpu.vector_load %arg8[%parallel_loop3A_510] {strides = array<i32>} : memref<32768xi32, #tpu.memory_space<vmem>>, vector<16xi32>,
        %parallel_loop3A_512 = arith.addi %parallel_loop3A_507, %parallel_loop3A_511 : vector<16xi32>
        %parallel_loop3A_513 = arith.constant 11264 : i32
        %parallel_loop3A_514 = arith.addi %parallel_loop3A_513, %parallel_loop3A_460 : i32
        %parallel_loop3A_515 = arith.index_cast %parallel_loop3A_514 : i32 to index
        %parallel_loop3A_516 = tpu.vector_load %arg8[%parallel_loop3A_515] {strides = array<i32>} : memref<32768xi32, #tpu.memory_space<vmem>>, vector<16xi32>,
        %parallel_loop3A_517 = arith.addi %parallel_loop3A_512, %parallel_loop3A_516 : vector<16xi32>
        %parallel_loop3A_518 = arith.constant 12288 : i32
        %parallel_loop3A_519 = arith.addi %parallel_loop3A_518, %parallel_loop3A_460 : i32
        %parallel_loop3A_520 = arith.index_cast %parallel_loop3A_519 : i32 to index
        %parallel_loop3A_521 = tpu.vector_load %arg8[%parallel_loop3A_520] {strides = array<i32>} : memref<32768xi32, #tpu.memory_space<vmem>>, vector<16xi32>,
        %parallel_loop3A_522 = arith.addi %parallel_loop3A_517, %parallel_loop3A_521 : vector<16xi32>
        %parallel_loop3A_523 = arith.constant 13312 : i32
        %parallel_loop3A_524 = arith.addi %parallel_loop3A_523, %parallel_loop3A_460 : i32
        %parallel_loop3A_525 = arith.index_cast %parallel_loop3A_524 : i32 to index
        %parallel_loop3A_526 = tpu.vector_load %arg8[%parallel_loop3A_525] {strides = array<i32>} : memref<32768xi32, #tpu.memory_space<vmem>>, vector<16xi32>,
        %parallel_loop3A_527 = arith.addi %parallel_loop3A_522, %parallel_loop3A_526 : vector<16xi32>
        %parallel_loop3A_528 = arith.constant 14336 : i32
        %parallel_loop3A_529 = arith.addi %parallel_loop3A_528, %parallel_loop3A_460 : i32
        %parallel_loop3A_530 = arith.index_cast %parallel_loop3A_529 : i32 to index
        %parallel_loop3A_531 = tpu.vector_load %arg8[%parallel_loop3A_530] {strides = array<i32>} : memref<32768xi32, #tpu.memory_space<vmem>>, vector<16xi32>,
        %parallel_loop3A_532 = arith.addi %parallel_loop3A_527, %parallel_loop3A_531 : vector<16xi32>
        %parallel_loop3A_533 = arith.constant 15360 : i32
        %parallel_loop3A_534 = arith.addi %parallel_loop3A_533, %parallel_loop3A_460 : i32
        %parallel_loop3A_535 = arith.index_cast %parallel_loop3A_534 : i32 to index
        %parallel_loop3A_536 = tpu.vector_load %arg8[%parallel_loop3A_535] {strides = array<i32>} : memref<32768xi32, #tpu.memory_space<vmem>>, vector<16xi32>,
        %parallel_loop3A_537 = arith.addi %parallel_loop3A_532, %parallel_loop3A_536 : vector<16xi32>
        %parallel_loop3A_538 = arith.index_cast %parallel_loop3A_460 : i32 to index
        %parallel_loop3A_539 = tpu.vector_load %arg9[%parallel_loop3A_538] {strides = array<i32>} : memref<2048xi32, #tpu.memory_space<vmem>>, vector<16xi32>,
        tpu.vector_store %arg9[%parallel_loop3A_538], %parallel_loop3A_537 {strides = array<i32>} : memref<2048xi32, #tpu.memory_space<vmem>>, vector<16xi32>,
      } {sc.loop_unroll_factor = 4 : i64, sc.parallel_access}
      %broadcast_in_dim3A_164 = arith.constant 0 : i32
      %broadcast_in_dim3A_165 = vector.broadcast %broadcast_in_dim3A_164 : i32 to vector<16xi32>
      %parallel_loop3A_166 = arith.constant 0 : i32
      %parallel_loop3A_167 = arith.constant 1024 : i32
      %parallel_loop3A_168 = arith.constant 16 : i32
      %parallel_loop3A_169 = arith.constant 943718 : i32
      %parallel_loop3A_170:2 = scf.for %parallel_loop3A_460 = %parallel_loop3A_166 to %parallel_loop3A_167 step %parallel_loop3A_168 iter_args(%parallel_loop3A_461 = %broadcast_in_dim3A_165, %parallel_loop3A_462 = %broadcast_in_dim3A_165) -> (vector<16xi32>, vector<16xi32>)  : i32 {
        %parallel_loop3A_463 = arith.index_cast %parallel_loop3A_460 : i32 to index
        %parallel_loop3A_464 = tpu.vector_load %arg9[%parallel_loop3A_463] {strides = array<i32>} : memref<2048xi32, #tpu.memory_space<vmem>>, vector<16xi32>,
        %parallel_loop3A_465 = arith.constant true
        %parallel_loop3A_466 = vector.broadcast %parallel_loop3A_465 : i1 to vector<16xi1>
        %parallel_loop3A_467 = tpu.scan <sum>, %parallel_loop3A_464 masked %parallel_loop3A_466 : vector<16xi32>, vector<16xi1> -> vector<16xi32>
        %parallel_loop3A_468 = arith.addi %parallel_loop3A_461, %parallel_loop3A_467 : vector<16xi32>
        %parallel_loop3A_469 = arith.index_cast %parallel_loop3A_460 : i32 to index
        %parallel_loop3A_470 = tpu.vector_load %arg9[%parallel_loop3A_469] {strides = array<i32>} : memref<2048xi32, #tpu.memory_space<vmem>>, vector<16xi32>,
        tpu.vector_store %arg9[%parallel_loop3A_469], %parallel_loop3A_468 {strides = array<i32>} : memref<2048xi32, #tpu.memory_space<vmem>>, vector<16xi32>,
        %parallel_loop3A_471 = arith.constant 0 : i32
        %parallel_loop3A_472 = vector.broadcast %parallel_loop3A_471 : i32 to vector<16xi32>
        %parallel_loop3A_473 = arith.cmpi slt, %broadcast_in_dim3A_84, %parallel_loop3A_472 : vector<16xi32>
        %parallel_loop3A_474 = arith.constant 16 : i32
        %parallel_loop3A_475 = vector.broadcast %parallel_loop3A_474 : i32 to vector<16xi32>
        %parallel_loop3A_476 = arith.addi %broadcast_in_dim3A_84, %parallel_loop3A_475 : vector<16xi32>
        %parallel_loop3A_477 = arith.select %parallel_loop3A_473, %parallel_loop3A_476, %broadcast_in_dim3A_84 : vector<16xi1>, vector<16xi32>
        %parallel_loop3A_478 = vector.shape_cast %parallel_loop3A_477 : vector<16xi32> to vector<16x1xi32>
        %parallel_loop3A_479 = vector.shape_cast %parallel_loop3A_478 : vector<16x1xi32> to vector<16xi32>
        %parallel_loop3A_480 = tpu.dynamic_gather %parallel_loop3A_468[%parallel_loop3A_479] in [0] : vector<16xi32>, vector<16xi32> -> vector<16xi32>
        %parallel_loop3A_481 = vector.broadcast %parallel_loop3A_169 : i32 to vector<16xi32>
        %parallel_loop3A_482 = arith.cmpi sle, %parallel_loop3A_468, %parallel_loop3A_481 : vector<16xi32>
        %parallel_loop3A_483 = arith.constant 1 : i32
        %parallel_loop3A_484 = arith.constant 0 : i32
        %parallel_loop3A_485 = vector.broadcast %parallel_loop3A_483 : i32 to vector<16xi32>
        %parallel_loop3A_486 = vector.broadcast %parallel_loop3A_484 : i32 to vector<16xi32>
        %parallel_loop3A_487 = arith.select %parallel_loop3A_482, %parallel_loop3A_485, %parallel_loop3A_486 : vector<16xi1>, vector<16xi32>
        %parallel_loop3A_488 = arith.addi %parallel_loop3A_462, %parallel_loop3A_487 : vector<16xi32>
        scf.yield %parallel_loop3A_480, %parallel_loop3A_488 : vector<16xi32>, vector<16xi32>
      } {sc.loop_unroll_factor = 2 : i64, sc.parallel_access}
      %reduce_sum3A = arith.constant true
      %reduce_sum3A_171 = vector.broadcast %reduce_sum3A : i1 to vector<16xi1>
      %reduce_sum3A_172 = tpu.scan <sum>, %parallel_loop3A_170#1 masked %reduce_sum3A_171 : vector<16xi32>, vector<16xi1> -> vector<16xi32>
      %reduce_sum3A_173 = vector.extract %reduce_sum3A_172[15] : i32 from vector<16xi32>
      %sub3A = arith.constant 1 : i32
      %sub3A_174 = arith.subi %reduce_sum3A_173, %sub3A : i32
      %max3A = arith.constant 0 : i32
      %max3A_175 = arith.maxsi %sub3A_174, %max3A : i32
      %shift_right_arithmetic3A = arith.constant 4 : i32
      %shift_right_arithmetic3A_176 = arith.shrsi %max3A_175, %shift_right_arithmetic3A : i32
      %mul3A_177 = arith.constant 16 : i32
      %mul3A_178 = arith.muli %shift_right_arithmetic3A_176, %mul3A_177 : i32
      %get3A = arith.index_cast %mul3A_178 : i32 to index
      %get3A_179 = tpu.vector_load %arg9[%get3A] {strides = array<i32>} : memref<2048xi32, #tpu.memory_space<vmem>>, vector<16xi32>,
      %and3A = arith.constant 15 : i32
      %and3A_180 = arith.andi %max3A_175, %and3A : i32
      %eq3A_181 = vector.broadcast %and3A_180 : i32 to vector<16xi32>
      %eq3A_182 = arith.cmpi eq, %iota3A, %eq3A_181 : vector<16xi32>
      %jit3A = arith.constant 0 : i32
      %broadcast_in_dim3A_183 = vector.broadcast %jit3A : i32 to vector<16xi32>
      %select_n3A = arith.select %eq3A_182, %get3A_179, %broadcast_in_dim3A_183 : vector<16xi1>, vector<16xi32>
      %reduce_max3A = arith.constant true
      %reduce_max3A_184 = vector.broadcast %reduce_max3A : i1 to vector<16xi1>
      %reduce_max3A_185 = arith.constant -2147483648 : i32
      %reduce_max3A_186 = vector.broadcast %reduce_max3A_185 : i32 to vector<16xi32>
      %reduce_max3A_187 = arith.xori %select_n3A, %reduce_max3A_186 : vector<16xi32>
      %reduce_max3A_188 = tpu.scan <max>, %reduce_max3A_187 masked %reduce_max3A_184 : vector<16xi32>, vector<16xi1> -> vector<16xi32>
      %reduce_max3A_189 = arith.xori %reduce_max3A_188, %reduce_max3A_186 : vector<16xi32>
      %reduce_max3A_190 = vector.extract %reduce_max3A_189[15] : i32 from vector<16xi32>
      %gt3A = arith.constant 0 : i32
      %gt3A_191 = arith.cmpi sgt, %reduce_sum3A_173, %gt3A : i32
      %jit3A_192 = arith.constant 0 : i32
      %select_n3A_193 = arith.select %gt3A_191, %reduce_max3A_190, %jit3A_192 : i32
      %sub3A_194 = arith.constant 943718 : i32
      %sub3A_195 = arith.subi %sub3A_194, %select_n3A_193 : i32
      %shift_left3A = arith.constant 0 : i32
      %shift_left3A_196 = arith.constant 10 : i32
      %shift_left3A_197 = arith.shli %shift_left3A, %shift_left3A_196 : i32
      %or3A = arith.ori %shift_left3A_197, %reduce_sum3A_173 : i32
      %parallel_loop3A_198 = arith.constant 0 : i32
      %parallel_loop3A_199 = arith.constant 2048 : i32
      %parallel_loop3A_200 = arith.constant 16 : i32
      scf.for %parallel_loop3A_460 = %parallel_loop3A_198 to %parallel_loop3A_199 step %parallel_loop3A_200  : i32 {
        %parallel_loop3A_461 = arith.index_cast %parallel_loop3A_460 : i32 to index
        %parallel_loop3A_462 = tpu.vector_load %arg8[%parallel_loop3A_461] {strides = array<i32>} : memref<32768xi32, #tpu.memory_space<vmem>>, vector<16xi32>,
        tpu.vector_store %arg8[%parallel_loop3A_461], %broadcast_in_dim3A_0 {strides = array<i32>} : memref<32768xi32, #tpu.memory_space<vmem>>, vector<16xi32>,
      } {sc.loop_unroll_factor = 8 : i64, sc.parallel_access}
      %parallel_loop3A_201 = arith.constant 0 : i32
      %parallel_loop3A_202 = arith.constant 65536 : i32
      %parallel_loop3A_203 = arith.constant 16 : i32
      scf.for %parallel_loop3A_460 = %parallel_loop3A_201 to %parallel_loop3A_202 step %parallel_loop3A_203  : i32 {
        %parallel_loop3A_461 = arith.constant 7 : i32
        %parallel_loop3A_462 = arith.shrsi %parallel_loop3A_460, %parallel_loop3A_461 : i32
        %parallel_loop3A_463 = arith.constant 127 : i32
        %parallel_loop3A_464 = arith.andi %parallel_loop3A_460, %parallel_loop3A_463 : i32
        %parallel_loop3A_465 = arith.index_cast %parallel_loop3A_462 : i32 to index
        %parallel_loop3A_466 = arith.index_cast %parallel_loop3A_464 : i32 to index
        %parallel_loop3A_467 = tpu.vector_load %arg7[%parallel_loop3A_465, %parallel_loop3A_466] {strides = array<i32>} : memref<512x128xf32, #tpu.memory_space<vmem>>, vector<16xf32>,
        %parallel_loop3A_468 = tpu.bitcast %parallel_loop3A_467 : vector<16xf32> -> vector<16xi32>
        %parallel_loop3A_469 = arith.constant 2147483647 : i32
        %parallel_loop3A_470 = vector.broadcast %parallel_loop3A_469 : i32 to vector<16xi32>
        %parallel_loop3A_471 = arith.andi %parallel_loop3A_468, %parallel_loop3A_470 : vector<16xi32>
        %parallel_loop3A_472 = arith.constant 10 : i32
        %parallel_loop3A_473 = vector.broadcast %parallel_loop3A_472 : i32 to vector<16xi32>
        %parallel_loop3A_474 = arith.shrsi %parallel_loop3A_471, %parallel_loop3A_473 : vector<16xi32>
        %parallel_loop3A_475 = arith.constant 2047 : i32
        %parallel_loop3A_476 = vector.broadcast %parallel_loop3A_475 : i32 to vector<16xi32>
        %parallel_loop3A_477 = arith.andi %parallel_loop3A_474, %parallel_loop3A_476 : vector<16xi32>
        %parallel_loop3A_478 = arith.constant 21 : i32
        %parallel_loop3A_479 = vector.broadcast %parallel_loop3A_478 : i32 to vector<16xi32>
        %parallel_loop3A_480 = arith.shrsi %parallel_loop3A_471, %parallel_loop3A_479 : vector<16xi32>
        %parallel_loop3A_481 = vector.broadcast %or3A : i32 to vector<16xi32>
        %parallel_loop3A_482 = arith.cmpi eq, %parallel_loop3A_480, %parallel_loop3A_481 : vector<16xi32>
        tpu.vector_store_idx %arg8[%parallel_loop3A_477], %broadcast_in_dim3A_2 masked %parallel_loop3A_482 {add = true} : memref<32768xi32, #tpu.memory_space<vmem>>[vector<16xi32>], vector<16xi32>, vector<16xi1>
      } {sc.loop_unroll_factor = 8 : i64, sc.parallel_access}
      %mul3A_204 = arith.constant 2048 : i32
      %mul3A_205 = arith.muli %arg1, %mul3A_204 : i32
      %run_scoped3A_206 = arith.constant 0 : i32
      "tpu.region"() ({
        %run_scoped3A_460 = tpu.sem_alloc : memref<!tpu.dma_semaphore, #tpu.memory_space<semaphore_mem>>
        %dma_start3A_461 = arith.constant 0 : i32
        %dma_start3A_462 = tpu.memref_slice %arg8[%dma_start3A_461] : memref<32768xi32, #tpu.memory_space<vmem>> -> memref<2048xi32, #tpu.memory_space<vmem>>
        %dma_start3A_463 = arith.constant 0 : i32
        %dma_start3A_464 = tpu.memref_slice %arg6[%run_scoped3A_206, %dma_start3A_463] : memref<2x32768xi32, #tpu.memory_space<hbm>> -> memref<1x32768xi32, #tpu.memory_space<hbm>>
        %dma_start3A_465 = tpu.memref_squeeze %dma_start3A_464 : memref<1x32768xi32, #tpu.memory_space<hbm>> -> memref<32768xi32, #tpu.memory_space<hbm>>
        %dma_start3A_466 = tpu.memref_slice %dma_start3A_465[%mul3A_205] : memref<32768xi32, #tpu.memory_space<hbm>> -> memref<2048xi32, #tpu.memory_space<hbm>>
        %dma_start3A_467 = arith.constant 0 : i32
        %dma_start3A_468 = tpu.memref_slice %arg6[%run_scoped3A_206, %dma_start3A_467] : memref<2x32768xi32, #tpu.memory_space<hbm>> -> memref<1x32768xi32, #tpu.memory_space<hbm>>
        %dma_start3A_469 = tpu.memref_squeeze %dma_start3A_468 : memref<1x32768xi32, #tpu.memory_space<hbm>> -> memref<32768xi32, #tpu.memory_space<hbm>>
        %dma_start3A_470 = tpu.memref_slice %dma_start3A_469[%mul3A_205] : memref<32768xi32, #tpu.memory_space<hbm>> -> memref<2048xi32, #tpu.memory_space<hbm>>
        %dma_start3A_471 = arith.constant 0 : i32
        %dma_start3A_472 = tpu.memref_slice %arg8[%dma_start3A_471] : memref<32768xi32, #tpu.memory_space<vmem>> -> memref<2048xi32, #tpu.memory_space<vmem>>
        tpu.enqueue_dma source(%dma_start3A_472 : memref<2048xi32, #tpu.memory_space<vmem>>) target(%dma_start3A_470 : memref<2048xi32, #tpu.memory_space<hbm>>) target_semaphore(%run_scoped3A_460 : memref<!tpu.dma_semaphore, #tpu.memory_space<semaphore_mem>>)
        %dma_wait3A_473 = arith.constant 0 : i32
        %dma_wait3A_474 = tpu.memref_slice %arg8[%dma_wait3A_473] : memref<32768xi32, #tpu.memory_space<vmem>> -> memref<2048xi32, #tpu.memory_space<vmem>>
        %dma_wait3A_475 = arith.constant 0 : i32
        %dma_wait3A_476 = tpu.memref_slice %arg6[%run_scoped3A_206, %dma_wait3A_475] : memref<2x32768xi32, #tpu.memory_space<hbm>> -> memref<1x32768xi32, #tpu.memory_space<hbm>>
        %dma_wait3A_477 = tpu.memref_squeeze %dma_wait3A_476 : memref<1x32768xi32, #tpu.memory_space<hbm>> -> memref<32768xi32, #tpu.memory_space<hbm>>
        %dma_wait3A_478 = tpu.memref_slice %dma_wait3A_477[%mul3A_205] : memref<32768xi32, #tpu.memory_space<hbm>> -> memref<2048xi32, #tpu.memory_space<hbm>>
        %dma_wait3A_479 = arith.constant 0 : i32
        %dma_wait3A_480 = tpu.memref_slice %arg6[%run_scoped3A_206, %dma_wait3A_479] : memref<2x32768xi32, #tpu.memory_space<hbm>> -> memref<1x32768xi32, #tpu.memory_space<hbm>>
        %dma_wait3A_481 = tpu.memref_squeeze %dma_wait3A_480 : memref<1x32768xi32, #tpu.memory_space<hbm>> -> memref<32768xi32, #tpu.memory_space<hbm>>
        %dma_wait3A_482 = tpu.memref_slice %dma_wait3A_481[%mul3A_205] : memref<32768xi32, #tpu.memory_space<hbm>> -> memref<2048xi32, #tpu.memory_space<hbm>>
        %dma_wait3A_483 = arith.constant 0 : i32
        %dma_wait3A_484 = tpu.memref_slice %arg8[%dma_wait3A_483] : memref<32768xi32, #tpu.memory_space<vmem>> -> memref<2048xi32, #tpu.memory_space<vmem>>
        tpu.wait_dma2 semaphore(%run_scoped3A_460 : memref<!tpu.dma_semaphore, #tpu.memory_space<semaphore_mem>>) src(%dma_wait3A_484 : memref<2048xi32, #tpu.memory_space<vmem>>) dst(%dma_wait3A_482 : memref<2048xi32, #tpu.memory_space<hbm>>)
        tpu.yield
      }) : () -> ()
      %barrier3A_207 = arith.constant 0 : index
      tpu.barrier barrier_id(%barrier3A_207)
      %run_scoped3A_208 = arith.constant 0 : i32
      "tpu.region"() ({
        %run_scoped3A_460 = tpu.sem_alloc : memref<!tpu.dma_semaphore, #tpu.memory_space<semaphore_mem>>
        %dma_start3A_461 = arith.constant 0 : i32
        %dma_start3A_462 = tpu.memref_slice %arg8[%dma_start3A_461] : memref<32768xi32, #tpu.memory_space<vmem>> -> memref<32768xi32, #tpu.memory_space<vmem>>
        %dma_start3A_463 = arith.constant 0 : i32
        %dma_start3A_464 = tpu.memref_slice %arg6[%run_scoped3A_208, %dma_start3A_463] : memref<2x32768xi32, #tpu.memory_space<hbm>> -> memref<1x32768xi32, #tpu.memory_space<hbm>>
        %dma_start3A_465 = tpu.memref_squeeze %dma_start3A_464 : memref<1x32768xi32, #tpu.memory_space<hbm>> -> memref<32768xi32, #tpu.memory_space<hbm>>
        %dma_start3A_466 = arith.constant 0 : i32
        %dma_start3A_467 = tpu.memref_slice %dma_start3A_465[%dma_start3A_466] : memref<32768xi32, #tpu.memory_space<hbm>> -> memref<32768xi32, #tpu.memory_space<hbm>>
        %dma_start3A_468 = arith.constant 0 : i32
        %dma_start3A_469 = tpu.memref_slice %arg8[%dma_start3A_468] : memref<32768xi32, #tpu.memory_space<vmem>> -> memref<32768xi32, #tpu.memory_space<vmem>>
        %dma_start3A_470 = arith.constant 0 : i32
        %dma_start3A_471 = tpu.memref_slice %arg6[%run_scoped3A_208, %dma_start3A_470] : memref<2x32768xi32, #tpu.memory_space<hbm>> -> memref<1x32768xi32, #tpu.memory_space<hbm>>
        %dma_start3A_472 = tpu.memref_squeeze %dma_start3A_471 : memref<1x32768xi32, #tpu.memory_space<hbm>> -> memref<32768xi32, #tpu.memory_space<hbm>>
        %dma_start3A_473 = arith.constant 0 : i32
        %dma_start3A_474 = tpu.memref_slice %dma_start3A_472[%dma_start3A_473] : memref<32768xi32, #tpu.memory_space<hbm>> -> memref<32768xi32, #tpu.memory_space<hbm>>
        tpu.enqueue_dma source(%dma_start3A_474 : memref<32768xi32, #tpu.memory_space<hbm>>) target(%dma_start3A_469 : memref<32768xi32, #tpu.memory_space<vmem>>) target_semaphore(%run_scoped3A_460 : memref<!tpu.dma_semaphore, #tpu.memory_space<semaphore_mem>>)
        %dma_wait3A_475 = arith.constant 0 : i32
        %dma_wait3A_476 = tpu.memref_slice %arg8[%dma_wait3A_475] : memref<32768xi32, #tpu.memory_space<vmem>> -> memref<32768xi32, #tpu.memory_space<vmem>>
        %dma_wait3A_477 = arith.constant 0 : i32
        %dma_wait3A_478 = tpu.memref_slice %arg6[%run_scoped3A_208, %dma_wait3A_477] : memref<2x32768xi32, #tpu.memory_space<hbm>> -> memref<1x32768xi32, #tpu.memory_space<hbm>>
        %dma_wait3A_479 = tpu.memref_squeeze %dma_wait3A_478 : memref<1x32768xi32, #tpu.memory_space<hbm>> -> memref<32768xi32, #tpu.memory_space<hbm>>
        %dma_wait3A_480 = arith.constant 0 : i32
        %dma_wait3A_481 = tpu.memref_slice %dma_wait3A_479[%dma_wait3A_480] : memref<32768xi32, #tpu.memory_space<hbm>> -> memref<32768xi32, #tpu.memory_space<hbm>>
        %dma_wait3A_482 = arith.constant 0 : i32
        %dma_wait3A_483 = tpu.memref_slice %arg8[%dma_wait3A_482] : memref<32768xi32, #tpu.memory_space<vmem>> -> memref<32768xi32, #tpu.memory_space<vmem>>
        %dma_wait3A_484 = arith.constant 0 : i32
        %dma_wait3A_485 = tpu.memref_slice %arg6[%run_scoped3A_208, %dma_wait3A_484] : memref<2x32768xi32, #tpu.memory_space<hbm>> -> memref<1x32768xi32, #tpu.memory_space<hbm>>
        %dma_wait3A_486 = tpu.memref_squeeze %dma_wait3A_485 : memref<1x32768xi32, #tpu.memory_space<hbm>> -> memref<32768xi32, #tpu.memory_space<hbm>>
        %dma_wait3A_487 = arith.constant 0 : i32
        %dma_wait3A_488 = tpu.memref_slice %dma_wait3A_486[%dma_wait3A_487] : memref<32768xi32, #tpu.memory_space<hbm>> -> memref<32768xi32, #tpu.memory_space<hbm>>
        tpu.wait_dma2 semaphore(%run_scoped3A_460 : memref<!tpu.dma_semaphore, #tpu.memory_space<semaphore_mem>>) src(%dma_wait3A_488 : memref<32768xi32, #tpu.memory_space<hbm>>) dst(%dma_wait3A_483 : memref<32768xi32, #tpu.memory_space<vmem>>)
        tpu.yield
      }) : () -> ()
      %parallel_loop3A_209 = arith.constant 0 : i32
      %parallel_loop3A_210 = arith.constant 2048 : i32
      %parallel_loop3A_211 = arith.constant 16 : i32
      scf.for %parallel_loop3A_460 = %parallel_loop3A_209 to %parallel_loop3A_210 step %parallel_loop3A_211  : i32 {
        %parallel_loop3A_461 = arith.index_cast %parallel_loop3A_460 : i32 to index
        %parallel_loop3A_462 = tpu.vector_load %arg8[%parallel_loop3A_461] {strides = array<i32>} : memref<32768xi32, #tpu.memory_space<vmem>>, vector<16xi32>,
        %parallel_loop3A_463 = arith.constant 2048 : i32
        %parallel_loop3A_464 = arith.addi %parallel_loop3A_463, %parallel_loop3A_460 : i32
        %parallel_loop3A_465 = arith.index_cast %parallel_loop3A_464 : i32 to index
        %parallel_loop3A_466 = tpu.vector_load %arg8[%parallel_loop3A_465] {strides = array<i32>} : memref<32768xi32, #tpu.memory_space<vmem>>, vector<16xi32>,
        %parallel_loop3A_467 = arith.addi %parallel_loop3A_462, %parallel_loop3A_466 : vector<16xi32>
        %parallel_loop3A_468 = arith.constant 4096 : i32
        %parallel_loop3A_469 = arith.addi %parallel_loop3A_468, %parallel_loop3A_460 : i32
        %parallel_loop3A_470 = arith.index_cast %parallel_loop3A_469 : i32 to index
        %parallel_loop3A_471 = tpu.vector_load %arg8[%parallel_loop3A_470] {strides = array<i32>} : memref<32768xi32, #tpu.memory_space<vmem>>, vector<16xi32>,
        %parallel_loop3A_472 = arith.addi %parallel_loop3A_467, %parallel_loop3A_471 : vector<16xi32>
        %parallel_loop3A_473 = arith.constant 6144 : i32
        %parallel_loop3A_474 = arith.addi %parallel_loop3A_473, %parallel_loop3A_460 : i32
        %parallel_loop3A_475 = arith.index_cast %parallel_loop3A_474 : i32 to index
        %parallel_loop3A_476 = tpu.vector_load %arg8[%parallel_loop3A_475] {strides = array<i32>} : memref<32768xi32, #tpu.memory_space<vmem>>, vector<16xi32>,
        %parallel_loop3A_477 = arith.addi %parallel_loop3A_472, %parallel_loop3A_476 : vector<16xi32>
        %parallel_loop3A_478 = arith.constant 8192 : i32
        %parallel_loop3A_479 = arith.addi %parallel_loop3A_478, %parallel_loop3A_460 : i32
        %parallel_loop3A_480 = arith.index_cast %parallel_loop3A_479 : i32 to index
        %parallel_loop3A_481 = tpu.vector_load %arg8[%parallel_loop3A_480] {strides = array<i32>} : memref<32768xi32, #tpu.memory_space<vmem>>, vector<16xi32>,
        %parallel_loop3A_482 = arith.addi %parallel_loop3A_477, %parallel_loop3A_481 : vector<16xi32>
        %parallel_loop3A_483 = arith.constant 10240 : i32
        %parallel_loop3A_484 = arith.addi %parallel_loop3A_483, %parallel_loop3A_460 : i32
        %parallel_loop3A_485 = arith.index_cast %parallel_loop3A_484 : i32 to index
        %parallel_loop3A_486 = tpu.vector_load %arg8[%parallel_loop3A_485] {strides = array<i32>} : memref<32768xi32, #tpu.memory_space<vmem>>, vector<16xi32>,
        %parallel_loop3A_487 = arith.addi %parallel_loop3A_482, %parallel_loop3A_486 : vector<16xi32>
        %parallel_loop3A_488 = arith.constant 12288 : i32
        %parallel_loop3A_489 = arith.addi %parallel_loop3A_488, %parallel_loop3A_460 : i32
        %parallel_loop3A_490 = arith.index_cast %parallel_loop3A_489 : i32 to index
        %parallel_loop3A_491 = tpu.vector_load %arg8[%parallel_loop3A_490] {strides = array<i32>} : memref<32768xi32, #tpu.memory_space<vmem>>, vector<16xi32>,
        %parallel_loop3A_492 = arith.addi %parallel_loop3A_487, %parallel_loop3A_491 : vector<16xi32>
        %parallel_loop3A_493 = arith.constant 14336 : i32
        %parallel_loop3A_494 = arith.addi %parallel_loop3A_493, %parallel_loop3A_460 : i32
        %parallel_loop3A_495 = arith.index_cast %parallel_loop3A_494 : i32 to index
        %parallel_loop3A_496 = tpu.vector_load %arg8[%parallel_loop3A_495] {strides = array<i32>} : memref<32768xi32, #tpu.memory_space<vmem>>, vector<16xi32>,
        %parallel_loop3A_497 = arith.addi %parallel_loop3A_492, %parallel_loop3A_496 : vector<16xi32>
        %parallel_loop3A_498 = arith.constant 16384 : i32
        %parallel_loop3A_499 = arith.addi %parallel_loop3A_498, %parallel_loop3A_460 : i32
        %parallel_loop3A_500 = arith.index_cast %parallel_loop3A_499 : i32 to index
        %parallel_loop3A_501 = tpu.vector_load %arg8[%parallel_loop3A_500] {strides = array<i32>} : memref<32768xi32, #tpu.memory_space<vmem>>, vector<16xi32>,
        %parallel_loop3A_502 = arith.addi %parallel_loop3A_497, %parallel_loop3A_501 : vector<16xi32>
        %parallel_loop3A_503 = arith.constant 18432 : i32
        %parallel_loop3A_504 = arith.addi %parallel_loop3A_503, %parallel_loop3A_460 : i32
        %parallel_loop3A_505 = arith.index_cast %parallel_loop3A_504 : i32 to index
        %parallel_loop3A_506 = tpu.vector_load %arg8[%parallel_loop3A_505] {strides = array<i32>} : memref<32768xi32, #tpu.memory_space<vmem>>, vector<16xi32>,
        %parallel_loop3A_507 = arith.addi %parallel_loop3A_502, %parallel_loop3A_506 : vector<16xi32>
        %parallel_loop3A_508 = arith.constant 20480 : i32
        %parallel_loop3A_509 = arith.addi %parallel_loop3A_508, %parallel_loop3A_460 : i32
        %parallel_loop3A_510 = arith.index_cast %parallel_loop3A_509 : i32 to index
        %parallel_loop3A_511 = tpu.vector_load %arg8[%parallel_loop3A_510] {strides = array<i32>} : memref<32768xi32, #tpu.memory_space<vmem>>, vector<16xi32>,
        %parallel_loop3A_512 = arith.addi %parallel_loop3A_507, %parallel_loop3A_511 : vector<16xi32>
        %parallel_loop3A_513 = arith.constant 22528 : i32
        %parallel_loop3A_514 = arith.addi %parallel_loop3A_513, %parallel_loop3A_460 : i32
        %parallel_loop3A_515 = arith.index_cast %parallel_loop3A_514 : i32 to index
        %parallel_loop3A_516 = tpu.vector_load %arg8[%parallel_loop3A_515] {strides = array<i32>} : memref<32768xi32, #tpu.memory_space<vmem>>, vector<16xi32>,
        %parallel_loop3A_517 = arith.addi %parallel_loop3A_512, %parallel_loop3A_516 : vector<16xi32>
        %parallel_loop3A_518 = arith.constant 24576 : i32
        %parallel_loop3A_519 = arith.addi %parallel_loop3A_518, %parallel_loop3A_460 : i32
        %parallel_loop3A_520 = arith.index_cast %parallel_loop3A_519 : i32 to index
        %parallel_loop3A_521 = tpu.vector_load %arg8[%parallel_loop3A_520] {strides = array<i32>} : memref<32768xi32, #tpu.memory_space<vmem>>, vector<16xi32>,
        %parallel_loop3A_522 = arith.addi %parallel_loop3A_517, %parallel_loop3A_521 : vector<16xi32>
        %parallel_loop3A_523 = arith.constant 26624 : i32
        %parallel_loop3A_524 = arith.addi %parallel_loop3A_523, %parallel_loop3A_460 : i32
        %parallel_loop3A_525 = arith.index_cast %parallel_loop3A_524 : i32 to index
        %parallel_loop3A_526 = tpu.vector_load %arg8[%parallel_loop3A_525] {strides = array<i32>} : memref<32768xi32, #tpu.memory_space<vmem>>, vector<16xi32>,
        %parallel_loop3A_527 = arith.addi %parallel_loop3A_522, %parallel_loop3A_526 : vector<16xi32>
        %parallel_loop3A_528 = arith.constant 28672 : i32
        %parallel_loop3A_529 = arith.addi %parallel_loop3A_528, %parallel_loop3A_460 : i32
        %parallel_loop3A_530 = arith.index_cast %parallel_loop3A_529 : i32 to index
        %parallel_loop3A_531 = tpu.vector_load %arg8[%parallel_loop3A_530] {strides = array<i32>} : memref<32768xi32, #tpu.memory_space<vmem>>, vector<16xi32>,
        %parallel_loop3A_532 = arith.addi %parallel_loop3A_527, %parallel_loop3A_531 : vector<16xi32>
        %parallel_loop3A_533 = arith.constant 30720 : i32
        %parallel_loop3A_534 = arith.addi %parallel_loop3A_533, %parallel_loop3A_460 : i32
        %parallel_loop3A_535 = arith.index_cast %parallel_loop3A_534 : i32 to index
        %parallel_loop3A_536 = tpu.vector_load %arg8[%parallel_loop3A_535] {strides = array<i32>} : memref<32768xi32, #tpu.memory_space<vmem>>, vector<16xi32>,
        %parallel_loop3A_537 = arith.addi %parallel_loop3A_532, %parallel_loop3A_536 : vector<16xi32>
        %parallel_loop3A_538 = arith.index_cast %parallel_loop3A_460 : i32 to index
        %parallel_loop3A_539 = tpu.vector_load %arg9[%parallel_loop3A_538] {strides = array<i32>} : memref<2048xi32, #tpu.memory_space<vmem>>, vector<16xi32>,
        tpu.vector_store %arg9[%parallel_loop3A_538], %parallel_loop3A_537 {strides = array<i32>} : memref<2048xi32, #tpu.memory_space<vmem>>, vector<16xi32>,
      } {sc.loop_unroll_factor = 4 : i64, sc.parallel_access}
      %broadcast_in_dim3A_212 = arith.constant 0 : i32
      %broadcast_in_dim3A_213 = vector.broadcast %broadcast_in_dim3A_212 : i32 to vector<16xi32>
      %parallel_loop3A_214 = arith.constant 0 : i32
      %parallel_loop3A_215 = arith.constant 2048 : i32
      %parallel_loop3A_216 = arith.constant 16 : i32
      %parallel_loop3A_217:2 = scf.for %parallel_loop3A_460 = %parallel_loop3A_214 to %parallel_loop3A_215 step %parallel_loop3A_216 iter_args(%parallel_loop3A_461 = %broadcast_in_dim3A_213, %parallel_loop3A_462 = %broadcast_in_dim3A_213) -> (vector<16xi32>, vector<16xi32>)  : i32 {
        %parallel_loop3A_463 = arith.index_cast %parallel_loop3A_460 : i32 to index
        %parallel_loop3A_464 = tpu.vector_load %arg9[%parallel_loop3A_463] {strides = array<i32>} : memref<2048xi32, #tpu.memory_space<vmem>>, vector<16xi32>,
        %parallel_loop3A_465 = arith.constant true
        %parallel_loop3A_466 = vector.broadcast %parallel_loop3A_465 : i1 to vector<16xi1>
        %parallel_loop3A_467 = tpu.scan <sum>, %parallel_loop3A_464 masked %parallel_loop3A_466 : vector<16xi32>, vector<16xi1> -> vector<16xi32>
        %parallel_loop3A_468 = arith.addi %parallel_loop3A_461, %parallel_loop3A_467 : vector<16xi32>
        %parallel_loop3A_469 = arith.index_cast %parallel_loop3A_460 : i32 to index
        %parallel_loop3A_470 = tpu.vector_load %arg9[%parallel_loop3A_469] {strides = array<i32>} : memref<2048xi32, #tpu.memory_space<vmem>>, vector<16xi32>,
        tpu.vector_store %arg9[%parallel_loop3A_469], %parallel_loop3A_468 {strides = array<i32>} : memref<2048xi32, #tpu.memory_space<vmem>>, vector<16xi32>,
        %parallel_loop3A_471 = arith.constant 0 : i32
        %parallel_loop3A_472 = vector.broadcast %parallel_loop3A_471 : i32 to vector<16xi32>
        %parallel_loop3A_473 = arith.cmpi slt, %broadcast_in_dim3A_84, %parallel_loop3A_472 : vector<16xi32>
        %parallel_loop3A_474 = arith.constant 16 : i32
        %parallel_loop3A_475 = vector.broadcast %parallel_loop3A_474 : i32 to vector<16xi32>
        %parallel_loop3A_476 = arith.addi %broadcast_in_dim3A_84, %parallel_loop3A_475 : vector<16xi32>
        %parallel_loop3A_477 = arith.select %parallel_loop3A_473, %parallel_loop3A_476, %broadcast_in_dim3A_84 : vector<16xi1>, vector<16xi32>
        %parallel_loop3A_478 = vector.shape_cast %parallel_loop3A_477 : vector<16xi32> to vector<16x1xi32>
        %parallel_loop3A_479 = vector.shape_cast %parallel_loop3A_478 : vector<16x1xi32> to vector<16xi32>
        %parallel_loop3A_480 = tpu.dynamic_gather %parallel_loop3A_468[%parallel_loop3A_479] in [0] : vector<16xi32>, vector<16xi32> -> vector<16xi32>
        %parallel_loop3A_481 = vector.broadcast %sub3A_195 : i32 to vector<16xi32>
        %parallel_loop3A_482 = arith.cmpi sle, %parallel_loop3A_468, %parallel_loop3A_481 : vector<16xi32>
        %parallel_loop3A_483 = arith.constant 1 : i32
        %parallel_loop3A_484 = arith.constant 0 : i32
        %parallel_loop3A_485 = vector.broadcast %parallel_loop3A_483 : i32 to vector<16xi32>
        %parallel_loop3A_486 = vector.broadcast %parallel_loop3A_484 : i32 to vector<16xi32>
        %parallel_loop3A_487 = arith.select %parallel_loop3A_482, %parallel_loop3A_485, %parallel_loop3A_486 : vector<16xi1>, vector<16xi32>
        %parallel_loop3A_488 = arith.addi %parallel_loop3A_462, %parallel_loop3A_487 : vector<16xi32>
        scf.yield %parallel_loop3A_480, %parallel_loop3A_488 : vector<16xi32>, vector<16xi32>
      } {sc.loop_unroll_factor = 2 : i64, sc.parallel_access}
      %reduce_sum3A_218 = arith.constant true
      %reduce_sum3A_219 = vector.broadcast %reduce_sum3A_218 : i1 to vector<16xi1>
      %reduce_sum3A_220 = tpu.scan <sum>, %parallel_loop3A_217#1 masked %reduce_sum3A_219 : vector<16xi32>, vector<16xi1> -> vector<16xi32>
      %reduce_sum3A_221 = vector.extract %reduce_sum3A_220[15] : i32 from vector<16xi32>
      %sub3A_222 = arith.constant 1 : i32
      %sub3A_223 = arith.subi %reduce_sum3A_221, %sub3A_222 : i32
      %max3A_224 = arith.constant 0 : i32
      %max3A_225 = arith.maxsi %sub3A_223, %max3A_224 : i32
      %shift_right_arithmetic3A_226 = arith.constant 4 : i32
      %shift_right_arithmetic3A_227 = arith.shrsi %max3A_225, %shift_right_arithmetic3A_226 : i32
      %mul3A_228 = arith.constant 16 : i32
      %mul3A_229 = arith.muli %shift_right_arithmetic3A_227, %mul3A_228 : i32
      %get3A_230 = arith.index_cast %mul3A_229 : i32 to index
      %get3A_231 = tpu.vector_load %arg9[%get3A_230] {strides = array<i32>} : memref<2048xi32, #tpu.memory_space<vmem>>, vector<16xi32>,
      %and3A_232 = arith.constant 15 : i32
      %and3A_233 = arith.andi %max3A_225, %and3A_232 : i32
      %eq3A_234 = vector.broadcast %and3A_233 : i32 to vector<16xi32>
      %eq3A_235 = arith.cmpi eq, %iota3A, %eq3A_234 : vector<16xi32>
      %jit3A_236 = arith.constant 0 : i32
      %broadcast_in_dim3A_237 = vector.broadcast %jit3A_236 : i32 to vector<16xi32>
      %select_n3A_238 = arith.select %eq3A_235, %get3A_231, %broadcast_in_dim3A_237 : vector<16xi1>, vector<16xi32>
      %reduce_max3A_239 = arith.constant true
      %reduce_max3A_240 = vector.broadcast %reduce_max3A_239 : i1 to vector<16xi1>
      %reduce_max3A_241 = arith.constant -2147483648 : i32
      %reduce_max3A_242 = vector.broadcast %reduce_max3A_241 : i32 to vector<16xi32>
      %reduce_max3A_243 = arith.xori %select_n3A_238, %reduce_max3A_242 : vector<16xi32>
      %reduce_max3A_244 = tpu.scan <max>, %reduce_max3A_243 masked %reduce_max3A_240 : vector<16xi32>, vector<16xi1> -> vector<16xi32>
      %reduce_max3A_245 = arith.xori %reduce_max3A_244, %reduce_max3A_242 : vector<16xi32>
      %reduce_max3A_246 = vector.extract %reduce_max3A_245[15] : i32 from vector<16xi32>
      %gt3A_247 = arith.constant 0 : i32
      %gt3A_248 = arith.cmpi sgt, %reduce_sum3A_221, %gt3A_247 : i32
      %jit3A_249 = arith.constant 0 : i32
      %select_n3A_250 = arith.select %gt3A_248, %reduce_max3A_246, %jit3A_249 : i32
      %sub3A_251 = arith.subi %sub3A_195, %select_n3A_250 : i32
      %shift_left3A_252 = arith.constant 11 : i32
      %shift_left3A_253 = arith.shli %or3A, %shift_left3A_252 : i32
      %or3A_254 = arith.ori %shift_left3A_253, %reduce_sum3A_221 : i32
      %parallel_loop3A_255 = arith.constant 0 : i32
      %parallel_loop3A_256 = arith.constant 1024 : i32
      %parallel_loop3A_257 = arith.constant 16 : i32
      scf.for %parallel_loop3A_460 = %parallel_loop3A_255 to %parallel_loop3A_256 step %parallel_loop3A_257  : i32 {
        %parallel_loop3A_461 = arith.index_cast %parallel_loop3A_460 : i32 to index
        %parallel_loop3A_462 = tpu.vector_load %arg8[%parallel_loop3A_461] {strides = array<i32>} : memref<32768xi32, #tpu.memory_space<vmem>>, vector<16xi32>,
        tpu.vector_store %arg8[%parallel_loop3A_461], %broadcast_in_dim3A_0 {strides = array<i32>} : memref<32768xi32, #tpu.memory_space<vmem>>, vector<16xi32>,
      } {sc.loop_unroll_factor = 8 : i64, sc.parallel_access}
      %parallel_loop3A_258 = arith.constant 0 : i32
      %parallel_loop3A_259 = arith.constant 65536 : i32
      %parallel_loop3A_260 = arith.constant 16 : i32
      scf.for %parallel_loop3A_460 = %parallel_loop3A_258 to %parallel_loop3A_259 step %parallel_loop3A_260  : i32 {
        %parallel_loop3A_461 = arith.constant 7 : i32
        %parallel_loop3A_462 = arith.shrsi %parallel_loop3A_460, %parallel_loop3A_461 : i32
        %parallel_loop3A_463 = arith.constant 127 : i32
        %parallel_loop3A_464 = arith.andi %parallel_loop3A_460, %parallel_loop3A_463 : i32
        %parallel_loop3A_465 = arith.index_cast %parallel_loop3A_462 : i32 to index
        %parallel_loop3A_466 = arith.index_cast %parallel_loop3A_464 : i32 to index
        %parallel_loop3A_467 = tpu.vector_load %arg7[%parallel_loop3A_465, %parallel_loop3A_466] {strides = array<i32>} : memref<512x128xf32, #tpu.memory_space<vmem>>, vector<16xf32>,
        %parallel_loop3A_468 = tpu.bitcast %parallel_loop3A_467 : vector<16xf32> -> vector<16xi32>
        %parallel_loop3A_469 = arith.constant 2147483647 : i32
        %parallel_loop3A_470 = vector.broadcast %parallel_loop3A_469 : i32 to vector<16xi32>
        %parallel_loop3A_471 = arith.andi %parallel_loop3A_468, %parallel_loop3A_470 : vector<16xi32>
        %parallel_loop3A_472 = arith.constant 1023 : i32
        %parallel_loop3A_473 = vector.broadcast %parallel_loop3A_472 : i32 to vector<16xi32>
        %parallel_loop3A_474 = arith.andi %parallel_loop3A_471, %parallel_loop3A_473 : vector<16xi32>
        %parallel_loop3A_475 = arith.constant 10 : i32
        %parallel_loop3A_476 = vector.broadcast %parallel_loop3A_475 : i32 to vector<16xi32>
        %parallel_loop3A_477 = arith.shrsi %parallel_loop3A_471, %parallel_loop3A_476 : vector<16xi32>
        %parallel_loop3A_478 = vector.broadcast %or3A_254 : i32 to vector<16xi32>
        %parallel_loop3A_479 = arith.cmpi eq, %parallel_loop3A_477, %parallel_loop3A_478 : vector<16xi32>
        tpu.vector_store_idx %arg8[%parallel_loop3A_474], %broadcast_in_dim3A_2 masked %parallel_loop3A_479 {add = true} : memref<32768xi32, #tpu.memory_space<vmem>>[vector<16xi32>], vector<16xi32>, vector<16xi1>
      } {sc.loop_unroll_factor = 8 : i64, sc.parallel_access}
      %mul3A_261 = arith.constant 1024 : i32
      %mul3A_262 = arith.muli %arg1, %mul3A_261 : i32
      %run_scoped3A_263 = arith.constant 0 : i32
      "tpu.region"() ({
        %run_scoped3A_460 = tpu.sem_alloc : memref<!tpu.dma_semaphore, #tpu.memory_space<semaphore_mem>>
        %dma_start3A_461 = arith.constant 0 : i32
        %dma_start3A_462 = tpu.memref_slice %arg8[%dma_start3A_461] : memref<32768xi32, #tpu.memory_space<vmem>> -> memref<1024xi32, #tpu.memory_space<vmem>>
        %dma_start3A_463 = arith.constant 0 : i32
        %dma_start3A_464 = tpu.memref_slice %arg6[%run_scoped3A_263, %dma_start3A_463] : memref<2x32768xi32, #tpu.memory_space<hbm>> -> memref<1x32768xi32, #tpu.memory_space<hbm>>
        %dma_start3A_465 = tpu.memref_squeeze %dma_start3A_464 : memref<1x32768xi32, #tpu.memory_space<hbm>> -> memref<32768xi32, #tpu.memory_space<hbm>>
        %dma_start3A_466 = tpu.memref_slice %dma_start3A_465[%mul3A_262] : memref<32768xi32, #tpu.memory_space<hbm>> -> memref<1024xi32, #tpu.memory_space<hbm>>
        %dma_start3A_467 = arith.constant 0 : i32
        %dma_start3A_468 = tpu.memref_slice %arg6[%run_scoped3A_263, %dma_start3A_467] : memref<2x32768xi32, #tpu.memory_space<hbm>> -> memref<1x32768xi32, #tpu.memory_space<hbm>>
        %dma_start3A_469 = tpu.memref_squeeze %dma_start3A_468 : memref<1x32768xi32, #tpu.memory_space<hbm>> -> memref<32768xi32, #tpu.memory_space<hbm>>
        %dma_start3A_470 = tpu.memref_slice %dma_start3A_469[%mul3A_262] : memref<32768xi32, #tpu.memory_space<hbm>> -> memref<1024xi32, #tpu.memory_space<hbm>>
        %dma_start3A_471 = arith.constant 0 : i32
        %dma_start3A_472 = tpu.memref_slice %arg8[%dma_start3A_471] : memref<32768xi32, #tpu.memory_space<vmem>> -> memref<1024xi32, #tpu.memory_space<vmem>>
        tpu.enqueue_dma source(%dma_start3A_472 : memref<1024xi32, #tpu.memory_space<vmem>>) target(%dma_start3A_470 : memref<1024xi32, #tpu.memory_space<hbm>>) target_semaphore(%run_scoped3A_460 : memref<!tpu.dma_semaphore, #tpu.memory_space<semaphore_mem>>)
        %dma_wait3A_473 = arith.constant 0 : i32
        %dma_wait3A_474 = tpu.memref_slice %arg8[%dma_wait3A_473] : memref<32768xi32, #tpu.memory_space<vmem>> -> memref<1024xi32, #tpu.memory_space<vmem>>
        %dma_wait3A_475 = arith.constant 0 : i32
        %dma_wait3A_476 = tpu.memref_slice %arg6[%run_scoped3A_263, %dma_wait3A_475] : memref<2x32768xi32, #tpu.memory_space<hbm>> -> memref<1x32768xi32, #tpu.memory_space<hbm>>
        %dma_wait3A_477 = tpu.memref_squeeze %dma_wait3A_476 : memref<1x32768xi32, #tpu.memory_space<hbm>> -> memref<32768xi32, #tpu.memory_space<hbm>>
        %dma_wait3A_478 = tpu.memref_slice %dma_wait3A_477[%mul3A_262] : memref<32768xi32, #tpu.memory_space<hbm>> -> memref<1024xi32, #tpu.memory_space<hbm>>
        %dma_wait3A_479 = arith.constant 0 : i32
        %dma_wait3A_480 = tpu.memref_slice %arg6[%run_scoped3A_263, %dma_wait3A_479] : memref<2x32768xi32, #tpu.memory_space<hbm>> -> memref<1x32768xi32, #tpu.memory_space<hbm>>
        %dma_wait3A_481 = tpu.memref_squeeze %dma_wait3A_480 : memref<1x32768xi32, #tpu.memory_space<hbm>> -> memref<32768xi32, #tpu.memory_space<hbm>>
        %dma_wait3A_482 = tpu.memref_slice %dma_wait3A_481[%mul3A_262] : memref<32768xi32, #tpu.memory_space<hbm>> -> memref<1024xi32, #tpu.memory_space<hbm>>
        %dma_wait3A_483 = arith.constant 0 : i32
        %dma_wait3A_484 = tpu.memref_slice %arg8[%dma_wait3A_483] : memref<32768xi32, #tpu.memory_space<vmem>> -> memref<1024xi32, #tpu.memory_space<vmem>>
        tpu.wait_dma2 semaphore(%run_scoped3A_460 : memref<!tpu.dma_semaphore, #tpu.memory_space<semaphore_mem>>) src(%dma_wait3A_484 : memref<1024xi32, #tpu.memory_space<vmem>>) dst(%dma_wait3A_482 : memref<1024xi32, #tpu.memory_space<hbm>>)
        tpu.yield
      }) : () -> ()
      %barrier3A_264 = arith.constant 0 : index
      tpu.barrier barrier_id(%barrier3A_264)
      %run_scoped3A_265 = arith.constant 0 : i32
      "tpu.region"() ({
        %run_scoped3A_460 = tpu.sem_alloc : memref<!tpu.dma_semaphore, #tpu.memory_space<semaphore_mem>>
        %dma_start3A_461 = arith.constant 0 : i32
        %dma_start3A_462 = tpu.memref_slice %arg8[%dma_start3A_461] : memref<32768xi32, #tpu.memory_space<vmem>> -> memref<16384xi32, #tpu.memory_space<vmem>>
        %dma_start3A_463 = arith.constant 0 : i32
        %dma_start3A_464 = tpu.memref_slice %arg6[%run_scoped3A_265, %dma_start3A_463] : memref<2x32768xi32, #tpu.memory_space<hbm>> -> memref<1x32768xi32, #tpu.memory_space<hbm>>
        %dma_start3A_465 = tpu.memref_squeeze %dma_start3A_464 : memref<1x32768xi32, #tpu.memory_space<hbm>> -> memref<32768xi32, #tpu.memory_space<hbm>>
        %dma_start3A_466 = arith.constant 0 : i32
        %dma_start3A_467 = tpu.memref_slice %dma_start3A_465[%dma_start3A_466] : memref<32768xi32, #tpu.memory_space<hbm>> -> memref<16384xi32, #tpu.memory_space<hbm>>
        %dma_start3A_468 = arith.constant 0 : i32
        %dma_start3A_469 = tpu.memref_slice %arg8[%dma_start3A_468] : memref<32768xi32, #tpu.memory_space<vmem>> -> memref<16384xi32, #tpu.memory_space<vmem>>
        %dma_start3A_470 = arith.constant 0 : i32
        %dma_start3A_471 = tpu.memref_slice %arg6[%run_scoped3A_265, %dma_start3A_470] : memref<2x32768xi32, #tpu.memory_space<hbm>> -> memref<1x32768xi32, #tpu.memory_space<hbm>>
        %dma_start3A_472 = tpu.memref_squeeze %dma_start3A_471 : memref<1x32768xi32, #tpu.memory_space<hbm>> -> memref<32768xi32, #tpu.memory_space<hbm>>
        %dma_start3A_473 = arith.constant 0 : i32
        %dma_start3A_474 = tpu.memref_slice %dma_start3A_472[%dma_start3A_473] : memref<32768xi32, #tpu.memory_space<hbm>> -> memref<16384xi32, #tpu.memory_space<hbm>>
        tpu.enqueue_dma source(%dma_start3A_474 : memref<16384xi32, #tpu.memory_space<hbm>>) target(%dma_start3A_469 : memref<16384xi32, #tpu.memory_space<vmem>>) target_semaphore(%run_scoped3A_460 : memref<!tpu.dma_semaphore, #tpu.memory_space<semaphore_mem>>)
        %dma_wait3A_475 = arith.constant 0 : i32
        %dma_wait3A_476 = tpu.memref_slice %arg8[%dma_wait3A_475] : memref<32768xi32, #tpu.memory_space<vmem>> -> memref<16384xi32, #tpu.memory_space<vmem>>
        %dma_wait3A_477 = arith.constant 0 : i32
        %dma_wait3A_478 = tpu.memref_slice %arg6[%run_scoped3A_265, %dma_wait3A_477] : memref<2x32768xi32, #tpu.memory_space<hbm>> -> memref<1x32768xi32, #tpu.memory_space<hbm>>
        %dma_wait3A_479 = tpu.memref_squeeze %dma_wait3A_478 : memref<1x32768xi32, #tpu.memory_space<hbm>> -> memref<32768xi32, #tpu.memory_space<hbm>>
        %dma_wait3A_480 = arith.constant 0 : i32
        %dma_wait3A_481 = tpu.memref_slice %dma_wait3A_479[%dma_wait3A_480] : memref<32768xi32, #tpu.memory_space<hbm>> -> memref<16384xi32, #tpu.memory_space<hbm>>
        %dma_wait3A_482 = arith.constant 0 : i32
        %dma_wait3A_483 = tpu.memref_slice %arg8[%dma_wait3A_482] : memref<32768xi32, #tpu.memory_space<vmem>> -> memref<16384xi32, #tpu.memory_space<vmem>>
        %dma_wait3A_484 = arith.constant 0 : i32
        %dma_wait3A_485 = tpu.memref_slice %arg6[%run_scoped3A_265, %dma_wait3A_484] : memref<2x32768xi32, #tpu.memory_space<hbm>> -> memref<1x32768xi32, #tpu.memory_space<hbm>>
        %dma_wait3A_486 = tpu.memref_squeeze %dma_wait3A_485 : memref<1x32768xi32, #tpu.memory_space<hbm>> -> memref<32768xi32, #tpu.memory_space<hbm>>
        %dma_wait3A_487 = arith.constant 0 : i32
        %dma_wait3A_488 = tpu.memref_slice %dma_wait3A_486[%dma_wait3A_487] : memref<32768xi32, #tpu.memory_space<hbm>> -> memref<16384xi32, #tpu.memory_space<hbm>>
        tpu.wait_dma2 semaphore(%run_scoped3A_460 : memref<!tpu.dma_semaphore, #tpu.memory_space<semaphore_mem>>) src(%dma_wait3A_488 : memref<16384xi32, #tpu.memory_space<hbm>>) dst(%dma_wait3A_483 : memref<16384xi32, #tpu.memory_space<vmem>>)
        tpu.yield
      }) : () -> ()
      %parallel_loop3A_266 = arith.constant 0 : i32
      %parallel_loop3A_267 = arith.constant 1024 : i32
      %parallel_loop3A_268 = arith.constant 16 : i32
      scf.for %parallel_loop3A_460 = %parallel_loop3A_266 to %parallel_loop3A_267 step %parallel_loop3A_268  : i32 {
        %parallel_loop3A_461 = arith.index_cast %parallel_loop3A_460 : i32 to index
        %parallel_loop3A_462 = tpu.vector_load %arg8[%parallel_loop3A_461] {strides = array<i32>} : memref<32768xi32, #tpu.memory_space<vmem>>, vector<16xi32>,
        %parallel_loop3A_463 = arith.constant 1024 : i32
        %parallel_loop3A_464 = arith.addi %parallel_loop3A_463, %parallel_loop3A_460 : i32
        %parallel_loop3A_465 = arith.index_cast %parallel_loop3A_464 : i32 to index
        %parallel_loop3A_466 = tpu.vector_load %arg8[%parallel_loop3A_465] {strides = array<i32>} : memref<32768xi32, #tpu.memory_space<vmem>>, vector<16xi32>,
        %parallel_loop3A_467 = arith.addi %parallel_loop3A_462, %parallel_loop3A_466 : vector<16xi32>
        %parallel_loop3A_468 = arith.constant 2048 : i32
        %parallel_loop3A_469 = arith.addi %parallel_loop3A_468, %parallel_loop3A_460 : i32
        %parallel_loop3A_470 = arith.index_cast %parallel_loop3A_469 : i32 to index
        %parallel_loop3A_471 = tpu.vector_load %arg8[%parallel_loop3A_470] {strides = array<i32>} : memref<32768xi32, #tpu.memory_space<vmem>>, vector<16xi32>,
        %parallel_loop3A_472 = arith.addi %parallel_loop3A_467, %parallel_loop3A_471 : vector<16xi32>
        %parallel_loop3A_473 = arith.constant 3072 : i32
        %parallel_loop3A_474 = arith.addi %parallel_loop3A_473, %parallel_loop3A_460 : i32
        %parallel_loop3A_475 = arith.index_cast %parallel_loop3A_474 : i32 to index
        %parallel_loop3A_476 = tpu.vector_load %arg8[%parallel_loop3A_475] {strides = array<i32>} : memref<32768xi32, #tpu.memory_space<vmem>>, vector<16xi32>,
        %parallel_loop3A_477 = arith.addi %parallel_loop3A_472, %parallel_loop3A_476 : vector<16xi32>
        %parallel_loop3A_478 = arith.constant 4096 : i32
        %parallel_loop3A_479 = arith.addi %parallel_loop3A_478, %parallel_loop3A_460 : i32
        %parallel_loop3A_480 = arith.index_cast %parallel_loop3A_479 : i32 to index
        %parallel_loop3A_481 = tpu.vector_load %arg8[%parallel_loop3A_480] {strides = array<i32>} : memref<32768xi32, #tpu.memory_space<vmem>>, vector<16xi32>,
        %parallel_loop3A_482 = arith.addi %parallel_loop3A_477, %parallel_loop3A_481 : vector<16xi32>
        %parallel_loop3A_483 = arith.constant 5120 : i32
        %parallel_loop3A_484 = arith.addi %parallel_loop3A_483, %parallel_loop3A_460 : i32
        %parallel_loop3A_485 = arith.index_cast %parallel_loop3A_484 : i32 to index
        %parallel_loop3A_486 = tpu.vector_load %arg8[%parallel_loop3A_485] {strides = array<i32>} : memref<32768xi32, #tpu.memory_space<vmem>>, vector<16xi32>,
        %parallel_loop3A_487 = arith.addi %parallel_loop3A_482, %parallel_loop3A_486 : vector<16xi32>
        %parallel_loop3A_488 = arith.constant 6144 : i32
        %parallel_loop3A_489 = arith.addi %parallel_loop3A_488, %parallel_loop3A_460 : i32
        %parallel_loop3A_490 = arith.index_cast %parallel_loop3A_489 : i32 to index
        %parallel_loop3A_491 = tpu.vector_load %arg8[%parallel_loop3A_490] {strides = array<i32>} : memref<32768xi32, #tpu.memory_space<vmem>>, vector<16xi32>,
        %parallel_loop3A_492 = arith.addi %parallel_loop3A_487, %parallel_loop3A_491 : vector<16xi32>
        %parallel_loop3A_493 = arith.constant 7168 : i32
        %parallel_loop3A_494 = arith.addi %parallel_loop3A_493, %parallel_loop3A_460 : i32
        %parallel_loop3A_495 = arith.index_cast %parallel_loop3A_494 : i32 to index
        %parallel_loop3A_496 = tpu.vector_load %arg8[%parallel_loop3A_495] {strides = array<i32>} : memref<32768xi32, #tpu.memory_space<vmem>>, vector<16xi32>,
        %parallel_loop3A_497 = arith.addi %parallel_loop3A_492, %parallel_loop3A_496 : vector<16xi32>
        %parallel_loop3A_498 = arith.constant 8192 : i32
        %parallel_loop3A_499 = arith.addi %parallel_loop3A_498, %parallel_loop3A_460 : i32
        %parallel_loop3A_500 = arith.index_cast %parallel_loop3A_499 : i32 to index
        %parallel_loop3A_501 = tpu.vector_load %arg8[%parallel_loop3A_500] {strides = array<i32>} : memref<32768xi32, #tpu.memory_space<vmem>>, vector<16xi32>,
        %parallel_loop3A_502 = arith.addi %parallel_loop3A_497, %parallel_loop3A_501 : vector<16xi32>
        %parallel_loop3A_503 = arith.constant 9216 : i32
        %parallel_loop3A_504 = arith.addi %parallel_loop3A_503, %parallel_loop3A_460 : i32
        %parallel_loop3A_505 = arith.index_cast %parallel_loop3A_504 : i32 to index
        %parallel_loop3A_506 = tpu.vector_load %arg8[%parallel_loop3A_505] {strides = array<i32>} : memref<32768xi32, #tpu.memory_space<vmem>>, vector<16xi32>,
        %parallel_loop3A_507 = arith.addi %parallel_loop3A_502, %parallel_loop3A_506 : vector<16xi32>
        %parallel_loop3A_508 = arith.constant 10240 : i32
        %parallel_loop3A_509 = arith.addi %parallel_loop3A_508, %parallel_loop3A_460 : i32
        %parallel_loop3A_510 = arith.index_cast %parallel_loop3A_509 : i32 to index
        %parallel_loop3A_511 = tpu.vector_load %arg8[%parallel_loop3A_510] {strides = array<i32>} : memref<32768xi32, #tpu.memory_space<vmem>>, vector<16xi32>,
        %parallel_loop3A_512 = arith.addi %parallel_loop3A_507, %parallel_loop3A_511 : vector<16xi32>
        %parallel_loop3A_513 = arith.constant 11264 : i32
        %parallel_loop3A_514 = arith.addi %parallel_loop3A_513, %parallel_loop3A_460 : i32
        %parallel_loop3A_515 = arith.index_cast %parallel_loop3A_514 : i32 to index
        %parallel_loop3A_516 = tpu.vector_load %arg8[%parallel_loop3A_515] {strides = array<i32>} : memref<32768xi32, #tpu.memory_space<vmem>>, vector<16xi32>,
        %parallel_loop3A_517 = arith.addi %parallel_loop3A_512, %parallel_loop3A_516 : vector<16xi32>
        %parallel_loop3A_518 = arith.constant 12288 : i32
        %parallel_loop3A_519 = arith.addi %parallel_loop3A_518, %parallel_loop3A_460 : i32
        %parallel_loop3A_520 = arith.index_cast %parallel_loop3A_519 : i32 to index
        %parallel_loop3A_521 = tpu.vector_load %arg8[%parallel_loop3A_520] {strides = array<i32>} : memref<32768xi32, #tpu.memory_space<vmem>>, vector<16xi32>,
        %parallel_loop3A_522 = arith.addi %parallel_loop3A_517, %parallel_loop3A_521 : vector<16xi32>
        %parallel_loop3A_523 = arith.constant 13312 : i32
        %parallel_loop3A_524 = arith.addi %parallel_loop3A_523, %parallel_loop3A_460 : i32
        %parallel_loop3A_525 = arith.index_cast %parallel_loop3A_524 : i32 to index
        %parallel_loop3A_526 = tpu.vector_load %arg8[%parallel_loop3A_525] {strides = array<i32>} : memref<32768xi32, #tpu.memory_space<vmem>>, vector<16xi32>,
        %parallel_loop3A_527 = arith.addi %parallel_loop3A_522, %parallel_loop3A_526 : vector<16xi32>
        %parallel_loop3A_528 = arith.constant 14336 : i32
        %parallel_loop3A_529 = arith.addi %parallel_loop3A_528, %parallel_loop3A_460 : i32
        %parallel_loop3A_530 = arith.index_cast %parallel_loop3A_529 : i32 to index
        %parallel_loop3A_531 = tpu.vector_load %arg8[%parallel_loop3A_530] {strides = array<i32>} : memref<32768xi32, #tpu.memory_space<vmem>>, vector<16xi32>,
        %parallel_loop3A_532 = arith.addi %parallel_loop3A_527, %parallel_loop3A_531 : vector<16xi32>
        %parallel_loop3A_533 = arith.constant 15360 : i32
        %parallel_loop3A_534 = arith.addi %parallel_loop3A_533, %parallel_loop3A_460 : i32
        %parallel_loop3A_535 = arith.index_cast %parallel_loop3A_534 : i32 to index
        %parallel_loop3A_536 = tpu.vector_load %arg8[%parallel_loop3A_535] {strides = array<i32>} : memref<32768xi32, #tpu.memory_space<vmem>>, vector<16xi32>,
        %parallel_loop3A_537 = arith.addi %parallel_loop3A_532, %parallel_loop3A_536 : vector<16xi32>
        %parallel_loop3A_538 = arith.index_cast %parallel_loop3A_460 : i32 to index
        %parallel_loop3A_539 = tpu.vector_load %arg9[%parallel_loop3A_538] {strides = array<i32>} : memref<2048xi32, #tpu.memory_space<vmem>>, vector<16xi32>,
        tpu.vector_store %arg9[%parallel_loop3A_538], %parallel_loop3A_537 {strides = array<i32>} : memref<2048xi32, #tpu.memory_space<vmem>>, vector<16xi32>,
      } {sc.loop_unroll_factor = 4 : i64, sc.parallel_access}
      %broadcast_in_dim3A_269 = arith.constant 0 : i32
      %broadcast_in_dim3A_270 = vector.broadcast %broadcast_in_dim3A_269 : i32 to vector<16xi32>
      %parallel_loop3A_271 = arith.constant 0 : i32
      %parallel_loop3A_272 = arith.constant 1024 : i32
      %parallel_loop3A_273 = arith.constant 16 : i32
      %parallel_loop3A_274:2 = scf.for %parallel_loop3A_460 = %parallel_loop3A_271 to %parallel_loop3A_272 step %parallel_loop3A_273 iter_args(%parallel_loop3A_461 = %broadcast_in_dim3A_270, %parallel_loop3A_462 = %broadcast_in_dim3A_270) -> (vector<16xi32>, vector<16xi32>)  : i32 {
        %parallel_loop3A_463 = arith.index_cast %parallel_loop3A_460 : i32 to index
        %parallel_loop3A_464 = tpu.vector_load %arg9[%parallel_loop3A_463] {strides = array<i32>} : memref<2048xi32, #tpu.memory_space<vmem>>, vector<16xi32>,
        %parallel_loop3A_465 = arith.constant true
        %parallel_loop3A_466 = vector.broadcast %parallel_loop3A_465 : i1 to vector<16xi1>
        %parallel_loop3A_467 = tpu.scan <sum>, %parallel_loop3A_464 masked %parallel_loop3A_466 : vector<16xi32>, vector<16xi1> -> vector<16xi32>
        %parallel_loop3A_468 = arith.addi %parallel_loop3A_461, %parallel_loop3A_467 : vector<16xi32>
        %parallel_loop3A_469 = arith.index_cast %parallel_loop3A_460 : i32 to index
        %parallel_loop3A_470 = tpu.vector_load %arg9[%parallel_loop3A_469] {strides = array<i32>} : memref<2048xi32, #tpu.memory_space<vmem>>, vector<16xi32>,
        tpu.vector_store %arg9[%parallel_loop3A_469], %parallel_loop3A_468 {strides = array<i32>} : memref<2048xi32, #tpu.memory_space<vmem>>, vector<16xi32>,
        %parallel_loop3A_471 = arith.constant 0 : i32
        %parallel_loop3A_472 = vector.broadcast %parallel_loop3A_471 : i32 to vector<16xi32>
        %parallel_loop3A_473 = arith.cmpi slt, %broadcast_in_dim3A_84, %parallel_loop3A_472 : vector<16xi32>
        %parallel_loop3A_474 = arith.constant 16 : i32
        %parallel_loop3A_475 = vector.broadcast %parallel_loop3A_474 : i32 to vector<16xi32>
        %parallel_loop3A_476 = arith.addi %broadcast_in_dim3A_84, %parallel_loop3A_475 : vector<16xi32>
        %parallel_loop3A_477 = arith.select %parallel_loop3A_473, %parallel_loop3A_476, %broadcast_in_dim3A_84 : vector<16xi1>, vector<16xi32>
        %parallel_loop3A_478 = vector.shape_cast %parallel_loop3A_477 : vector<16xi32> to vector<16x1xi32>
        %parallel_loop3A_479 = vector.shape_cast %parallel_loop3A_478 : vector<16x1xi32> to vector<16xi32>
        %parallel_loop3A_480 = tpu.dynamic_gather %parallel_loop3A_468[%parallel_loop3A_479] in [0] : vector<16xi32>, vector<16xi32> -> vector<16xi32>
        %parallel_loop3A_481 = vector.broadcast %sub3A_251 : i32 to vector<16xi32>
        %parallel_loop3A_482 = arith.cmpi sle, %parallel_loop3A_468, %parallel_loop3A_481 : vector<16xi32>
        %parallel_loop3A_483 = arith.constant 1 : i32
        %parallel_loop3A_484 = arith.constant 0 : i32
        %parallel_loop3A_485 = vector.broadcast %parallel_loop3A_483 : i32 to vector<16xi32>
        %parallel_loop3A_486 = vector.broadcast %parallel_loop3A_484 : i32 to vector<16xi32>
        %parallel_loop3A_487 = arith.select %parallel_loop3A_482, %parallel_loop3A_485, %parallel_loop3A_486 : vector<16xi1>, vector<16xi32>
        %parallel_loop3A_488 = arith.addi %parallel_loop3A_462, %parallel_loop3A_487 : vector<16xi32>
        scf.yield %parallel_loop3A_480, %parallel_loop3A_488 : vector<16xi32>, vector<16xi32>
      } {sc.loop_unroll_factor = 2 : i64, sc.parallel_access}
      %reduce_sum3A_275 = arith.constant true
      %reduce_sum3A_276 = vector.broadcast %reduce_sum3A_275 : i1 to vector<16xi1>
      %reduce_sum3A_277 = tpu.scan <sum>, %parallel_loop3A_274#1 masked %reduce_sum3A_276 : vector<16xi32>, vector<16xi1> -> vector<16xi32>
      %reduce_sum3A_278 = vector.extract %reduce_sum3A_277[15] : i32 from vector<16xi32>
      %sub3A_279 = arith.constant 1 : i32
      %sub3A_280 = arith.subi %reduce_sum3A_278, %sub3A_279 : i32
      %max3A_281 = arith.constant 0 : i32
      %max3A_282 = arith.maxsi %sub3A_280, %max3A_281 : i32
      %shift_right_arithmetic3A_283 = arith.constant 4 : i32
      %shift_right_arithmetic3A_284 = arith.shrsi %max3A_282, %shift_right_arithmetic3A_283 : i32
      %mul3A_285 = arith.constant 16 : i32
      %mul3A_286 = arith.muli %shift_right_arithmetic3A_284, %mul3A_285 : i32
      %get3A_287 = arith.index_cast %mul3A_286 : i32 to index
      %get3A_288 = tpu.vector_load %arg9[%get3A_287] {strides = array<i32>} : memref<2048xi32, #tpu.memory_space<vmem>>, vector<16xi32>,
      %and3A_289 = arith.constant 15 : i32
      %and3A_290 = arith.andi %max3A_282, %and3A_289 : i32
      %eq3A_291 = vector.broadcast %and3A_290 : i32 to vector<16xi32>
      %eq3A_292 = arith.cmpi eq, %iota3A, %eq3A_291 : vector<16xi32>
      %jit3A_293 = arith.constant 0 : i32
      %broadcast_in_dim3A_294 = vector.broadcast %jit3A_293 : i32 to vector<16xi32>
      %select_n3A_295 = arith.select %eq3A_292, %get3A_288, %broadcast_in_dim3A_294 : vector<16xi1>, vector<16xi32>
      %reduce_max3A_296 = arith.constant true
      %reduce_max3A_297 = vector.broadcast %reduce_max3A_296 : i1 to vector<16xi1>
      %reduce_max3A_298 = arith.constant -2147483648 : i32
      %reduce_max3A_299 = vector.broadcast %reduce_max3A_298 : i32 to vector<16xi32>
      %reduce_max3A_300 = arith.xori %select_n3A_295, %reduce_max3A_299 : vector<16xi32>
      %reduce_max3A_301 = tpu.scan <max>, %reduce_max3A_300 masked %reduce_max3A_297 : vector<16xi32>, vector<16xi1> -> vector<16xi32>
      %reduce_max3A_302 = arith.xori %reduce_max3A_301, %reduce_max3A_299 : vector<16xi32>
      %reduce_max3A_303 = vector.extract %reduce_max3A_302[15] : i32 from vector<16xi32>
      %gt3A_304 = arith.constant 0 : i32
      %gt3A_305 = arith.cmpi sgt, %reduce_sum3A_278, %gt3A_304 : i32
      %jit3A_306 = arith.constant 0 : i32
      %select_n3A_307 = arith.select %gt3A_305, %reduce_max3A_303, %jit3A_306 : i32
      %sub3A_308 = arith.subi %sub3A_251, %select_n3A_307 : i32
      %shift_left3A_309 = arith.constant 10 : i32
      %shift_left3A_310 = arith.shli %or3A_254, %shift_left3A_309 : i32
      %or3A_311 = arith.ori %shift_left3A_310, %reduce_sum3A_278 : i32
      %parallel_loop3A_312 = arith.constant 0 : i32
      %parallel_loop3A_313 = arith.constant 16384 : i32
      %parallel_loop3A_314 = arith.constant 16 : i32
      scf.for %parallel_loop3A_460 = %parallel_loop3A_312 to %parallel_loop3A_313 step %parallel_loop3A_314  : i32 {
        %parallel_loop3A_461 = arith.constant 7 : i32
        %parallel_loop3A_462 = arith.shrsi %parallel_loop3A_460, %parallel_loop3A_461 : i32
        %parallel_loop3A_463 = arith.constant 127 : i32
        %parallel_loop3A_464 = arith.andi %parallel_loop3A_460, %parallel_loop3A_463 : i32
        %parallel_loop3A_465 = arith.index_cast %parallel_loop3A_462 : i32 to index
        %parallel_loop3A_466 = arith.index_cast %parallel_loop3A_464 : i32 to index
        %parallel_loop3A_467 = tpu.vector_load %arg7[%parallel_loop3A_465, %parallel_loop3A_466] {strides = array<i32>} : memref<512x128xf32, #tpu.memory_space<vmem>>, vector<16xf32>,
        %parallel_loop3A_468 = tpu.bitcast %parallel_loop3A_467 : vector<16xf32> -> vector<16xi32>
        %parallel_loop3A_469 = arith.constant 2147483647 : i32
        %parallel_loop3A_470 = vector.broadcast %parallel_loop3A_469 : i32 to vector<16xi32>
        %parallel_loop3A_471 = arith.andi %parallel_loop3A_468, %parallel_loop3A_470 : vector<16xi32>
        %parallel_loop3A_472 = vector.broadcast %or3A_311 : i32 to vector<16xi32>
        %parallel_loop3A_473 = arith.cmpi sge, %parallel_loop3A_471, %parallel_loop3A_472 : vector<16xi32>
        %parallel_loop3A_474 = arith.constant 1.000000e+00 : f32
        %parallel_loop3A_475 = arith.constant 0.000000e+00 : f32
        %parallel_loop3A_476 = vector.broadcast %parallel_loop3A_474 : f32 to vector<16xf32>
        %parallel_loop3A_477 = vector.broadcast %parallel_loop3A_475 : f32 to vector<16xf32>
        %parallel_loop3A_478 = arith.select %parallel_loop3A_473, %parallel_loop3A_476, %parallel_loop3A_477 : vector<16xi1>, vector<16xf32>
        %parallel_loop3A_479 = arith.constant 7 : i32
        %parallel_loop3A_480 = arith.shrsi %parallel_loop3A_460, %parallel_loop3A_479 : i32
        %parallel_loop3A_481 = arith.constant 127 : i32
        %parallel_loop3A_482 = arith.andi %parallel_loop3A_460, %parallel_loop3A_481 : i32
        %parallel_loop3A_483 = arith.index_cast %parallel_loop3A_480 : i32 to index
        %parallel_loop3A_484 = arith.index_cast %parallel_loop3A_482 : i32 to index
        %parallel_loop3A_485 = tpu.vector_load %arg7[%parallel_loop3A_483, %parallel_loop3A_484] {strides = array<i32>} : memref<512x128xf32, #tpu.memory_space<vmem>>, vector<16xf32>,
        tpu.vector_store %arg7[%parallel_loop3A_483, %parallel_loop3A_484], %parallel_loop3A_478 {strides = array<i32>} : memref<512x128xf32, #tpu.memory_space<vmem>>, vector<16xf32>,
      } {sc.loop_unroll_factor = 8 : i64, sc.parallel_access}
      %mul3A_315 = arith.constant 8 : i32
      %mul3A_316 = arith.muli %arg1, %mul3A_315 : i32
      %add3A_317 = arith.constant 0 : i32
      %add3A_318 = arith.addi %mul3A_316, %add3A_317 : i32
      %dma_start3A_319 = arith.constant 0 : i32
      %dma_start3A_320 = tpu.memref_reshape %arg7 : memref<512x128xf32, #tpu.memory_space<vmem>> -> memref<8x8192xf32, #tpu.memory_space<vmem>>
      %dma_start3A_321 = arith.constant 0 : i32
      %dma_start3A_322 = arith.constant 0 : i32
      %dma_start3A_323 = tpu.memref_slice %dma_start3A_320[%dma_start3A_321, %dma_start3A_322] : memref<8x8192xf32, #tpu.memory_space<vmem>> -> memref<2x8192xf32, #tpu.memory_space<vmem>>
      %dma_start3A_324 = arith.constant 0 : i32
      %dma_start3A_325 = tpu.memref_slice %arg4[%add3A_318, %dma_start3A_324] : memref<128x8192xf32, #tpu.memory_space<hbm>> -> memref<2x8192xf32, #tpu.memory_space<hbm>>
      %dma_start3A_326 = tpu.memref_slice %arg10[%dma_start3A_319] : memref<4x!tpu.dma_semaphore, #tpu.memory_space<semaphore_mem>> -> memref<1x!tpu.dma_semaphore, #tpu.memory_space<semaphore_mem>>
      %dma_start3A_327 = tpu.memref_squeeze %dma_start3A_326 : memref<1x!tpu.dma_semaphore, #tpu.memory_space<semaphore_mem>> -> memref<!tpu.dma_semaphore, #tpu.memory_space<semaphore_mem>>
      %dma_start3A_328 = arith.constant 0 : i32
      %dma_start3A_329 = tpu.memref_slice %arg4[%add3A_318, %dma_start3A_328] : memref<128x8192xf32, #tpu.memory_space<hbm>> -> memref<2x8192xf32, #tpu.memory_space<hbm>>
      %dma_start3A_330 = tpu.memref_reshape %arg7 : memref<512x128xf32, #tpu.memory_space<vmem>> -> memref<8x8192xf32, #tpu.memory_space<vmem>>
      %dma_start3A_331 = arith.constant 0 : i32
      %dma_start3A_332 = arith.constant 0 : i32
      %dma_start3A_333 = tpu.memref_slice %dma_start3A_330[%dma_start3A_331, %dma_start3A_332] : memref<8x8192xf32, #tpu.memory_space<vmem>> -> memref<2x8192xf32, #tpu.memory_space<vmem>>
      tpu.enqueue_dma source(%dma_start3A_333 : memref<2x8192xf32, #tpu.memory_space<vmem>>) target(%dma_start3A_329 : memref<2x8192xf32, #tpu.memory_space<hbm>>) target_semaphore(%dma_start3A_327 : memref<!tpu.dma_semaphore, #tpu.memory_space<semaphore_mem>>)
      %parallel_loop3A_334 = arith.constant 16384 : i32
      %parallel_loop3A_335 = arith.constant 32768 : i32
      %parallel_loop3A_336 = arith.constant 16 : i32
      scf.for %parallel_loop3A_460 = %parallel_loop3A_334 to %parallel_loop3A_335 step %parallel_loop3A_336  : i32 {
        %parallel_loop3A_461 = arith.constant 7 : i32
        %parallel_loop3A_462 = arith.shrsi %parallel_loop3A_460, %parallel_loop3A_461 : i32
        %parallel_loop3A_463 = arith.constant 127 : i32
        %parallel_loop3A_464 = arith.andi %parallel_loop3A_460, %parallel_loop3A_463 : i32
        %parallel_loop3A_465 = arith.index_cast %parallel_loop3A_462 : i32 to index
        %parallel_loop3A_466 = arith.index_cast %parallel_loop3A_464 : i32 to index
        %parallel_loop3A_467 = tpu.vector_load %arg7[%parallel_loop3A_465, %parallel_loop3A_466] {strides = array<i32>} : memref<512x128xf32, #tpu.memory_space<vmem>>, vector<16xf32>,
        %parallel_loop3A_468 = tpu.bitcast %parallel_loop3A_467 : vector<16xf32> -> vector<16xi32>
        %parallel_loop3A_469 = arith.constant 2147483647 : i32
        %parallel_loop3A_470 = vector.broadcast %parallel_loop3A_469 : i32 to vector<16xi32>
        %parallel_loop3A_471 = arith.andi %parallel_loop3A_468, %parallel_loop3A_470 : vector<16xi32>
        %parallel_loop3A_472 = vector.broadcast %or3A_311 : i32 to vector<16xi32>
        %parallel_loop3A_473 = arith.cmpi sge, %parallel_loop3A_471, %parallel_loop3A_472 : vector<16xi32>
        %parallel_loop3A_474 = arith.constant 1.000000e+00 : f32
        %parallel_loop3A_475 = arith.constant 0.000000e+00 : f32
        %parallel_loop3A_476 = vector.broadcast %parallel_loop3A_474 : f32 to vector<16xf32>
        %parallel_loop3A_477 = vector.broadcast %parallel_loop3A_475 : f32 to vector<16xf32>
        %parallel_loop3A_478 = arith.select %parallel_loop3A_473, %parallel_loop3A_476, %parallel_loop3A_477 : vector<16xi1>, vector<16xf32>
        %parallel_loop3A_479 = arith.constant 7 : i32
        %parallel_loop3A_480 = arith.shrsi %parallel_loop3A_460, %parallel_loop3A_479 : i32
        %parallel_loop3A_481 = arith.constant 127 : i32
        %parallel_loop3A_482 = arith.andi %parallel_loop3A_460, %parallel_loop3A_481 : i32
        %parallel_loop3A_483 = arith.index_cast %parallel_loop3A_480 : i32 to index
        %parallel_loop3A_484 = arith.index_cast %parallel_loop3A_482 : i32 to index
        %parallel_loop3A_485 = tpu.vector_load %arg7[%parallel_loop3A_483, %parallel_loop3A_484] {strides = array<i32>} : memref<512x128xf32, #tpu.memory_space<vmem>>, vector<16xf32>,
        tpu.vector_store %arg7[%parallel_loop3A_483, %parallel_loop3A_484], %parallel_loop3A_478 {strides = array<i32>} : memref<512x128xf32, #tpu.memory_space<vmem>>, vector<16xf32>,
      } {sc.loop_unroll_factor = 8 : i64, sc.parallel_access}
      %mul3A_337 = arith.constant 8 : i32
      %mul3A_338 = arith.muli %arg1, %mul3A_337 : i32
      %add3A_339 = arith.constant 2 : i32
      %add3A_340 = arith.addi %mul3A_338, %add3A_339 : i32
      %dma_start3A_341 = arith.constant 1 : i32
      %dma_start3A_342 = tpu.memref_reshape %arg7 : memref<512x128xf32, #tpu.memory_space<vmem>> -> memref<8x8192xf32, #tpu.memory_space<vmem>>
      %dma_start3A_343 = arith.constant 2 : i32
      %dma_start3A_344 = arith.constant 0 : i32
      %dma_start3A_345 = tpu.memref_slice %dma_start3A_342[%dma_start3A_343, %dma_start3A_344] : memref<8x8192xf32, #tpu.memory_space<vmem>> -> memref<2x8192xf32, #tpu.memory_space<vmem>>
      %dma_start3A_346 = arith.constant 0 : i32
      %dma_start3A_347 = tpu.memref_slice %arg4[%add3A_340, %dma_start3A_346] : memref<128x8192xf32, #tpu.memory_space<hbm>> -> memref<2x8192xf32, #tpu.memory_space<hbm>>
      %dma_start3A_348 = tpu.memref_slice %arg10[%dma_start3A_341] : memref<4x!tpu.dma_semaphore, #tpu.memory_space<semaphore_mem>> -> memref<1x!tpu.dma_semaphore, #tpu.memory_space<semaphore_mem>>
      %dma_start3A_349 = tpu.memref_squeeze %dma_start3A_348 : memref<1x!tpu.dma_semaphore, #tpu.memory_space<semaphore_mem>> -> memref<!tpu.dma_semaphore, #tpu.memory_space<semaphore_mem>>
      %dma_start3A_350 = arith.constant 0 : i32
      %dma_start3A_351 = tpu.memref_slice %arg4[%add3A_340, %dma_start3A_350] : memref<128x8192xf32, #tpu.memory_space<hbm>> -> memref<2x8192xf32, #tpu.memory_space<hbm>>
      %dma_start3A_352 = tpu.memref_reshape %arg7 : memref<512x128xf32, #tpu.memory_space<vmem>> -> memref<8x8192xf32, #tpu.memory_space<vmem>>
      %dma_start3A_353 = arith.constant 2 : i32
      %dma_start3A_354 = arith.constant 0 : i32
      %dma_start3A_355 = tpu.memref_slice %dma_start3A_352[%dma_start3A_353, %dma_start3A_354] : memref<8x8192xf32, #tpu.memory_space<vmem>> -> memref<2x8192xf32, #tpu.memory_space<vmem>>
      tpu.enqueue_dma source(%dma_start3A_355 : memref<2x8192xf32, #tpu.memory_space<vmem>>) target(%dma_start3A_351 : memref<2x8192xf32, #tpu.memory_space<hbm>>) target_semaphore(%dma_start3A_349 : memref<!tpu.dma_semaphore, #tpu.memory_space<semaphore_mem>>)
      %parallel_loop3A_356 = arith.constant 32768 : i32
      %parallel_loop3A_357 = arith.constant 49152 : i32
      %parallel_loop3A_358 = arith.constant 16 : i32
      scf.for %parallel_loop3A_460 = %parallel_loop3A_356 to %parallel_loop3A_357 step %parallel_loop3A_358  : i32 {
        %parallel_loop3A_461 = arith.constant 7 : i32
        %parallel_loop3A_462 = arith.shrsi %parallel_loop3A_460, %parallel_loop3A_461 : i32
        %parallel_loop3A_463 = arith.constant 127 : i32
        %parallel_loop3A_464 = arith.andi %parallel_loop3A_460, %parallel_loop3A_463 : i32
        %parallel_loop3A_465 = arith.index_cast %parallel_loop3A_462 : i32 to index
        %parallel_loop3A_466 = arith.index_cast %parallel_loop3A_464 : i32 to index
        %parallel_loop3A_467 = tpu.vector_load %arg7[%parallel_loop3A_465, %parallel_loop3A_466] {strides = array<i32>} : memref<512x128xf32, #tpu.memory_space<vmem>>, vector<16xf32>,
        %parallel_loop3A_468 = tpu.bitcast %parallel_loop3A_467 : vector<16xf32> -> vector<16xi32>
        %parallel_loop3A_469 = arith.constant 2147483647 : i32
        %parallel_loop3A_470 = vector.broadcast %parallel_loop3A_469 : i32 to vector<16xi32>
        %parallel_loop3A_471 = arith.andi %parallel_loop3A_468, %parallel_loop3A_470 : vector<16xi32>
        %parallel_loop3A_472 = vector.broadcast %or3A_311 : i32 to vector<16xi32>
        %parallel_loop3A_473 = arith.cmpi sge, %parallel_loop3A_471, %parallel_loop3A_472 : vector<16xi32>
        %parallel_loop3A_474 = arith.constant 1.000000e+00 : f32
        %parallel_loop3A_475 = arith.constant 0.000000e+00 : f32
        %parallel_loop3A_476 = vector.broadcast %parallel_loop3A_474 : f32 to vector<16xf32>
        %parallel_loop3A_477 = vector.broadcast %parallel_loop3A_475 : f32 to vector<16xf32>
        %parallel_loop3A_478 = arith.select %parallel_loop3A_473, %parallel_loop3A_476, %parallel_loop3A_477 : vector<16xi1>, vector<16xf32>
        %parallel_loop3A_479 = arith.constant 7 : i32
        %parallel_loop3A_480 = arith.shrsi %parallel_loop3A_460, %parallel_loop3A_479 : i32
        %parallel_loop3A_481 = arith.constant 127 : i32
        %parallel_loop3A_482 = arith.andi %parallel_loop3A_460, %parallel_loop3A_481 : i32
        %parallel_loop3A_483 = arith.index_cast %parallel_loop3A_480 : i32 to index
        %parallel_loop3A_484 = arith.index_cast %parallel_loop3A_482 : i32 to index
        %parallel_loop3A_485 = tpu.vector_load %arg7[%parallel_loop3A_483, %parallel_loop3A_484] {strides = array<i32>} : memref<512x128xf32, #tpu.memory_space<vmem>>, vector<16xf32>,
        tpu.vector_store %arg7[%parallel_loop3A_483, %parallel_loop3A_484], %parallel_loop3A_478 {strides = array<i32>} : memref<512x128xf32, #tpu.memory_space<vmem>>, vector<16xf32>,
      } {sc.loop_unroll_factor = 8 : i64, sc.parallel_access}
      %mul3A_359 = arith.constant 8 : i32
      %mul3A_360 = arith.muli %arg1, %mul3A_359 : i32
      %add3A_361 = arith.constant 4 : i32
      %add3A_362 = arith.addi %mul3A_360, %add3A_361 : i32
      %dma_start3A_363 = arith.constant 2 : i32
      %dma_start3A_364 = tpu.memref_reshape %arg7 : memref<512x128xf32, #tpu.memory_space<vmem>> -> memref<8x8192xf32, #tpu.memory_space<vmem>>
      %dma_start3A_365 = arith.constant 4 : i32
      %dma_start3A_366 = arith.constant 0 : i32
      %dma_start3A_367 = tpu.memref_slice %dma_start3A_364[%dma_start3A_365, %dma_start3A_366] : memref<8x8192xf32, #tpu.memory_space<vmem>> -> memref<2x8192xf32, #tpu.memory_space<vmem>>
      %dma_start3A_368 = arith.constant 0 : i32
      %dma_start3A_369 = tpu.memref_slice %arg4[%add3A_362, %dma_start3A_368] : memref<128x8192xf32, #tpu.memory_space<hbm>> -> memref<2x8192xf32, #tpu.memory_space<hbm>>
      %dma_start3A_370 = tpu.memref_slice %arg10[%dma_start3A_363] : memref<4x!tpu.dma_semaphore, #tpu.memory_space<semaphore_mem>> -> memref<1x!tpu.dma_semaphore, #tpu.memory_space<semaphore_mem>>
      %dma_start3A_371 = tpu.memref_squeeze %dma_start3A_370 : memref<1x!tpu.dma_semaphore, #tpu.memory_space<semaphore_mem>> -> memref<!tpu.dma_semaphore, #tpu.memory_space<semaphore_mem>>
      %dma_start3A_372 = arith.constant 0 : i32
      %dma_start3A_373 = tpu.memref_slice %arg4[%add3A_362, %dma_start3A_372] : memref<128x8192xf32, #tpu.memory_space<hbm>> -> memref<2x8192xf32, #tpu.memory_space<hbm>>
      %dma_start3A_374 = tpu.memref_reshape %arg7 : memref<512x128xf32, #tpu.memory_space<vmem>> -> memref<8x8192xf32, #tpu.memory_space<vmem>>
      %dma_start3A_375 = arith.constant 4 : i32
      %dma_start3A_376 = arith.constant 0 : i32
      %dma_start3A_377 = tpu.memref_slice %dma_start3A_374[%dma_start3A_375, %dma_start3A_376] : memref<8x8192xf32, #tpu.memory_space<vmem>> -> memref<2x8192xf32, #tpu.memory_space<vmem>>
      tpu.enqueue_dma source(%dma_start3A_377 : memref<2x8192xf32, #tpu.memory_space<vmem>>) target(%dma_start3A_373 : memref<2x8192xf32, #tpu.memory_space<hbm>>) target_semaphore(%dma_start3A_371 : memref<!tpu.dma_semaphore, #tpu.memory_space<semaphore_mem>>)
      %parallel_loop3A_378 = arith.constant 49152 : i32
      %parallel_loop3A_379 = arith.constant 65536 : i32
      %parallel_loop3A_380 = arith.constant 16 : i32
      scf.for %parallel_loop3A_460 = %parallel_loop3A_378 to %parallel_loop3A_379 step %parallel_loop3A_380  : i32 {
        %parallel_loop3A_461 = arith.constant 7 : i32
        %parallel_loop3A_462 = arith.shrsi %parallel_loop3A_460, %parallel_loop3A_461 : i32
        %parallel_loop3A_463 = arith.constant 127 : i32
        %parallel_loop3A_464 = arith.andi %parallel_loop3A_460, %parallel_loop3A_463 : i32
        %parallel_loop3A_465 = arith.index_cast %parallel_loop3A_462 : i32 to index
        %parallel_loop3A_466 = arith.index_cast %parallel_loop3A_464 : i32 to index
        %parallel_loop3A_467 = tpu.vector_load %arg7[%parallel_loop3A_465, %parallel_loop3A_466] {strides = array<i32>} : memref<512x128xf32, #tpu.memory_space<vmem>>, vector<16xf32>,
        %parallel_loop3A_468 = tpu.bitcast %parallel_loop3A_467 : vector<16xf32> -> vector<16xi32>
        %parallel_loop3A_469 = arith.constant 2147483647 : i32
        %parallel_loop3A_470 = vector.broadcast %parallel_loop3A_469 : i32 to vector<16xi32>
        %parallel_loop3A_471 = arith.andi %parallel_loop3A_468, %parallel_loop3A_470 : vector<16xi32>
        %parallel_loop3A_472 = vector.broadcast %or3A_311 : i32 to vector<16xi32>
        %parallel_loop3A_473 = arith.cmpi sge, %parallel_loop3A_471, %parallel_loop3A_472 : vector<16xi32>
        %parallel_loop3A_474 = arith.constant 1.000000e+00 : f32
        %parallel_loop3A_475 = arith.constant 0.000000e+00 : f32
        %parallel_loop3A_476 = vector.broadcast %parallel_loop3A_474 : f32 to vector<16xf32>
        %parallel_loop3A_477 = vector.broadcast %parallel_loop3A_475 : f32 to vector<16xf32>
        %parallel_loop3A_478 = arith.select %parallel_loop3A_473, %parallel_loop3A_476, %parallel_loop3A_477 : vector<16xi1>, vector<16xf32>
        %parallel_loop3A_479 = arith.constant 7 : i32
        %parallel_loop3A_480 = arith.shrsi %parallel_loop3A_460, %parallel_loop3A_479 : i32
        %parallel_loop3A_481 = arith.constant 127 : i32
        %parallel_loop3A_482 = arith.andi %parallel_loop3A_460, %parallel_loop3A_481 : i32
        %parallel_loop3A_483 = arith.index_cast %parallel_loop3A_480 : i32 to index
        %parallel_loop3A_484 = arith.index_cast %parallel_loop3A_482 : i32 to index
        %parallel_loop3A_485 = tpu.vector_load %arg7[%parallel_loop3A_483, %parallel_loop3A_484] {strides = array<i32>} : memref<512x128xf32, #tpu.memory_space<vmem>>, vector<16xf32>,
        tpu.vector_store %arg7[%parallel_loop3A_483, %parallel_loop3A_484], %parallel_loop3A_478 {strides = array<i32>} : memref<512x128xf32, #tpu.memory_space<vmem>>, vector<16xf32>,
      } {sc.loop_unroll_factor = 8 : i64, sc.parallel_access}
      %mul3A_381 = arith.constant 8 : i32
      %mul3A_382 = arith.muli %arg1, %mul3A_381 : i32
      %add3A_383 = arith.constant 6 : i32
      %add3A_384 = arith.addi %mul3A_382, %add3A_383 : i32
      %dma_start3A_385 = arith.constant 3 : i32
      %dma_start3A_386 = tpu.memref_reshape %arg7 : memref<512x128xf32, #tpu.memory_space<vmem>> -> memref<8x8192xf32, #tpu.memory_space<vmem>>
      %dma_start3A_387 = arith.constant 6 : i32
      %dma_start3A_388 = arith.constant 0 : i32
      %dma_start3A_389 = tpu.memref_slice %dma_start3A_386[%dma_start3A_387, %dma_start3A_388] : memref<8x8192xf32, #tpu.memory_space<vmem>> -> memref<2x8192xf32, #tpu.memory_space<vmem>>
      %dma_start3A_390 = arith.constant 0 : i32
      %dma_start3A_391 = tpu.memref_slice %arg4[%add3A_384, %dma_start3A_390] : memref<128x8192xf32, #tpu.memory_space<hbm>> -> memref<2x8192xf32, #tpu.memory_space<hbm>>
      %dma_start3A_392 = tpu.memref_slice %arg10[%dma_start3A_385] : memref<4x!tpu.dma_semaphore, #tpu.memory_space<semaphore_mem>> -> memref<1x!tpu.dma_semaphore, #tpu.memory_space<semaphore_mem>>
      %dma_start3A_393 = tpu.memref_squeeze %dma_start3A_392 : memref<1x!tpu.dma_semaphore, #tpu.memory_space<semaphore_mem>> -> memref<!tpu.dma_semaphore, #tpu.memory_space<semaphore_mem>>
      %dma_start3A_394 = arith.constant 0 : i32
      %dma_start3A_395 = tpu.memref_slice %arg4[%add3A_384, %dma_start3A_394] : memref<128x8192xf32, #tpu.memory_space<hbm>> -> memref<2x8192xf32, #tpu.memory_space<hbm>>
      %dma_start3A_396 = tpu.memref_reshape %arg7 : memref<512x128xf32, #tpu.memory_space<vmem>> -> memref<8x8192xf32, #tpu.memory_space<vmem>>
      %dma_start3A_397 = arith.constant 6 : i32
      %dma_start3A_398 = arith.constant 0 : i32
      %dma_start3A_399 = tpu.memref_slice %dma_start3A_396[%dma_start3A_397, %dma_start3A_398] : memref<8x8192xf32, #tpu.memory_space<vmem>> -> memref<2x8192xf32, #tpu.memory_space<vmem>>
      tpu.enqueue_dma source(%dma_start3A_399 : memref<2x8192xf32, #tpu.memory_space<vmem>>) target(%dma_start3A_395 : memref<2x8192xf32, #tpu.memory_space<hbm>>) target_semaphore(%dma_start3A_393 : memref<!tpu.dma_semaphore, #tpu.memory_space<semaphore_mem>>)
      %dma_wait3A_400 = arith.constant 0 : i32
      %dma_wait3A_401 = tpu.memref_reshape %arg7 : memref<512x128xf32, #tpu.memory_space<vmem>> -> memref<8x8192xf32, #tpu.memory_space<vmem>>
      %dma_wait3A_402 = arith.constant 0 : i32
      %dma_wait3A_403 = arith.constant 0 : i32
      %dma_wait3A_404 = tpu.memref_slice %dma_wait3A_401[%dma_wait3A_402, %dma_wait3A_403] : memref<8x8192xf32, #tpu.memory_space<vmem>> -> memref<2x8192xf32, #tpu.memory_space<vmem>>
      %dma_wait3A_405 = arith.constant 0 : i32
      %dma_wait3A_406 = tpu.memref_slice %arg4[%add3A_318, %dma_wait3A_405] : memref<128x8192xf32, #tpu.memory_space<hbm>> -> memref<2x8192xf32, #tpu.memory_space<hbm>>
      %dma_wait3A_407 = tpu.memref_slice %arg10[%dma_wait3A_400] : memref<4x!tpu.dma_semaphore, #tpu.memory_space<semaphore_mem>> -> memref<1x!tpu.dma_semaphore, #tpu.memory_space<semaphore_mem>>
      %dma_wait3A_408 = tpu.memref_squeeze %dma_wait3A_407 : memref<1x!tpu.dma_semaphore, #tpu.memory_space<semaphore_mem>> -> memref<!tpu.dma_semaphore, #tpu.memory_space<semaphore_mem>>
      %dma_wait3A_409 = arith.constant 0 : i32
      %dma_wait3A_410 = tpu.memref_slice %arg4[%add3A_318, %dma_wait3A_409] : memref<128x8192xf32, #tpu.memory_space<hbm>> -> memref<2x8192xf32, #tpu.memory_space<hbm>>
      %dma_wait3A_411 = tpu.memref_reshape %arg7 : memref<512x128xf32, #tpu.memory_space<vmem>> -> memref<8x8192xf32, #tpu.memory_space<vmem>>
      %dma_wait3A_412 = arith.constant 0 : i32
      %dma_wait3A_413 = arith.constant 0 : i32
      %dma_wait3A_414 = tpu.memref_slice %dma_wait3A_411[%dma_wait3A_412, %dma_wait3A_413] : memref<8x8192xf32, #tpu.memory_space<vmem>> -> memref<2x8192xf32, #tpu.memory_space<vmem>>
      tpu.wait_dma2 semaphore(%dma_wait3A_408 : memref<!tpu.dma_semaphore, #tpu.memory_space<semaphore_mem>>) src(%dma_wait3A_414 : memref<2x8192xf32, #tpu.memory_space<vmem>>) dst(%dma_wait3A_410 : memref<2x8192xf32, #tpu.memory_space<hbm>>)
      %dma_wait3A_415 = arith.constant 1 : i32
      %dma_wait3A_416 = tpu.memref_reshape %arg7 : memref<512x128xf32, #tpu.memory_space<vmem>> -> memref<8x8192xf32, #tpu.memory_space<vmem>>
      %dma_wait3A_417 = arith.constant 2 : i32
      %dma_wait3A_418 = arith.constant 0 : i32
      %dma_wait3A_419 = tpu.memref_slice %dma_wait3A_416[%dma_wait3A_417, %dma_wait3A_418] : memref<8x8192xf32, #tpu.memory_space<vmem>> -> memref<2x8192xf32, #tpu.memory_space<vmem>>
      %dma_wait3A_420 = arith.constant 0 : i32
      %dma_wait3A_421 = tpu.memref_slice %arg4[%add3A_340, %dma_wait3A_420] : memref<128x8192xf32, #tpu.memory_space<hbm>> -> memref<2x8192xf32, #tpu.memory_space<hbm>>
      %dma_wait3A_422 = tpu.memref_slice %arg10[%dma_wait3A_415] : memref<4x!tpu.dma_semaphore, #tpu.memory_space<semaphore_mem>> -> memref<1x!tpu.dma_semaphore, #tpu.memory_space<semaphore_mem>>
      %dma_wait3A_423 = tpu.memref_squeeze %dma_wait3A_422 : memref<1x!tpu.dma_semaphore, #tpu.memory_space<semaphore_mem>> -> memref<!tpu.dma_semaphore, #tpu.memory_space<semaphore_mem>>
      %dma_wait3A_424 = arith.constant 0 : i32
      %dma_wait3A_425 = tpu.memref_slice %arg4[%add3A_340, %dma_wait3A_424] : memref<128x8192xf32, #tpu.memory_space<hbm>> -> memref<2x8192xf32, #tpu.memory_space<hbm>>
      %dma_wait3A_426 = tpu.memref_reshape %arg7 : memref<512x128xf32, #tpu.memory_space<vmem>> -> memref<8x8192xf32, #tpu.memory_space<vmem>>
      %dma_wait3A_427 = arith.constant 2 : i32
      %dma_wait3A_428 = arith.constant 0 : i32
      %dma_wait3A_429 = tpu.memref_slice %dma_wait3A_426[%dma_wait3A_427, %dma_wait3A_428] : memref<8x8192xf32, #tpu.memory_space<vmem>> -> memref<2x8192xf32, #tpu.memory_space<vmem>>
      tpu.wait_dma2 semaphore(%dma_wait3A_423 : memref<!tpu.dma_semaphore, #tpu.memory_space<semaphore_mem>>) src(%dma_wait3A_429 : memref<2x8192xf32, #tpu.memory_space<vmem>>) dst(%dma_wait3A_425 : memref<2x8192xf32, #tpu.memory_space<hbm>>)
      %dma_wait3A_430 = arith.constant 2 : i32
      %dma_wait3A_431 = tpu.memref_reshape %arg7 : memref<512x128xf32, #tpu.memory_space<vmem>> -> memref<8x8192xf32, #tpu.memory_space<vmem>>
      %dma_wait3A_432 = arith.constant 4 : i32
      %dma_wait3A_433 = arith.constant 0 : i32
      %dma_wait3A_434 = tpu.memref_slice %dma_wait3A_431[%dma_wait3A_432, %dma_wait3A_433] : memref<8x8192xf32, #tpu.memory_space<vmem>> -> memref<2x8192xf32, #tpu.memory_space<vmem>>
      %dma_wait3A_435 = arith.constant 0 : i32
      %dma_wait3A_436 = tpu.memref_slice %arg4[%add3A_362, %dma_wait3A_435] : memref<128x8192xf32, #tpu.memory_space<hbm>> -> memref<2x8192xf32, #tpu.memory_space<hbm>>
      %dma_wait3A_437 = tpu.memref_slice %arg10[%dma_wait3A_430] : memref<4x!tpu.dma_semaphore, #tpu.memory_space<semaphore_mem>> -> memref<1x!tpu.dma_semaphore, #tpu.memory_space<semaphore_mem>>
      %dma_wait3A_438 = tpu.memref_squeeze %dma_wait3A_437 : memref<1x!tpu.dma_semaphore, #tpu.memory_space<semaphore_mem>> -> memref<!tpu.dma_semaphore, #tpu.memory_space<semaphore_mem>>
      %dma_wait3A_439 = arith.constant 0 : i32
      %dma_wait3A_440 = tpu.memref_slice %arg4[%add3A_362, %dma_wait3A_439] : memref<128x8192xf32, #tpu.memory_space<hbm>> -> memref<2x8192xf32, #tpu.memory_space<hbm>>
      %dma_wait3A_441 = tpu.memref_reshape %arg7 : memref<512x128xf32, #tpu.memory_space<vmem>> -> memref<8x8192xf32, #tpu.memory_space<vmem>>
      %dma_wait3A_442 = arith.constant 4 : i32
      %dma_wait3A_443 = arith.constant 0 : i32
      %dma_wait3A_444 = tpu.memref_slice %dma_wait3A_441[%dma_wait3A_442, %dma_wait3A_443] : memref<8x8192xf32, #tpu.memory_space<vmem>> -> memref<2x8192xf32, #tpu.memory_space<vmem>>
      tpu.wait_dma2 semaphore(%dma_wait3A_438 : memref<!tpu.dma_semaphore, #tpu.memory_space<semaphore_mem>>) src(%dma_wait3A_444 : memref<2x8192xf32, #tpu.memory_space<vmem>>) dst(%dma_wait3A_440 : memref<2x8192xf32, #tpu.memory_space<hbm>>)
      %dma_wait3A_445 = arith.constant 3 : i32
      %dma_wait3A_446 = tpu.memref_reshape %arg7 : memref<512x128xf32, #tpu.memory_space<vmem>> -> memref<8x8192xf32, #tpu.memory_space<vmem>>
      %dma_wait3A_447 = arith.constant 6 : i32
      %dma_wait3A_448 = arith.constant 0 : i32
      %dma_wait3A_449 = tpu.memref_slice %dma_wait3A_446[%dma_wait3A_447, %dma_wait3A_448] : memref<8x8192xf32, #tpu.memory_space<vmem>> -> memref<2x8192xf32, #tpu.memory_space<vmem>>
      %dma_wait3A_450 = arith.constant 0 : i32
      %dma_wait3A_451 = tpu.memref_slice %arg4[%add3A_384, %dma_wait3A_450] : memref<128x8192xf32, #tpu.memory_space<hbm>> -> memref<2x8192xf32, #tpu.memory_space<hbm>>
      %dma_wait3A_452 = tpu.memref_slice %arg10[%dma_wait3A_445] : memref<4x!tpu.dma_semaphore, #tpu.memory_space<semaphore_mem>> -> memref<1x!tpu.dma_semaphore, #tpu.memory_space<semaphore_mem>>
      %dma_wait3A_453 = tpu.memref_squeeze %dma_wait3A_452 : memref<1x!tpu.dma_semaphore, #tpu.memory_space<semaphore_mem>> -> memref<!tpu.dma_semaphore, #tpu.memory_space<semaphore_mem>>
      %dma_wait3A_454 = arith.constant 0 : i32
      %dma_wait3A_455 = tpu.memref_slice %arg4[%add3A_384, %dma_wait3A_454] : memref<128x8192xf32, #tpu.memory_space<hbm>> -> memref<2x8192xf32, #tpu.memory_space<hbm>>
      %dma_wait3A_456 = tpu.memref_reshape %arg7 : memref<512x128xf32, #tpu.memory_space<vmem>> -> memref<8x8192xf32, #tpu.memory_space<vmem>>
      %dma_wait3A_457 = arith.constant 6 : i32
      %dma_wait3A_458 = arith.constant 0 : i32
      %dma_wait3A_459 = tpu.memref_slice %dma_wait3A_456[%dma_wait3A_457, %dma_wait3A_458] : memref<8x8192xf32, #tpu.memory_space<vmem>> -> memref<2x8192xf32, #tpu.memory_space<vmem>>
      tpu.wait_dma2 semaphore(%dma_wait3A_453 : memref<!tpu.dma_semaphore, #tpu.memory_space<semaphore_mem>>) src(%dma_wait3A_459 : memref<2x8192xf32, #tpu.memory_space<vmem>>) dst(%dma_wait3A_455 : memref<2x8192xf32, #tpu.memory_space<hbm>>)
    } else {
    }
    %eq3A_5 = arith.constant 1 : i32
    %eq3A_6 = arith.cmpi eq, %arg0, %eq3A_5 : i32
    %convert_element_type3A_7 = arith.extui %eq3A_6 : i1 to i32
    %cond3A_8 = arith.constant 0 : i32
    %cond3A_9 = arith.cmpi ne, %convert_element_type3A_7, %cond3A_8 : i32
    scf.if %cond3A_9 {
      %mul3A = arith.constant 512 : i32
      %mul3A_10 = arith.muli %arg1, %mul3A : i32
      %add3A = arith.constant 0 : i32
      %add3A_11 = arith.addi %mul3A_10, %add3A : i32
      %dma_start3A = arith.constant 0 : i32
      %dma_start3A_12 = arith.constant 0 : i32
      %dma_start3A_13 = arith.constant 0 : i32
      %dma_start3A_14 = tpu.memref_slice %arg7[%dma_start3A_12, %dma_start3A_13] : memref<512x128xf32, #tpu.memory_space<vmem>> -> memref<128x128xf32, #tpu.memory_space<vmem>>
      %dma_start3A_15 = arith.constant 0 : i32
      %dma_start3A_16 = tpu.memref_slice %arg3[%add3A_11, %dma_start3A_15] : memref<8192x128xf32, #tpu.memory_space<hbm>> -> memref<128x128xf32, #tpu.memory_space<hbm>>
      %dma_start3A_17 = tpu.memref_slice %arg10[%dma_start3A] : memref<4x!tpu.dma_semaphore, #tpu.memory_space<semaphore_mem>> -> memref<1x!tpu.dma_semaphore, #tpu.memory_space<semaphore_mem>>
      %dma_start3A_18 = tpu.memref_squeeze %dma_start3A_17 : memref<1x!tpu.dma_semaphore, #tpu.memory_space<semaphore_mem>> -> memref<!tpu.dma_semaphore, #tpu.memory_space<semaphore_mem>>
      %dma_start3A_19 = arith.constant 0 : i32
      %dma_start3A_20 = arith.constant 0 : i32
      %dma_start3A_21 = tpu.memref_slice %arg7[%dma_start3A_19, %dma_start3A_20] : memref<512x128xf32, #tpu.memory_space<vmem>> -> memref<128x128xf32, #tpu.memory_space<vmem>>
      %dma_start3A_22 = arith.constant 0 : i32
      %dma_start3A_23 = tpu.memref_slice %arg3[%add3A_11, %dma_start3A_22] : memref<8192x128xf32, #tpu.memory_space<hbm>> -> memref<128x128xf32, #tpu.memory_space<hbm>>
      tpu.enqueue_dma source(%dma_start3A_23 : memref<128x128xf32, #tpu.memory_space<hbm>>) target(%dma_start3A_21 : memref<128x128xf32, #tpu.memory_space<vmem>>) target_semaphore(%dma_start3A_18 : memref<!tpu.dma_semaphore, #tpu.memory_space<semaphore_mem>>)
      %mul3A_24 = arith.constant 512 : i32
      %mul3A_25 = arith.muli %arg1, %mul3A_24 : i32
      %add3A_26 = arith.constant 128 : i32
      %add3A_27 = arith.addi %mul3A_25, %add3A_26 : i32
      %dma_start3A_28 = arith.constant 1 : i32
      %dma_start3A_29 = arith.constant 128 : i32
      %dma_start3A_30 = arith.constant 0 : i32
      %dma_start3A_31 = tpu.memref_slice %arg7[%dma_start3A_29, %dma_start3A_30] : memref<512x128xf32, #tpu.memory_space<vmem>> -> memref<128x128xf32, #tpu.memory_space<vmem>>
      %dma_start3A_32 = arith.constant 0 : i32
      %dma_start3A_33 = tpu.memref_slice %arg3[%add3A_27, %dma_start3A_32] : memref<8192x128xf32, #tpu.memory_space<hbm>> -> memref<128x128xf32, #tpu.memory_space<hbm>>
      %dma_start3A_34 = tpu.memref_slice %arg10[%dma_start3A_28] : memref<4x!tpu.dma_semaphore, #tpu.memory_space<semaphore_mem>> -> memref<1x!tpu.dma_semaphore, #tpu.memory_space<semaphore_mem>>
      %dma_start3A_35 = tpu.memref_squeeze %dma_start3A_34 : memref<1x!tpu.dma_semaphore, #tpu.memory_space<semaphore_mem>> -> memref<!tpu.dma_semaphore, #tpu.memory_space<semaphore_mem>>
      %dma_start3A_36 = arith.constant 128 : i32
      %dma_start3A_37 = arith.constant 0 : i32
      %dma_start3A_38 = tpu.memref_slice %arg7[%dma_start3A_36, %dma_start3A_37] : memref<512x128xf32, #tpu.memory_space<vmem>> -> memref<128x128xf32, #tpu.memory_space<vmem>>
      %dma_start3A_39 = arith.constant 0 : i32
      %dma_start3A_40 = tpu.memref_slice %arg3[%add3A_27, %dma_start3A_39] : memref<8192x128xf32, #tpu.memory_space<hbm>> -> memref<128x128xf32, #tpu.memory_space<hbm>>
      tpu.enqueue_dma source(%dma_start3A_40 : memref<128x128xf32, #tpu.memory_space<hbm>>) target(%dma_start3A_38 : memref<128x128xf32, #tpu.memory_space<vmem>>) target_semaphore(%dma_start3A_35 : memref<!tpu.dma_semaphore, #tpu.memory_space<semaphore_mem>>)
      %mul3A_41 = arith.constant 512 : i32
      %mul3A_42 = arith.muli %arg1, %mul3A_41 : i32
      %add3A_43 = arith.constant 256 : i32
      %add3A_44 = arith.addi %mul3A_42, %add3A_43 : i32
      %dma_start3A_45 = arith.constant 2 : i32
      %dma_start3A_46 = arith.constant 256 : i32
      %dma_start3A_47 = arith.constant 0 : i32
      %dma_start3A_48 = tpu.memref_slice %arg7[%dma_start3A_46, %dma_start3A_47] : memref<512x128xf32, #tpu.memory_space<vmem>> -> memref<128x128xf32, #tpu.memory_space<vmem>>
      %dma_start3A_49 = arith.constant 0 : i32
      %dma_start3A_50 = tpu.memref_slice %arg3[%add3A_44, %dma_start3A_49] : memref<8192x128xf32, #tpu.memory_space<hbm>> -> memref<128x128xf32, #tpu.memory_space<hbm>>
      %dma_start3A_51 = tpu.memref_slice %arg10[%dma_start3A_45] : memref<4x!tpu.dma_semaphore, #tpu.memory_space<semaphore_mem>> -> memref<1x!tpu.dma_semaphore, #tpu.memory_space<semaphore_mem>>
      %dma_start3A_52 = tpu.memref_squeeze %dma_start3A_51 : memref<1x!tpu.dma_semaphore, #tpu.memory_space<semaphore_mem>> -> memref<!tpu.dma_semaphore, #tpu.memory_space<semaphore_mem>>
      %dma_start3A_53 = arith.constant 256 : i32
      %dma_start3A_54 = arith.constant 0 : i32
      %dma_start3A_55 = tpu.memref_slice %arg7[%dma_start3A_53, %dma_start3A_54] : memref<512x128xf32, #tpu.memory_space<vmem>> -> memref<128x128xf32, #tpu.memory_space<vmem>>
      %dma_start3A_56 = arith.constant 0 : i32
      %dma_start3A_57 = tpu.memref_slice %arg3[%add3A_44, %dma_start3A_56] : memref<8192x128xf32, #tpu.memory_space<hbm>> -> memref<128x128xf32, #tpu.memory_space<hbm>>
      tpu.enqueue_dma source(%dma_start3A_57 : memref<128x128xf32, #tpu.memory_space<hbm>>) target(%dma_start3A_55 : memref<128x128xf32, #tpu.memory_space<vmem>>) target_semaphore(%dma_start3A_52 : memref<!tpu.dma_semaphore, #tpu.memory_space<semaphore_mem>>)
      %mul3A_58 = arith.constant 512 : i32
      %mul3A_59 = arith.muli %arg1, %mul3A_58 : i32
      %add3A_60 = arith.constant 384 : i32
      %add3A_61 = arith.addi %mul3A_59, %add3A_60 : i32
      %dma_start3A_62 = arith.constant 3 : i32
      %dma_start3A_63 = arith.constant 384 : i32
      %dma_start3A_64 = arith.constant 0 : i32
      %dma_start3A_65 = tpu.memref_slice %arg7[%dma_start3A_63, %dma_start3A_64] : memref<512x128xf32, #tpu.memory_space<vmem>> -> memref<128x128xf32, #tpu.memory_space<vmem>>
      %dma_start3A_66 = arith.constant 0 : i32
      %dma_start3A_67 = tpu.memref_slice %arg3[%add3A_61, %dma_start3A_66] : memref<8192x128xf32, #tpu.memory_space<hbm>> -> memref<128x128xf32, #tpu.memory_space<hbm>>
      %dma_start3A_68 = tpu.memref_slice %arg10[%dma_start3A_62] : memref<4x!tpu.dma_semaphore, #tpu.memory_space<semaphore_mem>> -> memref<1x!tpu.dma_semaphore, #tpu.memory_space<semaphore_mem>>
      %dma_start3A_69 = tpu.memref_squeeze %dma_start3A_68 : memref<1x!tpu.dma_semaphore, #tpu.memory_space<semaphore_mem>> -> memref<!tpu.dma_semaphore, #tpu.memory_space<semaphore_mem>>
      %dma_start3A_70 = arith.constant 384 : i32
      %dma_start3A_71 = arith.constant 0 : i32
      %dma_start3A_72 = tpu.memref_slice %arg7[%dma_start3A_70, %dma_start3A_71] : memref<512x128xf32, #tpu.memory_space<vmem>> -> memref<128x128xf32, #tpu.memory_space<vmem>>
      %dma_start3A_73 = arith.constant 0 : i32
      %dma_start3A_74 = tpu.memref_slice %arg3[%add3A_61, %dma_start3A_73] : memref<8192x128xf32, #tpu.memory_space<hbm>> -> memref<128x128xf32, #tpu.memory_space<hbm>>
      tpu.enqueue_dma source(%dma_start3A_74 : memref<128x128xf32, #tpu.memory_space<hbm>>) target(%dma_start3A_72 : memref<128x128xf32, #tpu.memory_space<vmem>>) target_semaphore(%dma_start3A_69 : memref<!tpu.dma_semaphore, #tpu.memory_space<semaphore_mem>>)
      %broadcast_in_dim3A_75 = arith.constant 15 : i32
      %broadcast_in_dim3A_76 = vector.broadcast %broadcast_in_dim3A_75 : i32 to vector<16xi32>
      %parallel_loop3A = arith.constant 0 : i32
      %parallel_loop3A_77 = arith.constant 1024 : i32
      %parallel_loop3A_78 = arith.constant 16 : i32
      scf.for %parallel_loop3A_428 = %parallel_loop3A to %parallel_loop3A_77 step %parallel_loop3A_78  : i32 {
        %parallel_loop3A_429 = arith.index_cast %parallel_loop3A_428 : i32 to index
        %parallel_loop3A_430 = tpu.vector_load %arg8[%parallel_loop3A_429] {strides = array<i32>} : memref<32768xi32, #tpu.memory_space<vmem>>, vector<16xi32>,
        tpu.vector_store %arg8[%parallel_loop3A_429], %broadcast_in_dim3A_0 {strides = array<i32>} : memref<32768xi32, #tpu.memory_space<vmem>>, vector<16xi32>,
      } {sc.loop_unroll_factor = 8 : i64, sc.parallel_access}
      %dma_wait3A = arith.constant 0 : i32
      %dma_wait3A_79 = arith.constant 0 : i32
      %dma_wait3A_80 = arith.constant 0 : i32
      %dma_wait3A_81 = tpu.memref_slice %arg7[%dma_wait3A_79, %dma_wait3A_80] : memref<512x128xf32, #tpu.memory_space<vmem>> -> memref<128x128xf32, #tpu.memory_space<vmem>>
      %dma_wait3A_82 = arith.constant 0 : i32
      %dma_wait3A_83 = tpu.memref_slice %arg3[%add3A_11, %dma_wait3A_82] : memref<8192x128xf32, #tpu.memory_space<hbm>> -> memref<128x128xf32, #tpu.memory_space<hbm>>
      %dma_wait3A_84 = tpu.memref_slice %arg10[%dma_wait3A] : memref<4x!tpu.dma_semaphore, #tpu.memory_space<semaphore_mem>> -> memref<1x!tpu.dma_semaphore, #tpu.memory_space<semaphore_mem>>
      %dma_wait3A_85 = tpu.memref_squeeze %dma_wait3A_84 : memref<1x!tpu.dma_semaphore, #tpu.memory_space<semaphore_mem>> -> memref<!tpu.dma_semaphore, #tpu.memory_space<semaphore_mem>>
      %dma_wait3A_86 = arith.constant 0 : i32
      %dma_wait3A_87 = arith.constant 0 : i32
      %dma_wait3A_88 = tpu.memref_slice %arg7[%dma_wait3A_86, %dma_wait3A_87] : memref<512x128xf32, #tpu.memory_space<vmem>> -> memref<128x128xf32, #tpu.memory_space<vmem>>
      %dma_wait3A_89 = arith.constant 0 : i32
      %dma_wait3A_90 = tpu.memref_slice %arg3[%add3A_11, %dma_wait3A_89] : memref<8192x128xf32, #tpu.memory_space<hbm>> -> memref<128x128xf32, #tpu.memory_space<hbm>>
      tpu.wait_dma2 semaphore(%dma_wait3A_85 : memref<!tpu.dma_semaphore, #tpu.memory_space<semaphore_mem>>) src(%dma_wait3A_90 : memref<128x128xf32, #tpu.memory_space<hbm>>) dst(%dma_wait3A_88 : memref<128x128xf32, #tpu.memory_space<vmem>>)
      %parallel_loop3A_91 = arith.constant 0 : i32
      %parallel_loop3A_92 = arith.constant 16384 : i32
      %parallel_loop3A_93 = arith.constant 16 : i32
      scf.for %parallel_loop3A_428 = %parallel_loop3A_91 to %parallel_loop3A_92 step %parallel_loop3A_93  : i32 {
        %parallel_loop3A_429 = arith.constant 7 : i32
        %parallel_loop3A_430 = arith.shrsi %parallel_loop3A_428, %parallel_loop3A_429 : i32
        %parallel_loop3A_431 = arith.constant 127 : i32
        %parallel_loop3A_432 = arith.andi %parallel_loop3A_428, %parallel_loop3A_431 : i32
        %parallel_loop3A_433 = arith.index_cast %parallel_loop3A_430 : i32 to index
        %parallel_loop3A_434 = arith.index_cast %parallel_loop3A_432 : i32 to index
        %parallel_loop3A_435 = tpu.vector_load %arg7[%parallel_loop3A_433, %parallel_loop3A_434] {strides = array<i32>} : memref<512x128xf32, #tpu.memory_space<vmem>>, vector<16xf32>,
        %parallel_loop3A_436 = tpu.bitcast %parallel_loop3A_435 : vector<16xf32> -> vector<16xi32>
        %parallel_loop3A_437 = arith.constant 2147483647 : i32
        %parallel_loop3A_438 = vector.broadcast %parallel_loop3A_437 : i32 to vector<16xi32>
        %parallel_loop3A_439 = arith.andi %parallel_loop3A_436, %parallel_loop3A_438 : vector<16xi32>
        %parallel_loop3A_440 = arith.constant 21 : i32
        %parallel_loop3A_441 = vector.broadcast %parallel_loop3A_440 : i32 to vector<16xi32>
        %parallel_loop3A_442 = arith.shrsi %parallel_loop3A_439, %parallel_loop3A_441 : vector<16xi32>
        %parallel_loop3A_443 = arith.constant 1023 : i32
        %parallel_loop3A_444 = vector.broadcast %parallel_loop3A_443 : i32 to vector<16xi32>
        %parallel_loop3A_445 = arith.andi %parallel_loop3A_442, %parallel_loop3A_444 : vector<16xi32>
        tpu.vector_store_idx %arg8[%parallel_loop3A_445], %broadcast_in_dim3A_2 {add = true} : memref<32768xi32, #tpu.memory_space<vmem>>[vector<16xi32>], vector<16xi32>,
      } {sc.loop_unroll_factor = 8 : i64, sc.parallel_access}
      %dma_wait3A_94 = arith.constant 1 : i32
      %dma_wait3A_95 = arith.constant 128 : i32
      %dma_wait3A_96 = arith.constant 0 : i32
      %dma_wait3A_97 = tpu.memref_slice %arg7[%dma_wait3A_95, %dma_wait3A_96] : memref<512x128xf32, #tpu.memory_space<vmem>> -> memref<128x128xf32, #tpu.memory_space<vmem>>
      %dma_wait3A_98 = arith.constant 0 : i32
      %dma_wait3A_99 = tpu.memref_slice %arg3[%add3A_27, %dma_wait3A_98] : memref<8192x128xf32, #tpu.memory_space<hbm>> -> memref<128x128xf32, #tpu.memory_space<hbm>>
      %dma_wait3A_100 = tpu.memref_slice %arg10[%dma_wait3A_94] : memref<4x!tpu.dma_semaphore, #tpu.memory_space<semaphore_mem>> -> memref<1x!tpu.dma_semaphore, #tpu.memory_space<semaphore_mem>>
      %dma_wait3A_101 = tpu.memref_squeeze %dma_wait3A_100 : memref<1x!tpu.dma_semaphore, #tpu.memory_space<semaphore_mem>> -> memref<!tpu.dma_semaphore, #tpu.memory_space<semaphore_mem>>
      %dma_wait3A_102 = arith.constant 128 : i32
      %dma_wait3A_103 = arith.constant 0 : i32
      %dma_wait3A_104 = tpu.memref_slice %arg7[%dma_wait3A_102, %dma_wait3A_103] : memref<512x128xf32, #tpu.memory_space<vmem>> -> memref<128x128xf32, #tpu.memory_space<vmem>>
      %dma_wait3A_105 = arith.constant 0 : i32
      %dma_wait3A_106 = tpu.memref_slice %arg3[%add3A_27, %dma_wait3A_105] : memref<8192x128xf32, #tpu.memory_space<hbm>> -> memref<128x128xf32, #tpu.memory_space<hbm>>
      tpu.wait_dma2 semaphore(%dma_wait3A_101 : memref<!tpu.dma_semaphore, #tpu.memory_space<semaphore_mem>>) src(%dma_wait3A_106 : memref<128x128xf32, #tpu.memory_space<hbm>>) dst(%dma_wait3A_104 : memref<128x128xf32, #tpu.memory_space<vmem>>)
      %parallel_loop3A_107 = arith.constant 16384 : i32
      %parallel_loop3A_108 = arith.constant 32768 : i32
      %parallel_loop3A_109 = arith.constant 16 : i32
      scf.for %parallel_loop3A_428 = %parallel_loop3A_107 to %parallel_loop3A_108 step %parallel_loop3A_109  : i32 {
        %parallel_loop3A_429 = arith.constant 7 : i32
        %parallel_loop3A_430 = arith.shrsi %parallel_loop3A_428, %parallel_loop3A_429 : i32
        %parallel_loop3A_431 = arith.constant 127 : i32
        %parallel_loop3A_432 = arith.andi %parallel_loop3A_428, %parallel_loop3A_431 : i32
        %parallel_loop3A_433 = arith.index_cast %parallel_loop3A_430 : i32 to index
        %parallel_loop3A_434 = arith.index_cast %parallel_loop3A_432 : i32 to index
        %parallel_loop3A_435 = tpu.vector_load %arg7[%parallel_loop3A_433, %parallel_loop3A_434] {strides = array<i32>} : memref<512x128xf32, #tpu.memory_space<vmem>>, vector<16xf32>,
        %parallel_loop3A_436 = tpu.bitcast %parallel_loop3A_435 : vector<16xf32> -> vector<16xi32>
        %parallel_loop3A_437 = arith.constant 2147483647 : i32
        %parallel_loop3A_438 = vector.broadcast %parallel_loop3A_437 : i32 to vector<16xi32>
        %parallel_loop3A_439 = arith.andi %parallel_loop3A_436, %parallel_loop3A_438 : vector<16xi32>
        %parallel_loop3A_440 = arith.constant 21 : i32
        %parallel_loop3A_441 = vector.broadcast %parallel_loop3A_440 : i32 to vector<16xi32>
        %parallel_loop3A_442 = arith.shrsi %parallel_loop3A_439, %parallel_loop3A_441 : vector<16xi32>
        %parallel_loop3A_443 = arith.constant 1023 : i32
        %parallel_loop3A_444 = vector.broadcast %parallel_loop3A_443 : i32 to vector<16xi32>
        %parallel_loop3A_445 = arith.andi %parallel_loop3A_442, %parallel_loop3A_444 : vector<16xi32>
        tpu.vector_store_idx %arg8[%parallel_loop3A_445], %broadcast_in_dim3A_2 {add = true} : memref<32768xi32, #tpu.memory_space<vmem>>[vector<16xi32>], vector<16xi32>,
      } {sc.loop_unroll_factor = 8 : i64, sc.parallel_access}
      %dma_wait3A_110 = arith.constant 2 : i32
      %dma_wait3A_111 = arith.constant 256 : i32
      %dma_wait3A_112 = arith.constant 0 : i32
      %dma_wait3A_113 = tpu.memref_slice %arg7[%dma_wait3A_111, %dma_wait3A_112] : memref<512x128xf32, #tpu.memory_space<vmem>> -> memref<128x128xf32, #tpu.memory_space<vmem>>
      %dma_wait3A_114 = arith.constant 0 : i32
      %dma_wait3A_115 = tpu.memref_slice %arg3[%add3A_44, %dma_wait3A_114] : memref<8192x128xf32, #tpu.memory_space<hbm>> -> memref<128x128xf32, #tpu.memory_space<hbm>>
      %dma_wait3A_116 = tpu.memref_slice %arg10[%dma_wait3A_110] : memref<4x!tpu.dma_semaphore, #tpu.memory_space<semaphore_mem>> -> memref<1x!tpu.dma_semaphore, #tpu.memory_space<semaphore_mem>>
      %dma_wait3A_117 = tpu.memref_squeeze %dma_wait3A_116 : memref<1x!tpu.dma_semaphore, #tpu.memory_space<semaphore_mem>> -> memref<!tpu.dma_semaphore, #tpu.memory_space<semaphore_mem>>
      %dma_wait3A_118 = arith.constant 256 : i32
      %dma_wait3A_119 = arith.constant 0 : i32
      %dma_wait3A_120 = tpu.memref_slice %arg7[%dma_wait3A_118, %dma_wait3A_119] : memref<512x128xf32, #tpu.memory_space<vmem>> -> memref<128x128xf32, #tpu.memory_space<vmem>>
      %dma_wait3A_121 = arith.constant 0 : i32
      %dma_wait3A_122 = tpu.memref_slice %arg3[%add3A_44, %dma_wait3A_121] : memref<8192x128xf32, #tpu.memory_space<hbm>> -> memref<128x128xf32, #tpu.memory_space<hbm>>
      tpu.wait_dma2 semaphore(%dma_wait3A_117 : memref<!tpu.dma_semaphore, #tpu.memory_space<semaphore_mem>>) src(%dma_wait3A_122 : memref<128x128xf32, #tpu.memory_space<hbm>>) dst(%dma_wait3A_120 : memref<128x128xf32, #tpu.memory_space<vmem>>)
      %parallel_loop3A_123 = arith.constant 32768 : i32
      %parallel_loop3A_124 = arith.constant 49152 : i32
      %parallel_loop3A_125 = arith.constant 16 : i32
      scf.for %parallel_loop3A_428 = %parallel_loop3A_123 to %parallel_loop3A_124 step %parallel_loop3A_125  : i32 {
        %parallel_loop3A_429 = arith.constant 7 : i32
        %parallel_loop3A_430 = arith.shrsi %parallel_loop3A_428, %parallel_loop3A_429 : i32
        %parallel_loop3A_431 = arith.constant 127 : i32
        %parallel_loop3A_432 = arith.andi %parallel_loop3A_428, %parallel_loop3A_431 : i32
        %parallel_loop3A_433 = arith.index_cast %parallel_loop3A_430 : i32 to index
        %parallel_loop3A_434 = arith.index_cast %parallel_loop3A_432 : i32 to index
        %parallel_loop3A_435 = tpu.vector_load %arg7[%parallel_loop3A_433, %parallel_loop3A_434] {strides = array<i32>} : memref<512x128xf32, #tpu.memory_space<vmem>>, vector<16xf32>,
        %parallel_loop3A_436 = tpu.bitcast %parallel_loop3A_435 : vector<16xf32> -> vector<16xi32>
        %parallel_loop3A_437 = arith.constant 2147483647 : i32
        %parallel_loop3A_438 = vector.broadcast %parallel_loop3A_437 : i32 to vector<16xi32>
        %parallel_loop3A_439 = arith.andi %parallel_loop3A_436, %parallel_loop3A_438 : vector<16xi32>
        %parallel_loop3A_440 = arith.constant 21 : i32
        %parallel_loop3A_441 = vector.broadcast %parallel_loop3A_440 : i32 to vector<16xi32>
        %parallel_loop3A_442 = arith.shrsi %parallel_loop3A_439, %parallel_loop3A_441 : vector<16xi32>
        %parallel_loop3A_443 = arith.constant 1023 : i32
        %parallel_loop3A_444 = vector.broadcast %parallel_loop3A_443 : i32 to vector<16xi32>
        %parallel_loop3A_445 = arith.andi %parallel_loop3A_442, %parallel_loop3A_444 : vector<16xi32>
        tpu.vector_store_idx %arg8[%parallel_loop3A_445], %broadcast_in_dim3A_2 {add = true} : memref<32768xi32, #tpu.memory_space<vmem>>[vector<16xi32>], vector<16xi32>,
      } {sc.loop_unroll_factor = 8 : i64, sc.parallel_access}
      %dma_wait3A_126 = arith.constant 3 : i32
      %dma_wait3A_127 = arith.constant 384 : i32
      %dma_wait3A_128 = arith.constant 0 : i32
      %dma_wait3A_129 = tpu.memref_slice %arg7[%dma_wait3A_127, %dma_wait3A_128] : memref<512x128xf32, #tpu.memory_space<vmem>> -> memref<128x128xf32, #tpu.memory_space<vmem>>
      %dma_wait3A_130 = arith.constant 0 : i32
      %dma_wait3A_131 = tpu.memref_slice %arg3[%add3A_61, %dma_wait3A_130] : memref<8192x128xf32, #tpu.memory_space<hbm>> -> memref<128x128xf32, #tpu.memory_space<hbm>>
      %dma_wait3A_132 = tpu.memref_slice %arg10[%dma_wait3A_126] : memref<4x!tpu.dma_semaphore, #tpu.memory_space<semaphore_mem>> -> memref<1x!tpu.dma_semaphore, #tpu.memory_space<semaphore_mem>>
      %dma_wait3A_133 = tpu.memref_squeeze %dma_wait3A_132 : memref<1x!tpu.dma_semaphore, #tpu.memory_space<semaphore_mem>> -> memref<!tpu.dma_semaphore, #tpu.memory_space<semaphore_mem>>
      %dma_wait3A_134 = arith.constant 384 : i32
      %dma_wait3A_135 = arith.constant 0 : i32
      %dma_wait3A_136 = tpu.memref_slice %arg7[%dma_wait3A_134, %dma_wait3A_135] : memref<512x128xf32, #tpu.memory_space<vmem>> -> memref<128x128xf32, #tpu.memory_space<vmem>>
      %dma_wait3A_137 = arith.constant 0 : i32
      %dma_wait3A_138 = tpu.memref_slice %arg3[%add3A_61, %dma_wait3A_137] : memref<8192x128xf32, #tpu.memory_space<hbm>> -> memref<128x128xf32, #tpu.memory_space<hbm>>
      tpu.wait_dma2 semaphore(%dma_wait3A_133 : memref<!tpu.dma_semaphore, #tpu.memory_space<semaphore_mem>>) src(%dma_wait3A_138 : memref<128x128xf32, #tpu.memory_space<hbm>>) dst(%dma_wait3A_136 : memref<128x128xf32, #tpu.memory_space<vmem>>)
      %parallel_loop3A_139 = arith.constant 49152 : i32
      %parallel_loop3A_140 = arith.constant 65536 : i32
      %parallel_loop3A_141 = arith.constant 16 : i32
      scf.for %parallel_loop3A_428 = %parallel_loop3A_139 to %parallel_loop3A_140 step %parallel_loop3A_141  : i32 {
        %parallel_loop3A_429 = arith.constant 7 : i32
        %parallel_loop3A_430 = arith.shrsi %parallel_loop3A_428, %parallel_loop3A_429 : i32
        %parallel_loop3A_431 = arith.constant 127 : i32
        %parallel_loop3A_432 = arith.andi %parallel_loop3A_428, %parallel_loop3A_431 : i32
        %parallel_loop3A_433 = arith.index_cast %parallel_loop3A_430 : i32 to index
        %parallel_loop3A_434 = arith.index_cast %parallel_loop3A_432 : i32 to index
        %parallel_loop3A_435 = tpu.vector_load %arg7[%parallel_loop3A_433, %parallel_loop3A_434] {strides = array<i32>} : memref<512x128xf32, #tpu.memory_space<vmem>>, vector<16xf32>,
        %parallel_loop3A_436 = tpu.bitcast %parallel_loop3A_435 : vector<16xf32> -> vector<16xi32>
        %parallel_loop3A_437 = arith.constant 2147483647 : i32
        %parallel_loop3A_438 = vector.broadcast %parallel_loop3A_437 : i32 to vector<16xi32>
        %parallel_loop3A_439 = arith.andi %parallel_loop3A_436, %parallel_loop3A_438 : vector<16xi32>
        %parallel_loop3A_440 = arith.constant 21 : i32
        %parallel_loop3A_441 = vector.broadcast %parallel_loop3A_440 : i32 to vector<16xi32>
        %parallel_loop3A_442 = arith.shrsi %parallel_loop3A_439, %parallel_loop3A_441 : vector<16xi32>
        %parallel_loop3A_443 = arith.constant 1023 : i32
        %parallel_loop3A_444 = vector.broadcast %parallel_loop3A_443 : i32 to vector<16xi32>
        %parallel_loop3A_445 = arith.andi %parallel_loop3A_442, %parallel_loop3A_444 : vector<16xi32>
        tpu.vector_store_idx %arg8[%parallel_loop3A_445], %broadcast_in_dim3A_2 {add = true} : memref<32768xi32, #tpu.memory_space<vmem>>[vector<16xi32>], vector<16xi32>,
      } {sc.loop_unroll_factor = 8 : i64, sc.parallel_access}
      %mul3A_142 = arith.constant 1024 : i32
      %mul3A_143 = arith.muli %arg1, %mul3A_142 : i32
      %run_scoped3A = arith.constant 1 : i32
      "tpu.region"() ({
        %run_scoped3A_428 = tpu.sem_alloc : memref<!tpu.dma_semaphore, #tpu.memory_space<semaphore_mem>>
        %dma_start3A_429 = arith.constant 0 : i32
        %dma_start3A_430 = tpu.memref_slice %arg8[%dma_start3A_429] : memref<32768xi32, #tpu.memory_space<vmem>> -> memref<1024xi32, #tpu.memory_space<vmem>>
        %dma_start3A_431 = arith.constant 0 : i32
        %dma_start3A_432 = tpu.memref_slice %arg6[%run_scoped3A, %dma_start3A_431] : memref<2x32768xi32, #tpu.memory_space<hbm>> -> memref<1x32768xi32, #tpu.memory_space<hbm>>
        %dma_start3A_433 = tpu.memref_squeeze %dma_start3A_432 : memref<1x32768xi32, #tpu.memory_space<hbm>> -> memref<32768xi32, #tpu.memory_space<hbm>>
        %dma_start3A_434 = tpu.memref_slice %dma_start3A_433[%mul3A_143] : memref<32768xi32, #tpu.memory_space<hbm>> -> memref<1024xi32, #tpu.memory_space<hbm>>
        %dma_start3A_435 = arith.constant 0 : i32
        %dma_start3A_436 = tpu.memref_slice %arg6[%run_scoped3A, %dma_start3A_435] : memref<2x32768xi32, #tpu.memory_space<hbm>> -> memref<1x32768xi32, #tpu.memory_space<hbm>>
        %dma_start3A_437 = tpu.memref_squeeze %dma_start3A_436 : memref<1x32768xi32, #tpu.memory_space<hbm>> -> memref<32768xi32, #tpu.memory_space<hbm>>
        %dma_start3A_438 = tpu.memref_slice %dma_start3A_437[%mul3A_143] : memref<32768xi32, #tpu.memory_space<hbm>> -> memref<1024xi32, #tpu.memory_space<hbm>>
        %dma_start3A_439 = arith.constant 0 : i32
        %dma_start3A_440 = tpu.memref_slice %arg8[%dma_start3A_439] : memref<32768xi32, #tpu.memory_space<vmem>> -> memref<1024xi32, #tpu.memory_space<vmem>>
        tpu.enqueue_dma source(%dma_start3A_440 : memref<1024xi32, #tpu.memory_space<vmem>>) target(%dma_start3A_438 : memref<1024xi32, #tpu.memory_space<hbm>>) target_semaphore(%run_scoped3A_428 : memref<!tpu.dma_semaphore, #tpu.memory_space<semaphore_mem>>)
        %dma_wait3A_441 = arith.constant 0 : i32
        %dma_wait3A_442 = tpu.memref_slice %arg8[%dma_wait3A_441] : memref<32768xi32, #tpu.memory_space<vmem>> -> memref<1024xi32, #tpu.memory_space<vmem>>
        %dma_wait3A_443 = arith.constant 0 : i32
        %dma_wait3A_444 = tpu.memref_slice %arg6[%run_scoped3A, %dma_wait3A_443] : memref<2x32768xi32, #tpu.memory_space<hbm>> -> memref<1x32768xi32, #tpu.memory_space<hbm>>
        %dma_wait3A_445 = tpu.memref_squeeze %dma_wait3A_444 : memref<1x32768xi32, #tpu.memory_space<hbm>> -> memref<32768xi32, #tpu.memory_space<hbm>>
        %dma_wait3A_446 = tpu.memref_slice %dma_wait3A_445[%mul3A_143] : memref<32768xi32, #tpu.memory_space<hbm>> -> memref<1024xi32, #tpu.memory_space<hbm>>
        %dma_wait3A_447 = arith.constant 0 : i32
        %dma_wait3A_448 = tpu.memref_slice %arg6[%run_scoped3A, %dma_wait3A_447] : memref<2x32768xi32, #tpu.memory_space<hbm>> -> memref<1x32768xi32, #tpu.memory_space<hbm>>
        %dma_wait3A_449 = tpu.memref_squeeze %dma_wait3A_448 : memref<1x32768xi32, #tpu.memory_space<hbm>> -> memref<32768xi32, #tpu.memory_space<hbm>>
        %dma_wait3A_450 = tpu.memref_slice %dma_wait3A_449[%mul3A_143] : memref<32768xi32, #tpu.memory_space<hbm>> -> memref<1024xi32, #tpu.memory_space<hbm>>
        %dma_wait3A_451 = arith.constant 0 : i32
        %dma_wait3A_452 = tpu.memref_slice %arg8[%dma_wait3A_451] : memref<32768xi32, #tpu.memory_space<vmem>> -> memref<1024xi32, #tpu.memory_space<vmem>>
        tpu.wait_dma2 semaphore(%run_scoped3A_428 : memref<!tpu.dma_semaphore, #tpu.memory_space<semaphore_mem>>) src(%dma_wait3A_452 : memref<1024xi32, #tpu.memory_space<vmem>>) dst(%dma_wait3A_450 : memref<1024xi32, #tpu.memory_space<hbm>>)
        tpu.yield
      }) : () -> ()
      %barrier3A = arith.constant 0 : index
      tpu.barrier barrier_id(%barrier3A)
      %run_scoped3A_144 = arith.constant 1 : i32
      "tpu.region"() ({
        %run_scoped3A_428 = tpu.sem_alloc : memref<!tpu.dma_semaphore, #tpu.memory_space<semaphore_mem>>
        %dma_start3A_429 = arith.constant 0 : i32
        %dma_start3A_430 = tpu.memref_slice %arg8[%dma_start3A_429] : memref<32768xi32, #tpu.memory_space<vmem>> -> memref<16384xi32, #tpu.memory_space<vmem>>
        %dma_start3A_431 = arith.constant 0 : i32
        %dma_start3A_432 = tpu.memref_slice %arg6[%run_scoped3A_144, %dma_start3A_431] : memref<2x32768xi32, #tpu.memory_space<hbm>> -> memref<1x32768xi32, #tpu.memory_space<hbm>>
        %dma_start3A_433 = tpu.memref_squeeze %dma_start3A_432 : memref<1x32768xi32, #tpu.memory_space<hbm>> -> memref<32768xi32, #tpu.memory_space<hbm>>
        %dma_start3A_434 = arith.constant 0 : i32
        %dma_start3A_435 = tpu.memref_slice %dma_start3A_433[%dma_start3A_434] : memref<32768xi32, #tpu.memory_space<hbm>> -> memref<16384xi32, #tpu.memory_space<hbm>>
        %dma_start3A_436 = arith.constant 0 : i32
        %dma_start3A_437 = tpu.memref_slice %arg8[%dma_start3A_436] : memref<32768xi32, #tpu.memory_space<vmem>> -> memref<16384xi32, #tpu.memory_space<vmem>>
        %dma_start3A_438 = arith.constant 0 : i32
        %dma_start3A_439 = tpu.memref_slice %arg6[%run_scoped3A_144, %dma_start3A_438] : memref<2x32768xi32, #tpu.memory_space<hbm>> -> memref<1x32768xi32, #tpu.memory_space<hbm>>
        %dma_start3A_440 = tpu.memref_squeeze %dma_start3A_439 : memref<1x32768xi32, #tpu.memory_space<hbm>> -> memref<32768xi32, #tpu.memory_space<hbm>>
        %dma_start3A_441 = arith.constant 0 : i32
        %dma_start3A_442 = tpu.memref_slice %dma_start3A_440[%dma_start3A_441] : memref<32768xi32, #tpu.memory_space<hbm>> -> memref<16384xi32, #tpu.memory_space<hbm>>
        tpu.enqueue_dma source(%dma_start3A_442 : memref<16384xi32, #tpu.memory_space<hbm>>) target(%dma_start3A_437 : memref<16384xi32, #tpu.memory_space<vmem>>) target_semaphore(%run_scoped3A_428 : memref<!tpu.dma_semaphore, #tpu.memory_space<semaphore_mem>>)
        %dma_wait3A_443 = arith.constant 0 : i32
        %dma_wait3A_444 = tpu.memref_slice %arg8[%dma_wait3A_443] : memref<32768xi32, #tpu.memory_space<vmem>> -> memref<16384xi32, #tpu.memory_space<vmem>>
        %dma_wait3A_445 = arith.constant 0 : i32
        %dma_wait3A_446 = tpu.memref_slice %arg6[%run_scoped3A_144, %dma_wait3A_445] : memref<2x32768xi32, #tpu.memory_space<hbm>> -> memref<1x32768xi32, #tpu.memory_space<hbm>>
        %dma_wait3A_447 = tpu.memref_squeeze %dma_wait3A_446 : memref<1x32768xi32, #tpu.memory_space<hbm>> -> memref<32768xi32, #tpu.memory_space<hbm>>
        %dma_wait3A_448 = arith.constant 0 : i32
        %dma_wait3A_449 = tpu.memref_slice %dma_wait3A_447[%dma_wait3A_448] : memref<32768xi32, #tpu.memory_space<hbm>> -> memref<16384xi32, #tpu.memory_space<hbm>>
        %dma_wait3A_450 = arith.constant 0 : i32
        %dma_wait3A_451 = tpu.memref_slice %arg8[%dma_wait3A_450] : memref<32768xi32, #tpu.memory_space<vmem>> -> memref<16384xi32, #tpu.memory_space<vmem>>
        %dma_wait3A_452 = arith.constant 0 : i32
        %dma_wait3A_453 = tpu.memref_slice %arg6[%run_scoped3A_144, %dma_wait3A_452] : memref<2x32768xi32, #tpu.memory_space<hbm>> -> memref<1x32768xi32, #tpu.memory_space<hbm>>
        %dma_wait3A_454 = tpu.memref_squeeze %dma_wait3A_453 : memref<1x32768xi32, #tpu.memory_space<hbm>> -> memref<32768xi32, #tpu.memory_space<hbm>>
        %dma_wait3A_455 = arith.constant 0 : i32
        %dma_wait3A_456 = tpu.memref_slice %dma_wait3A_454[%dma_wait3A_455] : memref<32768xi32, #tpu.memory_space<hbm>> -> memref<16384xi32, #tpu.memory_space<hbm>>
        tpu.wait_dma2 semaphore(%run_scoped3A_428 : memref<!tpu.dma_semaphore, #tpu.memory_space<semaphore_mem>>) src(%dma_wait3A_456 : memref<16384xi32, #tpu.memory_space<hbm>>) dst(%dma_wait3A_451 : memref<16384xi32, #tpu.memory_space<vmem>>)
        tpu.yield
      }) : () -> ()
      %parallel_loop3A_145 = arith.constant 0 : i32
      %parallel_loop3A_146 = arith.constant 1024 : i32
      %parallel_loop3A_147 = arith.constant 16 : i32
      scf.for %parallel_loop3A_428 = %parallel_loop3A_145 to %parallel_loop3A_146 step %parallel_loop3A_147  : i32 {
        %parallel_loop3A_429 = arith.index_cast %parallel_loop3A_428 : i32 to index
        %parallel_loop3A_430 = tpu.vector_load %arg8[%parallel_loop3A_429] {strides = array<i32>} : memref<32768xi32, #tpu.memory_space<vmem>>, vector<16xi32>,
        %parallel_loop3A_431 = arith.constant 1024 : i32
        %parallel_loop3A_432 = arith.addi %parallel_loop3A_431, %parallel_loop3A_428 : i32
        %parallel_loop3A_433 = arith.index_cast %parallel_loop3A_432 : i32 to index
        %parallel_loop3A_434 = tpu.vector_load %arg8[%parallel_loop3A_433] {strides = array<i32>} : memref<32768xi32, #tpu.memory_space<vmem>>, vector<16xi32>,
        %parallel_loop3A_435 = arith.addi %parallel_loop3A_430, %parallel_loop3A_434 : vector<16xi32>
        %parallel_loop3A_436 = arith.constant 2048 : i32
        %parallel_loop3A_437 = arith.addi %parallel_loop3A_436, %parallel_loop3A_428 : i32
        %parallel_loop3A_438 = arith.index_cast %parallel_loop3A_437 : i32 to index
        %parallel_loop3A_439 = tpu.vector_load %arg8[%parallel_loop3A_438] {strides = array<i32>} : memref<32768xi32, #tpu.memory_space<vmem>>, vector<16xi32>,
        %parallel_loop3A_440 = arith.addi %parallel_loop3A_435, %parallel_loop3A_439 : vector<16xi32>
        %parallel_loop3A_441 = arith.constant 3072 : i32
        %parallel_loop3A_442 = arith.addi %parallel_loop3A_441, %parallel_loop3A_428 : i32
        %parallel_loop3A_443 = arith.index_cast %parallel_loop3A_442 : i32 to index
        %parallel_loop3A_444 = tpu.vector_load %arg8[%parallel_loop3A_443] {strides = array<i32>} : memref<32768xi32, #tpu.memory_space<vmem>>, vector<16xi32>,
        %parallel_loop3A_445 = arith.addi %parallel_loop3A_440, %parallel_loop3A_444 : vector<16xi32>
        %parallel_loop3A_446 = arith.constant 4096 : i32
        %parallel_loop3A_447 = arith.addi %parallel_loop3A_446, %parallel_loop3A_428 : i32
        %parallel_loop3A_448 = arith.index_cast %parallel_loop3A_447 : i32 to index
        %parallel_loop3A_449 = tpu.vector_load %arg8[%parallel_loop3A_448] {strides = array<i32>} : memref<32768xi32, #tpu.memory_space<vmem>>, vector<16xi32>,
        %parallel_loop3A_450 = arith.addi %parallel_loop3A_445, %parallel_loop3A_449 : vector<16xi32>
        %parallel_loop3A_451 = arith.constant 5120 : i32
        %parallel_loop3A_452 = arith.addi %parallel_loop3A_451, %parallel_loop3A_428 : i32
        %parallel_loop3A_453 = arith.index_cast %parallel_loop3A_452 : i32 to index
        %parallel_loop3A_454 = tpu.vector_load %arg8[%parallel_loop3A_453] {strides = array<i32>} : memref<32768xi32, #tpu.memory_space<vmem>>, vector<16xi32>,
        %parallel_loop3A_455 = arith.addi %parallel_loop3A_450, %parallel_loop3A_454 : vector<16xi32>
        %parallel_loop3A_456 = arith.constant 6144 : i32
        %parallel_loop3A_457 = arith.addi %parallel_loop3A_456, %parallel_loop3A_428 : i32
        %parallel_loop3A_458 = arith.index_cast %parallel_loop3A_457 : i32 to index
        %parallel_loop3A_459 = tpu.vector_load %arg8[%parallel_loop3A_458] {strides = array<i32>} : memref<32768xi32, #tpu.memory_space<vmem>>, vector<16xi32>,
        %parallel_loop3A_460 = arith.addi %parallel_loop3A_455, %parallel_loop3A_459 : vector<16xi32>
        %parallel_loop3A_461 = arith.constant 7168 : i32
        %parallel_loop3A_462 = arith.addi %parallel_loop3A_461, %parallel_loop3A_428 : i32
        %parallel_loop3A_463 = arith.index_cast %parallel_loop3A_462 : i32 to index
        %parallel_loop3A_464 = tpu.vector_load %arg8[%parallel_loop3A_463] {strides = array<i32>} : memref<32768xi32, #tpu.memory_space<vmem>>, vector<16xi32>,
        %parallel_loop3A_465 = arith.addi %parallel_loop3A_460, %parallel_loop3A_464 : vector<16xi32>
        %parallel_loop3A_466 = arith.constant 8192 : i32
        %parallel_loop3A_467 = arith.addi %parallel_loop3A_466, %parallel_loop3A_428 : i32
        %parallel_loop3A_468 = arith.index_cast %parallel_loop3A_467 : i32 to index
        %parallel_loop3A_469 = tpu.vector_load %arg8[%parallel_loop3A_468] {strides = array<i32>} : memref<32768xi32, #tpu.memory_space<vmem>>, vector<16xi32>,
        %parallel_loop3A_470 = arith.addi %parallel_loop3A_465, %parallel_loop3A_469 : vector<16xi32>
        %parallel_loop3A_471 = arith.constant 9216 : i32
        %parallel_loop3A_472 = arith.addi %parallel_loop3A_471, %parallel_loop3A_428 : i32
        %parallel_loop3A_473 = arith.index_cast %parallel_loop3A_472 : i32 to index
        %parallel_loop3A_474 = tpu.vector_load %arg8[%parallel_loop3A_473] {strides = array<i32>} : memref<32768xi32, #tpu.memory_space<vmem>>, vector<16xi32>,
        %parallel_loop3A_475 = arith.addi %parallel_loop3A_470, %parallel_loop3A_474 : vector<16xi32>
        %parallel_loop3A_476 = arith.constant 10240 : i32
        %parallel_loop3A_477 = arith.addi %parallel_loop3A_476, %parallel_loop3A_428 : i32
        %parallel_loop3A_478 = arith.index_cast %parallel_loop3A_477 : i32 to index
        %parallel_loop3A_479 = tpu.vector_load %arg8[%parallel_loop3A_478] {strides = array<i32>} : memref<32768xi32, #tpu.memory_space<vmem>>, vector<16xi32>,
        %parallel_loop3A_480 = arith.addi %parallel_loop3A_475, %parallel_loop3A_479 : vector<16xi32>
        %parallel_loop3A_481 = arith.constant 11264 : i32
        %parallel_loop3A_482 = arith.addi %parallel_loop3A_481, %parallel_loop3A_428 : i32
        %parallel_loop3A_483 = arith.index_cast %parallel_loop3A_482 : i32 to index
        %parallel_loop3A_484 = tpu.vector_load %arg8[%parallel_loop3A_483] {strides = array<i32>} : memref<32768xi32, #tpu.memory_space<vmem>>, vector<16xi32>,
        %parallel_loop3A_485 = arith.addi %parallel_loop3A_480, %parallel_loop3A_484 : vector<16xi32>
        %parallel_loop3A_486 = arith.constant 12288 : i32
        %parallel_loop3A_487 = arith.addi %parallel_loop3A_486, %parallel_loop3A_428 : i32
        %parallel_loop3A_488 = arith.index_cast %parallel_loop3A_487 : i32 to index
        %parallel_loop3A_489 = tpu.vector_load %arg8[%parallel_loop3A_488] {strides = array<i32>} : memref<32768xi32, #tpu.memory_space<vmem>>, vector<16xi32>,
        %parallel_loop3A_490 = arith.addi %parallel_loop3A_485, %parallel_loop3A_489 : vector<16xi32>
        %parallel_loop3A_491 = arith.constant 13312 : i32
        %parallel_loop3A_492 = arith.addi %parallel_loop3A_491, %parallel_loop3A_428 : i32
        %parallel_loop3A_493 = arith.index_cast %parallel_loop3A_492 : i32 to index
        %parallel_loop3A_494 = tpu.vector_load %arg8[%parallel_loop3A_493] {strides = array<i32>} : memref<32768xi32, #tpu.memory_space<vmem>>, vector<16xi32>,
        %parallel_loop3A_495 = arith.addi %parallel_loop3A_490, %parallel_loop3A_494 : vector<16xi32>
        %parallel_loop3A_496 = arith.constant 14336 : i32
        %parallel_loop3A_497 = arith.addi %parallel_loop3A_496, %parallel_loop3A_428 : i32
        %parallel_loop3A_498 = arith.index_cast %parallel_loop3A_497 : i32 to index
        %parallel_loop3A_499 = tpu.vector_load %arg8[%parallel_loop3A_498] {strides = array<i32>} : memref<32768xi32, #tpu.memory_space<vmem>>, vector<16xi32>,
        %parallel_loop3A_500 = arith.addi %parallel_loop3A_495, %parallel_loop3A_499 : vector<16xi32>
        %parallel_loop3A_501 = arith.constant 15360 : i32
        %parallel_loop3A_502 = arith.addi %parallel_loop3A_501, %parallel_loop3A_428 : i32
        %parallel_loop3A_503 = arith.index_cast %parallel_loop3A_502 : i32 to index
        %parallel_loop3A_504 = tpu.vector_load %arg8[%parallel_loop3A_503] {strides = array<i32>} : memref<32768xi32, #tpu.memory_space<vmem>>, vector<16xi32>,
        %parallel_loop3A_505 = arith.addi %parallel_loop3A_500, %parallel_loop3A_504 : vector<16xi32>
        %parallel_loop3A_506 = arith.index_cast %parallel_loop3A_428 : i32 to index
        %parallel_loop3A_507 = tpu.vector_load %arg9[%parallel_loop3A_506] {strides = array<i32>} : memref<2048xi32, #tpu.memory_space<vmem>>, vector<16xi32>,
        tpu.vector_store %arg9[%parallel_loop3A_506], %parallel_loop3A_505 {strides = array<i32>} : memref<2048xi32, #tpu.memory_space<vmem>>, vector<16xi32>,
      } {sc.loop_unroll_factor = 4 : i64, sc.parallel_access}
      %broadcast_in_dim3A_148 = arith.constant 0 : i32
      %broadcast_in_dim3A_149 = vector.broadcast %broadcast_in_dim3A_148 : i32 to vector<16xi32>
      %parallel_loop3A_150 = arith.constant 0 : i32
      %parallel_loop3A_151 = arith.constant 1024 : i32
      %parallel_loop3A_152 = arith.constant 16 : i32
      %parallel_loop3A_153 = arith.constant 943718 : i32
      %parallel_loop3A_154:2 = scf.for %parallel_loop3A_428 = %parallel_loop3A_150 to %parallel_loop3A_151 step %parallel_loop3A_152 iter_args(%parallel_loop3A_429 = %broadcast_in_dim3A_149, %parallel_loop3A_430 = %broadcast_in_dim3A_149) -> (vector<16xi32>, vector<16xi32>)  : i32 {
        %parallel_loop3A_431 = arith.index_cast %parallel_loop3A_428 : i32 to index
        %parallel_loop3A_432 = tpu.vector_load %arg9[%parallel_loop3A_431] {strides = array<i32>} : memref<2048xi32, #tpu.memory_space<vmem>>, vector<16xi32>,
        %parallel_loop3A_433 = arith.constant true
        %parallel_loop3A_434 = vector.broadcast %parallel_loop3A_433 : i1 to vector<16xi1>
        %parallel_loop3A_435 = tpu.scan <sum>, %parallel_loop3A_432 masked %parallel_loop3A_434 : vector<16xi32>, vector<16xi1> -> vector<16xi32>
        %parallel_loop3A_436 = arith.addi %parallel_loop3A_429, %parallel_loop3A_435 : vector<16xi32>
        %parallel_loop3A_437 = arith.index_cast %parallel_loop3A_428 : i32 to index
        %parallel_loop3A_438 = tpu.vector_load %arg9[%parallel_loop3A_437] {strides = array<i32>} : memref<2048xi32, #tpu.memory_space<vmem>>, vector<16xi32>,
        tpu.vector_store %arg9[%parallel_loop3A_437], %parallel_loop3A_436 {strides = array<i32>} : memref<2048xi32, #tpu.memory_space<vmem>>, vector<16xi32>,
        %parallel_loop3A_439 = arith.constant 0 : i32
        %parallel_loop3A_440 = vector.broadcast %parallel_loop3A_439 : i32 to vector<16xi32>
        %parallel_loop3A_441 = arith.cmpi slt, %broadcast_in_dim3A_76, %parallel_loop3A_440 : vector<16xi32>
        %parallel_loop3A_442 = arith.constant 16 : i32
        %parallel_loop3A_443 = vector.broadcast %parallel_loop3A_442 : i32 to vector<16xi32>
        %parallel_loop3A_444 = arith.addi %broadcast_in_dim3A_76, %parallel_loop3A_443 : vector<16xi32>
        %parallel_loop3A_445 = arith.select %parallel_loop3A_441, %parallel_loop3A_444, %broadcast_in_dim3A_76 : vector<16xi1>, vector<16xi32>
        %parallel_loop3A_446 = vector.shape_cast %parallel_loop3A_445 : vector<16xi32> to vector<16x1xi32>
        %parallel_loop3A_447 = vector.shape_cast %parallel_loop3A_446 : vector<16x1xi32> to vector<16xi32>
        %parallel_loop3A_448 = tpu.dynamic_gather %parallel_loop3A_436[%parallel_loop3A_447] in [0] : vector<16xi32>, vector<16xi32> -> vector<16xi32>
        %parallel_loop3A_449 = vector.broadcast %parallel_loop3A_153 : i32 to vector<16xi32>
        %parallel_loop3A_450 = arith.cmpi sle, %parallel_loop3A_436, %parallel_loop3A_449 : vector<16xi32>
        %parallel_loop3A_451 = arith.constant 1 : i32
        %parallel_loop3A_452 = arith.constant 0 : i32
        %parallel_loop3A_453 = vector.broadcast %parallel_loop3A_451 : i32 to vector<16xi32>
        %parallel_loop3A_454 = vector.broadcast %parallel_loop3A_452 : i32 to vector<16xi32>
        %parallel_loop3A_455 = arith.select %parallel_loop3A_450, %parallel_loop3A_453, %parallel_loop3A_454 : vector<16xi1>, vector<16xi32>
        %parallel_loop3A_456 = arith.addi %parallel_loop3A_430, %parallel_loop3A_455 : vector<16xi32>
        scf.yield %parallel_loop3A_448, %parallel_loop3A_456 : vector<16xi32>, vector<16xi32>
      } {sc.loop_unroll_factor = 2 : i64, sc.parallel_access}
      %reduce_sum3A = arith.constant true
      %reduce_sum3A_155 = vector.broadcast %reduce_sum3A : i1 to vector<16xi1>
      %reduce_sum3A_156 = tpu.scan <sum>, %parallel_loop3A_154#1 masked %reduce_sum3A_155 : vector<16xi32>, vector<16xi1> -> vector<16xi32>
      %reduce_sum3A_157 = vector.extract %reduce_sum3A_156[15] : i32 from vector<16xi32>
      %sub3A = arith.constant 1 : i32
      %sub3A_158 = arith.subi %reduce_sum3A_157, %sub3A : i32
      %max3A = arith.constant 0 : i32
      %max3A_159 = arith.maxsi %sub3A_158, %max3A : i32
      %shift_right_arithmetic3A = arith.constant 4 : i32
      %shift_right_arithmetic3A_160 = arith.shrsi %max3A_159, %shift_right_arithmetic3A : i32
      %mul3A_161 = arith.constant 16 : i32
      %mul3A_162 = arith.muli %shift_right_arithmetic3A_160, %mul3A_161 : i32
      %get3A = arith.index_cast %mul3A_162 : i32 to index
      %get3A_163 = tpu.vector_load %arg9[%get3A] {strides = array<i32>} : memref<2048xi32, #tpu.memory_space<vmem>>, vector<16xi32>,
      %and3A = arith.constant 15 : i32
      %and3A_164 = arith.andi %max3A_159, %and3A : i32
      %eq3A_165 = vector.broadcast %and3A_164 : i32 to vector<16xi32>
      %eq3A_166 = arith.cmpi eq, %iota3A, %eq3A_165 : vector<16xi32>
      %jit3A = arith.constant 0 : i32
      %broadcast_in_dim3A_167 = vector.broadcast %jit3A : i32 to vector<16xi32>
      %select_n3A = arith.select %eq3A_166, %get3A_163, %broadcast_in_dim3A_167 : vector<16xi1>, vector<16xi32>
      %reduce_max3A = arith.constant true
      %reduce_max3A_168 = vector.broadcast %reduce_max3A : i1 to vector<16xi1>
      %reduce_max3A_169 = arith.constant -2147483648 : i32
      %reduce_max3A_170 = vector.broadcast %reduce_max3A_169 : i32 to vector<16xi32>
      %reduce_max3A_171 = arith.xori %select_n3A, %reduce_max3A_170 : vector<16xi32>
      %reduce_max3A_172 = tpu.scan <max>, %reduce_max3A_171 masked %reduce_max3A_168 : vector<16xi32>, vector<16xi1> -> vector<16xi32>
      %reduce_max3A_173 = arith.xori %reduce_max3A_172, %reduce_max3A_170 : vector<16xi32>
      %reduce_max3A_174 = vector.extract %reduce_max3A_173[15] : i32 from vector<16xi32>
      %gt3A = arith.constant 0 : i32
      %gt3A_175 = arith.cmpi sgt, %reduce_sum3A_157, %gt3A : i32
      %jit3A_176 = arith.constant 0 : i32
      %select_n3A_177 = arith.select %gt3A_175, %reduce_max3A_174, %jit3A_176 : i32
      %sub3A_178 = arith.constant 943718 : i32
      %sub3A_179 = arith.subi %sub3A_178, %select_n3A_177 : i32
      %shift_left3A = arith.constant 0 : i32
      %shift_left3A_180 = arith.constant 10 : i32
      %shift_left3A_181 = arith.shli %shift_left3A, %shift_left3A_180 : i32
      %or3A = arith.ori %shift_left3A_181, %reduce_sum3A_157 : i32
      %parallel_loop3A_182 = arith.constant 0 : i32
      %parallel_loop3A_183 = arith.constant 2048 : i32
      %parallel_loop3A_184 = arith.constant 16 : i32
      scf.for %parallel_loop3A_428 = %parallel_loop3A_182 to %parallel_loop3A_183 step %parallel_loop3A_184  : i32 {
        %parallel_loop3A_429 = arith.index_cast %parallel_loop3A_428 : i32 to index
        %parallel_loop3A_430 = tpu.vector_load %arg8[%parallel_loop3A_429] {strides = array<i32>} : memref<32768xi32, #tpu.memory_space<vmem>>, vector<16xi32>,
        tpu.vector_store %arg8[%parallel_loop3A_429], %broadcast_in_dim3A_0 {strides = array<i32>} : memref<32768xi32, #tpu.memory_space<vmem>>, vector<16xi32>,
      } {sc.loop_unroll_factor = 8 : i64, sc.parallel_access}
      %parallel_loop3A_185 = arith.constant 0 : i32
      %parallel_loop3A_186 = arith.constant 65536 : i32
      %parallel_loop3A_187 = arith.constant 16 : i32
      scf.for %parallel_loop3A_428 = %parallel_loop3A_185 to %parallel_loop3A_186 step %parallel_loop3A_187  : i32 {
        %parallel_loop3A_429 = arith.constant 7 : i32
        %parallel_loop3A_430 = arith.shrsi %parallel_loop3A_428, %parallel_loop3A_429 : i32
        %parallel_loop3A_431 = arith.constant 127 : i32
        %parallel_loop3A_432 = arith.andi %parallel_loop3A_428, %parallel_loop3A_431 : i32
        %parallel_loop3A_433 = arith.index_cast %parallel_loop3A_430 : i32 to index
        %parallel_loop3A_434 = arith.index_cast %parallel_loop3A_432 : i32 to index
        %parallel_loop3A_435 = tpu.vector_load %arg7[%parallel_loop3A_433, %parallel_loop3A_434] {strides = array<i32>} : memref<512x128xf32, #tpu.memory_space<vmem>>, vector<16xf32>,
        %parallel_loop3A_436 = tpu.bitcast %parallel_loop3A_435 : vector<16xf32> -> vector<16xi32>
        %parallel_loop3A_437 = arith.constant 2147483647 : i32
        %parallel_loop3A_438 = vector.broadcast %parallel_loop3A_437 : i32 to vector<16xi32>
        %parallel_loop3A_439 = arith.andi %parallel_loop3A_436, %parallel_loop3A_438 : vector<16xi32>
        %parallel_loop3A_440 = arith.constant 10 : i32
        %parallel_loop3A_441 = vector.broadcast %parallel_loop3A_440 : i32 to vector<16xi32>
        %parallel_loop3A_442 = arith.shrsi %parallel_loop3A_439, %parallel_loop3A_441 : vector<16xi32>
        %parallel_loop3A_443 = arith.constant 2047 : i32
        %parallel_loop3A_444 = vector.broadcast %parallel_loop3A_443 : i32 to vector<16xi32>
        %parallel_loop3A_445 = arith.andi %parallel_loop3A_442, %parallel_loop3A_444 : vector<16xi32>
        %parallel_loop3A_446 = arith.constant 21 : i32
        %parallel_loop3A_447 = vector.broadcast %parallel_loop3A_446 : i32 to vector<16xi32>
        %parallel_loop3A_448 = arith.shrsi %parallel_loop3A_439, %parallel_loop3A_447 : vector<16xi32>
        %parallel_loop3A_449 = vector.broadcast %or3A : i32 to vector<16xi32>
        %parallel_loop3A_450 = arith.cmpi eq, %parallel_loop3A_448, %parallel_loop3A_449 : vector<16xi32>
        tpu.vector_store_idx %arg8[%parallel_loop3A_445], %broadcast_in_dim3A_2 masked %parallel_loop3A_450 {add = true} : memref<32768xi32, #tpu.memory_space<vmem>>[vector<16xi32>], vector<16xi32>, vector<16xi1>
      } {sc.loop_unroll_factor = 8 : i64, sc.parallel_access}
      %mul3A_188 = arith.constant 2048 : i32
      %mul3A_189 = arith.muli %arg1, %mul3A_188 : i32
      %run_scoped3A_190 = arith.constant 1 : i32
      "tpu.region"() ({
        %run_scoped3A_428 = tpu.sem_alloc : memref<!tpu.dma_semaphore, #tpu.memory_space<semaphore_mem>>
        %dma_start3A_429 = arith.constant 0 : i32
        %dma_start3A_430 = tpu.memref_slice %arg8[%dma_start3A_429] : memref<32768xi32, #tpu.memory_space<vmem>> -> memref<2048xi32, #tpu.memory_space<vmem>>
        %dma_start3A_431 = arith.constant 0 : i32
        %dma_start3A_432 = tpu.memref_slice %arg6[%run_scoped3A_190, %dma_start3A_431] : memref<2x32768xi32, #tpu.memory_space<hbm>> -> memref<1x32768xi32, #tpu.memory_space<hbm>>
        %dma_start3A_433 = tpu.memref_squeeze %dma_start3A_432 : memref<1x32768xi32, #tpu.memory_space<hbm>> -> memref<32768xi32, #tpu.memory_space<hbm>>
        %dma_start3A_434 = tpu.memref_slice %dma_start3A_433[%mul3A_189] : memref<32768xi32, #tpu.memory_space<hbm>> -> memref<2048xi32, #tpu.memory_space<hbm>>
        %dma_start3A_435 = arith.constant 0 : i32
        %dma_start3A_436 = tpu.memref_slice %arg6[%run_scoped3A_190, %dma_start3A_435] : memref<2x32768xi32, #tpu.memory_space<hbm>> -> memref<1x32768xi32, #tpu.memory_space<hbm>>
        %dma_start3A_437 = tpu.memref_squeeze %dma_start3A_436 : memref<1x32768xi32, #tpu.memory_space<hbm>> -> memref<32768xi32, #tpu.memory_space<hbm>>
        %dma_start3A_438 = tpu.memref_slice %dma_start3A_437[%mul3A_189] : memref<32768xi32, #tpu.memory_space<hbm>> -> memref<2048xi32, #tpu.memory_space<hbm>>
        %dma_start3A_439 = arith.constant 0 : i32
        %dma_start3A_440 = tpu.memref_slice %arg8[%dma_start3A_439] : memref<32768xi32, #tpu.memory_space<vmem>> -> memref<2048xi32, #tpu.memory_space<vmem>>
        tpu.enqueue_dma source(%dma_start3A_440 : memref<2048xi32, #tpu.memory_space<vmem>>) target(%dma_start3A_438 : memref<2048xi32, #tpu.memory_space<hbm>>) target_semaphore(%run_scoped3A_428 : memref<!tpu.dma_semaphore, #tpu.memory_space<semaphore_mem>>)
        %dma_wait3A_441 = arith.constant 0 : i32
        %dma_wait3A_442 = tpu.memref_slice %arg8[%dma_wait3A_441] : memref<32768xi32, #tpu.memory_space<vmem>> -> memref<2048xi32, #tpu.memory_space<vmem>>
        %dma_wait3A_443 = arith.constant 0 : i32
        %dma_wait3A_444 = tpu.memref_slice %arg6[%run_scoped3A_190, %dma_wait3A_443] : memref<2x32768xi32, #tpu.memory_space<hbm>> -> memref<1x32768xi32, #tpu.memory_space<hbm>>
        %dma_wait3A_445 = tpu.memref_squeeze %dma_wait3A_444 : memref<1x32768xi32, #tpu.memory_space<hbm>> -> memref<32768xi32, #tpu.memory_space<hbm>>
        %dma_wait3A_446 = tpu.memref_slice %dma_wait3A_445[%mul3A_189] : memref<32768xi32, #tpu.memory_space<hbm>> -> memref<2048xi32, #tpu.memory_space<hbm>>
        %dma_wait3A_447 = arith.constant 0 : i32
        %dma_wait3A_448 = tpu.memref_slice %arg6[%run_scoped3A_190, %dma_wait3A_447] : memref<2x32768xi32, #tpu.memory_space<hbm>> -> memref<1x32768xi32, #tpu.memory_space<hbm>>
        %dma_wait3A_449 = tpu.memref_squeeze %dma_wait3A_448 : memref<1x32768xi32, #tpu.memory_space<hbm>> -> memref<32768xi32, #tpu.memory_space<hbm>>
        %dma_wait3A_450 = tpu.memref_slice %dma_wait3A_449[%mul3A_189] : memref<32768xi32, #tpu.memory_space<hbm>> -> memref<2048xi32, #tpu.memory_space<hbm>>
        %dma_wait3A_451 = arith.constant 0 : i32
        %dma_wait3A_452 = tpu.memref_slice %arg8[%dma_wait3A_451] : memref<32768xi32, #tpu.memory_space<vmem>> -> memref<2048xi32, #tpu.memory_space<vmem>>
        tpu.wait_dma2 semaphore(%run_scoped3A_428 : memref<!tpu.dma_semaphore, #tpu.memory_space<semaphore_mem>>) src(%dma_wait3A_452 : memref<2048xi32, #tpu.memory_space<vmem>>) dst(%dma_wait3A_450 : memref<2048xi32, #tpu.memory_space<hbm>>)
        tpu.yield
      }) : () -> ()
      %barrier3A_191 = arith.constant 0 : index
      tpu.barrier barrier_id(%barrier3A_191)
      %run_scoped3A_192 = arith.constant 1 : i32
      "tpu.region"() ({
        %run_scoped3A_428 = tpu.sem_alloc : memref<!tpu.dma_semaphore, #tpu.memory_space<semaphore_mem>>
        %dma_start3A_429 = arith.constant 0 : i32
        %dma_start3A_430 = tpu.memref_slice %arg8[%dma_start3A_429] : memref<32768xi32, #tpu.memory_space<vmem>> -> memref<32768xi32, #tpu.memory_space<vmem>>
        %dma_start3A_431 = arith.constant 0 : i32
        %dma_start3A_432 = tpu.memref_slice %arg6[%run_scoped3A_192, %dma_start3A_431] : memref<2x32768xi32, #tpu.memory_space<hbm>> -> memref<1x32768xi32, #tpu.memory_space<hbm>>
        %dma_start3A_433 = tpu.memref_squeeze %dma_start3A_432 : memref<1x32768xi32, #tpu.memory_space<hbm>> -> memref<32768xi32, #tpu.memory_space<hbm>>
        %dma_start3A_434 = arith.constant 0 : i32
        %dma_start3A_435 = tpu.memref_slice %dma_start3A_433[%dma_start3A_434] : memref<32768xi32, #tpu.memory_space<hbm>> -> memref<32768xi32, #tpu.memory_space<hbm>>
        %dma_start3A_436 = arith.constant 0 : i32
        %dma_start3A_437 = tpu.memref_slice %arg8[%dma_start3A_436] : memref<32768xi32, #tpu.memory_space<vmem>> -> memref<32768xi32, #tpu.memory_space<vmem>>
        %dma_start3A_438 = arith.constant 0 : i32
        %dma_start3A_439 = tpu.memref_slice %arg6[%run_scoped3A_192, %dma_start3A_438] : memref<2x32768xi32, #tpu.memory_space<hbm>> -> memref<1x32768xi32, #tpu.memory_space<hbm>>
        %dma_start3A_440 = tpu.memref_squeeze %dma_start3A_439 : memref<1x32768xi32, #tpu.memory_space<hbm>> -> memref<32768xi32, #tpu.memory_space<hbm>>
        %dma_start3A_441 = arith.constant 0 : i32
        %dma_start3A_442 = tpu.memref_slice %dma_start3A_440[%dma_start3A_441] : memref<32768xi32, #tpu.memory_space<hbm>> -> memref<32768xi32, #tpu.memory_space<hbm>>
        tpu.enqueue_dma source(%dma_start3A_442 : memref<32768xi32, #tpu.memory_space<hbm>>) target(%dma_start3A_437 : memref<32768xi32, #tpu.memory_space<vmem>>) target_semaphore(%run_scoped3A_428 : memref<!tpu.dma_semaphore, #tpu.memory_space<semaphore_mem>>)
        %dma_wait3A_443 = arith.constant 0 : i32
        %dma_wait3A_444 = tpu.memref_slice %arg8[%dma_wait3A_443] : memref<32768xi32, #tpu.memory_space<vmem>> -> memref<32768xi32, #tpu.memory_space<vmem>>
        %dma_wait3A_445 = arith.constant 0 : i32
        %dma_wait3A_446 = tpu.memref_slice %arg6[%run_scoped3A_192, %dma_wait3A_445] : memref<2x32768xi32, #tpu.memory_space<hbm>> -> memref<1x32768xi32, #tpu.memory_space<hbm>>
        %dma_wait3A_447 = tpu.memref_squeeze %dma_wait3A_446 : memref<1x32768xi32, #tpu.memory_space<hbm>> -> memref<32768xi32, #tpu.memory_space<hbm>>
        %dma_wait3A_448 = arith.constant 0 : i32
        %dma_wait3A_449 = tpu.memref_slice %dma_wait3A_447[%dma_wait3A_448] : memref<32768xi32, #tpu.memory_space<hbm>> -> memref<32768xi32, #tpu.memory_space<hbm>>
        %dma_wait3A_450 = arith.constant 0 : i32
        %dma_wait3A_451 = tpu.memref_slice %arg8[%dma_wait3A_450] : memref<32768xi32, #tpu.memory_space<vmem>> -> memref<32768xi32, #tpu.memory_space<vmem>>
        %dma_wait3A_452 = arith.constant 0 : i32
        %dma_wait3A_453 = tpu.memref_slice %arg6[%run_scoped3A_192, %dma_wait3A_452] : memref<2x32768xi32, #tpu.memory_space<hbm>> -> memref<1x32768xi32, #tpu.memory_space<hbm>>
        %dma_wait3A_454 = tpu.memref_squeeze %dma_wait3A_453 : memref<1x32768xi32, #tpu.memory_space<hbm>> -> memref<32768xi32, #tpu.memory_space<hbm>>
        %dma_wait3A_455 = arith.constant 0 : i32
        %dma_wait3A_456 = tpu.memref_slice %dma_wait3A_454[%dma_wait3A_455] : memref<32768xi32, #tpu.memory_space<hbm>> -> memref<32768xi32, #tpu.memory_space<hbm>>
        tpu.wait_dma2 semaphore(%run_scoped3A_428 : memref<!tpu.dma_semaphore, #tpu.memory_space<semaphore_mem>>) src(%dma_wait3A_456 : memref<32768xi32, #tpu.memory_space<hbm>>) dst(%dma_wait3A_451 : memref<32768xi32, #tpu.memory_space<vmem>>)
        tpu.yield
      }) : () -> ()
      %parallel_loop3A_193 = arith.constant 0 : i32
      %parallel_loop3A_194 = arith.constant 2048 : i32
      %parallel_loop3A_195 = arith.constant 16 : i32
      scf.for %parallel_loop3A_428 = %parallel_loop3A_193 to %parallel_loop3A_194 step %parallel_loop3A_195  : i32 {
        %parallel_loop3A_429 = arith.index_cast %parallel_loop3A_428 : i32 to index
        %parallel_loop3A_430 = tpu.vector_load %arg8[%parallel_loop3A_429] {strides = array<i32>} : memref<32768xi32, #tpu.memory_space<vmem>>, vector<16xi32>,
        %parallel_loop3A_431 = arith.constant 2048 : i32
        %parallel_loop3A_432 = arith.addi %parallel_loop3A_431, %parallel_loop3A_428 : i32
        %parallel_loop3A_433 = arith.index_cast %parallel_loop3A_432 : i32 to index
        %parallel_loop3A_434 = tpu.vector_load %arg8[%parallel_loop3A_433] {strides = array<i32>} : memref<32768xi32, #tpu.memory_space<vmem>>, vector<16xi32>,
        %parallel_loop3A_435 = arith.addi %parallel_loop3A_430, %parallel_loop3A_434 : vector<16xi32>
        %parallel_loop3A_436 = arith.constant 4096 : i32
        %parallel_loop3A_437 = arith.addi %parallel_loop3A_436, %parallel_loop3A_428 : i32
        %parallel_loop3A_438 = arith.index_cast %parallel_loop3A_437 : i32 to index
        %parallel_loop3A_439 = tpu.vector_load %arg8[%parallel_loop3A_438] {strides = array<i32>} : memref<32768xi32, #tpu.memory_space<vmem>>, vector<16xi32>,
        %parallel_loop3A_440 = arith.addi %parallel_loop3A_435, %parallel_loop3A_439 : vector<16xi32>
        %parallel_loop3A_441 = arith.constant 6144 : i32
        %parallel_loop3A_442 = arith.addi %parallel_loop3A_441, %parallel_loop3A_428 : i32
        %parallel_loop3A_443 = arith.index_cast %parallel_loop3A_442 : i32 to index
        %parallel_loop3A_444 = tpu.vector_load %arg8[%parallel_loop3A_443] {strides = array<i32>} : memref<32768xi32, #tpu.memory_space<vmem>>, vector<16xi32>,
        %parallel_loop3A_445 = arith.addi %parallel_loop3A_440, %parallel_loop3A_444 : vector<16xi32>
        %parallel_loop3A_446 = arith.constant 8192 : i32
        %parallel_loop3A_447 = arith.addi %parallel_loop3A_446, %parallel_loop3A_428 : i32
        %parallel_loop3A_448 = arith.index_cast %parallel_loop3A_447 : i32 to index
        %parallel_loop3A_449 = tpu.vector_load %arg8[%parallel_loop3A_448] {strides = array<i32>} : memref<32768xi32, #tpu.memory_space<vmem>>, vector<16xi32>,
        %parallel_loop3A_450 = arith.addi %parallel_loop3A_445, %parallel_loop3A_449 : vector<16xi32>
        %parallel_loop3A_451 = arith.constant 10240 : i32
        %parallel_loop3A_452 = arith.addi %parallel_loop3A_451, %parallel_loop3A_428 : i32
        %parallel_loop3A_453 = arith.index_cast %parallel_loop3A_452 : i32 to index
        %parallel_loop3A_454 = tpu.vector_load %arg8[%parallel_loop3A_453] {strides = array<i32>} : memref<32768xi32, #tpu.memory_space<vmem>>, vector<16xi32>,
        %parallel_loop3A_455 = arith.addi %parallel_loop3A_450, %parallel_loop3A_454 : vector<16xi32>
        %parallel_loop3A_456 = arith.constant 12288 : i32
        %parallel_loop3A_457 = arith.addi %parallel_loop3A_456, %parallel_loop3A_428 : i32
        %parallel_loop3A_458 = arith.index_cast %parallel_loop3A_457 : i32 to index
        %parallel_loop3A_459 = tpu.vector_load %arg8[%parallel_loop3A_458] {strides = array<i32>} : memref<32768xi32, #tpu.memory_space<vmem>>, vector<16xi32>,
        %parallel_loop3A_460 = arith.addi %parallel_loop3A_455, %parallel_loop3A_459 : vector<16xi32>
        %parallel_loop3A_461 = arith.constant 14336 : i32
        %parallel_loop3A_462 = arith.addi %parallel_loop3A_461, %parallel_loop3A_428 : i32
        %parallel_loop3A_463 = arith.index_cast %parallel_loop3A_462 : i32 to index
        %parallel_loop3A_464 = tpu.vector_load %arg8[%parallel_loop3A_463] {strides = array<i32>} : memref<32768xi32, #tpu.memory_space<vmem>>, vector<16xi32>,
        %parallel_loop3A_465 = arith.addi %parallel_loop3A_460, %parallel_loop3A_464 : vector<16xi32>
        %parallel_loop3A_466 = arith.constant 16384 : i32
        %parallel_loop3A_467 = arith.addi %parallel_loop3A_466, %parallel_loop3A_428 : i32
        %parallel_loop3A_468 = arith.index_cast %parallel_loop3A_467 : i32 to index
        %parallel_loop3A_469 = tpu.vector_load %arg8[%parallel_loop3A_468] {strides = array<i32>} : memref<32768xi32, #tpu.memory_space<vmem>>, vector<16xi32>,
        %parallel_loop3A_470 = arith.addi %parallel_loop3A_465, %parallel_loop3A_469 : vector<16xi32>
        %parallel_loop3A_471 = arith.constant 18432 : i32
        %parallel_loop3A_472 = arith.addi %parallel_loop3A_471, %parallel_loop3A_428 : i32
        %parallel_loop3A_473 = arith.index_cast %parallel_loop3A_472 : i32 to index
        %parallel_loop3A_474 = tpu.vector_load %arg8[%parallel_loop3A_473] {strides = array<i32>} : memref<32768xi32, #tpu.memory_space<vmem>>, vector<16xi32>,
        %parallel_loop3A_475 = arith.addi %parallel_loop3A_470, %parallel_loop3A_474 : vector<16xi32>
        %parallel_loop3A_476 = arith.constant 20480 : i32
        %parallel_loop3A_477 = arith.addi %parallel_loop3A_476, %parallel_loop3A_428 : i32
        %parallel_loop3A_478 = arith.index_cast %parallel_loop3A_477 : i32 to index
        %parallel_loop3A_479 = tpu.vector_load %arg8[%parallel_loop3A_478] {strides = array<i32>} : memref<32768xi32, #tpu.memory_space<vmem>>, vector<16xi32>,
        %parallel_loop3A_480 = arith.addi %parallel_loop3A_475, %parallel_loop3A_479 : vector<16xi32>
        %parallel_loop3A_481 = arith.constant 22528 : i32
        %parallel_loop3A_482 = arith.addi %parallel_loop3A_481, %parallel_loop3A_428 : i32
        %parallel_loop3A_483 = arith.index_cast %parallel_loop3A_482 : i32 to index
        %parallel_loop3A_484 = tpu.vector_load %arg8[%parallel_loop3A_483] {strides = array<i32>} : memref<32768xi32, #tpu.memory_space<vmem>>, vector<16xi32>,
        %parallel_loop3A_485 = arith.addi %parallel_loop3A_480, %parallel_loop3A_484 : vector<16xi32>
        %parallel_loop3A_486 = arith.constant 24576 : i32
        %parallel_loop3A_487 = arith.addi %parallel_loop3A_486, %parallel_loop3A_428 : i32
        %parallel_loop3A_488 = arith.index_cast %parallel_loop3A_487 : i32 to index
        %parallel_loop3A_489 = tpu.vector_load %arg8[%parallel_loop3A_488] {strides = array<i32>} : memref<32768xi32, #tpu.memory_space<vmem>>, vector<16xi32>,
        %parallel_loop3A_490 = arith.addi %parallel_loop3A_485, %parallel_loop3A_489 : vector<16xi32>
        %parallel_loop3A_491 = arith.constant 26624 : i32
        %parallel_loop3A_492 = arith.addi %parallel_loop3A_491, %parallel_loop3A_428 : i32
        %parallel_loop3A_493 = arith.index_cast %parallel_loop3A_492 : i32 to index
        %parallel_loop3A_494 = tpu.vector_load %arg8[%parallel_loop3A_493] {strides = array<i32>} : memref<32768xi32, #tpu.memory_space<vmem>>, vector<16xi32>,
        %parallel_loop3A_495 = arith.addi %parallel_loop3A_490, %parallel_loop3A_494 : vector<16xi32>
        %parallel_loop3A_496 = arith.constant 28672 : i32
        %parallel_loop3A_497 = arith.addi %parallel_loop3A_496, %parallel_loop3A_428 : i32
        %parallel_loop3A_498 = arith.index_cast %parallel_loop3A_497 : i32 to index
        %parallel_loop3A_499 = tpu.vector_load %arg8[%parallel_loop3A_498] {strides = array<i32>} : memref<32768xi32, #tpu.memory_space<vmem>>, vector<16xi32>,
        %parallel_loop3A_500 = arith.addi %parallel_loop3A_495, %parallel_loop3A_499 : vector<16xi32>
        %parallel_loop3A_501 = arith.constant 30720 : i32
        %parallel_loop3A_502 = arith.addi %parallel_loop3A_501, %parallel_loop3A_428 : i32
        %parallel_loop3A_503 = arith.index_cast %parallel_loop3A_502 : i32 to index
        %parallel_loop3A_504 = tpu.vector_load %arg8[%parallel_loop3A_503] {strides = array<i32>} : memref<32768xi32, #tpu.memory_space<vmem>>, vector<16xi32>,
        %parallel_loop3A_505 = arith.addi %parallel_loop3A_500, %parallel_loop3A_504 : vector<16xi32>
        %parallel_loop3A_506 = arith.index_cast %parallel_loop3A_428 : i32 to index
        %parallel_loop3A_507 = tpu.vector_load %arg9[%parallel_loop3A_506] {strides = array<i32>} : memref<2048xi32, #tpu.memory_space<vmem>>, vector<16xi32>,
        tpu.vector_store %arg9[%parallel_loop3A_506], %parallel_loop3A_505 {strides = array<i32>} : memref<2048xi32, #tpu.memory_space<vmem>>, vector<16xi32>,
      } {sc.loop_unroll_factor = 4 : i64, sc.parallel_access}
      %broadcast_in_dim3A_196 = arith.constant 0 : i32
      %broadcast_in_dim3A_197 = vector.broadcast %broadcast_in_dim3A_196 : i32 to vector<16xi32>
      %parallel_loop3A_198 = arith.constant 0 : i32
      %parallel_loop3A_199 = arith.constant 2048 : i32
      %parallel_loop3A_200 = arith.constant 16 : i32
      %parallel_loop3A_201:2 = scf.for %parallel_loop3A_428 = %parallel_loop3A_198 to %parallel_loop3A_199 step %parallel_loop3A_200 iter_args(%parallel_loop3A_429 = %broadcast_in_dim3A_197, %parallel_loop3A_430 = %broadcast_in_dim3A_197) -> (vector<16xi32>, vector<16xi32>)  : i32 {
        %parallel_loop3A_431 = arith.index_cast %parallel_loop3A_428 : i32 to index
        %parallel_loop3A_432 = tpu.vector_load %arg9[%parallel_loop3A_431] {strides = array<i32>} : memref<2048xi32, #tpu.memory_space<vmem>>, vector<16xi32>,
        %parallel_loop3A_433 = arith.constant true
        %parallel_loop3A_434 = vector.broadcast %parallel_loop3A_433 : i1 to vector<16xi1>
        %parallel_loop3A_435 = tpu.scan <sum>, %parallel_loop3A_432 masked %parallel_loop3A_434 : vector<16xi32>, vector<16xi1> -> vector<16xi32>
        %parallel_loop3A_436 = arith.addi %parallel_loop3A_429, %parallel_loop3A_435 : vector<16xi32>
        %parallel_loop3A_437 = arith.index_cast %parallel_loop3A_428 : i32 to index
        %parallel_loop3A_438 = tpu.vector_load %arg9[%parallel_loop3A_437] {strides = array<i32>} : memref<2048xi32, #tpu.memory_space<vmem>>, vector<16xi32>,
        tpu.vector_store %arg9[%parallel_loop3A_437], %parallel_loop3A_436 {strides = array<i32>} : memref<2048xi32, #tpu.memory_space<vmem>>, vector<16xi32>,
        %parallel_loop3A_439 = arith.constant 0 : i32
        %parallel_loop3A_440 = vector.broadcast %parallel_loop3A_439 : i32 to vector<16xi32>
        %parallel_loop3A_441 = arith.cmpi slt, %broadcast_in_dim3A_76, %parallel_loop3A_440 : vector<16xi32>
        %parallel_loop3A_442 = arith.constant 16 : i32
        %parallel_loop3A_443 = vector.broadcast %parallel_loop3A_442 : i32 to vector<16xi32>
        %parallel_loop3A_444 = arith.addi %broadcast_in_dim3A_76, %parallel_loop3A_443 : vector<16xi32>
        %parallel_loop3A_445 = arith.select %parallel_loop3A_441, %parallel_loop3A_444, %broadcast_in_dim3A_76 : vector<16xi1>, vector<16xi32>
        %parallel_loop3A_446 = vector.shape_cast %parallel_loop3A_445 : vector<16xi32> to vector<16x1xi32>
        %parallel_loop3A_447 = vector.shape_cast %parallel_loop3A_446 : vector<16x1xi32> to vector<16xi32>
        %parallel_loop3A_448 = tpu.dynamic_gather %parallel_loop3A_436[%parallel_loop3A_447] in [0] : vector<16xi32>, vector<16xi32> -> vector<16xi32>
        %parallel_loop3A_449 = vector.broadcast %sub3A_179 : i32 to vector<16xi32>
        %parallel_loop3A_450 = arith.cmpi sle, %parallel_loop3A_436, %parallel_loop3A_449 : vector<16xi32>
        %parallel_loop3A_451 = arith.constant 1 : i32
        %parallel_loop3A_452 = arith.constant 0 : i32
        %parallel_loop3A_453 = vector.broadcast %parallel_loop3A_451 : i32 to vector<16xi32>
        %parallel_loop3A_454 = vector.broadcast %parallel_loop3A_452 : i32 to vector<16xi32>
        %parallel_loop3A_455 = arith.select %parallel_loop3A_450, %parallel_loop3A_453, %parallel_loop3A_454 : vector<16xi1>, vector<16xi32>
        %parallel_loop3A_456 = arith.addi %parallel_loop3A_430, %parallel_loop3A_455 : vector<16xi32>
        scf.yield %parallel_loop3A_448, %parallel_loop3A_456 : vector<16xi32>, vector<16xi32>
      } {sc.loop_unroll_factor = 2 : i64, sc.parallel_access}
      %reduce_sum3A_202 = arith.constant true
      %reduce_sum3A_203 = vector.broadcast %reduce_sum3A_202 : i1 to vector<16xi1>
      %reduce_sum3A_204 = tpu.scan <sum>, %parallel_loop3A_201#1 masked %reduce_sum3A_203 : vector<16xi32>, vector<16xi1> -> vector<16xi32>
      %reduce_sum3A_205 = vector.extract %reduce_sum3A_204[15] : i32 from vector<16xi32>
      %sub3A_206 = arith.constant 1 : i32
      %sub3A_207 = arith.subi %reduce_sum3A_205, %sub3A_206 : i32
      %max3A_208 = arith.constant 0 : i32
      %max3A_209 = arith.maxsi %sub3A_207, %max3A_208 : i32
      %shift_right_arithmetic3A_210 = arith.constant 4 : i32
      %shift_right_arithmetic3A_211 = arith.shrsi %max3A_209, %shift_right_arithmetic3A_210 : i32
      %mul3A_212 = arith.constant 16 : i32
      %mul3A_213 = arith.muli %shift_right_arithmetic3A_211, %mul3A_212 : i32
      %get3A_214 = arith.index_cast %mul3A_213 : i32 to index
      %get3A_215 = tpu.vector_load %arg9[%get3A_214] {strides = array<i32>} : memref<2048xi32, #tpu.memory_space<vmem>>, vector<16xi32>,
      %and3A_216 = arith.constant 15 : i32
      %and3A_217 = arith.andi %max3A_209, %and3A_216 : i32
      %eq3A_218 = vector.broadcast %and3A_217 : i32 to vector<16xi32>
      %eq3A_219 = arith.cmpi eq, %iota3A, %eq3A_218 : vector<16xi32>
      %jit3A_220 = arith.constant 0 : i32
      %broadcast_in_dim3A_221 = vector.broadcast %jit3A_220 : i32 to vector<16xi32>
      %select_n3A_222 = arith.select %eq3A_219, %get3A_215, %broadcast_in_dim3A_221 : vector<16xi1>, vector<16xi32>
      %reduce_max3A_223 = arith.constant true
      %reduce_max3A_224 = vector.broadcast %reduce_max3A_223 : i1 to vector<16xi1>
      %reduce_max3A_225 = arith.constant -2147483648 : i32
      %reduce_max3A_226 = vector.broadcast %reduce_max3A_225 : i32 to vector<16xi32>
      %reduce_max3A_227 = arith.xori %select_n3A_222, %reduce_max3A_226 : vector<16xi32>
      %reduce_max3A_228 = tpu.scan <max>, %reduce_max3A_227 masked %reduce_max3A_224 : vector<16xi32>, vector<16xi1> -> vector<16xi32>
      %reduce_max3A_229 = arith.xori %reduce_max3A_228, %reduce_max3A_226 : vector<16xi32>
      %reduce_max3A_230 = vector.extract %reduce_max3A_229[15] : i32 from vector<16xi32>
      %gt3A_231 = arith.constant 0 : i32
      %gt3A_232 = arith.cmpi sgt, %reduce_sum3A_205, %gt3A_231 : i32
      %jit3A_233 = arith.constant 0 : i32
      %select_n3A_234 = arith.select %gt3A_232, %reduce_max3A_230, %jit3A_233 : i32
      %sub3A_235 = arith.subi %sub3A_179, %select_n3A_234 : i32
      %shift_left3A_236 = arith.constant 11 : i32
      %shift_left3A_237 = arith.shli %or3A, %shift_left3A_236 : i32
      %or3A_238 = arith.ori %shift_left3A_237, %reduce_sum3A_205 : i32
      %parallel_loop3A_239 = arith.constant 0 : i32
      %parallel_loop3A_240 = arith.constant 1024 : i32
      %parallel_loop3A_241 = arith.constant 16 : i32
      scf.for %parallel_loop3A_428 = %parallel_loop3A_239 to %parallel_loop3A_240 step %parallel_loop3A_241  : i32 {
        %parallel_loop3A_429 = arith.index_cast %parallel_loop3A_428 : i32 to index
        %parallel_loop3A_430 = tpu.vector_load %arg8[%parallel_loop3A_429] {strides = array<i32>} : memref<32768xi32, #tpu.memory_space<vmem>>, vector<16xi32>,
        tpu.vector_store %arg8[%parallel_loop3A_429], %broadcast_in_dim3A_0 {strides = array<i32>} : memref<32768xi32, #tpu.memory_space<vmem>>, vector<16xi32>,
      } {sc.loop_unroll_factor = 8 : i64, sc.parallel_access}
      %parallel_loop3A_242 = arith.constant 0 : i32
      %parallel_loop3A_243 = arith.constant 65536 : i32
      %parallel_loop3A_244 = arith.constant 16 : i32
      scf.for %parallel_loop3A_428 = %parallel_loop3A_242 to %parallel_loop3A_243 step %parallel_loop3A_244  : i32 {
        %parallel_loop3A_429 = arith.constant 7 : i32
        %parallel_loop3A_430 = arith.shrsi %parallel_loop3A_428, %parallel_loop3A_429 : i32
        %parallel_loop3A_431 = arith.constant 127 : i32
        %parallel_loop3A_432 = arith.andi %parallel_loop3A_428, %parallel_loop3A_431 : i32
        %parallel_loop3A_433 = arith.index_cast %parallel_loop3A_430 : i32 to index
        %parallel_loop3A_434 = arith.index_cast %parallel_loop3A_432 : i32 to index
        %parallel_loop3A_435 = tpu.vector_load %arg7[%parallel_loop3A_433, %parallel_loop3A_434] {strides = array<i32>} : memref<512x128xf32, #tpu.memory_space<vmem>>, vector<16xf32>,
        %parallel_loop3A_436 = tpu.bitcast %parallel_loop3A_435 : vector<16xf32> -> vector<16xi32>
        %parallel_loop3A_437 = arith.constant 2147483647 : i32
        %parallel_loop3A_438 = vector.broadcast %parallel_loop3A_437 : i32 to vector<16xi32>
        %parallel_loop3A_439 = arith.andi %parallel_loop3A_436, %parallel_loop3A_438 : vector<16xi32>
        %parallel_loop3A_440 = arith.constant 1023 : i32
        %parallel_loop3A_441 = vector.broadcast %parallel_loop3A_440 : i32 to vector<16xi32>
        %parallel_loop3A_442 = arith.andi %parallel_loop3A_439, %parallel_loop3A_441 : vector<16xi32>
        %parallel_loop3A_443 = arith.constant 10 : i32
        %parallel_loop3A_444 = vector.broadcast %parallel_loop3A_443 : i32 to vector<16xi32>
        %parallel_loop3A_445 = arith.shrsi %parallel_loop3A_439, %parallel_loop3A_444 : vector<16xi32>
        %parallel_loop3A_446 = vector.broadcast %or3A_238 : i32 to vector<16xi32>
        %parallel_loop3A_447 = arith.cmpi eq, %parallel_loop3A_445, %parallel_loop3A_446 : vector<16xi32>
        tpu.vector_store_idx %arg8[%parallel_loop3A_442], %broadcast_in_dim3A_2 masked %parallel_loop3A_447 {add = true} : memref<32768xi32, #tpu.memory_space<vmem>>[vector<16xi32>], vector<16xi32>, vector<16xi1>
      } {sc.loop_unroll_factor = 8 : i64, sc.parallel_access}
      %mul3A_245 = arith.constant 1024 : i32
      %mul3A_246 = arith.muli %arg1, %mul3A_245 : i32
      %run_scoped3A_247 = arith.constant 1 : i32
      "tpu.region"() ({
        %run_scoped3A_428 = tpu.sem_alloc : memref<!tpu.dma_semaphore, #tpu.memory_space<semaphore_mem>>
        %dma_start3A_429 = arith.constant 0 : i32
        %dma_start3A_430 = tpu.memref_slice %arg8[%dma_start3A_429] : memref<32768xi32, #tpu.memory_space<vmem>> -> memref<1024xi32, #tpu.memory_space<vmem>>
        %dma_start3A_431 = arith.constant 0 : i32
        %dma_start3A_432 = tpu.memref_slice %arg6[%run_scoped3A_247, %dma_start3A_431] : memref<2x32768xi32, #tpu.memory_space<hbm>> -> memref<1x32768xi32, #tpu.memory_space<hbm>>
        %dma_start3A_433 = tpu.memref_squeeze %dma_start3A_432 : memref<1x32768xi32, #tpu.memory_space<hbm>> -> memref<32768xi32, #tpu.memory_space<hbm>>
        %dma_start3A_434 = tpu.memref_slice %dma_start3A_433[%mul3A_246] : memref<32768xi32, #tpu.memory_space<hbm>> -> memref<1024xi32, #tpu.memory_space<hbm>>
        %dma_start3A_435 = arith.constant 0 : i32
        %dma_start3A_436 = tpu.memref_slice %arg6[%run_scoped3A_247, %dma_start3A_435] : memref<2x32768xi32, #tpu.memory_space<hbm>> -> memref<1x32768xi32, #tpu.memory_space<hbm>>
        %dma_start3A_437 = tpu.memref_squeeze %dma_start3A_436 : memref<1x32768xi32, #tpu.memory_space<hbm>> -> memref<32768xi32, #tpu.memory_space<hbm>>
        %dma_start3A_438 = tpu.memref_slice %dma_start3A_437[%mul3A_246] : memref<32768xi32, #tpu.memory_space<hbm>> -> memref<1024xi32, #tpu.memory_space<hbm>>
        %dma_start3A_439 = arith.constant 0 : i32
        %dma_start3A_440 = tpu.memref_slice %arg8[%dma_start3A_439] : memref<32768xi32, #tpu.memory_space<vmem>> -> memref<1024xi32, #tpu.memory_space<vmem>>
        tpu.enqueue_dma source(%dma_start3A_440 : memref<1024xi32, #tpu.memory_space<vmem>>) target(%dma_start3A_438 : memref<1024xi32, #tpu.memory_space<hbm>>) target_semaphore(%run_scoped3A_428 : memref<!tpu.dma_semaphore, #tpu.memory_space<semaphore_mem>>)
        %dma_wait3A_441 = arith.constant 0 : i32
        %dma_wait3A_442 = tpu.memref_slice %arg8[%dma_wait3A_441] : memref<32768xi32, #tpu.memory_space<vmem>> -> memref<1024xi32, #tpu.memory_space<vmem>>
        %dma_wait3A_443 = arith.constant 0 : i32
        %dma_wait3A_444 = tpu.memref_slice %arg6[%run_scoped3A_247, %dma_wait3A_443] : memref<2x32768xi32, #tpu.memory_space<hbm>> -> memref<1x32768xi32, #tpu.memory_space<hbm>>
        %dma_wait3A_445 = tpu.memref_squeeze %dma_wait3A_444 : memref<1x32768xi32, #tpu.memory_space<hbm>> -> memref<32768xi32, #tpu.memory_space<hbm>>
        %dma_wait3A_446 = tpu.memref_slice %dma_wait3A_445[%mul3A_246] : memref<32768xi32, #tpu.memory_space<hbm>> -> memref<1024xi32, #tpu.memory_space<hbm>>
        %dma_wait3A_447 = arith.constant 0 : i32
        %dma_wait3A_448 = tpu.memref_slice %arg6[%run_scoped3A_247, %dma_wait3A_447] : memref<2x32768xi32, #tpu.memory_space<hbm>> -> memref<1x32768xi32, #tpu.memory_space<hbm>>
        %dma_wait3A_449 = tpu.memref_squeeze %dma_wait3A_448 : memref<1x32768xi32, #tpu.memory_space<hbm>> -> memref<32768xi32, #tpu.memory_space<hbm>>
        %dma_wait3A_450 = tpu.memref_slice %dma_wait3A_449[%mul3A_246] : memref<32768xi32, #tpu.memory_space<hbm>> -> memref<1024xi32, #tpu.memory_space<hbm>>
        %dma_wait3A_451 = arith.constant 0 : i32
        %dma_wait3A_452 = tpu.memref_slice %arg8[%dma_wait3A_451] : memref<32768xi32, #tpu.memory_space<vmem>> -> memref<1024xi32, #tpu.memory_space<vmem>>
        tpu.wait_dma2 semaphore(%run_scoped3A_428 : memref<!tpu.dma_semaphore, #tpu.memory_space<semaphore_mem>>) src(%dma_wait3A_452 : memref<1024xi32, #tpu.memory_space<vmem>>) dst(%dma_wait3A_450 : memref<1024xi32, #tpu.memory_space<hbm>>)
        tpu.yield
      }) : () -> ()
      %barrier3A_248 = arith.constant 0 : index
      tpu.barrier barrier_id(%barrier3A_248)
      %run_scoped3A_249 = arith.constant 1 : i32
      "tpu.region"() ({
        %run_scoped3A_428 = tpu.sem_alloc : memref<!tpu.dma_semaphore, #tpu.memory_space<semaphore_mem>>
        %dma_start3A_429 = arith.constant 0 : i32
        %dma_start3A_430 = tpu.memref_slice %arg8[%dma_start3A_429] : memref<32768xi32, #tpu.memory_space<vmem>> -> memref<16384xi32, #tpu.memory_space<vmem>>
        %dma_start3A_431 = arith.constant 0 : i32
        %dma_start3A_432 = tpu.memref_slice %arg6[%run_scoped3A_249, %dma_start3A_431] : memref<2x32768xi32, #tpu.memory_space<hbm>> -> memref<1x32768xi32, #tpu.memory_space<hbm>>
        %dma_start3A_433 = tpu.memref_squeeze %dma_start3A_432 : memref<1x32768xi32, #tpu.memory_space<hbm>> -> memref<32768xi32, #tpu.memory_space<hbm>>
        %dma_start3A_434 = arith.constant 0 : i32
        %dma_start3A_435 = tpu.memref_slice %dma_start3A_433[%dma_start3A_434] : memref<32768xi32, #tpu.memory_space<hbm>> -> memref<16384xi32, #tpu.memory_space<hbm>>
        %dma_start3A_436 = arith.constant 0 : i32
        %dma_start3A_437 = tpu.memref_slice %arg8[%dma_start3A_436] : memref<32768xi32, #tpu.memory_space<vmem>> -> memref<16384xi32, #tpu.memory_space<vmem>>
        %dma_start3A_438 = arith.constant 0 : i32
        %dma_start3A_439 = tpu.memref_slice %arg6[%run_scoped3A_249, %dma_start3A_438] : memref<2x32768xi32, #tpu.memory_space<hbm>> -> memref<1x32768xi32, #tpu.memory_space<hbm>>
        %dma_start3A_440 = tpu.memref_squeeze %dma_start3A_439 : memref<1x32768xi32, #tpu.memory_space<hbm>> -> memref<32768xi32, #tpu.memory_space<hbm>>
        %dma_start3A_441 = arith.constant 0 : i32
        %dma_start3A_442 = tpu.memref_slice %dma_start3A_440[%dma_start3A_441] : memref<32768xi32, #tpu.memory_space<hbm>> -> memref<16384xi32, #tpu.memory_space<hbm>>
        tpu.enqueue_dma source(%dma_start3A_442 : memref<16384xi32, #tpu.memory_space<hbm>>) target(%dma_start3A_437 : memref<16384xi32, #tpu.memory_space<vmem>>) target_semaphore(%run_scoped3A_428 : memref<!tpu.dma_semaphore, #tpu.memory_space<semaphore_mem>>)
        %dma_wait3A_443 = arith.constant 0 : i32
        %dma_wait3A_444 = tpu.memref_slice %arg8[%dma_wait3A_443] : memref<32768xi32, #tpu.memory_space<vmem>> -> memref<16384xi32, #tpu.memory_space<vmem>>
        %dma_wait3A_445 = arith.constant 0 : i32
        %dma_wait3A_446 = tpu.memref_slice %arg6[%run_scoped3A_249, %dma_wait3A_445] : memref<2x32768xi32, #tpu.memory_space<hbm>> -> memref<1x32768xi32, #tpu.memory_space<hbm>>
        %dma_wait3A_447 = tpu.memref_squeeze %dma_wait3A_446 : memref<1x32768xi32, #tpu.memory_space<hbm>> -> memref<32768xi32, #tpu.memory_space<hbm>>
        %dma_wait3A_448 = arith.constant 0 : i32
        %dma_wait3A_449 = tpu.memref_slice %dma_wait3A_447[%dma_wait3A_448] : memref<32768xi32, #tpu.memory_space<hbm>> -> memref<16384xi32, #tpu.memory_space<hbm>>
        %dma_wait3A_450 = arith.constant 0 : i32
        %dma_wait3A_451 = tpu.memref_slice %arg8[%dma_wait3A_450] : memref<32768xi32, #tpu.memory_space<vmem>> -> memref<16384xi32, #tpu.memory_space<vmem>>
        %dma_wait3A_452 = arith.constant 0 : i32
        %dma_wait3A_453 = tpu.memref_slice %arg6[%run_scoped3A_249, %dma_wait3A_452] : memref<2x32768xi32, #tpu.memory_space<hbm>> -> memref<1x32768xi32, #tpu.memory_space<hbm>>
        %dma_wait3A_454 = tpu.memref_squeeze %dma_wait3A_453 : memref<1x32768xi32, #tpu.memory_space<hbm>> -> memref<32768xi32, #tpu.memory_space<hbm>>
        %dma_wait3A_455 = arith.constant 0 : i32
        %dma_wait3A_456 = tpu.memref_slice %dma_wait3A_454[%dma_wait3A_455] : memref<32768xi32, #tpu.memory_space<hbm>> -> memref<16384xi32, #tpu.memory_space<hbm>>
        tpu.wait_dma2 semaphore(%run_scoped3A_428 : memref<!tpu.dma_semaphore, #tpu.memory_space<semaphore_mem>>) src(%dma_wait3A_456 : memref<16384xi32, #tpu.memory_space<hbm>>) dst(%dma_wait3A_451 : memref<16384xi32, #tpu.memory_space<vmem>>)
        tpu.yield
      }) : () -> ()
      %parallel_loop3A_250 = arith.constant 0 : i32
      %parallel_loop3A_251 = arith.constant 1024 : i32
      %parallel_loop3A_252 = arith.constant 16 : i32
      scf.for %parallel_loop3A_428 = %parallel_loop3A_250 to %parallel_loop3A_251 step %parallel_loop3A_252  : i32 {
        %parallel_loop3A_429 = arith.index_cast %parallel_loop3A_428 : i32 to index
        %parallel_loop3A_430 = tpu.vector_load %arg8[%parallel_loop3A_429] {strides = array<i32>} : memref<32768xi32, #tpu.memory_space<vmem>>, vector<16xi32>,
        %parallel_loop3A_431 = arith.constant 1024 : i32
        %parallel_loop3A_432 = arith.addi %parallel_loop3A_431, %parallel_loop3A_428 : i32
        %parallel_loop3A_433 = arith.index_cast %parallel_loop3A_432 : i32 to index
        %parallel_loop3A_434 = tpu.vector_load %arg8[%parallel_loop3A_433] {strides = array<i32>} : memref<32768xi32, #tpu.memory_space<vmem>>, vector<16xi32>,
        %parallel_loop3A_435 = arith.addi %parallel_loop3A_430, %parallel_loop3A_434 : vector<16xi32>
        %parallel_loop3A_436 = arith.constant 2048 : i32
        %parallel_loop3A_437 = arith.addi %parallel_loop3A_436, %parallel_loop3A_428 : i32
        %parallel_loop3A_438 = arith.index_cast %parallel_loop3A_437 : i32 to index
        %parallel_loop3A_439 = tpu.vector_load %arg8[%parallel_loop3A_438] {strides = array<i32>} : memref<32768xi32, #tpu.memory_space<vmem>>, vector<16xi32>,
        %parallel_loop3A_440 = arith.addi %parallel_loop3A_435, %parallel_loop3A_439 : vector<16xi32>
        %parallel_loop3A_441 = arith.constant 3072 : i32
        %parallel_loop3A_442 = arith.addi %parallel_loop3A_441, %parallel_loop3A_428 : i32
        %parallel_loop3A_443 = arith.index_cast %parallel_loop3A_442 : i32 to index
        %parallel_loop3A_444 = tpu.vector_load %arg8[%parallel_loop3A_443] {strides = array<i32>} : memref<32768xi32, #tpu.memory_space<vmem>>, vector<16xi32>,
        %parallel_loop3A_445 = arith.addi %parallel_loop3A_440, %parallel_loop3A_444 : vector<16xi32>
        %parallel_loop3A_446 = arith.constant 4096 : i32
        %parallel_loop3A_447 = arith.addi %parallel_loop3A_446, %parallel_loop3A_428 : i32
        %parallel_loop3A_448 = arith.index_cast %parallel_loop3A_447 : i32 to index
        %parallel_loop3A_449 = tpu.vector_load %arg8[%parallel_loop3A_448] {strides = array<i32>} : memref<32768xi32, #tpu.memory_space<vmem>>, vector<16xi32>,
        %parallel_loop3A_450 = arith.addi %parallel_loop3A_445, %parallel_loop3A_449 : vector<16xi32>
        %parallel_loop3A_451 = arith.constant 5120 : i32
        %parallel_loop3A_452 = arith.addi %parallel_loop3A_451, %parallel_loop3A_428 : i32
        %parallel_loop3A_453 = arith.index_cast %parallel_loop3A_452 : i32 to index
        %parallel_loop3A_454 = tpu.vector_load %arg8[%parallel_loop3A_453] {strides = array<i32>} : memref<32768xi32, #tpu.memory_space<vmem>>, vector<16xi32>,
        %parallel_loop3A_455 = arith.addi %parallel_loop3A_450, %parallel_loop3A_454 : vector<16xi32>
        %parallel_loop3A_456 = arith.constant 6144 : i32
        %parallel_loop3A_457 = arith.addi %parallel_loop3A_456, %parallel_loop3A_428 : i32
        %parallel_loop3A_458 = arith.index_cast %parallel_loop3A_457 : i32 to index
        %parallel_loop3A_459 = tpu.vector_load %arg8[%parallel_loop3A_458] {strides = array<i32>} : memref<32768xi32, #tpu.memory_space<vmem>>, vector<16xi32>,
        %parallel_loop3A_460 = arith.addi %parallel_loop3A_455, %parallel_loop3A_459 : vector<16xi32>
        %parallel_loop3A_461 = arith.constant 7168 : i32
        %parallel_loop3A_462 = arith.addi %parallel_loop3A_461, %parallel_loop3A_428 : i32
        %parallel_loop3A_463 = arith.index_cast %parallel_loop3A_462 : i32 to index
        %parallel_loop3A_464 = tpu.vector_load %arg8[%parallel_loop3A_463] {strides = array<i32>} : memref<32768xi32, #tpu.memory_space<vmem>>, vector<16xi32>,
        %parallel_loop3A_465 = arith.addi %parallel_loop3A_460, %parallel_loop3A_464 : vector<16xi32>
        %parallel_loop3A_466 = arith.constant 8192 : i32
        %parallel_loop3A_467 = arith.addi %parallel_loop3A_466, %parallel_loop3A_428 : i32
        %parallel_loop3A_468 = arith.index_cast %parallel_loop3A_467 : i32 to index
        %parallel_loop3A_469 = tpu.vector_load %arg8[%parallel_loop3A_468] {strides = array<i32>} : memref<32768xi32, #tpu.memory_space<vmem>>, vector<16xi32>,
        %parallel_loop3A_470 = arith.addi %parallel_loop3A_465, %parallel_loop3A_469 : vector<16xi32>
        %parallel_loop3A_471 = arith.constant 9216 : i32
        %parallel_loop3A_472 = arith.addi %parallel_loop3A_471, %parallel_loop3A_428 : i32
        %parallel_loop3A_473 = arith.index_cast %parallel_loop3A_472 : i32 to index
        %parallel_loop3A_474 = tpu.vector_load %arg8[%parallel_loop3A_473] {strides = array<i32>} : memref<32768xi32, #tpu.memory_space<vmem>>, vector<16xi32>,
        %parallel_loop3A_475 = arith.addi %parallel_loop3A_470, %parallel_loop3A_474 : vector<16xi32>
        %parallel_loop3A_476 = arith.constant 10240 : i32
        %parallel_loop3A_477 = arith.addi %parallel_loop3A_476, %parallel_loop3A_428 : i32
        %parallel_loop3A_478 = arith.index_cast %parallel_loop3A_477 : i32 to index
        %parallel_loop3A_479 = tpu.vector_load %arg8[%parallel_loop3A_478] {strides = array<i32>} : memref<32768xi32, #tpu.memory_space<vmem>>, vector<16xi32>,
        %parallel_loop3A_480 = arith.addi %parallel_loop3A_475, %parallel_loop3A_479 : vector<16xi32>
        %parallel_loop3A_481 = arith.constant 11264 : i32
        %parallel_loop3A_482 = arith.addi %parallel_loop3A_481, %parallel_loop3A_428 : i32
        %parallel_loop3A_483 = arith.index_cast %parallel_loop3A_482 : i32 to index
        %parallel_loop3A_484 = tpu.vector_load %arg8[%parallel_loop3A_483] {strides = array<i32>} : memref<32768xi32, #tpu.memory_space<vmem>>, vector<16xi32>,
        %parallel_loop3A_485 = arith.addi %parallel_loop3A_480, %parallel_loop3A_484 : vector<16xi32>
        %parallel_loop3A_486 = arith.constant 12288 : i32
        %parallel_loop3A_487 = arith.addi %parallel_loop3A_486, %parallel_loop3A_428 : i32
        %parallel_loop3A_488 = arith.index_cast %parallel_loop3A_487 : i32 to index
        %parallel_loop3A_489 = tpu.vector_load %arg8[%parallel_loop3A_488] {strides = array<i32>} : memref<32768xi32, #tpu.memory_space<vmem>>, vector<16xi32>,
        %parallel_loop3A_490 = arith.addi %parallel_loop3A_485, %parallel_loop3A_489 : vector<16xi32>
        %parallel_loop3A_491 = arith.constant 13312 : i32
        %parallel_loop3A_492 = arith.addi %parallel_loop3A_491, %parallel_loop3A_428 : i32
        %parallel_loop3A_493 = arith.index_cast %parallel_loop3A_492 : i32 to index
        %parallel_loop3A_494 = tpu.vector_load %arg8[%parallel_loop3A_493] {strides = array<i32>} : memref<32768xi32, #tpu.memory_space<vmem>>, vector<16xi32>,
        %parallel_loop3A_495 = arith.addi %parallel_loop3A_490, %parallel_loop3A_494 : vector<16xi32>
        %parallel_loop3A_496 = arith.constant 14336 : i32
        %parallel_loop3A_497 = arith.addi %parallel_loop3A_496, %parallel_loop3A_428 : i32
        %parallel_loop3A_498 = arith.index_cast %parallel_loop3A_497 : i32 to index
        %parallel_loop3A_499 = tpu.vector_load %arg8[%parallel_loop3A_498] {strides = array<i32>} : memref<32768xi32, #tpu.memory_space<vmem>>, vector<16xi32>,
        %parallel_loop3A_500 = arith.addi %parallel_loop3A_495, %parallel_loop3A_499 : vector<16xi32>
        %parallel_loop3A_501 = arith.constant 15360 : i32
        %parallel_loop3A_502 = arith.addi %parallel_loop3A_501, %parallel_loop3A_428 : i32
        %parallel_loop3A_503 = arith.index_cast %parallel_loop3A_502 : i32 to index
        %parallel_loop3A_504 = tpu.vector_load %arg8[%parallel_loop3A_503] {strides = array<i32>} : memref<32768xi32, #tpu.memory_space<vmem>>, vector<16xi32>,
        %parallel_loop3A_505 = arith.addi %parallel_loop3A_500, %parallel_loop3A_504 : vector<16xi32>
        %parallel_loop3A_506 = arith.index_cast %parallel_loop3A_428 : i32 to index
        %parallel_loop3A_507 = tpu.vector_load %arg9[%parallel_loop3A_506] {strides = array<i32>} : memref<2048xi32, #tpu.memory_space<vmem>>, vector<16xi32>,
        tpu.vector_store %arg9[%parallel_loop3A_506], %parallel_loop3A_505 {strides = array<i32>} : memref<2048xi32, #tpu.memory_space<vmem>>, vector<16xi32>,
      } {sc.loop_unroll_factor = 4 : i64, sc.parallel_access}
      %broadcast_in_dim3A_253 = arith.constant 0 : i32
      %broadcast_in_dim3A_254 = vector.broadcast %broadcast_in_dim3A_253 : i32 to vector<16xi32>
      %parallel_loop3A_255 = arith.constant 0 : i32
      %parallel_loop3A_256 = arith.constant 1024 : i32
      %parallel_loop3A_257 = arith.constant 16 : i32
      %parallel_loop3A_258:2 = scf.for %parallel_loop3A_428 = %parallel_loop3A_255 to %parallel_loop3A_256 step %parallel_loop3A_257 iter_args(%parallel_loop3A_429 = %broadcast_in_dim3A_254, %parallel_loop3A_430 = %broadcast_in_dim3A_254) -> (vector<16xi32>, vector<16xi32>)  : i32 {
        %parallel_loop3A_431 = arith.index_cast %parallel_loop3A_428 : i32 to index
        %parallel_loop3A_432 = tpu.vector_load %arg9[%parallel_loop3A_431] {strides = array<i32>} : memref<2048xi32, #tpu.memory_space<vmem>>, vector<16xi32>,
        %parallel_loop3A_433 = arith.constant true
        %parallel_loop3A_434 = vector.broadcast %parallel_loop3A_433 : i1 to vector<16xi1>
        %parallel_loop3A_435 = tpu.scan <sum>, %parallel_loop3A_432 masked %parallel_loop3A_434 : vector<16xi32>, vector<16xi1> -> vector<16xi32>
        %parallel_loop3A_436 = arith.addi %parallel_loop3A_429, %parallel_loop3A_435 : vector<16xi32>
        %parallel_loop3A_437 = arith.index_cast %parallel_loop3A_428 : i32 to index
        %parallel_loop3A_438 = tpu.vector_load %arg9[%parallel_loop3A_437] {strides = array<i32>} : memref<2048xi32, #tpu.memory_space<vmem>>, vector<16xi32>,
        tpu.vector_store %arg9[%parallel_loop3A_437], %parallel_loop3A_436 {strides = array<i32>} : memref<2048xi32, #tpu.memory_space<vmem>>, vector<16xi32>,
        %parallel_loop3A_439 = arith.constant 0 : i32
        %parallel_loop3A_440 = vector.broadcast %parallel_loop3A_439 : i32 to vector<16xi32>
        %parallel_loop3A_441 = arith.cmpi slt, %broadcast_in_dim3A_76, %parallel_loop3A_440 : vector<16xi32>
        %parallel_loop3A_442 = arith.constant 16 : i32
        %parallel_loop3A_443 = vector.broadcast %parallel_loop3A_442 : i32 to vector<16xi32>
        %parallel_loop3A_444 = arith.addi %broadcast_in_dim3A_76, %parallel_loop3A_443 : vector<16xi32>
        %parallel_loop3A_445 = arith.select %parallel_loop3A_441, %parallel_loop3A_444, %broadcast_in_dim3A_76 : vector<16xi1>, vector<16xi32>
        %parallel_loop3A_446 = vector.shape_cast %parallel_loop3A_445 : vector<16xi32> to vector<16x1xi32>
        %parallel_loop3A_447 = vector.shape_cast %parallel_loop3A_446 : vector<16x1xi32> to vector<16xi32>
        %parallel_loop3A_448 = tpu.dynamic_gather %parallel_loop3A_436[%parallel_loop3A_447] in [0] : vector<16xi32>, vector<16xi32> -> vector<16xi32>
        %parallel_loop3A_449 = vector.broadcast %sub3A_235 : i32 to vector<16xi32>
        %parallel_loop3A_450 = arith.cmpi sle, %parallel_loop3A_436, %parallel_loop3A_449 : vector<16xi32>
        %parallel_loop3A_451 = arith.constant 1 : i32
        %parallel_loop3A_452 = arith.constant 0 : i32
        %parallel_loop3A_453 = vector.broadcast %parallel_loop3A_451 : i32 to vector<16xi32>
        %parallel_loop3A_454 = vector.broadcast %parallel_loop3A_452 : i32 to vector<16xi32>
        %parallel_loop3A_455 = arith.select %parallel_loop3A_450, %parallel_loop3A_453, %parallel_loop3A_454 : vector<16xi1>, vector<16xi32>
        %parallel_loop3A_456 = arith.addi %parallel_loop3A_430, %parallel_loop3A_455 : vector<16xi32>
        scf.yield %parallel_loop3A_448, %parallel_loop3A_456 : vector<16xi32>, vector<16xi32>
      } {sc.loop_unroll_factor = 2 : i64, sc.parallel_access}
      %reduce_sum3A_259 = arith.constant true
      %reduce_sum3A_260 = vector.broadcast %reduce_sum3A_259 : i1 to vector<16xi1>
      %reduce_sum3A_261 = tpu.scan <sum>, %parallel_loop3A_258#1 masked %reduce_sum3A_260 : vector<16xi32>, vector<16xi1> -> vector<16xi32>
      %reduce_sum3A_262 = vector.extract %reduce_sum3A_261[15] : i32 from vector<16xi32>
      %sub3A_263 = arith.constant 1 : i32
      %sub3A_264 = arith.subi %reduce_sum3A_262, %sub3A_263 : i32
      %max3A_265 = arith.constant 0 : i32
      %max3A_266 = arith.maxsi %sub3A_264, %max3A_265 : i32
      %shift_right_arithmetic3A_267 = arith.constant 4 : i32
      %shift_right_arithmetic3A_268 = arith.shrsi %max3A_266, %shift_right_arithmetic3A_267 : i32
      %mul3A_269 = arith.constant 16 : i32
      %mul3A_270 = arith.muli %shift_right_arithmetic3A_268, %mul3A_269 : i32
      %get3A_271 = arith.index_cast %mul3A_270 : i32 to index
      %get3A_272 = tpu.vector_load %arg9[%get3A_271] {strides = array<i32>} : memref<2048xi32, #tpu.memory_space<vmem>>, vector<16xi32>,
      %and3A_273 = arith.constant 15 : i32
      %and3A_274 = arith.andi %max3A_266, %and3A_273 : i32
      %eq3A_275 = vector.broadcast %and3A_274 : i32 to vector<16xi32>
      %eq3A_276 = arith.cmpi eq, %iota3A, %eq3A_275 : vector<16xi32>
      %jit3A_277 = arith.constant 0 : i32
      %broadcast_in_dim3A_278 = vector.broadcast %jit3A_277 : i32 to vector<16xi32>
      %select_n3A_279 = arith.select %eq3A_276, %get3A_272, %broadcast_in_dim3A_278 : vector<16xi1>, vector<16xi32>
      %reduce_max3A_280 = arith.constant true
      %reduce_max3A_281 = vector.broadcast %reduce_max3A_280 : i1 to vector<16xi1>
      %reduce_max3A_282 = arith.constant -2147483648 : i32
      %reduce_max3A_283 = vector.broadcast %reduce_max3A_282 : i32 to vector<16xi32>
      %reduce_max3A_284 = arith.xori %select_n3A_279, %reduce_max3A_283 : vector<16xi32>
      %reduce_max3A_285 = tpu.scan <max>, %reduce_max3A_284 masked %reduce_max3A_281 : vector<16xi32>, vector<16xi1> -> vector<16xi32>
      %reduce_max3A_286 = arith.xori %reduce_max3A_285, %reduce_max3A_283 : vector<16xi32>
      %reduce_max3A_287 = vector.extract %reduce_max3A_286[15] : i32 from vector<16xi32>
      %gt3A_288 = arith.constant 0 : i32
      %gt3A_289 = arith.cmpi sgt, %reduce_sum3A_262, %gt3A_288 : i32
      %jit3A_290 = arith.constant 0 : i32
      %select_n3A_291 = arith.select %gt3A_289, %reduce_max3A_287, %jit3A_290 : i32
      %sub3A_292 = arith.subi %sub3A_235, %select_n3A_291 : i32
      %shift_left3A_293 = arith.constant 10 : i32
      %shift_left3A_294 = arith.shli %or3A_238, %shift_left3A_293 : i32
      %or3A_295 = arith.ori %shift_left3A_294, %reduce_sum3A_262 : i32
      %parallel_loop3A_296 = arith.constant 0 : i32
      %parallel_loop3A_297 = arith.constant 16384 : i32
      %parallel_loop3A_298 = arith.constant 16 : i32
      scf.for %parallel_loop3A_428 = %parallel_loop3A_296 to %parallel_loop3A_297 step %parallel_loop3A_298  : i32 {
        %parallel_loop3A_429 = arith.constant 7 : i32
        %parallel_loop3A_430 = arith.shrsi %parallel_loop3A_428, %parallel_loop3A_429 : i32
        %parallel_loop3A_431 = arith.constant 127 : i32
        %parallel_loop3A_432 = arith.andi %parallel_loop3A_428, %parallel_loop3A_431 : i32
        %parallel_loop3A_433 = arith.index_cast %parallel_loop3A_430 : i32 to index
        %parallel_loop3A_434 = arith.index_cast %parallel_loop3A_432 : i32 to index
        %parallel_loop3A_435 = tpu.vector_load %arg7[%parallel_loop3A_433, %parallel_loop3A_434] {strides = array<i32>} : memref<512x128xf32, #tpu.memory_space<vmem>>, vector<16xf32>,
        %parallel_loop3A_436 = tpu.bitcast %parallel_loop3A_435 : vector<16xf32> -> vector<16xi32>
        %parallel_loop3A_437 = arith.constant 2147483647 : i32
        %parallel_loop3A_438 = vector.broadcast %parallel_loop3A_437 : i32 to vector<16xi32>
        %parallel_loop3A_439 = arith.andi %parallel_loop3A_436, %parallel_loop3A_438 : vector<16xi32>
        %parallel_loop3A_440 = vector.broadcast %or3A_295 : i32 to vector<16xi32>
        %parallel_loop3A_441 = arith.cmpi sge, %parallel_loop3A_439, %parallel_loop3A_440 : vector<16xi32>
        %parallel_loop3A_442 = arith.constant 1.000000e+00 : f32
        %parallel_loop3A_443 = arith.constant 0.000000e+00 : f32
        %parallel_loop3A_444 = vector.broadcast %parallel_loop3A_442 : f32 to vector<16xf32>
        %parallel_loop3A_445 = vector.broadcast %parallel_loop3A_443 : f32 to vector<16xf32>
        %parallel_loop3A_446 = arith.select %parallel_loop3A_441, %parallel_loop3A_444, %parallel_loop3A_445 : vector<16xi1>, vector<16xf32>
        %parallel_loop3A_447 = arith.constant 7 : i32
        %parallel_loop3A_448 = arith.shrsi %parallel_loop3A_428, %parallel_loop3A_447 : i32
        %parallel_loop3A_449 = arith.constant 127 : i32
        %parallel_loop3A_450 = arith.andi %parallel_loop3A_428, %parallel_loop3A_449 : i32
        %parallel_loop3A_451 = arith.index_cast %parallel_loop3A_448 : i32 to index
        %parallel_loop3A_452 = arith.index_cast %parallel_loop3A_450 : i32 to index
        %parallel_loop3A_453 = tpu.vector_load %arg7[%parallel_loop3A_451, %parallel_loop3A_452] {strides = array<i32>} : memref<512x128xf32, #tpu.memory_space<vmem>>, vector<16xf32>,
        tpu.vector_store %arg7[%parallel_loop3A_451, %parallel_loop3A_452], %parallel_loop3A_446 {strides = array<i32>} : memref<512x128xf32, #tpu.memory_space<vmem>>, vector<16xf32>,
      } {sc.loop_unroll_factor = 8 : i64, sc.parallel_access}
      %mul3A_299 = arith.constant 512 : i32
      %mul3A_300 = arith.muli %arg1, %mul3A_299 : i32
      %add3A_301 = arith.constant 0 : i32
      %add3A_302 = arith.addi %mul3A_300, %add3A_301 : i32
      %dma_start3A_303 = arith.constant 0 : i32
      %dma_start3A_304 = arith.constant 0 : i32
      %dma_start3A_305 = arith.constant 0 : i32
      %dma_start3A_306 = tpu.memref_slice %arg7[%dma_start3A_304, %dma_start3A_305] : memref<512x128xf32, #tpu.memory_space<vmem>> -> memref<128x128xf32, #tpu.memory_space<vmem>>
      %dma_start3A_307 = arith.constant 0 : i32
      %dma_start3A_308 = tpu.memref_slice %arg5[%add3A_302, %dma_start3A_307] : memref<8192x128xf32, #tpu.memory_space<hbm>> -> memref<128x128xf32, #tpu.memory_space<hbm>>
      %dma_start3A_309 = tpu.memref_slice %arg10[%dma_start3A_303] : memref<4x!tpu.dma_semaphore, #tpu.memory_space<semaphore_mem>> -> memref<1x!tpu.dma_semaphore, #tpu.memory_space<semaphore_mem>>
      %dma_start3A_310 = tpu.memref_squeeze %dma_start3A_309 : memref<1x!tpu.dma_semaphore, #tpu.memory_space<semaphore_mem>> -> memref<!tpu.dma_semaphore, #tpu.memory_space<semaphore_mem>>
      %dma_start3A_311 = arith.constant 0 : i32
      %dma_start3A_312 = tpu.memref_slice %arg5[%add3A_302, %dma_start3A_311] : memref<8192x128xf32, #tpu.memory_space<hbm>> -> memref<128x128xf32, #tpu.memory_space<hbm>>
      %dma_start3A_313 = arith.constant 0 : i32
      %dma_start3A_314 = arith.constant 0 : i32
      %dma_start3A_315 = tpu.memref_slice %arg7[%dma_start3A_313, %dma_start3A_314] : memref<512x128xf32, #tpu.memory_space<vmem>> -> memref<128x128xf32, #tpu.memory_space<vmem>>
      tpu.enqueue_dma source(%dma_start3A_315 : memref<128x128xf32, #tpu.memory_space<vmem>>) target(%dma_start3A_312 : memref<128x128xf32, #tpu.memory_space<hbm>>) target_semaphore(%dma_start3A_310 : memref<!tpu.dma_semaphore, #tpu.memory_space<semaphore_mem>>)
      %parallel_loop3A_316 = arith.constant 16384 : i32
      %parallel_loop3A_317 = arith.constant 32768 : i32
      %parallel_loop3A_318 = arith.constant 16 : i32
      scf.for %parallel_loop3A_428 = %parallel_loop3A_316 to %parallel_loop3A_317 step %parallel_loop3A_318  : i32 {
        %parallel_loop3A_429 = arith.constant 7 : i32
        %parallel_loop3A_430 = arith.shrsi %parallel_loop3A_428, %parallel_loop3A_429 : i32
        %parallel_loop3A_431 = arith.constant 127 : i32
        %parallel_loop3A_432 = arith.andi %parallel_loop3A_428, %parallel_loop3A_431 : i32
        %parallel_loop3A_433 = arith.index_cast %parallel_loop3A_430 : i32 to index
        %parallel_loop3A_434 = arith.index_cast %parallel_loop3A_432 : i32 to index
        %parallel_loop3A_435 = tpu.vector_load %arg7[%parallel_loop3A_433, %parallel_loop3A_434] {strides = array<i32>} : memref<512x128xf32, #tpu.memory_space<vmem>>, vector<16xf32>,
        %parallel_loop3A_436 = tpu.bitcast %parallel_loop3A_435 : vector<16xf32> -> vector<16xi32>
        %parallel_loop3A_437 = arith.constant 2147483647 : i32
        %parallel_loop3A_438 = vector.broadcast %parallel_loop3A_437 : i32 to vector<16xi32>
        %parallel_loop3A_439 = arith.andi %parallel_loop3A_436, %parallel_loop3A_438 : vector<16xi32>
        %parallel_loop3A_440 = vector.broadcast %or3A_295 : i32 to vector<16xi32>
        %parallel_loop3A_441 = arith.cmpi sge, %parallel_loop3A_439, %parallel_loop3A_440 : vector<16xi32>
        %parallel_loop3A_442 = arith.constant 1.000000e+00 : f32
        %parallel_loop3A_443 = arith.constant 0.000000e+00 : f32
        %parallel_loop3A_444 = vector.broadcast %parallel_loop3A_442 : f32 to vector<16xf32>
        %parallel_loop3A_445 = vector.broadcast %parallel_loop3A_443 : f32 to vector<16xf32>
        %parallel_loop3A_446 = arith.select %parallel_loop3A_441, %parallel_loop3A_444, %parallel_loop3A_445 : vector<16xi1>, vector<16xf32>
        %parallel_loop3A_447 = arith.constant 7 : i32
        %parallel_loop3A_448 = arith.shrsi %parallel_loop3A_428, %parallel_loop3A_447 : i32
        %parallel_loop3A_449 = arith.constant 127 : i32
        %parallel_loop3A_450 = arith.andi %parallel_loop3A_428, %parallel_loop3A_449 : i32
        %parallel_loop3A_451 = arith.index_cast %parallel_loop3A_448 : i32 to index
        %parallel_loop3A_452 = arith.index_cast %parallel_loop3A_450 : i32 to index
        %parallel_loop3A_453 = tpu.vector_load %arg7[%parallel_loop3A_451, %parallel_loop3A_452] {strides = array<i32>} : memref<512x128xf32, #tpu.memory_space<vmem>>, vector<16xf32>,
        tpu.vector_store %arg7[%parallel_loop3A_451, %parallel_loop3A_452], %parallel_loop3A_446 {strides = array<i32>} : memref<512x128xf32, #tpu.memory_space<vmem>>, vector<16xf32>,
      } {sc.loop_unroll_factor = 8 : i64, sc.parallel_access}
      %mul3A_319 = arith.constant 512 : i32
      %mul3A_320 = arith.muli %arg1, %mul3A_319 : i32
      %add3A_321 = arith.constant 128 : i32
      %add3A_322 = arith.addi %mul3A_320, %add3A_321 : i32
      %dma_start3A_323 = arith.constant 1 : i32
      %dma_start3A_324 = arith.constant 128 : i32
      %dma_start3A_325 = arith.constant 0 : i32
      %dma_start3A_326 = tpu.memref_slice %arg7[%dma_start3A_324, %dma_start3A_325] : memref<512x128xf32, #tpu.memory_space<vmem>> -> memref<128x128xf32, #tpu.memory_space<vmem>>
      %dma_start3A_327 = arith.constant 0 : i32
      %dma_start3A_328 = tpu.memref_slice %arg5[%add3A_322, %dma_start3A_327] : memref<8192x128xf32, #tpu.memory_space<hbm>> -> memref<128x128xf32, #tpu.memory_space<hbm>>
      %dma_start3A_329 = tpu.memref_slice %arg10[%dma_start3A_323] : memref<4x!tpu.dma_semaphore, #tpu.memory_space<semaphore_mem>> -> memref<1x!tpu.dma_semaphore, #tpu.memory_space<semaphore_mem>>
      %dma_start3A_330 = tpu.memref_squeeze %dma_start3A_329 : memref<1x!tpu.dma_semaphore, #tpu.memory_space<semaphore_mem>> -> memref<!tpu.dma_semaphore, #tpu.memory_space<semaphore_mem>>
      %dma_start3A_331 = arith.constant 0 : i32
      %dma_start3A_332 = tpu.memref_slice %arg5[%add3A_322, %dma_start3A_331] : memref<8192x128xf32, #tpu.memory_space<hbm>> -> memref<128x128xf32, #tpu.memory_space<hbm>>
      %dma_start3A_333 = arith.constant 128 : i32
      %dma_start3A_334 = arith.constant 0 : i32
      %dma_start3A_335 = tpu.memref_slice %arg7[%dma_start3A_333, %dma_start3A_334] : memref<512x128xf32, #tpu.memory_space<vmem>> -> memref<128x128xf32, #tpu.memory_space<vmem>>
      tpu.enqueue_dma source(%dma_start3A_335 : memref<128x128xf32, #tpu.memory_space<vmem>>) target(%dma_start3A_332 : memref<128x128xf32, #tpu.memory_space<hbm>>) target_semaphore(%dma_start3A_330 : memref<!tpu.dma_semaphore, #tpu.memory_space<semaphore_mem>>)
      %parallel_loop3A_336 = arith.constant 32768 : i32
      %parallel_loop3A_337 = arith.constant 49152 : i32
      %parallel_loop3A_338 = arith.constant 16 : i32
      scf.for %parallel_loop3A_428 = %parallel_loop3A_336 to %parallel_loop3A_337 step %parallel_loop3A_338  : i32 {
        %parallel_loop3A_429 = arith.constant 7 : i32
        %parallel_loop3A_430 = arith.shrsi %parallel_loop3A_428, %parallel_loop3A_429 : i32
        %parallel_loop3A_431 = arith.constant 127 : i32
        %parallel_loop3A_432 = arith.andi %parallel_loop3A_428, %parallel_loop3A_431 : i32
        %parallel_loop3A_433 = arith.index_cast %parallel_loop3A_430 : i32 to index
        %parallel_loop3A_434 = arith.index_cast %parallel_loop3A_432 : i32 to index
        %parallel_loop3A_435 = tpu.vector_load %arg7[%parallel_loop3A_433, %parallel_loop3A_434] {strides = array<i32>} : memref<512x128xf32, #tpu.memory_space<vmem>>, vector<16xf32>,
        %parallel_loop3A_436 = tpu.bitcast %parallel_loop3A_435 : vector<16xf32> -> vector<16xi32>
        %parallel_loop3A_437 = arith.constant 2147483647 : i32
        %parallel_loop3A_438 = vector.broadcast %parallel_loop3A_437 : i32 to vector<16xi32>
        %parallel_loop3A_439 = arith.andi %parallel_loop3A_436, %parallel_loop3A_438 : vector<16xi32>
        %parallel_loop3A_440 = vector.broadcast %or3A_295 : i32 to vector<16xi32>
        %parallel_loop3A_441 = arith.cmpi sge, %parallel_loop3A_439, %parallel_loop3A_440 : vector<16xi32>
        %parallel_loop3A_442 = arith.constant 1.000000e+00 : f32
        %parallel_loop3A_443 = arith.constant 0.000000e+00 : f32
        %parallel_loop3A_444 = vector.broadcast %parallel_loop3A_442 : f32 to vector<16xf32>
        %parallel_loop3A_445 = vector.broadcast %parallel_loop3A_443 : f32 to vector<16xf32>
        %parallel_loop3A_446 = arith.select %parallel_loop3A_441, %parallel_loop3A_444, %parallel_loop3A_445 : vector<16xi1>, vector<16xf32>
        %parallel_loop3A_447 = arith.constant 7 : i32
        %parallel_loop3A_448 = arith.shrsi %parallel_loop3A_428, %parallel_loop3A_447 : i32
        %parallel_loop3A_449 = arith.constant 127 : i32
        %parallel_loop3A_450 = arith.andi %parallel_loop3A_428, %parallel_loop3A_449 : i32
        %parallel_loop3A_451 = arith.index_cast %parallel_loop3A_448 : i32 to index
        %parallel_loop3A_452 = arith.index_cast %parallel_loop3A_450 : i32 to index
        %parallel_loop3A_453 = tpu.vector_load %arg7[%parallel_loop3A_451, %parallel_loop3A_452] {strides = array<i32>} : memref<512x128xf32, #tpu.memory_space<vmem>>, vector<16xf32>,
        tpu.vector_store %arg7[%parallel_loop3A_451, %parallel_loop3A_452], %parallel_loop3A_446 {strides = array<i32>} : memref<512x128xf32, #tpu.memory_space<vmem>>, vector<16xf32>,
      } {sc.loop_unroll_factor = 8 : i64, sc.parallel_access}
      %mul3A_339 = arith.constant 512 : i32
      %mul3A_340 = arith.muli %arg1, %mul3A_339 : i32
      %add3A_341 = arith.constant 256 : i32
      %add3A_342 = arith.addi %mul3A_340, %add3A_341 : i32
      %dma_start3A_343 = arith.constant 2 : i32
      %dma_start3A_344 = arith.constant 256 : i32
      %dma_start3A_345 = arith.constant 0 : i32
      %dma_start3A_346 = tpu.memref_slice %arg7[%dma_start3A_344, %dma_start3A_345] : memref<512x128xf32, #tpu.memory_space<vmem>> -> memref<128x128xf32, #tpu.memory_space<vmem>>
      %dma_start3A_347 = arith.constant 0 : i32
      %dma_start3A_348 = tpu.memref_slice %arg5[%add3A_342, %dma_start3A_347] : memref<8192x128xf32, #tpu.memory_space<hbm>> -> memref<128x128xf32, #tpu.memory_space<hbm>>
      %dma_start3A_349 = tpu.memref_slice %arg10[%dma_start3A_343] : memref<4x!tpu.dma_semaphore, #tpu.memory_space<semaphore_mem>> -> memref<1x!tpu.dma_semaphore, #tpu.memory_space<semaphore_mem>>
      %dma_start3A_350 = tpu.memref_squeeze %dma_start3A_349 : memref<1x!tpu.dma_semaphore, #tpu.memory_space<semaphore_mem>> -> memref<!tpu.dma_semaphore, #tpu.memory_space<semaphore_mem>>
      %dma_start3A_351 = arith.constant 0 : i32
      %dma_start3A_352 = tpu.memref_slice %arg5[%add3A_342, %dma_start3A_351] : memref<8192x128xf32, #tpu.memory_space<hbm>> -> memref<128x128xf32, #tpu.memory_space<hbm>>
      %dma_start3A_353 = arith.constant 256 : i32
      %dma_start3A_354 = arith.constant 0 : i32
      %dma_start3A_355 = tpu.memref_slice %arg7[%dma_start3A_353, %dma_start3A_354] : memref<512x128xf32, #tpu.memory_space<vmem>> -> memref<128x128xf32, #tpu.memory_space<vmem>>
      tpu.enqueue_dma source(%dma_start3A_355 : memref<128x128xf32, #tpu.memory_space<vmem>>) target(%dma_start3A_352 : memref<128x128xf32, #tpu.memory_space<hbm>>) target_semaphore(%dma_start3A_350 : memref<!tpu.dma_semaphore, #tpu.memory_space<semaphore_mem>>)
      %parallel_loop3A_356 = arith.constant 49152 : i32
      %parallel_loop3A_357 = arith.constant 65536 : i32
      %parallel_loop3A_358 = arith.constant 16 : i32
      scf.for %parallel_loop3A_428 = %parallel_loop3A_356 to %parallel_loop3A_357 step %parallel_loop3A_358  : i32 {
        %parallel_loop3A_429 = arith.constant 7 : i32
        %parallel_loop3A_430 = arith.shrsi %parallel_loop3A_428, %parallel_loop3A_429 : i32
        %parallel_loop3A_431 = arith.constant 127 : i32
        %parallel_loop3A_432 = arith.andi %parallel_loop3A_428, %parallel_loop3A_431 : i32
        %parallel_loop3A_433 = arith.index_cast %parallel_loop3A_430 : i32 to index
        %parallel_loop3A_434 = arith.index_cast %parallel_loop3A_432 : i32 to index
        %parallel_loop3A_435 = tpu.vector_load %arg7[%parallel_loop3A_433, %parallel_loop3A_434] {strides = array<i32>} : memref<512x128xf32, #tpu.memory_space<vmem>>, vector<16xf32>,
        %parallel_loop3A_436 = tpu.bitcast %parallel_loop3A_435 : vector<16xf32> -> vector<16xi32>
        %parallel_loop3A_437 = arith.constant 2147483647 : i32
        %parallel_loop3A_438 = vector.broadcast %parallel_loop3A_437 : i32 to vector<16xi32>
        %parallel_loop3A_439 = arith.andi %parallel_loop3A_436, %parallel_loop3A_438 : vector<16xi32>
        %parallel_loop3A_440 = vector.broadcast %or3A_295 : i32 to vector<16xi32>
        %parallel_loop3A_441 = arith.cmpi sge, %parallel_loop3A_439, %parallel_loop3A_440 : vector<16xi32>
        %parallel_loop3A_442 = arith.constant 1.000000e+00 : f32
        %parallel_loop3A_443 = arith.constant 0.000000e+00 : f32
        %parallel_loop3A_444 = vector.broadcast %parallel_loop3A_442 : f32 to vector<16xf32>
        %parallel_loop3A_445 = vector.broadcast %parallel_loop3A_443 : f32 to vector<16xf32>
        %parallel_loop3A_446 = arith.select %parallel_loop3A_441, %parallel_loop3A_444, %parallel_loop3A_445 : vector<16xi1>, vector<16xf32>
        %parallel_loop3A_447 = arith.constant 7 : i32
        %parallel_loop3A_448 = arith.shrsi %parallel_loop3A_428, %parallel_loop3A_447 : i32
        %parallel_loop3A_449 = arith.constant 127 : i32
        %parallel_loop3A_450 = arith.andi %parallel_loop3A_428, %parallel_loop3A_449 : i32
        %parallel_loop3A_451 = arith.index_cast %parallel_loop3A_448 : i32 to index
        %parallel_loop3A_452 = arith.index_cast %parallel_loop3A_450 : i32 to index
        %parallel_loop3A_453 = tpu.vector_load %arg7[%parallel_loop3A_451, %parallel_loop3A_452] {strides = array<i32>} : memref<512x128xf32, #tpu.memory_space<vmem>>, vector<16xf32>,
        tpu.vector_store %arg7[%parallel_loop3A_451, %parallel_loop3A_452], %parallel_loop3A_446 {strides = array<i32>} : memref<512x128xf32, #tpu.memory_space<vmem>>, vector<16xf32>,
      } {sc.loop_unroll_factor = 8 : i64, sc.parallel_access}
      %mul3A_359 = arith.constant 512 : i32
      %mul3A_360 = arith.muli %arg1, %mul3A_359 : i32
      %add3A_361 = arith.constant 384 : i32
      %add3A_362 = arith.addi %mul3A_360, %add3A_361 : i32
      %dma_start3A_363 = arith.constant 3 : i32
      %dma_start3A_364 = arith.constant 384 : i32
      %dma_start3A_365 = arith.constant 0 : i32
      %dma_start3A_366 = tpu.memref_slice %arg7[%dma_start3A_364, %dma_start3A_365] : memref<512x128xf32, #tpu.memory_space<vmem>> -> memref<128x128xf32, #tpu.memory_space<vmem>>
      %dma_start3A_367 = arith.constant 0 : i32
      %dma_start3A_368 = tpu.memref_slice %arg5[%add3A_362, %dma_start3A_367] : memref<8192x128xf32, #tpu.memory_space<hbm>> -> memref<128x128xf32, #tpu.memory_space<hbm>>
      %dma_start3A_369 = tpu.memref_slice %arg10[%dma_start3A_363] : memref<4x!tpu.dma_semaphore, #tpu.memory_space<semaphore_mem>> -> memref<1x!tpu.dma_semaphore, #tpu.memory_space<semaphore_mem>>
      %dma_start3A_370 = tpu.memref_squeeze %dma_start3A_369 : memref<1x!tpu.dma_semaphore, #tpu.memory_space<semaphore_mem>> -> memref<!tpu.dma_semaphore, #tpu.memory_space<semaphore_mem>>
      %dma_start3A_371 = arith.constant 0 : i32
      %dma_start3A_372 = tpu.memref_slice %arg5[%add3A_362, %dma_start3A_371] : memref<8192x128xf32, #tpu.memory_space<hbm>> -> memref<128x128xf32, #tpu.memory_space<hbm>>
      %dma_start3A_373 = arith.constant 384 : i32
      %dma_start3A_374 = arith.constant 0 : i32
      %dma_start3A_375 = tpu.memref_slice %arg7[%dma_start3A_373, %dma_start3A_374] : memref<512x128xf32, #tpu.memory_space<vmem>> -> memref<128x128xf32, #tpu.memory_space<vmem>>
      tpu.enqueue_dma source(%dma_start3A_375 : memref<128x128xf32, #tpu.memory_space<vmem>>) target(%dma_start3A_372 : memref<128x128xf32, #tpu.memory_space<hbm>>) target_semaphore(%dma_start3A_370 : memref<!tpu.dma_semaphore, #tpu.memory_space<semaphore_mem>>)
      %dma_wait3A_376 = arith.constant 0 : i32
      %dma_wait3A_377 = arith.constant 0 : i32
      %dma_wait3A_378 = arith.constant 0 : i32
      %dma_wait3A_379 = tpu.memref_slice %arg7[%dma_wait3A_377, %dma_wait3A_378] : memref<512x128xf32, #tpu.memory_space<vmem>> -> memref<128x128xf32, #tpu.memory_space<vmem>>
      %dma_wait3A_380 = arith.constant 0 : i32
      %dma_wait3A_381 = tpu.memref_slice %arg5[%add3A_302, %dma_wait3A_380] : memref<8192x128xf32, #tpu.memory_space<hbm>> -> memref<128x128xf32, #tpu.memory_space<hbm>>
      %dma_wait3A_382 = tpu.memref_slice %arg10[%dma_wait3A_376] : memref<4x!tpu.dma_semaphore, #tpu.memory_space<semaphore_mem>> -> memref<1x!tpu.dma_semaphore, #tpu.memory_space<semaphore_mem>>
      %dma_wait3A_383 = tpu.memref_squeeze %dma_wait3A_382 : memref<1x!tpu.dma_semaphore, #tpu.memory_space<semaphore_mem>> -> memref<!tpu.dma_semaphore, #tpu.memory_space<semaphore_mem>>
      %dma_wait3A_384 = arith.constant 0 : i32
      %dma_wait3A_385 = tpu.memref_slice %arg5[%add3A_302, %dma_wait3A_384] : memref<8192x128xf32, #tpu.memory_space<hbm>> -> memref<128x128xf32, #tpu.memory_space<hbm>>
      %dma_wait3A_386 = arith.constant 0 : i32
      %dma_wait3A_387 = arith.constant 0 : i32
      %dma_wait3A_388 = tpu.memref_slice %arg7[%dma_wait3A_386, %dma_wait3A_387] : memref<512x128xf32, #tpu.memory_space<vmem>> -> memref<128x128xf32, #tpu.memory_space<vmem>>
      tpu.wait_dma2 semaphore(%dma_wait3A_383 : memref<!tpu.dma_semaphore, #tpu.memory_space<semaphore_mem>>) src(%dma_wait3A_388 : memref<128x128xf32, #tpu.memory_space<vmem>>) dst(%dma_wait3A_385 : memref<128x128xf32, #tpu.memory_space<hbm>>)
      %dma_wait3A_389 = arith.constant 1 : i32
      %dma_wait3A_390 = arith.constant 128 : i32
      %dma_wait3A_391 = arith.constant 0 : i32
      %dma_wait3A_392 = tpu.memref_slice %arg7[%dma_wait3A_390, %dma_wait3A_391] : memref<512x128xf32, #tpu.memory_space<vmem>> -> memref<128x128xf32, #tpu.memory_space<vmem>>
      %dma_wait3A_393 = arith.constant 0 : i32
      %dma_wait3A_394 = tpu.memref_slice %arg5[%add3A_322, %dma_wait3A_393] : memref<8192x128xf32, #tpu.memory_space<hbm>> -> memref<128x128xf32, #tpu.memory_space<hbm>>
      %dma_wait3A_395 = tpu.memref_slice %arg10[%dma_wait3A_389] : memref<4x!tpu.dma_semaphore, #tpu.memory_space<semaphore_mem>> -> memref<1x!tpu.dma_semaphore, #tpu.memory_space<semaphore_mem>>
      %dma_wait3A_396 = tpu.memref_squeeze %dma_wait3A_395 : memref<1x!tpu.dma_semaphore, #tpu.memory_space<semaphore_mem>> -> memref<!tpu.dma_semaphore, #tpu.memory_space<semaphore_mem>>
      %dma_wait3A_397 = arith.constant 0 : i32
      %dma_wait3A_398 = tpu.memref_slice %arg5[%add3A_322, %dma_wait3A_397] : memref<8192x128xf32, #tpu.memory_space<hbm>> -> memref<128x128xf32, #tpu.memory_space<hbm>>
      %dma_wait3A_399 = arith.constant 128 : i32
      %dma_wait3A_400 = arith.constant 0 : i32
      %dma_wait3A_401 = tpu.memref_slice %arg7[%dma_wait3A_399, %dma_wait3A_400] : memref<512x128xf32, #tpu.memory_space<vmem>> -> memref<128x128xf32, #tpu.memory_space<vmem>>
      tpu.wait_dma2 semaphore(%dma_wait3A_396 : memref<!tpu.dma_semaphore, #tpu.memory_space<semaphore_mem>>) src(%dma_wait3A_401 : memref<128x128xf32, #tpu.memory_space<vmem>>) dst(%dma_wait3A_398 : memref<128x128xf32, #tpu.memory_space<hbm>>)
      %dma_wait3A_402 = arith.constant 2 : i32
      %dma_wait3A_403 = arith.constant 256 : i32
      %dma_wait3A_404 = arith.constant 0 : i32
      %dma_wait3A_405 = tpu.memref_slice %arg7[%dma_wait3A_403, %dma_wait3A_404] : memref<512x128xf32, #tpu.memory_space<vmem>> -> memref<128x128xf32, #tpu.memory_space<vmem>>
      %dma_wait3A_406 = arith.constant 0 : i32
      %dma_wait3A_407 = tpu.memref_slice %arg5[%add3A_342, %dma_wait3A_406] : memref<8192x128xf32, #tpu.memory_space<hbm>> -> memref<128x128xf32, #tpu.memory_space<hbm>>
      %dma_wait3A_408 = tpu.memref_slice %arg10[%dma_wait3A_402] : memref<4x!tpu.dma_semaphore, #tpu.memory_space<semaphore_mem>> -> memref<1x!tpu.dma_semaphore, #tpu.memory_space<semaphore_mem>>
      %dma_wait3A_409 = tpu.memref_squeeze %dma_wait3A_408 : memref<1x!tpu.dma_semaphore, #tpu.memory_space<semaphore_mem>> -> memref<!tpu.dma_semaphore, #tpu.memory_space<semaphore_mem>>
      %dma_wait3A_410 = arith.constant 0 : i32
      %dma_wait3A_411 = tpu.memref_slice %arg5[%add3A_342, %dma_wait3A_410] : memref<8192x128xf32, #tpu.memory_space<hbm>> -> memref<128x128xf32, #tpu.memory_space<hbm>>
      %dma_wait3A_412 = arith.constant 256 : i32
      %dma_wait3A_413 = arith.constant 0 : i32
      %dma_wait3A_414 = tpu.memref_slice %arg7[%dma_wait3A_412, %dma_wait3A_413] : memref<512x128xf32, #tpu.memory_space<vmem>> -> memref<128x128xf32, #tpu.memory_space<vmem>>
      tpu.wait_dma2 semaphore(%dma_wait3A_409 : memref<!tpu.dma_semaphore, #tpu.memory_space<semaphore_mem>>) src(%dma_wait3A_414 : memref<128x128xf32, #tpu.memory_space<vmem>>) dst(%dma_wait3A_411 : memref<128x128xf32, #tpu.memory_space<hbm>>)
      %dma_wait3A_415 = arith.constant 3 : i32
      %dma_wait3A_416 = arith.constant 384 : i32
      %dma_wait3A_417 = arith.constant 0 : i32
      %dma_wait3A_418 = tpu.memref_slice %arg7[%dma_wait3A_416, %dma_wait3A_417] : memref<512x128xf32, #tpu.memory_space<vmem>> -> memref<128x128xf32, #tpu.memory_space<vmem>>
      %dma_wait3A_419 = arith.constant 0 : i32
      %dma_wait3A_420 = tpu.memref_slice %arg5[%add3A_362, %dma_wait3A_419] : memref<8192x128xf32, #tpu.memory_space<hbm>> -> memref<128x128xf32, #tpu.memory_space<hbm>>
      %dma_wait3A_421 = tpu.memref_slice %arg10[%dma_wait3A_415] : memref<4x!tpu.dma_semaphore, #tpu.memory_space<semaphore_mem>> -> memref<1x!tpu.dma_semaphore, #tpu.memory_space<semaphore_mem>>
      %dma_wait3A_422 = tpu.memref_squeeze %dma_wait3A_421 : memref<1x!tpu.dma_semaphore, #tpu.memory_space<semaphore_mem>> -> memref<!tpu.dma_semaphore, #tpu.memory_space<semaphore_mem>>
      %dma_wait3A_423 = arith.constant 0 : i32
      %dma_wait3A_424 = tpu.memref_slice %arg5[%add3A_362, %dma_wait3A_423] : memref<8192x128xf32, #tpu.memory_space<hbm>> -> memref<128x128xf32, #tpu.memory_space<hbm>>
      %dma_wait3A_425 = arith.constant 384 : i32
      %dma_wait3A_426 = arith.constant 0 : i32
      %dma_wait3A_427 = tpu.memref_slice %arg7[%dma_wait3A_425, %dma_wait3A_426] : memref<512x128xf32, #tpu.memory_space<vmem>> -> memref<128x128xf32, #tpu.memory_space<vmem>>
      tpu.wait_dma2 semaphore(%dma_wait3A_422 : memref<!tpu.dma_semaphore, #tpu.memory_space<semaphore_mem>>) src(%dma_wait3A_427 : memref<128x128xf32, #tpu.memory_space<vmem>>) dst(%dma_wait3A_424 : memref<128x128xf32, #tpu.memory_space<hbm>>)
    } else {
    }
    return
  }
}

</mosaic_0001>

<sc_bundles>
// kernel: kernel.3.cloned.1.call-start
scs
__scs_entry_jumppad:
0x0: {  	(pc) =	sbr.rel $0x88, $3  }
0x1: {  	(tag) =	ssettag $0x0;
	lr =	simm.s32 $0x1  }
0x2: {  	[smem:$0x3F9F] =	sst lr;
	_ =	strace $0xD0000000  }
0x3: {  	_ = 	snop  }
0x4: {  	_ = 	snop  }
0x5: {  	_ = 	snop  }
0x6: {  	_ = 	snop  }
0x7: {  	_ = 	snop  }
__scs_overlays_trampoline_lowered:
0x8: {  	[smem:$0x3FAE] =	sst s0  }
0x9: {  	[smem:$0x3FAF] =	sst s1  }
0xa: {  	[smem:$0x3FB0] =	sst s2  }
0xb: {  	[smem:$0x3FB1] =	sst s3  }
0xc: {  	[smem:$0x3FB2] =	sst s4  }
0xd: {  	[smem:$0x3FB3] =	sst s5  }
0xe: {  	[smem:$0x3FB4] =	sst s6  }
0xf: {  	[smem:$0x3FB5] =	sst s7  }
0x10: {  	[smem:$0x3FB6] =	sst s8  }
0x11: {  	[smem:$0x3FB7] =	sst s9;
	s0 =	simm.s32 @!p0 $0x0  }
0x12: {  	s1 =	sld [smem:$0x3F9D];
	s0 =	simm.s32 @p0 $0x1  }
0x13: {  	[smem:$0x3FB8] =	sst s0;
	s0 =	simm.s32 @!p1 $0x0  }
0x14: {  	s2 =	sld [smem:$0x3F9C];
	s0 =	simm.s32 @p1 $0x1  }
0x15: {  	[smem:$0x3FB9] =	sst s0;
	s0 =	simm.s32 @!p2 $0x0  }
0x16: {  	s3 =	sld [smem:$0x3FDB];
	s0 =	simm.s32 @p2 $0x1  }
0x17: {  	s4 =	simm.s32 $0x1BF5;
	[smem:$0x3FBB] =	sst s0  }
0x18: {  	s0 =	sld [smem:$0x3F9E];
	_ =	swait.ge [sflag:s4], $0x0  }
0x19: {  	s7 =	sld [smem:$0x3F9F]  }
0x1a: {  	s8 =	sadd.s32 $0xFFFFE003, lr  }
0x1b: {  	s9 =	sadd.s32 $0xFFFFFEF7, lr;
	s5 =	simm.s32 $0xFFFFFFFF;
	p2 =	slt.u32 s8, $0xFFFFF086  }
0x1c: {  	p1 =	slt.u32 s9, $0xF7A;
	s5 =	simm.s32 @!p2 $0x0  }
0x1d: {  	s5 =	simm.s32 @p1 $0x1;
	p0 =	seq.s32 s7, s2  }
0x1e: {  	s7 =	smul.u32 @!p0 $0xF7A, s2;
	p2 =	seq.s32 @!p0 s5, $0x0  }
0x1f: {  	s9 =	smul.u32 $0xF7A, s1;
	s8 =	simm.s32 @!p0 $0x1BF5;
	p2 =	por !p2, p0  }
0x20: {  	[sflag:s8] =	ssyncset.s32 @!p0 $0xFFFFF086;
	s6 =	sadd.s32 @!p0 s3, s7;
	s7 =	simm.s32 @!p0 $0x108  }
0x21: {  	s3 =	sadd.s32 s3, s9;
	s6 =	sadd.s32 @!p0 $0x88, s6;
	s7 =	simm.s32 @p2 $0x1082  }
0x22: {  	[simem:s7], [sflag:s8] =	dma.local @!p0 [hbm:s6], $0xF7A  }
0x23: {  	s9 =	sor.u32 $0xD0000000, s2;
	s6 =	simm.s32 $0x108;
	_ =	swait.ge @!p0 [sflag:s8], $0x0  }
0x24: {  	s3 =	sadd.s32 $0x88, s3;
	s6 =	simm.s32 @!p1 $0x1082;
	[sflag:s4] =	ssyncset.s32 $0xFFFFF086  }
0x25: {  	[simem:s6], [sflag:s4] =	dma.local [hbm:s3], $0xF7A  }
0x26: {  	[smem:$0x3F9F] =	sst s1;
	(tag) =	ssettag s2;
	_ =	strace s9  }
0x27: {  	s1 =	sld [smem:$0x3FAF]  }
0x28: {  	s2 =	sld [smem:$0x3FB0]  }
0x29: {  	s4 =	sld [smem:$0x3FB2]  }
0x2a: {  	p0 =	seq.s32 s5, $0x0;
	s5 =	sld [smem:$0x3FB3]  }
0x2b: {  	s6 =	sld [smem:$0x3FB4]  }
0x2c: {  	s7 =	sld [smem:$0x3FB5]  }
0x2d: {  	s3 =	simm.s32 $0x108;
	s8 =	sld [smem:$0x3FB6]  }
0x2e: {  	s3 =	simm.s32 @!p0 $0x1082;
	s9 =	sld [smem:$0x3FB7]  }
0x2f: {  	lr =	sadd.s32 s0, s3;
	s0 =	sld [smem:$0x3FAE]  }
0x30: {  	s3 =	sld [smem:$0x3FB1]  }
0x31: {  	[smem:$0x3FBA] =	sst s10  }
0x32: {  	s10 =	sld [smem:$0x3FB8];
	_ =	sdelay $0x3  }
0x33: {  	p0 =	seq.s32 s10, $0x1;
	s10 =	sld [smem:$0x3FBA];
	_ =	sdelay $0x3  }
0x34: {  	[smem:$0x3FBA] =	sst s10  }
0x35: {  	s10 =	sld [smem:$0x3FB9];
	_ =	sdelay $0x3  }
0x36: {  	p1 =	seq.s32 s10, $0x1;
	s10 =	sld [smem:$0x3FBA];
	_ =	sdelay $0x3  }
0x37: {  	[smem:$0x3FBA] =	sst s10  }
0x38: {  	s10 =	sld [smem:$0x3FBB]  }
0x39: {  	_ = 	snop;
	(pc) =	sbr.ind lr, $3  }
0x3a: {  	_ = 	snop  }
0x3b: {  	_ = 	snop  }
0x3c: {  	p2 =	seq.s32 s10, $0x1;
	s10 =	sld [smem:$0x3FBA]  }
0x3d: {  	_ =	shalt  }
0x3e: {  	_ =	shalt  }
0x3f: {  	_ =	shalt  }
0x40: {  	_ =	shalt  }
0x41: {  	_ =	shalt  }
0x42: {  	_ =	shalt  }
0x43: {  	_ =	shalt  }
0x44: {  	_ =	shalt  }
0x45: {  	_ =	shalt  }
0x46: {  	_ =	shalt  }
0x47: {  	_ =	shalt  }
0x48: {  	_ =	shalt  }
0x49: {  	_ =	shalt  }
0x4a: {  	_ =	shalt  }
0x4b: {  	_ =	shalt  }
0x4c: {  	_ =	shalt  }
0x4d: {  	_ =	shalt  }
0x4e: {  	_ =	shalt  }
0x4f: {  	_ =	shalt  }
0x50: {  	_ =	shalt  }
0x51: {  	_ =	shalt  }
0x52: {  	_ =	shalt  }
0x53: {  	_ =	shalt  }
0x54: {  	_ =	shalt  }
0x55: {  	_ =	shalt  }
0x56: {  	_ =	shalt  }
0x57: {  	_ =	shalt  }
0x58: {  	_ =	shalt  }
0x59: {  	_ =	shalt  }
0x5a: {  	_ =	shalt  }
0x5b: {  	_ =	shalt  }
0x5c: {  	_ =	shalt  }
0x5d: {  	_ =	shalt  }
0x5e: {  	_ =	shalt  }
0x5f: {  	_ =	shalt  }
0x60: {  	_ =	shalt  }
0x61: {  	_ =	shalt  }
0x62: {  	_ =	shalt  }
0x63: {  	_ =	shalt  }
0x64: {  	_ =	shalt  }
0x65: {  	_ =	shalt  }
0x66: {  	_ =	shalt  }
0x67: {  	_ =	shalt  }
0x68: {  	_ =	shalt  }
0x69: {  	_ =	shalt  }
0x6a: {  	_ =	shalt  }
0x6b: {  	_ =	shalt  }
0x6c: {  	_ =	shalt  }
0x6d: {  	_ =	shalt  }
0x6e: {  	_ =	shalt  }
0x6f: {  	_ =	shalt  }
0x70: {  	_ =	shalt  }
0x71: {  	_ =	shalt  }
0x72: {  	_ =	shalt  }
0x73: {  	_ =	shalt  }
0x74: {  	_ =	shalt  }
0x75: {  	_ =	shalt  }
0x76: {  	_ =	shalt  }
0x77: {  	_ =	shalt  }
0x78: {  	_ =	shalt  }
0x79: {  	_ =	shalt  }
0x7a: {  	_ =	shalt  }
0x7b: {  	_ =	shalt  }
0x7c: {  	_ =	shalt  }
0x7d: {  	_ =	shalt  }
0x7e: {  	_ =	shalt  }
0x7f: {  	_ =	shalt  }
0x80: {  	_ =	shalt  }
0x81: {  	_ =	shalt  }
0x82: {  	_ =	shalt  }
0x83: {  	_ =	shalt  }
0x84: {  	_ =	shalt  }
0x85: {  	_ =	shalt  }
0x86: {  	_ =	shalt  }
0x87: {  	_ =	shalt  }
.Lfunc_end0:
.L_simem_size_0:
called_computation_lowered:
.L_overlay_start_0:
0x88: {  	s2 =	sld [smem:$0x3FD9]  }
0x89: {  	s3 =	sld [smem:$0x3FFE];
	_ =	sdelay $0x1  }
0x8a: {  	s1 =	srdreg.scid  }
0x8b: {  	s0 =	sand.u32 $0x1, s1  }
0x8c: {  	s14 =	sshll.u32 s0, $0xA;
	s2 =	sadd.s32 s3, s2  }
0x8d: {  	s2 =	sadd.s32 s2, s14  }
0x8e: {  	[smem:$0x3FC6] =	sst s2  }
0x8f: {  	_ = 	snop  }
0x90: {  	s2 =	sld [smem:$0x3FD0];
	_ =	sdelay $0x1  }
0x91: {  	s15 =	sld [smem:$0x3FC9]  }
0x92: {  	s5 =	simm.s32 $0xA;
	s6 =	simm.s32 $0x10;
	s4 =	sld [smem:$0x3FC8]  }
0x93: {  	[smem:s6], [sflag:s5] =	dma.local [hbm:s2], $0x1  }
0x94: {  	_ =	swait.eq [sflag:s5], $0x1  }
0x95: {  	[sflag:s5] =	ssyncset.done $0x0  }
0x96: {  	s16 =	sld [smem:$0x10];
	[sflag:s5] =	ssyncadd.s32 $0xFFFFFFFF  }
0x97: {  	s17 =	sld [smem:$0x11];
	(tm) =	ssettm $0x1  }
0x98: {  	s18 =	sld [smem:$0x3FFB];
	_ =	sdelay $0x3  }
0x99: {  	_ =	strace s18  }
0x9a: {  	s6 =	sld [smem:$0x3FFC];
	_ =	sdelay $0x3  }
0x9b: {  	_ =	strace s6  }
0x9c: {  	s6 =	sld [smem:$0x3FFD];
	_ =	sdelay $0x3  }
0x9d: {  	_ =	strace s6  }
0x9e: {  	_ =	strace $0x8FFFFFFF  }
0x9f: {  	s19 =	sld [smem:$0x3FDB];
	_ =	sdelay $0x1  }
0xa0: {  	s7 =	simm.s32 $_scs_section_size  }
0xa1: {  	s8 =	simm.s32 $_size__tile_overlayer_lowered;
	s9 =	simm.s32 $_tile_overlayer_lowered  }
0xa2: {  	s22 =	simm.s32 $0x1BFF;
	s21 =	sshll.u32 s9, $0x1;
	s6 =	sadd.s32 s7, s19  }
0xa3: {  	s10 =	simm.s32 $0x0;
	s20 =	sshll.u32 s8, $0x1;
	s8 =	sadd.s32 s21, s6  }
0xa4: {  	[timem:s10], [sflag:s22] =	dma.local [hbm:s8], s20  }
0xa5: {  	_ =	swait.ge [sflag:s22], s20  }
0xa6: {  	s7 =	ssub.s32 $0x0, s20;
	[sflag:s22] =	ssyncset.done $0x0  }
0xa7: {  	[sflag:s22] =	ssyncadd.s32 s7;
	_ =	sdelay $0x1  }
0xa8: {  	s23 =	simm.s32 $0x1B8B  }
0xa9: {  	_ =	swait.ge [sflag:s23], $0x1  }
0xaa: {  	[sflag:s23] =	ssyncset.done $0x0  }
0xab: {  	s25 =	simm.s32 $0x1B8E;
	s24 =	sld [smem:$0x3FFE];
	[sflag:s23] =	ssyncadd.s32 $0xFFFFFFFF  }
0xac: {  	s26 =	simm.s32 $execute0_lowered;
	[smem:$0x3FD2] =	sst s25  }
0xad: {  	s8 =	sshll.u32 s26, $0x1;
	_ =	strace $0x80000046;
	[dreg:$0x1] =	wrdreg $0xFFFFFFFF  }
0xae: {  	s28 =	simm.s32 $_size_execute0_lowered;
	s6 =	sadd.s32 s6, s8;
	[dreg:$0x0] =	wrdreg $0x0  }
0xaf: {  	s8 =	sshll.u32 s28, $0x1;
	[dreg:$0x2] =	wrdreg s6  }
0xb0: {  	[dreg:$0x3] =	wrdreg s8  }
0xb1: {  	[dreg:$0x4] =	wrdreg $0xC0  }
0xb2: {  	_ =	task [dreg:s10], $0x5FFFF  }
0xb3: {  	[dreg:$0x1] =	wrdreg $0xFFFFFFFF  }
0xb4: {  	[dreg:$0x0] =	wrdreg $0x60  }
0xb5: {  	[dreg:$0x2] =	wrdreg s15  }
0xb6: {  	[dreg:$0x3] =	wrdreg s4  }
0xb7: {  	[dreg:$0x4] =	wrdreg s16  }
0xb8: {  	[dreg:$0x5] =	wrdreg s17  }
0xb9: {  	[dreg:$0x6] =	wrdreg s24  }
0xba: {  	[dreg:$0x7] =	wrdreg $0x9  }
0xbb: {  	_ =	task.clear_ibuf [dreg:s10], $0x8FFFF;
	_ =	strace $0x90000046  }
0xbc: {  	s29 =	simm.s32 $0x9;
	_ =	strace $0x80000048  }
0xbd: {  	_ =	swait.ge [sflag:s29], $0x1  }
0xbe: {  	[sflag:s29] =	ssyncadd.s32 $0xFFFFFFFF  }
0xbf: {  	_ =	strace $0x90000048  }
0xc0: {  	_ =	sfence  }
0xc1: {  	s30 =	sld [smem:$0x0];
	_ =	sdelay $0x2  }
0xc2: {  	s31 =	sshll.u32 s1, $0xD;
	s1 =	sshrl.u32 s1, $0x2  }
0xc3: {  	s3 =	sand.u32 $0x4000, s31;
	s1 =	sadd.s32 s1, s30  }
0xc4: {  	s0 =	sor.u32 s3, s0;
	s1 =	sshll.u32 s1, $0x11  }
0xc5: {  	s0 =	sor.u32 s1, s0  }
0xc6: {  	s0 =	sadd.s32 $0x8F2B, s0  }
0xc7: {  	[sflag:s0] =	ssyncadd.remote.s32 $0x1  }
0xc8: {  	_ =	sfence.sel $0xFFFF  }
0xc9: {  	[dreg:$0x0] =	wrdreg $0xFFFFFFFF;
	(pc) =	sbr.abs _section_cstart, $3  }
0xca: {  	[dreg:$0x1] =	wrdreg $0xFFFFFFFF  }
0xcb: {  	_ =	task.clear_ibuf [dreg:s10], $0x2FFFF;
	_ =	strace $0x9FFFFFFF  }
0xcc: {  	(tm) =	ssettm $0x7FFFFFFF  }
0xcd: {  	_ =	shalt  }
tec
execute0_lowered:
.L_overlay_start_1:
0x0: {  	(tag) =	ssettag $0x1  }
0x1: {  	s0 =	rddreg [dreg:$0x0]  }
0x2: {  	s1 =	rddreg [dreg:$0x1]  }
0x3: {  	s6 =	rddreg [dreg:$0x2]  }
0x4: {  	s10 =	rddreg [dreg:$0x3]  }
0x5: {  	s15 =	rddreg [dreg:$0x4];
	s3 =	srdreg.scid;
	s2 =	simm.s32 $0x0  }
0x6: {  	s11 =	stileid.u32;
	s30 =	simm.s32 $0x1;
	s31 =	simm.s32 $0x10000  }
0x7: {  	s4 =	sand.u32 $0x1, s3;
	[smem:$0x7FF] =	sst s2;
	s16 =	sshll.u32 s11, $0xD  }
0x8: {  	s3 =	sadd.s32 $0x800, s15;
	s9 =	sshll.u32 s11, $0x8;
	s19 =	sshll.u32 s11, $0x9  }
0x9: {  	s5 =	ssub.s32 $0x2, s4;
	_ =	strace $0x80000047;
	s12 =	sor.u32 $0x20, s16  }
0xa: {  	p0 =	seq.s32 s4, $0x1;
	s4 =	sadd.s32 s0, s16;
	s13 =	sor.u32 $0x40, s16  }
0xb: {  	s14 =	sor.u32 $0x60, s16;
	[dreg:$0x6] =	wrdreg s9;
	s9 =	sadd.s32 s3, s9  }
0xc: {  	s11 =	sadd.s32 s6, s16;
	s21 =	sadd.s32 s1, s16;
	s22 =	sor.u32 $0x800, s16  }
0xd: {  	s23 =	sor.u32 $0x1000, s16;
	s18 =	sor.u32 $0x1800, s16;
	s25 =	sadd.s32 s10, s16  }
0xe: {  	[dreg:$0x7] =	wrdreg s19;
	s29 =	sadd.s32 s3, s19;
	s16 =	simm.s32 $0x80  }
0xf: {  	s19 =	simm.s32 $0x400;
	s7 =	sshrl.u32 s5, $0x1;
	s8 =	sadd.s32 s0, s14  }
0x10: {  	s14 =	sadd.s32 s6, s14;
	[dreg:$0x8] =	wrdreg s21;
	s20 =	sadd.s32 s1, s22  }
0x11: {  	s24 =	sadd.s32 s1, s23;
	s1 =	sadd.s32 s1, s18;
	[dreg:$0xc] =	wrdreg s25  }
0x12: {  	s26 =	sadd.s32 s10, s23;
	s28 =	sadd.s32 s10, s18;
	[dreg:$0x10] =	wrdreg s29  }
0x13: {  	s23 =	simm.s32 $0x8000;
	s18 =	simm.s32 $0x5;
	[dreg:$0x9] =	wrdreg s20  }
0x14: {  	s17 =	ssub.s32 s5, s7;
	s5 =	sadd.s32 s0, s12;
	[dreg:$0xa] =	wrdreg s24  }
0x15: {  	s7 =	sadd.s32 s0, s13;
	s12 =	sadd.s32 s6, s12;
	[dreg:$0xb] =	wrdreg s1  }
.Ltmp0:
0x16: {  	s13 =	sadd.s32 s6, s13;
	[dreg:$0xe] =	wrdreg s26;
	(pc) =	sbr.rel .LBB2_1-.Ltmp0, $4  }
0x17: {  	s0 =	sadd.s32 s10, s22;
	[dreg:$0xf] =	wrdreg s28;
	s24 =	sadd.s32 $0x810, s15  }
0x18: {  	s22 =	simm.s32 $0x4000;
	s10 =	simm.s32 $0xC000;
	s1 =	simm.s32 $0x3  }
0x19: {  	v0 =	vimm.s32 $0x0;
	v1 =	vimm.s32 $0x1;
	s15 =	simm.s32 $0x4;
	s20 =	simm.s32 $0x0;
	[dreg:$0xd] =	wrdreg s0  }
0x1a: {  	v2 =	vimm.s32 $0xF;
	v3 =	vlaneseq.u32;
	v4 =	vimm.f32 $1.000000000e+00;
	s25 =	smax.u32 s17, $0x1;
	s0 =	simm.s32 $0x2;
	s17 =	simm.s32 $0x100  }
.LBB2_79:
0x1b: {  	v13 =	vsel vm0, $0x0, v4;
	vm11 =	vlt.s32 v12, v5;
	v10 =	vand.u32 $0x7FFFFFFF, v10;
	[tilespmem:s6+$0x0] =	vst v11  }
0x1c: {  	v8 =	vand.u32 $0x7FFFFFFF, v8;
	[tilespmem:s6+$0xFFFFFFA0] =	vst v13;
	v62 =	vsel vm11, $0x0, v4;
	vm12 =	vlt.s32 v10, v5  }
0x1d: {  	v6 =	vand.u32 $0x7FFFFFFF, v6;
	vm13 =	vlt.s32 v8, v5;
	[tilespmem:s6+$0xFFFFFFB0] =	vst v62;
	v10 =	vsel vm12, $0x0, v4  }
0x1e: {  	vm14 =	vlt.s32 v6, v5;
	v6 =	vand.u32 $0x7FFFFFFF, v7;
	v8 =	vsel vm13, $0x0, v4;
	[tilespmem:s6+$0xFFFFFFC0] =	vst v10  }
0x1f: {  	v7 =	vand.u32 $0x7FFFFFFF, v9;
	v63 =	vsel vm14, $0x0, v4;
	vm15 =	vlt.s32 v6, v5;
	[tilespmem:s6+$0xFFFFFFD0] =	vst v8  }
0x20: {  	vm1 =	vlt.s32 v7, v5;
	[tilespmem:s6+$0xFFFFFFE0] =	vst v63;
	v5 =	vsel vm15, $0x0, v4  }
0x21: {  	v6 =	vsel vm1, $0x0, v4;
	[tilespmem:s6+$0xFFFFFFF0] =	vst v5  }
0x22: {  	[tilespmem:s6+$0xFFFFFF90] =	vst v6  }
0x23: {  	s10 =	simm.s32 $0xC000;
	s6 =	rddreg [dreg:$0xf]  }
0x24: {  	[hbm4b:s6+s2] =	stream.linear.scatter [tilespmem:s10], [sflag:$0x4], $0x4000, $0x38;
	[tilespmem:$0x18800] =	vst v63  }
.LBB2_80:
0x25: {  	_ =	swait.ge [sflag:s30], $0x4000  }
0x26: {  	[sflag:s30] =	ssyncset.done $0x0  }
0x27: {  	[sflag:s30] =	ssyncadd.s32 $0xFFFFC000  }
0x28: {  	_ =	swait.ge [sflag:s0], $0x4000  }
0x29: {  	[sflag:s0] =	ssyncset.done $0x0  }
0x2a: {  	s20 =	sadd.s32 $0x1, s20;
	[sflag:s0] =	ssyncadd.s32 $0xFFFFC000  }
0x2b: {  	p1 =	sne.s32 s20, s25;
	_ =	swait.ge [sflag:s1], $0x4000  }
.Ltmp1:
0x2c: {  	[sflag:s1] =	ssyncset.done $0x0;
	(pc) =	sbr.rel @!p1 .LBB2_81-.Ltmp1, $4  }
0x2d: {  	[sflag:s1] =	ssyncadd.s32 $0xFFFFC000  }
0x2e: {  	_ =	swait.ge [sflag:s15], $0x4000  }
0x2f: {  	[sflag:s15] =	ssyncset.done $0x0  }
0x30: {  	[sflag:s15] =	ssyncadd.s32 $0xFFFFC000  }
.LBB2_1:
.Ltmp2:
0x31: {  	(pc) =	sbr.rel @!p0 .LBB2_2-.Ltmp2, $1  }
0x32: {  	_ =	sdelay $0x3  }
0x33: {  	s6 =	rddreg [dreg:$0x8]  }
0x34: {  	[tilespmem:s2], [sflag:$0x1] =	stream.linear.gather [hbm4b:s6+s2], $0x4000, $0x38;
	[tilespmem:$0x18800] =	vst v63  }
0x35: {  	s26 =	rddreg [dreg:$0x9]  }
0x36: {  	[tilespmem:s22], [sflag:$0x2] =	stream.linear.gather [hbm4b:s26+s2], $0x4000, $0x38;
	[tilespmem:$0x18800] =	vst v63  }
0x37: {  	s28 =	rddreg [dreg:$0xa]  }
0x38: {  	[tilespmem:s23], [sflag:$0x3] =	stream.linear.gather [hbm4b:s28+s2], $0x4000, $0x38;
	[tilespmem:$0x18800] =	vst v63  }
0x39: {  	s29 =	rddreg [dreg:$0xb];
	s6 =	simm.s32 $0x10040  }
0x3a: {  	[tilespmem:s10], [sflag:$0x4] =	stream.linear.gather [hbm4b:s29+s2], $0x4000, $0x38;
	[tilespmem:$0x18800] =	vst v63  }
0x3b: {  	[tilespmem:s6+$0xFFFFFFC0] =	vst v0  }
0x3c: {  	[tilespmem:s6+$0x30] =	vst v0  }
0x3d: {  	[tilespmem:s6+$0x20] =	vst v0  }
0x3e: {  	[tilespmem:s6+$0x10] =	vst v0  }
0x3f: {  	[tilespmem:s6+$0x0] =	vst v0  }
0x40: {  	[tilespmem:s6+$0xFFFFFFF0] =	vst v0  }
0x41: {  	s10 =	simm.s32 $0x0;
	[tilespmem:s6+$0xFFFFFFE0] =	vst v0  }
.LBB2_42:
0x42: {  	s10 =	sadd.s32 $0x80, s10;
	[tilespmem:s6+$0xFFFFFFD0] =	vst v0;
	s6 =	sadd.s32 $0x80, s6  }
0x43: {  	[tilespmem:s6+$0xFFFFFFC0] =	vst v0;
	p1 =	slt.u32 s10, $0x380  }
0x44: {  	[tilespmem:s6+$0x30] =	vst v0  }
.Ltmp3:
0x45: {  	[tilespmem:s6+$0x20] =	vst v0;
	(pc) =	sbr.rel @p1 .LBB2_42-.Ltmp3, $4  }
0x46: {  	[tilespmem:s6+$0x10] =	vst v0  }
0x47: {  	[tilespmem:s6+$0x0] =	vst v0  }
0x48: {  	[tilespmem:s6+$0xFFFFFFF0] =	vst v0  }
0x49: {  	[tilespmem:s6+$0xFFFFFFE0] =	vst v0  }
0x4a: {  	[tilespmem:s6+$0xFFFFFFD0] =	vst v0  }
0x4b: {  	_ =	swait.ge [sflag:s30], $0x4000  }
0x4c: {  	[sflag:s30] =	ssyncset.done $0x0  }
0x4d: {  	s29 =	simm.s32 $0x40;
	[sflag:s30] =	ssyncadd.s32 $0xFFFFC000  }
0x4e: {  	v5 =	vld [tilespmem:s29+$0x30]  }
0x4f: {  	v6 =	vld [tilespmem:s29+$0xFFFFFFD0]  }
0x50: {  	v7 =	vld [tilespmem:s29+$0xFFFFFFE0]  }
0x51: {  	v8 =	vld [tilespmem:s29+$0xFFFFFFF0]  }
0x52: {  	v9 =	vld [tilespmem:s29+$0x0]  }
0x53: {  	v5 =	vshrl.u32 v5, $0x15  }
0x54: {  	v6 =	vshrl.u32 v6, $0x15;
	v5 =	vand.u32 $0x3FF, v5  }
0x55: {  	v10 =	vld [tilespmem:s29+$0x10];
	v7 =	vshrl.u32 v7, $0x15;
	v6 =	vand.u32 $0x3FF, v6  }
0x56: {  	v11 =	vld [tilespmem:s29+$0x20];
	v8 =	vshrl.u32 v8, $0x15;
	v7 =	vand.u32 $0x3FF, v7  }
0x57: {  	v12 =	vld [tilespmem:s29+$0xFFFFFFC0];
	v9 =	vshrl.u32 v9, $0x15;
	v8 =	vand.u32 $0x3FF, v8  }
0x58: {  	v9 =	vand.u32 $0x3FF, v9  }
0x59: {  	[tilespmem:v5+s31+$0x0] =	vst.idx.add.s32.msk $0xffff, v1  }
0x5a: {  	[tilespmem:v6+s31+$0x0] =	vst.idx.add.s32.msk $0xffff, v1  }
0x5b: {  	[tilespmem:v7+s31+$0x0] =	vst.idx.add.s32.msk $0xffff, v1  }
0x5c: {  	v5 =	vshrl.u32 v10, $0x15;
	v6 =	vshrl.u32 v11, $0x15;
	v7 =	vshrl.u32 v12, $0x15;
	[tilespmem:v8+s31+$0x0] =	vst.idx.add.s32.msk $0xffff, v1  }
0x5d: {  	s6 =	simm.s32 $0x0;
	s10 =	simm.s32 $0xC0;
	[tilespmem:v9+s31+$0x0] =	vst.idx.add.s32.msk $0xffff, v1;
	v5 =	vand.u32 $0x3FF, v5;
	v6 =	vand.u32 $0x3FF, v6;
	v7 =	vand.u32 $0x3FF, v7  }
.LBB2_44:
0x5e: {  	v8 =	vld [tilespmem:s10+$0x30];
	s6 =	sadd.s32 $0x80, s6  }
0x5f: {  	v9 =	vld [tilespmem:s10+$0xFFFFFFD0];
	p1 =	slt.u32 s6, $0x3F80  }
0x60: {  	v10 =	vld [tilespmem:s10+$0xFFFFFFE0]  }
0x61: {  	v11 =	vld [tilespmem:s10+$0xFFFFFFF0]  }
0x62: {  	v12 =	vld [tilespmem:s10+$0x0]  }
0x63: {  	v13 =	vld [tilespmem:s10+$0x10];
	v8 =	vshrl.u32 v8, $0x15  }
0x64: {  	v9 =	vshrl.u32 v9, $0x15;
	v14 =	vld [tilespmem:s10+$0x20];
	v8 =	vand.u32 $0x3FF, v8  }
0x65: {  	v15 =	vld [tilespmem:s10+$0xFFFFFFC0];
	v9 =	vand.u32 $0x3FF, v9;
	v10 =	vshrl.u32 v10, $0x15  }
0x66: {  	v10 =	vand.u32 $0x3FF, v10;
	v11 =	vshrl.u32 v11, $0x15;
	[tilespmem:v7+s31+$0x0] =	vst.idx.add.s32.msk $0xffff, v1  }
0x67: {  	v11 =	vand.u32 $0x3FF, v11;
	v7 =	vshrl.u32 v12, $0x15;
	[tilespmem:v5+s31+$0x0] =	vst.idx.add.s32.msk $0xffff, v1  }
0x68: {  	v12 =	vand.u32 $0x3FF, v7;
	v5 =	vshrl.u32 v13, $0x15;
	[tilespmem:v6+s31+$0x0] =	vst.idx.add.s32.msk $0xffff, v1  }
.Ltmp4:
0x69: {  	v5 =	vand.u32 $0x3FF, v5;
	v6 =	vshrl.u32 v14, $0x15;
	[tilespmem:v8+s31+$0x0] =	vst.idx.add.s32.msk $0xffff, v1;
	(pc) =	sbr.rel @p1 .LBB2_44-.Ltmp4, $4  }
0x6a: {  	v7 =	vshrl.u32 v15, $0x15;
	[tilespmem:v9+s31+$0x0] =	vst.idx.add.s32.msk $0xffff, v1;
	v6 =	vand.u32 $0x3FF, v6  }
0x6b: {  	v7 =	vand.u32 $0x3FF, v7;
	[tilespmem:v10+s31+$0x0] =	vst.idx.add.s32.msk $0xffff, v1  }
0x6c: {  	[tilespmem:v11+s31+$0x0] =	vst.idx.add.s32.msk $0xffff, v1  }
0x6d: {  	s10 =	sadd.s32 $0x80, s10;
	[tilespmem:v12+s31+$0x0] =	vst.idx.add.s32.msk $0xffff, v1  }
0x6e: {  	_ =	sdelay $0x3  }
0x6f: {  	[tilespmem:v7+s31+$0x0] =	vst.idx.add.s32.msk $0xffff, v1  }
0x70: {  	[tilespmem:v5+s31+$0x0] =	vst.idx.add.s32.msk $0xffff, v1  }
0x71: {  	[tilespmem:v6+s31+$0x0] =	vst.idx.add.s32.msk $0xffff, v1  }
0x72: {  	_ =	swait.ge [sflag:s0], $0x4000  }
0x73: {  	[sflag:s0] =	ssyncset.done $0x0  }
0x74: {  	s6 =	simm.s32 $0x4070;
	[sflag:s0] =	ssyncadd.s32 $0xFFFFC000  }
0x75: {  	v5 =	vld [tilespmem:s6+$0x0]  }
0x76: {  	v6 =	vld [tilespmem:s6+$0xFFFFFFA0]  }
0x77: {  	v7 =	vld [tilespmem:s6+$0xFFFFFFB0]  }
0x78: {  	v8 =	vld [tilespmem:s6+$0xFFFFFFC0]  }
0x79: {  	v9 =	vld [tilespmem:s6+$0xFFFFFFD0]  }
0x7a: {  	v5 =	vshrl.u32 v5, $0x15  }
0x7b: {  	v6 =	vshrl.u32 v6, $0x15;
	v5 =	vand.u32 $0x3FF, v5  }
0x7c: {  	v10 =	vld [tilespmem:s6+$0xFFFFFFE0];
	v7 =	vshrl.u32 v7, $0x15;
	v6 =	vand.u32 $0x3FF, v6  }
0x7d: {  	v11 =	vld [tilespmem:s6+$0xFFFFFFF0];
	v8 =	vshrl.u32 v8, $0x15;
	v7 =	vand.u32 $0x3FF, v7  }
0x7e: {  	v12 =	vld [tilespmem:s6+$0xFFFFFF90];
	v9 =	vshrl.u32 v9, $0x15;
	v8 =	vand.u32 $0x3FF, v8  }
0x7f: {  	v9 =	vand.u32 $0x3FF, v9  }
0x80: {  	[tilespmem:v5+s31+$0x0] =	vst.idx.add.s32.msk $0xffff, v1  }
0x81: {  	[tilespmem:v6+s31+$0x0] =	vst.idx.add.s32.msk $0xffff, v1  }
0x82: {  	[tilespmem:v7+s31+$0x0] =	vst.idx.add.s32.msk $0xffff, v1  }
0x83: {  	v5 =	vshrl.u32 v10, $0x15;
	v6 =	vshrl.u32 v11, $0x15;
	v7 =	vshrl.u32 v12, $0x15;
	[tilespmem:v8+s31+$0x0] =	vst.idx.add.s32.msk $0xffff, v1  }
0x84: {  	s10 =	simm.s32 $0x40F0;
	s6 =	simm.s32 $0x4000;
	[tilespmem:v9+s31+$0x0] =	vst.idx.add.s32.msk $0xffff, v1;
	v5 =	vand.u32 $0x3FF, v5;
	v6 =	vand.u32 $0x3FF, v6;
	v7 =	vand.u32 $0x3FF, v7  }
.LBB2_46:
0x85: {  	v8 =	vld [tilespmem:s10+$0x0];
	s6 =	sadd.s32 $0x80, s6  }
0x86: {  	v9 =	vld [tilespmem:s10+$0xFFFFFFA0];
	p1 =	slt.u32 s6, $0x7F80  }
0x87: {  	v10 =	vld [tilespmem:s10+$0xFFFFFFB0]  }
0x88: {  	v11 =	vld [tilespmem:s10+$0xFFFFFFC0]  }
0x89: {  	v12 =	vld [tilespmem:s10+$0xFFFFFFD0]  }
0x8a: {  	v13 =	vld [tilespmem:s10+$0xFFFFFFE0];
	v8 =	vshrl.u32 v8, $0x15  }
0x8b: {  	v9 =	vshrl.u32 v9, $0x15;
	v14 =	vld [tilespmem:s10+$0xFFFFFFF0];
	v8 =	vand.u32 $0x3FF, v8  }
0x8c: {  	v15 =	vld [tilespmem:s10+$0xFFFFFF90];
	v9 =	vand.u32 $0x3FF, v9;
	v10 =	vshrl.u32 v10, $0x15  }
0x8d: {  	v10 =	vand.u32 $0x3FF, v10;
	v11 =	vshrl.u32 v11, $0x15;
	[tilespmem:v7+s31+$0x0] =	vst.idx.add.s32.msk $0xffff, v1  }
0x8e: {  	v11 =	vand.u32 $0x3FF, v11;
	v7 =	vshrl.u32 v12, $0x15;
	[tilespmem:v5+s31+$0x0] =	vst.idx.add.s32.msk $0xffff, v1  }
0x8f: {  	v12 =	vand.u32 $0x3FF, v7;
	v5 =	vshrl.u32 v13, $0x15;
	[tilespmem:v6+s31+$0x0] =	vst.idx.add.s32.msk $0xffff, v1  }
.Ltmp5:
0x90: {  	v5 =	vand.u32 $0x3FF, v5;
	v6 =	vshrl.u32 v14, $0x15;
	[tilespmem:v8+s31+$0x0] =	vst.idx.add.s32.msk $0xffff, v1;
	(pc) =	sbr.rel @p1 .LBB2_46-.Ltmp5, $4  }
0x91: {  	v7 =	vshrl.u32 v15, $0x15;
	[tilespmem:v9+s31+$0x0] =	vst.idx.add.s32.msk $0xffff, v1;
	v6 =	vand.u32 $0x3FF, v6  }
0x92: {  	v7 =	vand.u32 $0x3FF, v7;
	[tilespmem:v10+s31+$0x0] =	vst.idx.add.s32.msk $0xffff, v1  }
0x93: {  	[tilespmem:v11+s31+$0x0] =	vst.idx.add.s32.msk $0xffff, v1  }
0x94: {  	s10 =	sadd.s32 $0x80, s10;
	[tilespmem:v12+s31+$0x0] =	vst.idx.add.s32.msk $0xffff, v1  }
0x95: {  	_ =	sdelay $0x3  }
0x96: {  	[tilespmem:v7+s31+$0x0] =	vst.idx.add.s32.msk $0xffff, v1  }
0x97: {  	[tilespmem:v5+s31+$0x0] =	vst.idx.add.s32.msk $0xffff, v1  }
0x98: {  	[tilespmem:v6+s31+$0x0] =	vst.idx.add.s32.msk $0xffff, v1  }
0x99: {  	_ =	swait.ge [sflag:s1], $0x4000  }
0x9a: {  	[sflag:s1] =	ssyncset.done $0x0  }
0x9b: {  	s6 =	simm.s32 $0x8070;
	[sflag:s1] =	ssyncadd.s32 $0xFFFFC000  }
0x9c: {  	v5 =	vld [tilespmem:s6+$0x0]  }
0x9d: {  	v6 =	vld [tilespmem:s6+$0xFFFFFFA0]  }
0x9e: {  	v7 =	vld [tilespmem:s6+$0xFFFFFFB0]  }
0x9f: {  	v8 =	vld [tilespmem:s6+$0xFFFFFFC0]  }
0xa0: {  	v9 =	vld [tilespmem:s6+$0xFFFFFFD0]  }
0xa1: {  	v5 =	vshrl.u32 v5, $0x15  }
0xa2: {  	v6 =	vshrl.u32 v6, $0x15;
	v5 =	vand.u32 $0x3FF, v5  }
0xa3: {  	v10 =	vld [tilespmem:s6+$0xFFFFFFE0];
	v7 =	vshrl.u32 v7, $0x15;
	v6 =	vand.u32 $0x3FF, v6  }
0xa4: {  	v11 =	vld [tilespmem:s6+$0xFFFFFFF0];
	v8 =	vshrl.u32 v8, $0x15;
	v7 =	vand.u32 $0x3FF, v7  }
0xa5: {  	v12 =	vld [tilespmem:s6+$0xFFFFFF90];
	v9 =	vshrl.u32 v9, $0x15;
	v8 =	vand.u32 $0x3FF, v8  }
0xa6: {  	v9 =	vand.u32 $0x3FF, v9  }
0xa7: {  	[tilespmem:v5+s31+$0x0] =	vst.idx.add.s32.msk $0xffff, v1  }
0xa8: {  	[tilespmem:v6+s31+$0x0] =	vst.idx.add.s32.msk $0xffff, v1  }
0xa9: {  	[tilespmem:v7+s31+$0x0] =	vst.idx.add.s32.msk $0xffff, v1  }
0xaa: {  	v5 =	vshrl.u32 v10, $0x15;
	v6 =	vshrl.u32 v11, $0x15;
	v7 =	vshrl.u32 v12, $0x15;
	[tilespmem:v8+s31+$0x0] =	vst.idx.add.s32.msk $0xffff, v1  }
0xab: {  	s10 =	simm.s32 $0x80F0;
	s6 =	simm.s32 $0x8000;
	[tilespmem:v9+s31+$0x0] =	vst.idx.add.s32.msk $0xffff, v1;
	v5 =	vand.u32 $0x3FF, v5;
	v6 =	vand.u32 $0x3FF, v6;
	v7 =	vand.u32 $0x3FF, v7  }
.LBB2_48:
0xac: {  	v8 =	vld [tilespmem:s10+$0x0];
	s6 =	sadd.s32 $0x80, s6  }
0xad: {  	v9 =	vld [tilespmem:s10+$0xFFFFFFA0];
	p1 =	slt.u32 s6, $0xBF80  }
0xae: {  	v10 =	vld [tilespmem:s10+$0xFFFFFFB0]  }
0xaf: {  	v11 =	vld [tilespmem:s10+$0xFFFFFFC0]  }
0xb0: {  	v12 =	vld [tilespmem:s10+$0xFFFFFFD0]  }
0xb1: {  	v13 =	vld [tilespmem:s10+$0xFFFFFFE0];
	v8 =	vshrl.u32 v8, $0x15  }
0xb2: {  	v9 =	vshrl.u32 v9, $0x15;
	v14 =	vld [tilespmem:s10+$0xFFFFFFF0];
	v8 =	vand.u32 $0x3FF, v8  }
0xb3: {  	v15 =	vld [tilespmem:s10+$0xFFFFFF90];
	v9 =	vand.u32 $0x3FF, v9;
	v10 =	vshrl.u32 v10, $0x15  }
0xb4: {  	v10 =	vand.u32 $0x3FF, v10;
	v11 =	vshrl.u32 v11, $0x15;
	[tilespmem:v7+s31+$0x0] =	vst.idx.add.s32.msk $0xffff, v1  }
0xb5: {  	v11 =	vand.u32 $0x3FF, v11;
	v7 =	vshrl.u32 v12, $0x15;
	[tilespmem:v5+s31+$0x0] =	vst.idx.add.s32.msk $0xffff, v1  }
0xb6: {  	v12 =	vand.u32 $0x3FF, v7;
	v5 =	vshrl.u32 v13, $0x15;
	[tilespmem:v6+s31+$0x0] =	vst.idx.add.s32.msk $0xffff, v1  }
.Ltmp6:
0xb7: {  	v5 =	vand.u32 $0x3FF, v5;
	v6 =	vshrl.u32 v14, $0x15;
	[tilespmem:v8+s31+$0x0] =	vst.idx.add.s32.msk $0xffff, v1;
	(pc) =	sbr.rel @p1 .LBB2_48-.Ltmp6, $4  }
0xb8: {  	v7 =	vshrl.u32 v15, $0x15;
	[tilespmem:v9+s31+$0x0] =	vst.idx.add.s32.msk $0xffff, v1;
	v6 =	vand.u32 $0x3FF, v6  }
0xb9: {  	v7 =	vand.u32 $0x3FF, v7;
	[tilespmem:v10+s31+$0x0] =	vst.idx.add.s32.msk $0xffff, v1  }
0xba: {  	[tilespmem:v11+s31+$0x0] =	vst.idx.add.s32.msk $0xffff, v1  }
0xbb: {  	s10 =	sadd.s32 $0x80, s10;
	[tilespmem:v12+s31+$0x0] =	vst.idx.add.s32.msk $0xffff, v1  }
0xbc: {  	_ =	sdelay $0x3  }
0xbd: {  	[tilespmem:v7+s31+$0x0] =	vst.idx.add.s32.msk $0xffff, v1  }
0xbe: {  	[tilespmem:v5+s31+$0x0] =	vst.idx.add.s32.msk $0xffff, v1  }
0xbf: {  	[tilespmem:v6+s31+$0x0] =	vst.idx.add.s32.msk $0xffff, v1  }
0xc0: {  	_ =	swait.ge [sflag:s15], $0x4000  }
0xc1: {  	[sflag:s15] =	ssyncset.done $0x0  }
0xc2: {  	s6 =	simm.s32 $0xC070;
	[sflag:s15] =	ssyncadd.s32 $0xFFFFC000  }
0xc3: {  	v5 =	vld [tilespmem:s6+$0x0]  }
0xc4: {  	v6 =	vld [tilespmem:s6+$0xFFFFFFA0]  }
0xc5: {  	v7 =	vld [tilespmem:s6+$0xFFFFFFB0]  }
0xc6: {  	v8 =	vld [tilespmem:s6+$0xFFFFFFC0]  }
0xc7: {  	v9 =	vld [tilespmem:s6+$0xFFFFFFD0]  }
0xc8: {  	v5 =	vshrl.u32 v5, $0x15  }
0xc9: {  	v6 =	vshrl.u32 v6, $0x15;
	v5 =	vand.u32 $0x3FF, v5  }
0xca: {  	v10 =	vld [tilespmem:s6+$0xFFFFFFE0];
	v7 =	vshrl.u32 v7, $0x15;
	v6 =	vand.u32 $0x3FF, v6  }
0xcb: {  	v11 =	vld [tilespmem:s6+$0xFFFFFFF0];
	v8 =	vshrl.u32 v8, $0x15;
	v7 =	vand.u32 $0x3FF, v7  }
0xcc: {  	v12 =	vld [tilespmem:s6+$0xFFFFFF90];
	v9 =	vshrl.u32 v9, $0x15;
	v8 =	vand.u32 $0x3FF, v8  }
0xcd: {  	v9 =	vand.u32 $0x3FF, v9  }
0xce: {  	[tilespmem:v5+s31+$0x0] =	vst.idx.add.s32.msk $0xffff, v1  }
0xcf: {  	[tilespmem:v6+s31+$0x0] =	vst.idx.add.s32.msk $0xffff, v1  }
0xd0: {  	[tilespmem:v7+s31+$0x0] =	vst.idx.add.s32.msk $0xffff, v1  }
0xd1: {  	v5 =	vshrl.u32 v10, $0x15;
	v6 =	vshrl.u32 v11, $0x15;
	v7 =	vshrl.u32 v12, $0x15;
	[tilespmem:v8+s31+$0x0] =	vst.idx.add.s32.msk $0xffff, v1  }
0xd2: {  	s10 =	simm.s32 $0xC0F0;
	s6 =	simm.s32 $0xC000;
	[tilespmem:v9+s31+$0x0] =	vst.idx.add.s32.msk $0xffff, v1;
	v5 =	vand.u32 $0x3FF, v5;
	v6 =	vand.u32 $0x3FF, v6;
	v7 =	vand.u32 $0x3FF, v7  }
.LBB2_50:
0xd3: {  	v8 =	vld [tilespmem:s10+$0x0];
	s6 =	sadd.s32 $0x80, s6  }
0xd4: {  	v9 =	vld [tilespmem:s10+$0xFFFFFFA0];
	p1 =	slt.u32 s6, $0xFF80  }
0xd5: {  	v10 =	vld [tilespmem:s10+$0xFFFFFFB0]  }
0xd6: {  	v11 =	vld [tilespmem:s10+$0xFFFFFFC0]  }
0xd7: {  	v12 =	vld [tilespmem:s10+$0xFFFFFFD0]  }
0xd8: {  	v13 =	vld [tilespmem:s10+$0xFFFFFFE0];
	v8 =	vshrl.u32 v8, $0x15  }
0xd9: {  	v9 =	vshrl.u32 v9, $0x15;
	v14 =	vld [tilespmem:s10+$0xFFFFFFF0];
	v8 =	vand.u32 $0x3FF, v8  }
0xda: {  	v15 =	vld [tilespmem:s10+$0xFFFFFF90];
	v9 =	vand.u32 $0x3FF, v9;
	v10 =	vshrl.u32 v10, $0x15  }
0xdb: {  	v10 =	vand.u32 $0x3FF, v10;
	v11 =	vshrl.u32 v11, $0x15;
	[tilespmem:v7+s31+$0x0] =	vst.idx.add.s32.msk $0xffff, v1  }
0xdc: {  	v11 =	vand.u32 $0x3FF, v11;
	v7 =	vshrl.u32 v12, $0x15;
	[tilespmem:v5+s31+$0x0] =	vst.idx.add.s32.msk $0xffff, v1  }
0xdd: {  	v12 =	vand.u32 $0x3FF, v7;
	v5 =	vshrl.u32 v13, $0x15;
	[tilespmem:v6+s31+$0x0] =	vst.idx.add.s32.msk $0xffff, v1  }
.Ltmp7:
0xde: {  	v5 =	vand.u32 $0x3FF, v5;
	v6 =	vshrl.u32 v14, $0x15;
	[tilespmem:v8+s31+$0x0] =	vst.idx.add.s32.msk $0xffff, v1;
	(pc) =	sbr.rel @p1 .LBB2_50-.Ltmp7, $4  }
0xdf: {  	v7 =	vshrl.u32 v15, $0x15;
	[tilespmem:v9+s31+$0x0] =	vst.idx.add.s32.msk $0xffff, v1;
	v6 =	vand.u32 $0x3FF, v6  }
0xe0: {  	v7 =	vand.u32 $0x3FF, v7;
	[tilespmem:v10+s31+$0x0] =	vst.idx.add.s32.msk $0xffff, v1  }
0xe1: {  	[tilespmem:v11+s31+$0x0] =	vst.idx.add.s32.msk $0xffff, v1  }
0xe2: {  	s10 =	sadd.s32 $0x80, s10;
	[tilespmem:v12+s31+$0x0] =	vst.idx.add.s32.msk $0xffff, v1  }
0xe3: {  	_ =	sdelay $0x3  }
0xe4: {  	[tilespmem:v7+s31+$0x0] =	vst.idx.add.s32.msk $0xffff, v1  }
0xe5: {  	[tilespmem:v5+s31+$0x0] =	vst.idx.add.s32.msk $0xffff, v1  }
0xe6: {  	[tilespmem:v6+s31+$0x0] =	vst.idx.add.s32.msk $0xffff, v1  }
0xe7: {  	s6 =	rddreg [dreg:$0x6]  }
0xe8: {  	s21 =	sadd.s32 s6, s24  }
0xe9: {  	[hbm4b:s21+s16] =	stream.strided.scatter [tilespmem:s31], [sflag:$0x5], $0x400, s17, s16, $0x38;
	[tilespmem:$0x18800] =	vst v63  }
0xea: {  	_ =	swait.ge [sflag:s18], $0x400  }
0xeb: {  	[sflag:s18] =	ssyncset.done $0x0  }
0xec: {  	[sflag:s18] =	ssyncadd.s32 $0xFFFFFC00  }
0xed: {  	[bflag:$0x0] =	sbarrier.arrive $0xFFFF  }
0xee: {  	[tilespmem:s31], [sflag:$0x5] =	stream.strided.gather [hbm4b:s24+s16], $0x4000, s17, s16, $0x38;
	[tilespmem:$0x18800] =	vst v63  }
0xef: {  	_ =	swait.ge [sflag:s18], $0x4000  }
0xf0: {  	[sflag:s18] =	ssyncset.done $0x0  }
0xf1: {  	s10 =	simm.s32 $0x0;
	s6 =	simm.s32 $0x12010;
	[sflag:s18] =	ssyncadd.s32 $0xFFFFC000  }
0xf2: {  	s22 =	sand.u32 $0x3C0, s10;
	v5 =	vld [tilespmem:s6+$0xFFFFDFF0]  }
0xf3: {  	v6 =	vld [tilespmem:s22+$0x10400]  }
0xf4: {  	v7 =	vld [tilespmem:s22+$0x10800]  }
0xf5: {  	v8 =	vld [tilespmem:s22+$0x10C00]  }
0xf6: {  	v9 =	vld [tilespmem:s22+$0x11000]  }
0xf7: {  	v10 =	vld [tilespmem:s22+$0x11400]  }
0xf8: {  	v11 =	vld [tilespmem:s22+$0x11800]  }
0xf9: {  	v12 =	vld [tilespmem:s22+$0x11C00]  }
0xfa: {  	v13 =	vld [tilespmem:s22+$0x12000]  }
0xfb: {  	v14 =	vld [tilespmem:s22+$0x12400]  }
0xfc: {  	v15 =	vld [tilespmem:s22+$0x12800]  }
0xfd: {  	v16 =	vld [tilespmem:s22+$0x12C00]  }
0xfe: {  	v17 =	vld [tilespmem:s22+$0x13000]  }
0xff: {  	v18 =	vld [tilespmem:s22+$0x13400]  }
0x100: {  	v19 =	vld [tilespmem:s22+$0x13800]  }
0x101: {  	v20 =	vld [tilespmem:s22+$0x13C00]  }
0x102: {  	v21 =	vld [tilespmem:s6+$0xFFFFE000]  }
0x103: {  	v22 =	vld [tilespmem:s6+$0xFFFFE400]  }
0x104: {  	v23 =	vld [tilespmem:s6+$0xFFFFE010]  }
0x105: {  	v24 =	vld [tilespmem:s6+$0xFFFFE410]  }
0x106: {  	v25 =	vld [tilespmem:s6+$0xFFFFE020]  }
0x107: {  	v26 =	vld [tilespmem:s6+$0xFFFFE420]  }
0x108: {  	v27 =	vld [tilespmem:s6+$0xFFFFE800]  }
0x109: {  	v28 =	vld [tilespmem:s6+$0xFFFFE810]  }
0x10a: {  	v29 =	vld [tilespmem:s6+$0xFFFFE820]  }
0x10b: {  	v30 =	vld [tilespmem:s6+$0xFFFFEC00]  }
0x10c: {  	v31 =	vld [tilespmem:s6+$0xFFFFEC10]  }
0x10d: {  	v32 =	vld [tilespmem:s6+$0xFFFFEC20]  }
0x10e: {  	v33 =	vld [tilespmem:s6+$0xFFFFF000]  }
0x10f: {  	v34 =	vld [tilespmem:s6+$0xFFFFF010]  }
0x110: {  	v35 =	vld [tilespmem:s6+$0xFFFFF020]  }
0x111: {  	v36 =	vld [tilespmem:s6+$0xFFFFF400]  }
0x112: {  	v37 =	vld [tilespmem:s6+$0xFFFFF410]  }
0x113: {  	v38 =	vld [tilespmem:s6+$0xFFFFF420]  }
0x114: {  	v39 =	vld [tilespmem:s6+$0xFFFFF800]  }
0x115: {  	v51 =	vld [tilespmem:s6+$0x420]  }
0x116: {  	v52 =	vld [tilespmem:s6+$0x800]  }
0x117: {  	v53 =	vld [tilespmem:s6+$0x810]  }
0x118: {  	v54 =	vld [tilespmem:s6+$0x820]  }
0x119: {  	v55 =	vld [tilespmem:s6+$0xC00]  }
0x11a: {  	v58 =	vld [tilespmem:s6+$0xC10]  }
0x11b: {  	v59 =	vld [tilespmem:s6+$0xC20]  }
0x11c: {  	v60 =	vld [tilespmem:s6+$0x1000]  }
0x11d: {  	v61 =	vld [tilespmem:s6+$0x1010]  }
0x11e: {  	v5 =	vadd.s32 v5, v6;
	v6 =	vld [tilespmem:s6+$0xFFFFF810]  }
0x11f: {  	v21 =	vadd.s32 v21, v22;
	v5 =	vadd.s32 v7, v5;
	v7 =	vld [tilespmem:s6+$0xFFFFF820]  }
0x120: {  	v56 =	vadd.s32 v23, v24;
	v57 =	vadd.s32 v25, v26;
	v5 =	vadd.s32 v8, v5;
	v8 =	vld [tilespmem:s6+$0xFFFFFC00]  }
0x121: {  	v21 =	vadd.s32 v27, v21;
	v22 =	vadd.s32 v28, v56;
	v5 =	vadd.s32 v9, v5;
	v9 =	vld [tilespmem:s6+$0xFFFFFC10]  }
0x122: {  	v23 =	vadd.s32 v29, v57;
	v21 =	vadd.s32 v30, v21;
	v5 =	vadd.s32 v10, v5;
	v10 =	vld [tilespmem:s6+$0xFFFFFC20]  }
0x123: {  	v22 =	vadd.s32 v31, v22;
	v23 =	vadd.s32 v32, v23;
	v5 =	vadd.s32 v11, v5;
	v11 =	vld [tilespmem:s6+$0x0]  }
0x124: {  	v21 =	vadd.s32 v33, v21;
	v22 =	vadd.s32 v34, v22;
	v5 =	vadd.s32 v12, v5;
	v12 =	vld [tilespmem:s6+$0x10]  }
0x125: {  	v23 =	vadd.s32 v35, v23;
	v21 =	vadd.s32 v36, v21;
	v5 =	vadd.s32 v13, v5;
	v13 =	vld [tilespmem:s6+$0x20]  }
0x126: {  	v22 =	vadd.s32 v37, v22;
	v23 =	vadd.s32 v38, v23;
	v5 =	vadd.s32 v14, v5;
	v14 =	vld [tilespmem:s6+$0x400]  }
0x127: {  	v21 =	vadd.s32 v39, v21;
	v6 =	vadd.s32 v6, v22;
	v5 =	vadd.s32 v15, v5;
	v15 =	vld [tilespmem:s6+$0x410]  }
0x128: {  	v62 =	vld [tilespmem:s6+$0x1020];
	v7 =	vadd.s32 v7, v23;
	v8 =	vadd.s32 v8, v21;
	v5 =	vadd.s32 v16, v5  }
0x129: {  	v63 =	vld [tilespmem:s6+$0x1400];
	v6 =	vadd.s32 v9, v6;
	v7 =	vadd.s32 v10, v7;
	v5 =	vadd.s32 v17, v5  }
0x12a: {  	v10 =	vld [tilespmem:s6+$0x1410];
	v8 =	vadd.s32 v11, v8;
	v6 =	vadd.s32 v12, v6;
	v5 =	vadd.s32 v18, v5  }
0x12b: {  	v12 =	vld [tilespmem:s6+$0x1420];
	v7 =	vadd.s32 v13, v7;
	v5 =	vadd.s32 v19, v5;
	v8 =	vadd.s32 v14, v8  }
0x12c: {  	v9 =	vadd.s32 v51, v7;
	v7 =	vld [tilespmem:s6+$0x1800];
	v5 =	vadd.s32 v20, v5;
	v6 =	vadd.s32 v15, v6  }
0x12d: {  	v8 =	vadd.s32 v52, v8;
	v9 =	vadd.s32 v54, v9;
	v11 =	vadd.s32 v53, v6;
	v6 =	vld [tilespmem:s6+$0x1810]  }
0x12e: {  	v13 =	vadd.s32 v55, v8;
	v9 =	vadd.s32 v59, v9;
	v8 =	vld [tilespmem:s6+$0x1820];
	v11 =	vadd.s32 v58, v11  }
0x12f: {  	s23 =	simm.s32 $0x18020;
	v13 =	vadd.s32 v60, v13;
	v14 =	vadd.s32 v62, v9;
	v9 =	vld [tilespmem:s6+$0x1C00];
	v11 =	vadd.s32 v61, v11  }
0x130: {  	s22 =	simm.s32 $0x18010;
	[tilespmem:s23+$0xFFFFFFE0] =	vst v5;
	v13 =	vadd.s32 v63, v13;
	v12 =	vadd.s32 v12, v14;
	v11 =	vadd.s32 v10, v11;
	v10 =	vld [tilespmem:s6+$0x1C10]  }
.LBB2_52:
0x131: {  	s10 =	sadd.s32 $0x40, s10;
	v5 =	vadd.s32 v7, v13;
	v7 =	vld [tilespmem:s6+$0x1C20];
	s6 =	sadd.s32 $0x40, s6  }
0x132: {  	v13 =	vld [tilespmem:s6+$0xFFFFDFF0];
	s26 =	sand.u32 $0x3C0, s10;
	p1 =	slt.u32 s10, $0x3C0;
	v6 =	vadd.s32 v6, v11  }
0x133: {  	v11 =	vld [tilespmem:s26+$0x10400];
	v8 =	vadd.s32 v8, v12  }
0x134: {  	v12 =	vld [tilespmem:s26+$0x10800];
	v5 =	vadd.s32 v9, v5  }
0x135: {  	v9 =	vld [tilespmem:s26+$0x10C00];
	[tilespmem:s23+$0xFFFFFFF0] =	vst v5;
	v5 =	vadd.s32 v10, v6  }
0x136: {  	v6 =	vld [tilespmem:s26+$0x11000];
	[tilespmem:s23+$0x0] =	vst v5;
	v5 =	vadd.s32 v7, v8  }
0x137: {  	v7 =	vld [tilespmem:s26+$0x11400];
	[tilespmem:s23+$0x10] =	vst v5  }
0x138: {  	v5 =	vadd.s32 v13, v11;
	v8 =	vld [tilespmem:s26+$0x11800]  }
0x139: {  	v5 =	vadd.s32 v12, v5;
	v10 =	vld [tilespmem:s26+$0x11C00]  }
0x13a: {  	v5 =	vadd.s32 v9, v5;
	v9 =	vld [tilespmem:s26+$0x12000]  }
0x13b: {  	v5 =	vadd.s32 v6, v5;
	v6 =	vld [tilespmem:s26+$0x12400]  }
0x13c: {  	v5 =	vadd.s32 v7, v5;
	v7 =	vld [tilespmem:s26+$0x12800]  }
0x13d: {  	v5 =	vadd.s32 v8, v5;
	v8 =	vld [tilespmem:s26+$0x12C00]  }
0x13e: {  	v5 =	vadd.s32 v10, v5;
	v10 =	vld [tilespmem:s26+$0x13000]  }
0x13f: {  	v5 =	vadd.s32 v9, v5;
	v9 =	vld [tilespmem:s26+$0x13400]  }
0x140: {  	v5 =	vadd.s32 v6, v5;
	v6 =	vld [tilespmem:s26+$0x13800]  }
0x141: {  	v5 =	vadd.s32 v7, v5;
	v7 =	vld [tilespmem:s26+$0x13C00]  }
0x142: {  	v5 =	vadd.s32 v8, v5;
	v8 =	vld [tilespmem:s6+$0xFFFFE000]  }
0x143: {  	v5 =	vadd.s32 v10, v5;
	v10 =	vld [tilespmem:s6+$0xFFFFE400]  }
0x144: {  	v5 =	vadd.s32 v9, v5;
	v9 =	vld [tilespmem:s6+$0xFFFFE010]  }
0x145: {  	v5 =	vadd.s32 v6, v5;
	v6 =	vld [tilespmem:s6+$0xFFFFE410]  }
0x146: {  	s23 =	sadd.s32 $0x40, s23;
	v5 =	vadd.s32 v7, v5;
	v7 =	vld [tilespmem:s6+$0xFFFFE020]  }
0x147: {  	[tilespmem:s23+$0xFFFFFFE0] =	vst v5;
	v11 =	vld [tilespmem:s6+$0xFFFFE420];
	v5 =	vimm.s32 $0x0  }
0x148: {  	v8 =	vadd.s32 v8, v10;
	v10 =	vld [tilespmem:s6+$0xFFFFE800]  }
0x149: {  	v12 =	vld [tilespmem:s6+$0xFFFFE810]  }
0x14a: {  	v6 =	vadd.s32 v9, v6;
	v9 =	vld [tilespmem:s6+$0xFFFFE820]  }
0x14b: {  	v13 =	vld [tilespmem:s6+$0xFFFFEC00]  }
0x14c: {  	v14 =	vld [tilespmem:s6+$0xFFFFEC10];
	v7 =	vadd.s32 v7, v11  }
0x14d: {  	v8 =	vadd.s32 v10, v8;
	v10 =	vld [tilespmem:s6+$0xFFFFEC20]  }
0x14e: {  	v11 =	vld [tilespmem:s6+$0xFFFFF000];
	v6 =	vadd.s32 v12, v6  }
0x14f: {  	v12 =	vld [tilespmem:s6+$0xFFFFF010];
	v7 =	vadd.s32 v9, v7  }
0x150: {  	v8 =	vadd.s32 v13, v8;
	v9 =	vld [tilespmem:s6+$0xFFFFF020]  }
0x151: {  	v13 =	vld [tilespmem:s6+$0xFFFFF400];
	v6 =	vadd.s32 v14, v6  }
0x152: {  	v14 =	vld [tilespmem:s6+$0xFFFFF410];
	v7 =	vadd.s32 v10, v7  }
0x153: {  	v8 =	vadd.s32 v11, v8;
	v10 =	vld [tilespmem:s6+$0xFFFFF420]  }
0x154: {  	v11 =	vld [tilespmem:s6+$0xFFFFF800];
	v6 =	vadd.s32 v12, v6  }
0x155: {  	v12 =	vld [tilespmem:s6+$0xFFFFF810];
	v7 =	vadd.s32 v9, v7  }
0x156: {  	v8 =	vadd.s32 v13, v8;
	v9 =	vld [tilespmem:s6+$0xFFFFF820]  }
0x157: {  	v13 =	vld [tilespmem:s6+$0xFFFFFC00];
	v6 =	vadd.s32 v14, v6  }
0x158: {  	v14 =	vld [tilespmem:s6+$0xFFFFFC10];
	v7 =	vadd.s32 v10, v7  }
0x159: {  	v8 =	vadd.s32 v11, v8;
	v10 =	vld [tilespmem:s6+$0xFFFFFC20]  }
0x15a: {  	v11 =	vld [tilespmem:s6+$0x0];
	v6 =	vadd.s32 v12, v6  }
0x15b: {  	v12 =	vld [tilespmem:s6+$0x10];
	v7 =	vadd.s32 v9, v7  }
0x15c: {  	v8 =	vadd.s32 v13, v8;
	v9 =	vld [tilespmem:s6+$0x20]  }
0x15d: {  	v13 =	vld [tilespmem:s6+$0x400];
	v6 =	vadd.s32 v14, v6  }
0x15e: {  	v14 =	vld [tilespmem:s6+$0x410];
	v7 =	vadd.s32 v10, v7  }
0x15f: {  	v8 =	vadd.s32 v11, v8;
	v10 =	vld [tilespmem:s6+$0x420]  }
0x160: {  	v11 =	vld [tilespmem:s6+$0x800];
	v6 =	vadd.s32 v12, v6  }
0x161: {  	v12 =	vld [tilespmem:s6+$0x810];
	v7 =	vadd.s32 v9, v7  }
0x162: {  	v8 =	vadd.s32 v13, v8;
	v9 =	vld [tilespmem:s6+$0x820]  }
0x163: {  	v13 =	vld [tilespmem:s6+$0xC00];
	v6 =	vadd.s32 v14, v6  }
0x164: {  	v14 =	vld [tilespmem:s6+$0xC10];
	v7 =	vadd.s32 v10, v7  }
0x165: {  	v8 =	vadd.s32 v11, v8;
	v10 =	vld [tilespmem:s6+$0xC20]  }
0x166: {  	v11 =	vld [tilespmem:s6+$0x1000];
	v6 =	vadd.s32 v12, v6  }
0x167: {  	v12 =	vld [tilespmem:s6+$0x1010];
	v7 =	vadd.s32 v9, v7  }
0x168: {  	v8 =	vadd.s32 v13, v8;
	v9 =	vld [tilespmem:s6+$0x1020]  }
0x169: {  	v13 =	vld [tilespmem:s6+$0x1400];
	v6 =	vadd.s32 v14, v6  }
0x16a: {  	v14 =	vld [tilespmem:s6+$0x1410];
	v10 =	vadd.s32 v10, v7  }
0x16b: {  	v8 =	vadd.s32 v11, v8;
	v15 =	vld [tilespmem:s6+$0x1420]  }
.Ltmp8:
0x16c: {  	v7 =	vld [tilespmem:s6+$0x1800];
	v11 =	vadd.s32 v12, v6;
	(pc) =	sbr.rel @p1 .LBB2_52-.Ltmp8, $4  }
0x16d: {  	v6 =	vld [tilespmem:s6+$0x1810];
	v12 =	vadd.s32 v9, v10  }
0x16e: {  	v13 =	vadd.s32 v13, v8;
	v8 =	vld [tilespmem:s6+$0x1820]  }
0x16f: {  	v9 =	vld [tilespmem:s6+$0x1C00];
	v11 =	vadd.s32 v14, v11  }
0x170: {  	v10 =	vld [tilespmem:s6+$0x1C10];
	v12 =	vadd.s32 v15, v12  }
0x171: {  	v14 =	vld [tilespmem:s6+$0x1C20];
	_ =	sdelay $0x1  }
0x172: {  	v7 =	vadd.s32 v7, v13  }
0x173: {  	v6 =	vadd.s32 v6, v11;
	v7 =	vadd.s32 v9, v7  }
0x174: {  	v8 =	vadd.s32 v8, v12;
	[tilespmem:s23+$0xFFFFFFF0] =	vst v7;
	v6 =	vadd.s32 v10, v6  }
0x175: {  	[tilespmem:s23+$0x0] =	vst v6;
	v6 =	vadd.s32 v14, v8  }
0x176: {  	[tilespmem:s23+$0x10] =	vst v6  }
0x177: {  	v6 =	vld [tilespmem:s22+$0xFFFFFFF0];
	_ =	sdelay $0x2  }
0x178: {  	v7 =	vld [tilespmem:s22+$0x0];
	_ =	sdelay $0x1  }
0x179: {  	s10 =	simm.s32 $0x18030;
	(xrf0) =	vadd.scan.msk.s32 $0xffff, v6  }
0x17a: {  	v6 =	vld [tilespmem:s10+$0xFFFFFFF0];
	_ =	sdelay $0x1  }
0x17b: {  	(xrf0) =	vadd.scan.msk.s32 $0xffff, v7;
	_ =	sdelay $0x1  }
0x17c: {  	s6 =	simm.s32 $0x18050;
	v7 =	vld [tilespmem:s10+$0x0]  }
0x17d: {  	v9 =	vld [tilespmem:s6+$0xFFFFFFF0];
	(xrf0) =	vadd.scan.msk.s32 $0xffff, v6;
	v6, _, _ =	vpop (xrf0)  }
0x17e: {  	v6 =	vadd.s32 v5, v6  }
0x17f: {  	v8 =	vperm.xlane v6, v2  }
0x180: {  	v10, _, _ =	vpop (xrf0)  }
0x181: {  	(xrf0) =	vadd.scan.msk.s32 $0xffff, v7;
	vm0 =	vlt.s32 v6, $0xE6667;
	v8 =	vadd.s32 v8, v10  }
0x182: {  	(xrf0) =	vadd.scan.msk.s32 $0xffff, v9;
	[tilespmem:s22+$0xFFFFFFF0] =	vst v6;
	v6 =	vld [tilespmem:s6+$0x0];
	v7 =	vsel vm0, $0x1, v0;
	vm15 =	vlt.s32 v8, $0xE6667  }
0x183: {  	s26 =	simm.s32 $0x18070;
	v5 =	vadd.s32 v7, v5;
	[tilespmem:s22+$0x0] =	vst v8;
	s22 =	simm.s32 $0x60;
	v8 =	vperm.xlane v8, v2;
	v9, _, _ =	vpop (xrf0);
	v7 =	vsel vm15, $0x1, v0  }
.LBB2_54:
0x184: {  	s22 =	sadd.s32 $0x20, s22  }
0x185: {  	v10 =	vld [tilespmem:s26+$0xFFFFFFF0];
	v9 =	vadd.s32 v8, v9;
	v5 =	vadd.s32 v7, v5;
	p1 =	slt.u32 s22, $0x3E0  }
.Ltmp9:
0x186: {  	[tilespmem:s10+$0xFFFFFFF0] =	vst v9;
	v7 =	vperm.xlane v9, v2;
	vm0 =	vlt.s32 v9, $0xE6667;
	(pc) =	sbr.rel @p1 .LBB2_54-.Ltmp9, $4  }
0x187: {  	(xrf0) =	vadd.scan.msk.s32 $0xffff, v6;
	v11 =	vsel vm0, $0x1, v0;
	v8, _, _ =	vpop (xrf0)  }
0x188: {  	v6 =	vld [tilespmem:s26+$0x0];
	v7 =	vadd.s32 v7, v8  }
0x189: {  	[tilespmem:s10+$0x0] =	vst v7;
	v8 =	vperm.xlane v7, v2;
	vm0 =	vlt.s32 v7, $0xE6667;
	s10 =	smov.u32 s6;
	s6 =	smov.u32 s26  }
0x18a: {  	v5 =	vadd.s32 v11, v5;
	s26 =	sadd.s32 $0x20, s26;
	(xrf0) =	vadd.scan.msk.s32 $0xffff, v10;
	v9, _, _ =	vpop (xrf0);
	v7 =	vsel vm0, $0x1, v0  }
0x18b: {  	v8 =	vadd.s32 v8, v9  }
0x18c: {  	v10 =	vld [tilespmem:s26+$0xFFFFFFF0];
	v9 =	vperm.xlane v8, v2  }
0x18d: {  	(xrf0) =	vadd.scan.msk.s32 $0xffff, v6;
	v6, _, _ =	vpop (xrf0)  }
0x18e: {  	v9 =	vadd.s32 v9, v6  }
0x18f: {  	v11 =	vld [tilespmem:s26+$0x0];
	v6 =	vperm.xlane v9, v2  }
0x190: {  	v61, _, _ =	vpop (xrf0)  }
0x191: {  	(xrf0) =	vadd.scan.msk.s32 $0xffff, v10;
	v10 =	vadd.s32 v6, v61  }
0x192: {  	v6 =	vperm.xlane v10, v2  }
0x193: {  	vm0 =	vlt.s32 v8, $0xE6667;
	v62, _, _ =	vpop (xrf0)  }
0x194: {  	(xrf0) =	vadd.scan.msk.s32 $0xffff, v11;
	v11 =	vadd.s32 v6, v62;
	v6 =	vsel vm0, $0x1, v0;
	_ =	sdelay $0x1  }
0x195: {  	v5 =	vadd.s32 v7, v5;
	v7 =	vperm.xlane v11, v2  }
0x196: {  	vm12 =	vlt.s32 v10, $0xE6667;
	v5 =	vadd.s32 v6, v5;
	v6, _, _ =	vpop (xrf0)  }
0x197: {  	vm11 =	vlt.s32 v9, $0xE6667;
	v7 =	vadd.s32 v7, v6;
	v6 =	vsel vm12, $0x1, v0  }
0x198: {  	v12 =	vsel vm11, $0x1, v0  }
0x199: {  	v5 =	vadd.s32 v12, v5;
	v63 =	vperm.xlane v7, v2  }
0x19a: {  	vm13 =	vlt.s32 v11, $0xE6667;
	v5 =	vadd.s32 v6, v5;
	v6, _, _ =	vpop (xrf0)  }
0x19b: {  	vm14 =	vlt.s32 v7, $0xE6667;
	v12 =	vadd.s32 v63, v6;
	v6 =	vsel vm13, $0x1, v0  }
0x19c: {  	v5 =	vadd.s32 v6, v5;
	v6 =	vsel vm14, $0x1, v0;
	vm15 =	vlt.s32 v12, $0xE6667  }
0x19d: {  	v5 =	vadd.s32 v6, v5;
	v6 =	vsel vm15, $0x1, v0  }
0x19e: {  	v5 =	vadd.s32 v6, v5  }
0x19f: {  	(xrf0) =	vadd.scan.msk.s32 $0xffff, v5;
	_ =	sdelay $0x5  }
0x1a0: {  	v6, _, _ =	vpop (xrf0)  }
0x1a1: {  	(v2sf) =	vpush v6, $0xF;
	_ =	sdelay $0xd  }
0x1a2: {  	[tilespmem:s10+$0xFFFFFFF0] =	vst v8  }
0x1a3: {  	[tilespmem:s10+$0x0] =	vst v9;
	s22 =	spop (v2sf)  }
0x1a4: {  	[tilespmem:s6+$0xFFFFFFF0] =	vst v10;
	s23 =	sadd.s32 $0xFFFFFFFF, s22  }
0x1a5: {  	[tilespmem:s6+$0x0] =	vst v11;
	p1 =	sgt.s32 s23, $0x0  }
0x1a6: {  	[tilespmem:s26+$0xFFFFFFF0] =	vst v7;
	s23 =	simm.s32 @!p1 $0x0  }
0x1a7: {  	s6 =	simm.s32 $0x10040;
	[tilespmem:s26+$0x0] =	vst v12;
	s29 =	sand.u32 $0x7FFFFFF0, s23  }
0x1a8: {  	v5 =	vld [tilespmem:s29+$0x18000];
	[tilespmem:s6+$0xFFFFFFC0] =	vst v0  }
0x1a9: {  	[tilespmem:s6+$0x30] =	vst v0  }
0x1aa: {  	[tilespmem:s6+$0x20] =	vst v0  }
0x1ab: {  	[tilespmem:s6+$0x10] =	vst v0  }
0x1ac: {  	[tilespmem:s6+$0x0] =	vst v0  }
0x1ad: {  	[tilespmem:s6+$0xFFFFFFF0] =	vst v0  }
0x1ae: {  	s10 =	simm.s32 $0x0;
	[tilespmem:s6+$0xFFFFFFE0] =	vst v0  }
.LBB2_56:
0x1af: {  	s10 =	sadd.s32 $0x80, s10;
	[tilespmem:s6+$0xFFFFFFD0] =	vst v0;
	s6 =	sadd.s32 $0x80, s6  }
0x1b0: {  	[tilespmem:s6+$0xFFFFFFC0] =	vst v0;
	p1 =	slt.u32 s10, $0x780  }
0x1b1: {  	[tilespmem:s6+$0x30] =	vst v0  }
.Ltmp10:
0x1b2: {  	[tilespmem:s6+$0x20] =	vst v0;
	(pc) =	sbr.rel @p1 .LBB2_56-.Ltmp10, $4  }
0x1b3: {  	[tilespmem:s6+$0x10] =	vst v0  }
0x1b4: {  	[tilespmem:s6+$0x0] =	vst v0  }
0x1b5: {  	[tilespmem:s6+$0xFFFFFFF0] =	vst v0  }
0x1b6: {  	[tilespmem:s6+$0xFFFFFFE0] =	vst v0  }
0x1b7: {  	[tilespmem:s6+$0xFFFFFFD0] =	vst v0;
	s10 =	simm.s32 $0x40  }
0x1b8: {  	v8 =	vld [tilespmem:s10+$0xFFFFFFD0];
	_ =	sdelay $0x1  }
0x1b9: {  	v10 =	vld [tilespmem:s10+$0x10]  }
0x1ba: {  	v9 =	vld [tilespmem:s10+$0x30]  }
0x1bb: {  	v12 =	vld [tilespmem:s10+$0xFFFFFFF0]  }
0x1bc: {  	v6 =	vbroadcast v6, $0xF;
	v13 =	vshrl.u32 v8, $0xA;
	v8 =	vshrl.u32 v8, $0x15  }
0x1bd: {  	v7 =	vld [tilespmem:s10+$0x20];
	v8 =	vand.u32 $0x3FF, v8  }
0x1be: {  	vm0 =	veq.s32 v8, v6;
	v8 =	vshrl.u32 v10, $0x15  }
0x1bf: {  	v11 =	vshrl.u32 v9, $0x15;
	v14 =	vshrl.u32 v10, $0xA;
	v10 =	vld [tilespmem:s10+$0xFFFFFFE0];
	v8 =	vand.u32 $0x3FF, v8  }
0x1c0: {  	v9 =	vshrl.u32 v9, $0xA;
	v15 =	vshrl.u32 v12, $0x15;
	vm3 =	veq.s32 v8, v6  }
0x1c1: {  	v16 =	vshrl.u32 v12, $0xA;
	v15 =	vand.u32 $0x3FF, v15;
	v12 =	vand.u32 $0x7FF, v14  }
0x1c2: {  	v17 =	vshrl.u32 v7, $0x15;
	v11 =	vand.u32 $0x3FF, v11;
	vm1 =	veq.s32 v15, v6;
	v15 =	vld [tilespmem:s10+$0x0]  }
0x1c3: {  	s6 =	simm.s32 $0x0;
	v14 =	vld [tilespmem:s10+$0xFFFFFFC0];
	s10 =	simm.s32 $0xC0;
	v8 =	vand.u32 $0x7FF, v13;
	v13 =	vand.u32 $0x7FF, v16;
	v16 =	vand.u32 $0x3FF, v17  }
.LBB2_58:
0x1c4: {  	v17 =	vld [tilespmem:s10+$0xFFFFFFD0];
	s6 =	sadd.s32 $0x80, s6;
	v18 =	vshrl.u32 v10, $0x15;
	v19 =	vshrl.u32 v7, $0xA;
	vm2 =	veq.s32 v16, v6  }
0x1c5: {  	vm5 =	veq.s32 v11, v6;
	v7 =	vld [tilespmem:s10+$0x20];
	p1 =	slt.u32 s6, $0xFF80;
	v16 =	vand.u32 $0x3FF, v18;
	v18 =	vand.u32 $0x7FF, v19  }
0x1c6: {  	v10 =	vshrl.u32 v10, $0xA;
	v9 =	vand.u32 $0x7FF, v9;
	vm4 =	veq.s32 v16, v6;
	[tilespmem:v12+s31+$0x0] =	vst.idx.add.s32.msk vm3, v1  }
0x1c7: {  	v12 =	vand.u32 $0x7FF, v10;
	v11 =	vld [tilespmem:s10+$0x30];
	v10 =	vshrl.u32 v15, $0xA;
	v15 =	vshrl.u32 v15, $0x15  }
0x1c8: {  	v16 =	vshrl.u32 v14, $0xA;
	v14 =	vshrl.u32 v14, $0x15;
	[tilespmem:v13+s31+$0x0] =	vst.idx.add.s32.msk vm1, v1;
	v13 =	vand.u32 $0x3FF, v15  }
0x1c9: {  	v19 =	vshrl.u32 v17, $0xA;
	v15 =	vld [tilespmem:s10+$0x10];
	v14 =	vand.u32 $0x3FF, v14;
	vm1 =	veq.s32 v13, v6  }
0x1ca: {  	v13 =	vld [tilespmem:s10+$0xFFFFFFF0];
	vm6 =	veq.s32 v14, v6;
	v14 =	vand.u32 $0x7FF, v10  }
0x1cb: {  	v16 =	vand.u32 $0x7FF, v16;
	[tilespmem:v9+s31+$0x0] =	vst.idx.add.s32.msk vm5, v1  }
0x1cc: {  	v9 =	vshrl.u32 v17, $0x15;
	v10 =	vld [tilespmem:s10+$0xFFFFFFE0];
	v17 =	vshrl.u32 v11, $0x15  }
0x1cd: {  	v20 =	vand.u32 $0x3FF, v9;
	v9 =	vshrl.u32 v11, $0xA;
	v11 =	vand.u32 $0x3FF, v17;
	[tilespmem:v8+s31+$0x0] =	vst.idx.add.s32.msk vm0, v1  }
0x1ce: {  	vm0 =	veq.s32 v20, v6;
	v8 =	vshrl.u32 v15, $0xA;
	v15 =	vshrl.u32 v15, $0x15;
	[tilespmem:v12+s31+$0x0] =	vst.idx.add.s32.msk vm4, v1  }
.Ltmp11:
0x1cf: {  	v17 =	vshrl.u32 v13, $0xA;
	v12 =	vshrl.u32 v13, $0x15;
	v13 =	vand.u32 $0x3FF, v15;
	[tilespmem:v14+s31+$0x0] =	vst.idx.add.s32.msk vm1, v1;
	(pc) =	sbr.rel @p1 .LBB2_58-.Ltmp11, $4  }
0x1d0: {  	v14 =	vand.u32 $0x3FF, v12;
	vm3 =	veq.s32 v13, v6;
	[tilespmem:v16+s31+$0x0] =	vst.idx.add.s32.msk vm6, v1  }
0x1d1: {  	v12 =	vand.u32 $0x7FF, v8;
	[tilespmem:v18+s31+$0x0] =	vst.idx.add.s32.msk vm2, v1  }
0x1d2: {  	v16 =	vshrl.u32 v7, $0x15;
	vm1 =	veq.s32 v14, v6;
	v15 =	vld [tilespmem:s10+$0x0]  }
0x1d3: {  	v8 =	vand.u32 $0x7FF, v19;
	v13 =	vand.u32 $0x7FF, v17;
	v16 =	vand.u32 $0x3FF, v16;
	v14 =	vld [tilespmem:s10+$0xFFFFFFC0];
	s10 =	sadd.s32 $0x80, s10  }
0x1d4: {  	v17 =	vshrl.u32 v10, $0x15  }
0x1d5: {  	vm2 =	veq.s32 v11, v6;
	v10 =	vshrl.u32 v10, $0xA;
	v9 =	vand.u32 $0x7FF, v9  }
0x1d6: {  	v7 =	vshrl.u32 v7, $0xA;
	vm15 =	veq.s32 v16, v6;
	v17 =	vand.u32 $0x3FF, v17  }
0x1d7: {  	v10 =	vand.u32 $0x7FF, v10;
	v7 =	vand.u32 $0x7FF, v7;
	v11 =	vshrl.u32 v15, $0x15  }
0x1d8: {  	vm4 =	veq.s32 v17, v6;
	v48 =	vshrl.u32 v14, $0x15;
	v11 =	vand.u32 $0x3FF, v11  }
0x1d9: {  	[tilespmem:v12+s31+$0x0] =	vst.idx.add.s32.msk vm3, v1;
	v15 =	vshrl.u32 v15, $0xA;
	v17 =	vand.u32 $0x3FF, v48;
	vm5 =	veq.s32 v11, v6  }
0x1da: {  	[tilespmem:v13+s31+$0x0] =	vst.idx.add.s32.msk vm1, v1;
	v12 =	vand.u32 $0x7FF, v15;
	v11 =	vshrl.u32 v14, $0xA;
	vm14 =	veq.s32 v17, v6  }
0x1db: {  	[tilespmem:v8+s31+$0x0] =	vst.idx.add.s32.msk vm0, v1;
	v6 =	vand.u32 $0x7FF, v11  }
0x1dc: {  	[tilespmem:v9+s31+$0x0] =	vst.idx.add.s32.msk vm2, v1  }
0x1dd: {  	[tilespmem:v7+s31+$0x0] =	vst.idx.add.s32.msk vm15, v1  }
0x1de: {  	[tilespmem:v10+s31+$0x0] =	vst.idx.add.s32.msk vm4, v1  }
0x1df: {  	[tilespmem:v12+s31+$0x0] =	vst.idx.add.s32.msk vm5, v1  }
0x1e0: {  	[tilespmem:v6+s31+$0x0] =	vst.idx.add.s32.msk vm14, v1  }
0x1e1: {  	s6 =	rddreg [dreg:$0x7]  }
0x1e2: {  	s6 =	sadd.s32 s6, s24  }
0x1e3: {  	[hbm4b:s6+s16] =	stream.strided.scatter [tilespmem:s31], [sflag:$0x5], $0x800, s17, s16, $0x38;
	[tilespmem:$0x18800] =	vst v63  }
0x1e4: {  	_ =	swait.ge [sflag:s18], $0x800  }
0x1e5: {  	[sflag:s18] =	ssyncset.done $0x0  }
0x1e6: {  	[sflag:s18] =	ssyncadd.s32 $0xFFFFF800  }
0x1e7: {  	[bflag:$0x0] =	sbarrier.arrive $0xFFFF  }
0x1e8: {  	[tilespmem:s31], [sflag:$0x5] =	stream.strided.gather [hbm4b:s24+s16], $0x8000, s17, s16, $0x38;
	[tilespmem:$0x18800] =	vst v63  }
0x1e9: {  	_ =	swait.ge [sflag:s18], $0x8000  }
0x1ea: {  	[sflag:s18] =	ssyncset.done $0x0  }
0x1eb: {  	s10 =	simm.s32 $0x0;
	s6 =	simm.s32 $0x0;
	[sflag:s18] =	ssyncadd.s32 $0xFFFF8000  }
0x1ec: {  	s26 =	sand.u32 $0x7C0, s10;
	v6 =	vld [tilespmem:s6+$0x10000]  }
0x1ed: {  	v7 =	vld [tilespmem:s26+$0x10800]  }
0x1ee: {  	v8 =	vld [tilespmem:s26+$0x11000]  }
0x1ef: {  	v9 =	vld [tilespmem:s26+$0x11800]  }
0x1f0: {  	v10 =	vld [tilespmem:s26+$0x12000]  }
0x1f1: {  	v11 =	vld [tilespmem:s26+$0x12800]  }
0x1f2: {  	v12 =	vld [tilespmem:s26+$0x13000]  }
0x1f3: {  	v13 =	vld [tilespmem:s26+$0x13800]  }
0x1f4: {  	v14 =	vld [tilespmem:s26+$0x14000]  }
0x1f5: {  	v15 =	vld [tilespmem:s26+$0x14800]  }
0x1f6: {  	v49 =	vld [tilespmem:s26+$0x15000]  }
0x1f7: {  	v50 =	vld [tilespmem:s26+$0x15800]  }
0x1f8: {  	v18 =	vld [tilespmem:s26+$0x16000]  }
0x1f9: {  	v19 =	vld [tilespmem:s26+$0x16800]  }
0x1fa: {  	v20 =	vld [tilespmem:s26+$0x17000]  }
0x1fb: {  	v21 =	vld [tilespmem:s26+$0x17800]  }
0x1fc: {  	v22 =	vld [tilespmem:s6+$0x10010]  }
0x1fd: {  	v23 =	vld [tilespmem:s6+$0x10810]  }
0x1fe: {  	v24 =	vld [tilespmem:s6+$0x10020]  }
0x1ff: {  	v25 =	vld [tilespmem:s6+$0x10820]  }
0x200: {  	v26 =	vld [tilespmem:s6+$0x10030]  }
0x201: {  	v27 =	vld [tilespmem:s6+$0x10830]  }
0x202: {  	v28 =	vld [tilespmem:s6+$0x11010]  }
0x203: {  	v29 =	vld [tilespmem:s6+$0x11020]  }
0x204: {  	v30 =	vld [tilespmem:s6+$0x11030]  }
0x205: {  	v31 =	vld [tilespmem:s6+$0x11810]  }
0x206: {  	v32 =	vld [tilespmem:s6+$0x11820]  }
0x207: {  	v33 =	vld [tilespmem:s6+$0x11830]  }
0x208: {  	v34 =	vld [tilespmem:s6+$0x12010]  }
0x209: {  	v35 =	vld [tilespmem:s6+$0x12020]  }
0x20a: {  	v36 =	vld [tilespmem:s6+$0x12030]  }
0x20b: {  	v37 =	vld [tilespmem:s6+$0x12810]  }
0x20c: {  	v38 =	vld [tilespmem:s6+$0x12820]  }
0x20d: {  	v39 =	vld [tilespmem:s6+$0x12830]  }
0x20e: {  	v40 =	vld [tilespmem:s6+$0x13010]  }
0x20f: {  	v51 =	vld [tilespmem:s6+$0x14820]  }
0x210: {  	v52 =	vld [tilespmem:s6+$0x14830];
	v6 =	vadd.s32 v6, v7  }
0x211: {  	v53 =	vld [tilespmem:s6+$0x15010];
	v6 =	vadd.s32 v8, v6  }
0x212: {  	v54 =	vld [tilespmem:s6+$0x15020];
	v6 =	vadd.s32 v9, v6  }
0x213: {  	v55 =	vld [tilespmem:s6+$0x15030];
	v6 =	vadd.s32 v10, v6  }
0x214: {  	v41 =	vld [tilespmem:s6+$0x15810];
	v6 =	vadd.s32 v11, v6  }
0x215: {  	v58 =	vld [tilespmem:s6+$0x15820];
	v6 =	vadd.s32 v12, v6  }
0x216: {  	v59 =	vld [tilespmem:s6+$0x15830];
	v6 =	vadd.s32 v13, v6  }
0x217: {  	v60 =	vld [tilespmem:s6+$0x16010];
	v6 =	vadd.s32 v14, v6  }
0x218: {  	v61 =	vld [tilespmem:s6+$0x16020];
	v6 =	vadd.s32 v15, v6  }
0x219: {  	v7 =	vld [tilespmem:s6+$0x13020];
	v6 =	vadd.s32 v49, v6  }
0x21a: {  	v8 =	vld [tilespmem:s6+$0x13030];
	v6 =	vadd.s32 v50, v6  }
0x21b: {  	v9 =	vld [tilespmem:s6+$0x13810];
	v6 =	vadd.s32 v18, v6  }
0x21c: {  	v10 =	vld [tilespmem:s6+$0x13820];
	v6 =	vadd.s32 v19, v6  }
0x21d: {  	v56 =	vadd.s32 v24, v25;
	v11 =	vld [tilespmem:s6+$0x13830];
	v6 =	vadd.s32 v20, v6  }
0x21e: {  	v57 =	vadd.s32 v26, v27;
	v12 =	vld [tilespmem:s6+$0x14010];
	v21 =	vadd.s32 v21, v6;
	v6 =	vadd.s32 v22, v23  }
0x21f: {  	v13 =	vld [tilespmem:s6+$0x14020];
	v22 =	vadd.s32 v29, v56;
	v23 =	vadd.s32 v30, v57;
	v6 =	vadd.s32 v28, v6  }
0x220: {  	v14 =	vld [tilespmem:s6+$0x14030];
	v22 =	vadd.s32 v32, v22;
	v23 =	vadd.s32 v33, v23;
	v6 =	vadd.s32 v31, v6  }
0x221: {  	v15 =	vld [tilespmem:s6+$0x14810];
	v22 =	vadd.s32 v35, v22;
	v23 =	vadd.s32 v36, v23;
	v6 =	vadd.s32 v34, v6  }
0x222: {  	v62 =	vld [tilespmem:s6+$0x16030];
	v22 =	vadd.s32 v38, v22;
	v23 =	vadd.s32 v39, v23;
	v6 =	vadd.s32 v37, v6  }
0x223: {  	v63 =	vld [tilespmem:s6+$0x16810];
	v7 =	vadd.s32 v7, v22;
	v8 =	vadd.s32 v8, v23;
	v6 =	vadd.s32 v40, v6  }
0x224: {  	v7 =	vadd.s32 v10, v7;
	v8 =	vadd.s32 v11, v8;
	v10 =	vld [tilespmem:s6+$0x16820];
	v6 =	vadd.s32 v9, v6  }
0x225: {  	v7 =	vadd.s32 v13, v7;
	v8 =	vadd.s32 v14, v8;
	v6 =	vadd.s32 v12, v6;
	v12 =	vld [tilespmem:s6+$0x16830]  }
0x226: {  	v7 =	vadd.s32 v51, v7;
	v8 =	vadd.s32 v52, v8;
	v9 =	vadd.s32 v15, v6;
	v6 =	vld [tilespmem:s6+$0x17010]  }
0x227: {  	v11 =	vadd.s32 v54, v7;
	v8 =	vadd.s32 v55, v8;
	v7 =	vld [tilespmem:s6+$0x17020];
	v9 =	vadd.s32 v53, v9  }
0x228: {  	v11 =	vadd.s32 v58, v11;
	v13 =	vadd.s32 v59, v8;
	v8 =	vld [tilespmem:s6+$0x17030];
	v9 =	vadd.s32 v41, v9  }
0x229: {  	v11 =	vadd.s32 v61, v11;
	v15 =	vadd.s32 v62, v13;
	v14 =	vadd.s32 v60, v9;
	v9 =	vld [tilespmem:s6+$0x17810]  }
0x22a: {  	s26 =	simm.s32 $0x100;
	[tilespmem:s6+$0x18000] =	vst v21;
	v11 =	vadd.s32 v10, v11;
	v10 =	vld [tilespmem:s6+$0x17820];
	v13 =	vadd.s32 v63, v14;
	v12 =	vadd.s32 v12, v15  }
.LBB2_60:
0x22b: {  	s10 =	sadd.s32 $0x40, s10;
	s28 =	sshra.s32 s26, $0x2;
	v6 =	vadd.s32 v6, v13;
	v13 =	vld [tilespmem:s6+$0x17830]  }
0x22c: {  	v14 =	vld [tilespmem:s28+$0x10000];
	s29 =	sand.u32 $0x7C0, s10;
	p1 =	slt.u32 s10, $0x7C0;
	v7 =	vadd.s32 v7, v11  }
0x22d: {  	v11 =	vld [tilespmem:s29+$0x10800];
	v8 =	vadd.s32 v8, v12  }
0x22e: {  	v12 =	vld [tilespmem:s29+$0x11000];
	v6 =	vadd.s32 v9, v6  }
0x22f: {  	v9 =	vld [tilespmem:s29+$0x11800];
	[tilespmem:s6+$0x18010] =	vst v6;
	v6 =	vadd.s32 v10, v7  }
0x230: {  	v7 =	vld [tilespmem:s29+$0x12000];
	[tilespmem:s6+$0x18020] =	vst v6;
	v6 =	vadd.s32 v13, v8  }
0x231: {  	v8 =	vld [tilespmem:s29+$0x12800];
	[tilespmem:s6+$0x18030] =	vst v6;
	s6 =	smov.u32 s28  }
0x232: {  	v6 =	vadd.s32 v14, v11;
	v10 =	vld [tilespmem:s29+$0x13000]  }
0x233: {  	v6 =	vadd.s32 v12, v6;
	v11 =	vld [tilespmem:s29+$0x13800]  }
0x234: {  	v6 =	vadd.s32 v9, v6;
	v9 =	vld [tilespmem:s29+$0x14000]  }
0x235: {  	v6 =	vadd.s32 v7, v6;
	v7 =	vld [tilespmem:s29+$0x14800]  }
0x236: {  	v6 =	vadd.s32 v8, v6;
	v8 =	vld [tilespmem:s29+$0x15000]  }
0x237: {  	v6 =	vadd.s32 v10, v6;
	v10 =	vld [tilespmem:s29+$0x15800]  }
0x238: {  	v6 =	vadd.s32 v11, v6;
	v11 =	vld [tilespmem:s29+$0x16000]  }
0x239: {  	v6 =	vadd.s32 v9, v6;
	v9 =	vld [tilespmem:s29+$0x16800]  }
0x23a: {  	v6 =	vadd.s32 v7, v6;
	v7 =	vld [tilespmem:s29+$0x17000]  }
0x23b: {  	v6 =	vadd.s32 v8, v6;
	v8 =	vld [tilespmem:s29+$0x17800]  }
0x23c: {  	v6 =	vadd.s32 v10, v6;
	v10 =	vld [tilespmem:s6+$0x10010]  }
0x23d: {  	v6 =	vadd.s32 v11, v6;
	v11 =	vld [tilespmem:s6+$0x10810]  }
0x23e: {  	v6 =	vadd.s32 v9, v6;
	v9 =	vld [tilespmem:s6+$0x10020]  }
0x23f: {  	v6 =	vadd.s32 v7, v6;
	v7 =	vld [tilespmem:s6+$0x10820]  }
0x240: {  	v6 =	vadd.s32 v8, v6;
	v8 =	vld [tilespmem:s6+$0x10030]  }
0x241: {  	[tilespmem:s6+$0x18000] =	vst v6;
	v6 =	vld [tilespmem:s6+$0x10830]  }
0x242: {  	v10 =	vadd.s32 v10, v11;
	v11 =	vld [tilespmem:s6+$0x11010]  }
0x243: {  	v12 =	vld [tilespmem:s6+$0x11020]  }
0x244: {  	v7 =	vadd.s32 v9, v7;
	v9 =	vld [tilespmem:s6+$0x11030]  }
0x245: {  	v13 =	vld [tilespmem:s6+$0x11810]  }
0x246: {  	v14 =	vld [tilespmem:s6+$0x11820];
	v6 =	vadd.s32 v8, v6  }
0x247: {  	v8 =	vadd.s32 v11, v10;
	v10 =	vld [tilespmem:s6+$0x11830]  }
0x248: {  	v11 =	vld [tilespmem:s6+$0x12010];
	v7 =	vadd.s32 v12, v7  }
0x249: {  	v12 =	vld [tilespmem:s6+$0x12020];
	v6 =	vadd.s32 v9, v6  }
0x24a: {  	v8 =	vadd.s32 v13, v8;
	v9 =	vld [tilespmem:s6+$0x12030]  }
0x24b: {  	v13 =	vld [tilespmem:s6+$0x12810];
	v7 =	vadd.s32 v14, v7  }
0x24c: {  	v14 =	vld [tilespmem:s6+$0x12820];
	v6 =	vadd.s32 v10, v6  }
0x24d: {  	v8 =	vadd.s32 v11, v8;
	v10 =	vld [tilespmem:s6+$0x12830]  }
0x24e: {  	v11 =	vld [tilespmem:s6+$0x13010];
	v7 =	vadd.s32 v12, v7  }
0x24f: {  	v12 =	vld [tilespmem:s6+$0x13020];
	v6 =	vadd.s32 v9, v6  }
0x250: {  	v8 =	vadd.s32 v13, v8;
	v9 =	vld [tilespmem:s6+$0x13030]  }
0x251: {  	v13 =	vld [tilespmem:s6+$0x13810];
	v7 =	vadd.s32 v14, v7  }
0x252: {  	v14 =	vld [tilespmem:s6+$0x13820];
	v6 =	vadd.s32 v10, v6  }
0x253: {  	v8 =	vadd.s32 v11, v8;
	v10 =	vld [tilespmem:s6+$0x13830]  }
0x254: {  	v11 =	vld [tilespmem:s6+$0x14010];
	v7 =	vadd.s32 v12, v7  }
0x255: {  	v12 =	vld [tilespmem:s6+$0x14020];
	v6 =	vadd.s32 v9, v6  }
0x256: {  	v8 =	vadd.s32 v13, v8;
	v9 =	vld [tilespmem:s6+$0x14030]  }
0x257: {  	v13 =	vld [tilespmem:s6+$0x14810];
	v7 =	vadd.s32 v14, v7  }
0x258: {  	v14 =	vld [tilespmem:s6+$0x14820];
	v6 =	vadd.s32 v10, v6  }
0x259: {  	v8 =	vadd.s32 v11, v8;
	v10 =	vld [tilespmem:s6+$0x14830]  }
0x25a: {  	v11 =	vld [tilespmem:s6+$0x15010];
	v7 =	vadd.s32 v12, v7  }
0x25b: {  	v12 =	vld [tilespmem:s6+$0x15020];
	v6 =	vadd.s32 v9, v6  }
0x25c: {  	v8 =	vadd.s32 v13, v8;
	v9 =	vld [tilespmem:s6+$0x15030]  }
0x25d: {  	v13 =	vld [tilespmem:s6+$0x15810];
	v7 =	vadd.s32 v14, v7  }
0x25e: {  	v14 =	vld [tilespmem:s6+$0x15820];
	v6 =	vadd.s32 v10, v6  }
0x25f: {  	v8 =	vadd.s32 v11, v8;
	v10 =	vld [tilespmem:s6+$0x15830]  }
0x260: {  	v11 =	vld [tilespmem:s6+$0x16010];
	v7 =	vadd.s32 v12, v7  }
0x261: {  	v12 =	vld [tilespmem:s6+$0x16020];
	v6 =	vadd.s32 v9, v6  }
0x262: {  	v8 =	vadd.s32 v13, v8;
	v9 =	vld [tilespmem:s6+$0x16030]  }
0x263: {  	v13 =	vld [tilespmem:s6+$0x16810];
	v7 =	vadd.s32 v14, v7  }
0x264: {  	v14 =	vld [tilespmem:s6+$0x16820];
	v10 =	vadd.s32 v10, v6  }
0x265: {  	v8 =	vadd.s32 v11, v8;
	v15 =	vld [tilespmem:s6+$0x16830]  }
.Ltmp12:
0x266: {  	v6 =	vld [tilespmem:s6+$0x17010];
	v11 =	vadd.s32 v12, v7;
	(pc) =	sbr.rel @p1 .LBB2_60-.Ltmp12, $4  }
0x267: {  	v7 =	vld [tilespmem:s6+$0x17020];
	v12 =	vadd.s32 v9, v10  }
0x268: {  	v13 =	vadd.s32 v13, v8;
	v8 =	vld [tilespmem:s6+$0x17030]  }
0x269: {  	v9 =	vld [tilespmem:s6+$0x17810];
	v11 =	vadd.s32 v14, v11  }
0x26a: {  	s26 =	sadd.s32 $0x100, s26;
	v10 =	vld [tilespmem:s6+$0x17820];
	v12 =	vadd.s32 v15, v12  }
0x26b: {  	v14 =	vld [tilespmem:s6+$0x17830];
	_ =	sdelay $0x1  }
0x26c: {  	v6 =	vadd.s32 v6, v13  }
0x26d: {  	v7 =	vadd.s32 v7, v11;
	v6 =	vadd.s32 v9, v6  }
0x26e: {  	v8 =	vadd.s32 v8, v12;
	[tilespmem:s6+$0x18010] =	vst v6;
	v6 =	vadd.s32 v10, v7  }
0x26f: {  	s26 =	sand.u32 $0xF, s23;
	[tilespmem:s6+$0x18020] =	vst v6;
	v6 =	vadd.s32 v14, v8  }
0x270: {  	[tilespmem:s6+$0x18030] =	vst v6;
	v6 =	vmov s26  }
0x271: {  	v5 =	vxor.u32 $0x80000000, v5;
	vm0 =	veq.s32 v6, v3  }
0x272: {  	v5 =	vnsel vm0, $0x80000000, v5  }
0x273: {  	(xrf0) =	vmax.scan.msk.u32 $0xffff, v5;
	_ =	sdelay $0x5  }
0x274: {  	v5, _, _ =	vpop (xrf0)  }
0x275: {  	(v2sf) =	vpush v5, $0xF;
	_ =	sdelay $0xa  }
0x276: {  	s10 =	simm.s32 $0x18010  }
0x277: {  	v6 =	vld [tilespmem:s10+$0xFFFFFFF0];
	_ =	sdelay $0x2  }
0x278: {  	v8 =	vld [tilespmem:s10+$0x0];
	s29 =	spop (v2sf)  }
0x279: {  	s6 =	sxor.u32 $0x80000000, s29  }
0x27a: {  	(xrf0) =	vadd.scan.msk.s32 $0xffff, v6;
	s23 =	ssub.s32 $0xE6666, s6;
	s6 =	simm.s32 $0x18030  }
0x27b: {  	v6 =	vld [tilespmem:s6+$0xFFFFFFF0];
	_ =	sdelay $0x1  }
0x27c: {  	(xrf0) =	vadd.scan.msk.s32 $0xffff, v8;
	_ =	sdelay $0x1  }
0x27d: {  	s26 =	simm.s32 $0x18050;
	v8 =	vld [tilespmem:s6+$0x0]  }
0x27e: {  	v7 =	vimm.s32 $0x0;
	v10 =	vld [tilespmem:s26+$0xFFFFFFF0];
	(xrf0) =	vadd.scan.msk.s32 $0xffff, v6;
	v6, _, _ =	vpop (xrf0)  }
0x27f: {  	p1 =	sgt.s32 s22, $0x0;
	v6 =	vadd.s32 v7, v6  }
0x280: {  	s23 =	simm.s32 @!p1 $0xE6666;
	v9 =	vperm.xlane v6, v2  }
0x281: {  	v5 =	vmov s23;
	v11, _, _ =	vpop (xrf0)  }
0x282: {  	(xrf0) =	vadd.scan.msk.s32 $0xffff, v8;
	vm14 =	vle.s32 v6, v5;
	v9 =	vadd.s32 v9, v11  }
0x283: {  	[tilespmem:s10+$0xFFFFFFF0] =	vst v6;
	v6 =	vld [tilespmem:s26+$0x0];
	(xrf0) =	vadd.scan.msk.s32 $0xffff, v10;
	v8 =	vsel vm14, $0x1, v0;
	vm15 =	vle.s32 v9, v5  }
0x284: {  	s28 =	simm.s32 $0x18070;
	v7 =	vadd.s32 v8, v7;
	[tilespmem:s10+$0x0] =	vst v9;
	s10 =	simm.s32 $0x60;
	v9 =	vperm.xlane v9, v2;
	v10, _, _ =	vpop (xrf0);
	v8 =	vsel vm15, $0x1, v0  }
.LBB2_62:
0x285: {  	s10 =	sadd.s32 $0x20, s10  }
0x286: {  	v11 =	vld [tilespmem:s28+$0xFFFFFFF0];
	v10 =	vadd.s32 v9, v10;
	v7 =	vadd.s32 v8, v7;
	p1 =	slt.u32 s10, $0x7E0  }
.Ltmp13:
0x287: {  	[tilespmem:s6+$0xFFFFFFF0] =	vst v10;
	v8 =	vperm.xlane v10, v2;
	vm0 =	vle.s32 v10, v5;
	(pc) =	sbr.rel @p1 .LBB2_62-.Ltmp13, $4  }
0x288: {  	(xrf0) =	vadd.scan.msk.s32 $0xffff, v6;
	v12 =	vsel vm0, $0x1, v0;
	v9, _, _ =	vpop (xrf0)  }
0x289: {  	v6 =	vld [tilespmem:s28+$0x0];
	v8 =	vadd.s32 v8, v9  }
0x28a: {  	[tilespmem:s6+$0x0] =	vst v8;
	v9 =	vperm.xlane v8, v2;
	vm0 =	vle.s32 v8, v5;
	s6 =	smov.u32 s26;
	s26 =	smov.u32 s28  }
0x28b: {  	v7 =	vadd.s32 v12, v7;
	s28 =	sadd.s32 $0x20, s28;
	(xrf0) =	vadd.scan.msk.s32 $0xffff, v11;
	v10, _, _ =	vpop (xrf0);
	v8 =	vsel vm0, $0x1, v0  }
0x28c: {  	v11 =	vld [tilespmem:s28+$0xFFFFFFF0];
	v9 =	vadd.s32 v9, v10  }
0x28d: {  	v10 =	vperm.xlane v9, v2  }
0x28e: {  	(xrf0) =	vadd.scan.msk.s32 $0xffff, v6;
	v6, _, _ =	vpop (xrf0)  }
0x28f: {  	v12 =	vld [tilespmem:s28+$0x0];
	v6 =	vadd.s32 v10, v6  }
0x290: {  	v10 =	vperm.xlane v6, v2  }
0x291: {  	(xrf0) =	vadd.scan.msk.s32 $0xffff, v11;
	v55, _, _ =	vpop (xrf0)  }
0x292: {  	v10 =	vadd.s32 v10, v55  }
0x293: {  	v11 =	vperm.xlane v10, v2  }
0x294: {  	(xrf0) =	vadd.scan.msk.s32 $0xffff, v12;
	v56, _, _ =	vpop (xrf0)  }
0x295: {  	vm0 =	vle.s32 v9, v5;
	v11 =	vadd.s32 v11, v56  }
0x296: {  	v7 =	vadd.s32 v8, v7;
	v57 =	vsel vm0, $0x1, v0;
	v12 =	vperm.xlane v11, v2  }
0x297: {  	v7 =	vadd.s32 v57, v7;
	vm11 =	vle.s32 v6, v5;
	v58, _, _ =	vpop (xrf0)  }
0x298: {  	v13 =	vsel vm11, $0x1, v0;
	vm12 =	vle.s32 v10, v5;
	v8 =	vadd.s32 v12, v58  }
0x299: {  	v7 =	vadd.s32 v13, v7;
	v59 =	vsel vm12, $0x1, v0;
	v60 =	vperm.xlane v8, v2  }
0x29a: {  	v7 =	vadd.s32 v59, v7;
	vm13 =	vle.s32 v11, v5;
	v61, _, _ =	vpop (xrf0)  }
0x29b: {  	v62 =	vsel vm13, $0x1, v0;
	vm14 =	vle.s32 v8, v5;
	v12 =	vadd.s32 v60, v61  }
0x29c: {  	v7 =	vadd.s32 v62, v7;
	v63 =	vsel vm14, $0x1, v0;
	vm15 =	vle.s32 v12, v5  }
0x29d: {  	v5 =	vadd.s32 v63, v7;
	v7 =	vsel vm15, $0x1, v0  }
0x29e: {  	v5 =	vadd.s32 v7, v5  }
0x29f: {  	(xrf0) =	vadd.scan.msk.s32 $0xffff, v5;
	_ =	sdelay $0x5  }
0x2a0: {  	v5, _, _ =	vpop (xrf0)  }
0x2a1: {  	(v2sf) =	vpush v5, $0xF;
	_ =	sdelay $0xd  }
0x2a2: {  	[tilespmem:s6+$0xFFFFFFF0] =	vst v9  }
0x2a3: {  	[tilespmem:s6+$0x0] =	vst v6;
	s6 =	spop (v2sf)  }
0x2a4: {  	[tilespmem:s26+$0xFFFFFFF0] =	vst v10;
	s10 =	sadd.s32 $0xFFFFFFFF, s6  }
0x2a5: {  	[tilespmem:s26+$0x0] =	vst v11;
	p1 =	sgt.s32 s10, $0x0  }
0x2a6: {  	[tilespmem:s28+$0xFFFFFFF0] =	vst v8;
	s10 =	simm.s32 @!p1 $0x0  }
0x2a7: {  	s26 =	simm.s32 $0x10040;
	[tilespmem:s28+$0x0] =	vst v12;
	s29 =	sand.u32 $0x7FFFFFF0, s10  }
0x2a8: {  	v5 =	vld [tilespmem:s29+$0x18000];
	[tilespmem:s26+$0xFFFFFFC0] =	vst v0  }
0x2a9: {  	[tilespmem:s26+$0x30] =	vst v0  }
0x2aa: {  	[tilespmem:s26+$0x20] =	vst v0  }
0x2ab: {  	[tilespmem:s26+$0x10] =	vst v0  }
0x2ac: {  	[tilespmem:s26+$0x0] =	vst v0  }
0x2ad: {  	[tilespmem:s26+$0xFFFFFFF0] =	vst v0  }
0x2ae: {  	s28 =	simm.s32 $0x0;
	[tilespmem:s26+$0xFFFFFFE0] =	vst v0  }
.LBB2_64:
0x2af: {  	s28 =	sadd.s32 $0x80, s28;
	[tilespmem:s26+$0xFFFFFFD0] =	vst v0;
	s26 =	sadd.s32 $0x80, s26  }
0x2b0: {  	[tilespmem:s26+$0xFFFFFFC0] =	vst v0;
	p1 =	slt.u32 s28, $0x380  }
0x2b1: {  	[tilespmem:s26+$0x30] =	vst v0  }
.Ltmp14:
0x2b2: {  	[tilespmem:s26+$0x20] =	vst v0;
	(pc) =	sbr.rel @p1 .LBB2_64-.Ltmp14, $4  }
0x2b3: {  	[tilespmem:s26+$0x10] =	vst v0  }
0x2b4: {  	[tilespmem:s26+$0x0] =	vst v0  }
0x2b5: {  	[tilespmem:s26+$0xFFFFFFF0] =	vst v0  }
0x2b6: {  	[tilespmem:s26+$0xFFFFFFE0] =	vst v0  }
0x2b7: {  	[tilespmem:s26+$0xFFFFFFD0] =	vst v0;
	s29 =	simm.s32 $0x40  }
0x2b8: {  	v8 =	vld [tilespmem:s29+$0x30]  }
0x2b9: {  	v7 =	vld [tilespmem:s29+$0xFFFFFFD0]  }
0x2ba: {  	v9 =	vld [tilespmem:s29+$0xFFFFFFE0]  }
0x2bb: {  	v11 =	vld [tilespmem:s29+$0xFFFFFFF0]  }
0x2bc: {  	v13 =	vld [tilespmem:s29+$0x0]  }
0x2bd: {  	s22 =	sshll.u32 s22, $0xB;
	v14 =	vld [tilespmem:s29+$0x10]  }
0x2be: {  	s22 =	sor.u32 s22, s6;
	v16 =	vld [tilespmem:s29+$0xFFFFFFC0]  }
0x2bf: {  	v6 =	vmov s22;
	v10 =	vshrl.u32 v8, $0xA  }
0x2c0: {  	v12 =	vshrl.u32 v7, $0xA;
	v15 =	vand.u32 $0x3FF, v7;
	v17 =	vshrl.u32 v9, $0xA  }
0x2c1: {  	v7 =	vld [tilespmem:s29+$0x20];
	v59 =	vshrl.u32 v11, $0xA;
	v8 =	vand.u32 $0x3FF, v8;
	v10 =	vand.u32 $0x1FFFFF, v10  }
0x2c2: {  	v60 =	vshrl.u32 v13, $0xA;
	v12 =	vand.u32 $0x1FFFFF, v12;
	vm4 =	veq.s32 v10, v6  }
0x2c3: {  	v61 =	vshrl.u32 v14, $0xA;
	v18 =	vshrl.u32 v16, $0xA;
	vm7 =	veq.s32 v12, v6  }
0x2c4: {  	v11 =	vand.u32 $0x3FF, v11;
	v63 =	vand.u32 $0x1FFFFF, v18;
	v10 =	vand.u32 $0x1FFFFF, v17  }
0x2c5: {  	v12 =	vand.u32 $0x1FFFFF, v59;
	vm5 =	veq.s32 v63, v6;
	vm0 =	veq.s32 v10, v6  }
0x2c6: {  	v10 =	vand.u32 $0x1FFFFF, v60;
	vm1 =	veq.s32 v12, v6;
	v62 =	vshrl.u32 v7, $0xA  }
0x2c7: {  	v12 =	vand.u32 $0x1FFFFF, v61;
	vm2 =	veq.s32 v10, v6;
	v10 =	vand.u32 $0x1FFFFF, v62  }
0x2c8: {  	vm3 =	veq.s32 v12, v6;
	v12 =	vand.u32 $0x3FF, v16;
	vm6 =	veq.s32 v10, v6;
	[tilespmem:v8+s31+$0x0] =	vst.idx.add.s32.msk vm4, v1  }
0x2c9: {  	s26 =	simm.s32 $0x0;
	s28 =	simm.s32 $0xC0;
	v10 =	vand.u32 $0x3FF, v9;
	v9 =	vand.u32 $0x3FF, v13;
	[tilespmem:v15+s31+$0x0] =	vst.idx.add.s32.msk vm7, v1;
	v8 =	vand.u32 $0x3FF, v14  }
.LBB2_66:
0x2ca: {  	v13 =	vld [tilespmem:s28+$0x30];
	s26 =	sadd.s32 $0x80, s26;
	v14 =	vand.u32 $0x3FF, v7;
	vm4 =	vmmov vm6  }
0x2cb: {  	v7 =	vld [tilespmem:s28+$0xFFFFFFD0];
	p1 =	slt.u32 s26, $0xFF80  }
0x2cc: {  	v15 =	vld [tilespmem:s28+$0xFFFFFFE0]  }
0x2cd: {  	v16 =	vld [tilespmem:s28+$0xFFFFFFF0]  }
0x2ce: {  	v17 =	vld [tilespmem:s28+$0x0]  }
0x2cf: {  	v18 =	vld [tilespmem:s28+$0x10];
	v19 =	vshrl.u32 v13, $0xA  }
0x2d0: {  	v20 =	vshrl.u32 v7, $0xA;
	v21 =	vand.u32 $0x3FF, v7;
	v7 =	vld [tilespmem:s28+$0x20];
	v19 =	vand.u32 $0x1FFFFF, v19  }
0x2d1: {  	v22 =	vld [tilespmem:s28+$0xFFFFFFC0];
	v20 =	vand.u32 $0x1FFFFF, v20;
	v23 =	vshrl.u32 v15, $0xA;
	vm7 =	veq.s32 v19, v6  }
0x2d2: {  	v13 =	vand.u32 $0x3FF, v13;
	v19 =	vand.u32 $0x1FFFFF, v23;
	v23 =	vshrl.u32 v16, $0xA;
	[tilespmem:v12+s31+$0x0] =	vst.idx.add.s32.msk vm5, v1  }
0x2d3: {  	vm8 =	veq.s32 v20, v6;
	v12 =	vand.u32 $0x1FFFFF, v23;
	v20 =	vshrl.u32 v17, $0xA;
	[tilespmem:v10+s31+$0x0] =	vst.idx.add.s32.msk vm0, v1  }
0x2d4: {  	vm0 =	veq.s32 v19, v6;
	v10 =	vand.u32 $0x1FFFFF, v20;
	v19 =	vshrl.u32 v18, $0xA;
	[tilespmem:v11+s31+$0x0] =	vst.idx.add.s32.msk vm1, v1  }
.Ltmp15:
0x2d5: {  	vm1 =	veq.s32 v12, v6;
	v11 =	vand.u32 $0x1FFFFF, v19;
	v12 =	vshrl.u32 v7, $0xA;
	[tilespmem:v9+s31+$0x0] =	vst.idx.add.s32.msk vm2, v1;
	(pc) =	sbr.rel @p1 .LBB2_66-.Ltmp15, $4  }
0x2d6: {  	vm2 =	veq.s32 v10, v6;
	v9 =	vshrl.u32 v22, $0xA;
	v10 =	vand.u32 $0x1FFFFF, v12;
	[tilespmem:v8+s31+$0x0] =	vst.idx.add.s32.msk vm3, v1  }
0x2d7: {  	vm3 =	veq.s32 v11, v6;
	v8 =	vand.u32 $0x1FFFFF, v9;
	vm6 =	veq.s32 v10, v6;
	[tilespmem:v13+s31+$0x0] =	vst.idx.add.s32.msk vm7, v1  }
0x2d8: {  	v12 =	vand.u32 $0x3FF, v22;
	v10 =	vand.u32 $0x3FF, v15;
	vm5 =	veq.s32 v8, v6;
	[tilespmem:v14+s31+$0x0] =	vst.idx.add.s32.msk vm4, v1  }
0x2d9: {  	s28 =	sadd.s32 $0x80, s28;
	v11 =	vand.u32 $0x3FF, v16;
	v9 =	vand.u32 $0x3FF, v17;
	v8 =	vand.u32 $0x3FF, v18;
	[tilespmem:v21+s31+$0x0] =	vst.idx.add.s32.msk vm8, v1  }
0x2da: {  	_ =	sdelay $0x4  }
0x2db: {  	v6 =	vand.u32 $0x3FF, v7;
	[tilespmem:v12+s31+$0x0] =	vst.idx.add.s32.msk vm5, v1  }
0x2dc: {  	[tilespmem:v10+s31+$0x0] =	vst.idx.add.s32.msk vm0, v1  }
0x2dd: {  	[tilespmem:v11+s31+$0x0] =	vst.idx.add.s32.msk vm1, v1  }
0x2de: {  	[tilespmem:v9+s31+$0x0] =	vst.idx.add.s32.msk vm2, v1  }
0x2df: {  	[tilespmem:v8+s31+$0x0] =	vst.idx.add.s32.msk vm3, v1  }
0x2e0: {  	[tilespmem:v6+s31+$0x0] =	vst.idx.add.s32.msk vm6, v1  }
0x2e1: {  	[hbm4b:s21+s16] =	stream.strided.scatter [tilespmem:s31], [sflag:$0x5], $0x400, s17, s16, $0x38;
	[tilespmem:$0x18800] =	vst v63  }
0x2e2: {  	_ =	swait.ge [sflag:s18], $0x400  }
0x2e3: {  	[sflag:s18] =	ssyncset.done $0x0  }
0x2e4: {  	[sflag:s18] =	ssyncadd.s32 $0xFFFFFC00  }
0x2e5: {  	[bflag:$0x0] =	sbarrier.arrive $0xFFFF  }
0x2e6: {  	[tilespmem:s31], [sflag:$0x5] =	stream.strided.gather [hbm4b:s24+s16], $0x4000, s17, s16, $0x38;
	[tilespmem:$0x18800] =	vst v63  }
0x2e7: {  	_ =	swait.ge [sflag:s18], $0x4000  }
0x2e8: {  	[sflag:s18] =	ssyncset.done $0x0  }
0x2e9: {  	s26 =	simm.s32 $0x12010;
	s28 =	simm.s32 $0x0;
	[sflag:s18] =	ssyncadd.s32 $0xFFFFC000  }
0x2ea: {  	s29 =	sand.u32 $0x3C0, s28;
	v6 =	vld [tilespmem:s26+$0xFFFFDFF0]  }
0x2eb: {  	v7 =	vld [tilespmem:s29+$0x10400]  }
0x2ec: {  	v8 =	vld [tilespmem:s29+$0x10800]  }
0x2ed: {  	v9 =	vld [tilespmem:s29+$0x10C00]  }
0x2ee: {  	v10 =	vld [tilespmem:s29+$0x11000]  }
0x2ef: {  	v11 =	vld [tilespmem:s29+$0x11400]  }
0x2f0: {  	v12 =	vld [tilespmem:s29+$0x11800]  }
0x2f1: {  	v13 =	vld [tilespmem:s29+$0x11C00]  }
0x2f2: {  	v14 =	vld [tilespmem:s29+$0x12000]  }
0x2f3: {  	v15 =	vld [tilespmem:s29+$0x12400]  }
0x2f4: {  	v16 =	vld [tilespmem:s29+$0x12800]  }
0x2f5: {  	v17 =	vld [tilespmem:s29+$0x12C00]  }
0x2f6: {  	v18 =	vld [tilespmem:s29+$0x13000]  }
0x2f7: {  	v19 =	vld [tilespmem:s29+$0x13400]  }
0x2f8: {  	v20 =	vld [tilespmem:s29+$0x13800]  }
0x2f9: {  	v21 =	vld [tilespmem:s29+$0x13C00]  }
0x2fa: {  	v22 =	vld [tilespmem:s26+$0xFFFFE000]  }
0x2fb: {  	v23 =	vld [tilespmem:s26+$0xFFFFE400]  }
0x2fc: {  	v24 =	vld [tilespmem:s26+$0xFFFFE010]  }
0x2fd: {  	v25 =	vld [tilespmem:s26+$0xFFFFE410]  }
0x2fe: {  	v26 =	vld [tilespmem:s26+$0xFFFFE020]  }
0x2ff: {  	v27 =	vld [tilespmem:s26+$0xFFFFE420]  }
0x300: {  	v28 =	vld [tilespmem:s26+$0xFFFFE800]  }
0x301: {  	v29 =	vld [tilespmem:s26+$0xFFFFE810]  }
0x302: {  	v30 =	vld [tilespmem:s26+$0xFFFFE820]  }
0x303: {  	v31 =	vld [tilespmem:s26+$0xFFFFEC00]  }
0x304: {  	v32 =	vld [tilespmem:s26+$0xFFFFEC10]  }
0x305: {  	v33 =	vld [tilespmem:s26+$0xFFFFEC20]  }
0x306: {  	v34 =	vld [tilespmem:s26+$0xFFFFF000]  }
0x307: {  	v35 =	vld [tilespmem:s26+$0xFFFFF010]  }
0x308: {  	v36 =	vld [tilespmem:s26+$0xFFFFF020]  }
0x309: {  	v37 =	vld [tilespmem:s26+$0xFFFFF400]  }
0x30a: {  	v38 =	vld [tilespmem:s26+$0xFFFFF410]  }
0x30b: {  	v39 =	vld [tilespmem:s26+$0xFFFFF420]  }
0x30c: {  	v40 =	vld [tilespmem:s26+$0xFFFFF800]  }
0x30d: {  	v51 =	vld [tilespmem:s26+$0x410]  }
0x30e: {  	v52 =	vld [tilespmem:s26+$0x420];
	v6 =	vadd.s32 v6, v7  }
0x30f: {  	v53 =	vld [tilespmem:s26+$0x800];
	v6 =	vadd.s32 v8, v6  }
0x310: {  	v54 =	vld [tilespmem:s26+$0x810];
	v6 =	vadd.s32 v9, v6  }
0x311: {  	v55 =	vld [tilespmem:s26+$0x820];
	v6 =	vadd.s32 v10, v6  }
0x312: {  	v41 =	vld [tilespmem:s26+$0xC00];
	v6 =	vadd.s32 v11, v6  }
0x313: {  	v58 =	vld [tilespmem:s26+$0xC10];
	v6 =	vadd.s32 v12, v6  }
0x314: {  	v59 =	vld [tilespmem:s26+$0xC20];
	v6 =	vadd.s32 v13, v6  }
0x315: {  	v60 =	vld [tilespmem:s26+$0x1000];
	v6 =	vadd.s32 v14, v6  }
0x316: {  	v61 =	vld [tilespmem:s26+$0x1010];
	v6 =	vadd.s32 v15, v6  }
0x317: {  	v7 =	vld [tilespmem:s26+$0xFFFFF810];
	v6 =	vadd.s32 v16, v6  }
0x318: {  	v8 =	vld [tilespmem:s26+$0xFFFFF820];
	v6 =	vadd.s32 v17, v6  }
0x319: {  	v9 =	vld [tilespmem:s26+$0xFFFFFC00];
	v6 =	vadd.s32 v18, v6  }
0x31a: {  	v10 =	vld [tilespmem:s26+$0xFFFFFC10];
	v6 =	vadd.s32 v19, v6  }
0x31b: {  	vm4 =	vmmov vm6;
	v56 =	vadd.s32 v24, v25;
	v11 =	vld [tilespmem:s26+$0xFFFFFC20];
	v6 =	vadd.s32 v20, v6  }
0x31c: {  	v57 =	vadd.s32 v26, v27;
	v12 =	vld [tilespmem:s26+$0x0];
	v21 =	vadd.s32 v21, v6;
	v6 =	vadd.s32 v22, v23  }
0x31d: {  	v13 =	vld [tilespmem:s26+$0x10];
	v22 =	vadd.s32 v29, v56;
	v23 =	vadd.s32 v30, v57;
	v6 =	vadd.s32 v28, v6  }
0x31e: {  	v14 =	vld [tilespmem:s26+$0x20];
	v22 =	vadd.s32 v32, v22;
	v23 =	vadd.s32 v33, v23;
	v6 =	vadd.s32 v31, v6  }
0x31f: {  	v15 =	vld [tilespmem:s26+$0x400];
	v22 =	vadd.s32 v35, v22;
	v23 =	vadd.s32 v36, v23;
	v6 =	vadd.s32 v34, v6  }
0x320: {  	v62 =	vld [tilespmem:s26+$0x1020];
	v22 =	vadd.s32 v38, v22;
	v23 =	vadd.s32 v39, v23;
	v6 =	vadd.s32 v37, v6  }
0x321: {  	v63 =	vld [tilespmem:s26+$0x1400];
	v7 =	vadd.s32 v7, v22;
	v8 =	vadd.s32 v8, v23;
	v6 =	vadd.s32 v40, v6  }
0x322: {  	v7 =	vadd.s32 v10, v7;
	v8 =	vadd.s32 v11, v8;
	v10 =	vld [tilespmem:s26+$0x1410];
	v6 =	vadd.s32 v9, v6  }
0x323: {  	v7 =	vadd.s32 v13, v7;
	v8 =	vadd.s32 v14, v8;
	v6 =	vadd.s32 v12, v6;
	v12 =	vld [tilespmem:s26+$0x1420]  }
0x324: {  	v9 =	vadd.s32 v51, v7;
	v8 =	vadd.s32 v52, v8;
	v7 =	vld [tilespmem:s26+$0x1800];
	v6 =	vadd.s32 v15, v6  }
0x325: {  	v9 =	vadd.s32 v54, v9;
	v8 =	vadd.s32 v55, v8;
	v11 =	vadd.s32 v53, v6;
	v6 =	vld [tilespmem:s26+$0x1810]  }
0x326: {  	v9 =	vadd.s32 v58, v9;
	v13 =	vadd.s32 v59, v8;
	v8 =	vld [tilespmem:s26+$0x1820];
	v11 =	vadd.s32 v41, v11  }
0x327: {  	s21 =	simm.s32 $0x18020;
	v14 =	vadd.s32 v61, v9;
	v15 =	vadd.s32 v62, v13;
	v9 =	vld [tilespmem:s26+$0x1C00];
	v11 =	vadd.s32 v60, v11  }
0x328: {  	[tilespmem:s21+$0xFFFFFFE0] =	vst v21;
	v13 =	vadd.s32 v63, v11;
	v11 =	vadd.s32 v10, v14;
	v10 =	vld [tilespmem:s26+$0x1C10];
	v12 =	vadd.s32 v12, v15  }
.LBB2_68:
0x329: {  	s28 =	sadd.s32 $0x40, s28;
	v7 =	vadd.s32 v7, v13;
	v13 =	vld [tilespmem:s26+$0x1C20];
	s26 =	sadd.s32 $0x40, s26  }
0x32a: {  	v14 =	vld [tilespmem:s26+$0xFFFFDFF0];
	s29 =	sand.u32 $0x3C0, s28;
	p1 =	slt.u32 s28, $0x3C0;
	v6 =	vadd.s32 v6, v11  }
0x32b: {  	v11 =	vld [tilespmem:s29+$0x10400];
	v8 =	vadd.s32 v8, v12  }
0x32c: {  	v12 =	vld [tilespmem:s29+$0x10800];
	v7 =	vadd.s32 v9, v7  }
0x32d: {  	v9 =	vld [tilespmem:s29+$0x10C00];
	[tilespmem:s21+$0xFFFFFFF0] =	vst v7;
	v6 =	vadd.s32 v10, v6  }
0x32e: {  	v7 =	vld [tilespmem:s29+$0x11000];
	[tilespmem:s21+$0x0] =	vst v6;
	v6 =	vadd.s32 v13, v8  }
0x32f: {  	v8 =	vld [tilespmem:s29+$0x11400];
	[tilespmem:s21+$0x10] =	vst v6  }
0x330: {  	v6 =	vadd.s32 v14, v11;
	v10 =	vld [tilespmem:s29+$0x11800]  }
0x331: {  	v6 =	vadd.s32 v12, v6;
	v11 =	vld [tilespmem:s29+$0x11C00]  }
0x332: {  	v6 =	vadd.s32 v9, v6;
	v9 =	vld [tilespmem:s29+$0x12000]  }
0x333: {  	v6 =	vadd.s32 v7, v6;
	v7 =	vld [tilespmem:s29+$0x12400]  }
0x334: {  	v6 =	vadd.s32 v8, v6;
	v8 =	vld [tilespmem:s29+$0x12800]  }
0x335: {  	v6 =	vadd.s32 v10, v6;
	v10 =	vld [tilespmem:s29+$0x12C00]  }
0x336: {  	v6 =	vadd.s32 v11, v6;
	v11 =	vld [tilespmem:s29+$0x13000]  }
0x337: {  	v6 =	vadd.s32 v9, v6;
	v9 =	vld [tilespmem:s29+$0x13400]  }
0x338: {  	v6 =	vadd.s32 v7, v6;
	v7 =	vld [tilespmem:s29+$0x13800]  }
0x339: {  	v6 =	vadd.s32 v8, v6;
	v8 =	vld [tilespmem:s29+$0x13C00]  }
0x33a: {  	v6 =	vadd.s32 v10, v6;
	v10 =	vld [tilespmem:s26+$0xFFFFE000]  }
0x33b: {  	v6 =	vadd.s32 v11, v6;
	v11 =	vld [tilespmem:s26+$0xFFFFE400]  }
0x33c: {  	v6 =	vadd.s32 v9, v6;
	v9 =	vld [tilespmem:s26+$0xFFFFE010]  }
0x33d: {  	v6 =	vadd.s32 v7, v6;
	v7 =	vld [tilespmem:s26+$0xFFFFE410]  }
0x33e: {  	s21 =	sadd.s32 $0x40, s21;
	v6 =	vadd.s32 v8, v6;
	v8 =	vld [tilespmem:s26+$0xFFFFE020]  }
0x33f: {  	[tilespmem:s21+$0xFFFFFFE0] =	vst v6;
	v6 =	vld [tilespmem:s26+$0xFFFFE420]  }
0x340: {  	v10 =	vadd.s32 v10, v11;
	v11 =	vld [tilespmem:s26+$0xFFFFE800]  }
0x341: {  	v12 =	vld [tilespmem:s26+$0xFFFFE810]  }
0x342: {  	v7 =	vadd.s32 v9, v7;
	v9 =	vld [tilespmem:s26+$0xFFFFE820]  }
0x343: {  	v13 =	vld [tilespmem:s26+$0xFFFFEC00]  }
0x344: {  	v14 =	vld [tilespmem:s26+$0xFFFFEC10];
	v6 =	vadd.s32 v8, v6  }
0x345: {  	v8 =	vadd.s32 v11, v10;
	v10 =	vld [tilespmem:s26+$0xFFFFEC20]  }
0x346: {  	v11 =	vld [tilespmem:s26+$0xFFFFF000];
	v7 =	vadd.s32 v12, v7  }
0x347: {  	v12 =	vld [tilespmem:s26+$0xFFFFF010];
	v6 =	vadd.s32 v9, v6  }
0x348: {  	v8 =	vadd.s32 v13, v8;
	v9 =	vld [tilespmem:s26+$0xFFFFF020]  }
0x349: {  	v13 =	vld [tilespmem:s26+$0xFFFFF400];
	v7 =	vadd.s32 v14, v7  }
0x34a: {  	v14 =	vld [tilespmem:s26+$0xFFFFF410];
	v6 =	vadd.s32 v10, v6  }
0x34b: {  	v8 =	vadd.s32 v11, v8;
	v10 =	vld [tilespmem:s26+$0xFFFFF420]  }
0x34c: {  	v11 =	vld [tilespmem:s26+$0xFFFFF800];
	v7 =	vadd.s32 v12, v7  }
0x34d: {  	v12 =	vld [tilespmem:s26+$0xFFFFF810];
	v6 =	vadd.s32 v9, v6  }
0x34e: {  	v8 =	vadd.s32 v13, v8;
	v9 =	vld [tilespmem:s26+$0xFFFFF820]  }
0x34f: {  	v13 =	vld [tilespmem:s26+$0xFFFFFC00];
	v7 =	vadd.s32 v14, v7  }
0x350: {  	v14 =	vld [tilespmem:s26+$0xFFFFFC10];
	v6 =	vadd.s32 v10, v6  }
0x351: {  	v8 =	vadd.s32 v11, v8;
	v10 =	vld [tilespmem:s26+$0xFFFFFC20]  }
0x352: {  	v11 =	vld [tilespmem:s26+$0x0];
	v7 =	vadd.s32 v12, v7  }
0x353: {  	v12 =	vld [tilespmem:s26+$0x10];
	v6 =	vadd.s32 v9, v6  }
0x354: {  	v8 =	vadd.s32 v13, v8;
	v9 =	vld [tilespmem:s26+$0x20]  }
0x355: {  	v13 =	vld [tilespmem:s26+$0x400];
	v7 =	vadd.s32 v14, v7  }
0x356: {  	v14 =	vld [tilespmem:s26+$0x410];
	v6 =	vadd.s32 v10, v6  }
0x357: {  	v8 =	vadd.s32 v11, v8;
	v10 =	vld [tilespmem:s26+$0x420]  }
0x358: {  	v11 =	vld [tilespmem:s26+$0x800];
	v7 =	vadd.s32 v12, v7  }
0x359: {  	v12 =	vld [tilespmem:s26+$0x810];
	v6 =	vadd.s32 v9, v6  }
0x35a: {  	v8 =	vadd.s32 v13, v8;
	v9 =	vld [tilespmem:s26+$0x820]  }
0x35b: {  	v13 =	vld [tilespmem:s26+$0xC00];
	v7 =	vadd.s32 v14, v7  }
0x35c: {  	v14 =	vld [tilespmem:s26+$0xC10];
	v6 =	vadd.s32 v10, v6  }
0x35d: {  	v8 =	vadd.s32 v11, v8;
	v10 =	vld [tilespmem:s26+$0xC20]  }
0x35e: {  	v11 =	vld [tilespmem:s26+$0x1000];
	v7 =	vadd.s32 v12, v7  }
0x35f: {  	v12 =	vld [tilespmem:s26+$0x1010];
	v6 =	vadd.s32 v9, v6  }
0x360: {  	v8 =	vadd.s32 v13, v8;
	v9 =	vld [tilespmem:s26+$0x1020]  }
0x361: {  	v13 =	vld [tilespmem:s26+$0x1400];
	v14 =	vadd.s32 v14, v7  }
0x362: {  	v15 =	vld [tilespmem:s26+$0x1410];
	v10 =	vadd.s32 v10, v6  }
0x363: {  	v8 =	vadd.s32 v11, v8;
	v16 =	vld [tilespmem:s26+$0x1420]  }
.Ltmp16:
0x364: {  	v7 =	vld [tilespmem:s26+$0x1800];
	v11 =	vadd.s32 v12, v14;
	(pc) =	sbr.rel @p1 .LBB2_68-.Ltmp16, $4  }
0x365: {  	v6 =	vld [tilespmem:s26+$0x1810];
	v12 =	vadd.s32 v9, v10  }
0x366: {  	v13 =	vadd.s32 v13, v8;
	v8 =	vld [tilespmem:s26+$0x1820]  }
0x367: {  	v9 =	vld [tilespmem:s26+$0x1C00];
	v11 =	vadd.s32 v15, v11  }
0x368: {  	v10 =	vld [tilespmem:s26+$0x1C10];
	v12 =	vadd.s32 v16, v12  }
0x369: {  	v14 =	vld [tilespmem:s26+$0x1C20];
	_ =	sdelay $0x2  }
0x36a: {  	v6 =	vadd.s32 v6, v11  }
0x36b: {  	v8 =	vadd.s32 v8, v12;
	v6 =	vadd.s32 v10, v6  }
0x36c: {  	s10 =	sand.u32 $0xF, s10;
	[tilespmem:s21+$0x0] =	vst v6;
	v6 =	vadd.s32 v14, v8  }
0x36d: {  	[tilespmem:s21+$0x10] =	vst v6;
	v6 =	vmov s10  }
0x36e: {  	v5 =	vxor.u32 $0x80000000, v5;
	vm0 =	veq.s32 v6, v3  }
0x36f: {  	v5 =	vnsel vm0, $0x80000000, v5  }
0x370: {  	(xrf0) =	vmax.scan.msk.u32 $0xffff, v5;
	_ =	sdelay $0x5  }
0x371: {  	v5, _, _ =	vpop (xrf0)  }
0x372: {  	(v2sf) =	vpush v5, $0xF;
	_ =	sdelay $0x3  }
0x373: {  	v7 =	vadd.s32 v7, v13  }
0x374: {  	v7 =	vadd.s32 v9, v7  }
0x375: {  	s29 =	simm.s32 $0x18010;
	[tilespmem:s21+$0xFFFFFFF0] =	vst v7  }
0x376: {  	v6 =	vld [tilespmem:s29+$0xFFFFFFF0];
	_ =	sdelay $0x2  }
0x377: {  	v8 =	vld [tilespmem:s29+$0x0];
	_ =	sdelay $0x1  }
0x378: {  	p1 =	sgt.s32 s6, $0x0;
	s6 =	simm.s32 $0x18030;
	(xrf0) =	vadd.scan.msk.s32 $0xffff, v6  }
0x379: {  	v6 =	vld [tilespmem:s6+$0xFFFFFFF0];
	_ =	sdelay $0x1  }
0x37a: {  	(xrf0) =	vadd.scan.msk.s32 $0xffff, v8;
	s26 =	spop (v2sf)  }
0x37b: {  	s10 =	sxor.u32 $0x80000000, s26  }
0x37c: {  	v8 =	vld [tilespmem:s6+$0x0];
	s10 =	simm.s32 @!p1 $0x0  }
0x37d: {  	v7 =	vimm.s32 $0x0;
	(xrf0) =	vadd.scan.msk.s32 $0xffff, v6;
	v6, _, _ =	vpop (xrf0);
	s28 =	ssub.s32 s23, s10;
	s10 =	simm.s32 $0x18050  }
0x37e: {  	v6 =	vadd.s32 v7, v6;
	v10 =	vld [tilespmem:s10+$0xFFFFFFF0]  }
0x37f: {  	v9 =	vperm.xlane v6, v2  }
0x380: {  	v11, _, _ =	vpop (xrf0);
	v5 =	vmov s28  }
0x381: {  	(xrf0) =	vadd.scan.msk.s32 $0xffff, v8;
	[tilespmem:s29+$0xFFFFFFF0] =	vst v6;
	v9 =	vadd.s32 v9, v11;
	vm14 =	vle.s32 v6, v5  }
0x382: {  	[tilespmem:s29+$0x0] =	vst v9;
	vm15 =	vle.s32 v9, v5;
	v6 =	vld [tilespmem:s10+$0x0];
	v8 =	vsel vm14, $0x1, v0  }
0x383: {  	s21 =	simm.s32 $0x18070;
	s23 =	simm.s32 $0x60;
	v9 =	vperm.xlane v9, v2;
	v7 =	vadd.s32 v8, v7;
	v8 =	vsel vm15, $0x1, v0;
	(xrf0) =	vadd.scan.msk.s32 $0xffff, v10;
	v10, _, _ =	vpop (xrf0)  }
.LBB2_70:
0x384: {  	s23 =	sadd.s32 $0x20, s23  }
0x385: {  	v11 =	vld [tilespmem:s21+$0xFFFFFFF0];
	v10 =	vadd.s32 v9, v10;
	v7 =	vadd.s32 v8, v7;
	p1 =	slt.u32 s23, $0x3E0  }
.Ltmp17:
0x386: {  	[tilespmem:s6+$0xFFFFFFF0] =	vst v10;
	v8 =	vperm.xlane v10, v2;
	vm0 =	vle.s32 v10, v5;
	(pc) =	sbr.rel @p1 .LBB2_70-.Ltmp17, $4  }
0x387: {  	(xrf0) =	vadd.scan.msk.s32 $0xffff, v6;
	v12 =	vsel vm0, $0x1, v0;
	v9, _, _ =	vpop (xrf0)  }
0x388: {  	v6 =	vld [tilespmem:s21+$0x0];
	v8 =	vadd.s32 v8, v9  }
0x389: {  	[tilespmem:s6+$0x0] =	vst v8;
	v9 =	vperm.xlane v8, v2;
	vm0 =	vle.s32 v8, v5;
	s6 =	smov.u32 s10;
	s10 =	smov.u32 s21  }
0x38a: {  	v7 =	vadd.s32 v12, v7;
	s21 =	sadd.s32 $0x20, s21;
	(xrf0) =	vadd.scan.msk.s32 $0xffff, v11;
	v10, _, _ =	vpop (xrf0);
	v8 =	vsel vm0, $0x1, v0  }
0x38b: {  	v11 =	vld [tilespmem:s21+$0xFFFFFFF0];
	v9 =	vadd.s32 v9, v10  }
0x38c: {  	v10 =	vperm.xlane v9, v2  }
0x38d: {  	(xrf0) =	vadd.scan.msk.s32 $0xffff, v6;
	v6, _, _ =	vpop (xrf0)  }
0x38e: {  	v12 =	vld [tilespmem:s21+$0x0];
	v6 =	vadd.s32 v10, v6  }
0x38f: {  	v10 =	vperm.xlane v6, v2  }
0x390: {  	(xrf0) =	vadd.scan.msk.s32 $0xffff, v11;
	v11, _, _ =	vpop (xrf0)  }
0x391: {  	v10 =	vadd.s32 v10, v11  }
0x392: {  	vm0 =	vle.s32 v9, v5;
	v11 =	vperm.xlane v10, v2  }
0x393: {  	v7 =	vadd.s32 v8, v7;
	v8 =	vsel vm0, $0x1, v0;
	(xrf0) =	vadd.scan.msk.s32 $0xffff, v12;
	v12, _, _ =	vpop (xrf0)  }
0x394: {  	v11 =	vadd.s32 v11, v12  }
0x395: {  	vm0 =	vle.s32 v6, v5;
	v12 =	vperm.xlane v11, v2  }
0x396: {  	v7 =	vadd.s32 v8, v7;
	v13 =	vsel vm0, $0x1, v0;
	vm0 =	vle.s32 v10, v5;
	v8, _, _ =	vpop (xrf0)  }
0x397: {  	v8 =	vadd.s32 v12, v8;
	v12 =	vsel vm0, $0x1, v0;
	_ =	sdelay $0x1  }
0x398: {  	v7 =	vadd.s32 v13, v7;
	v13 =	vperm.xlane v8, v2  }
0x399: {  	vm0 =	vle.s32 v11, v5;
	v7 =	vadd.s32 v12, v7;
	v12, _, _ =	vpop (xrf0)  }
0x39a: {  	v12 =	vadd.s32 v13, v12;
	v13 =	vsel vm0, $0x1, v0;
	vm0 =	vle.s32 v8, v5  }
0x39b: {  	v7 =	vadd.s32 v13, v7;
	vm1 =	vle.s32 v12, v5;
	v5 =	vsel vm0, $0x1, v0  }
0x39c: {  	v5 =	vadd.s32 v5, v7;
	v7 =	vsel vm1, $0x1, v0  }
0x39d: {  	v5 =	vadd.s32 v7, v5  }
0x39e: {  	(xrf0) =	vadd.scan.msk.s32 $0xffff, v5;
	_ =	sdelay $0x5  }
0x39f: {  	v5, _, _ =	vpop (xrf0)  }
0x3a0: {  	(v2sf) =	vpush v5, $0xF;
	_ =	sdelay $0x5  }
0x3a1: {  	[tilespmem:s6+$0xFFFFFFF0] =	vst v9  }
0x3a2: {  	[tilespmem:s6+$0x0] =	vst v6  }
0x3a3: {  	[tilespmem:s10+$0xFFFFFFF0] =	vst v10  }
0x3a4: {  	[tilespmem:s10+$0x0] =	vst v11  }
0x3a5: {  	[tilespmem:s21+$0xFFFFFFF0] =	vst v8  }
0x3a6: {  	s6 =	simm.s32 $0x40;
	[tilespmem:s21+$0x0] =	vst v12  }
0x3a7: {  	v7 =	vld [tilespmem:s6+$0x30]  }
0x3a8: {  	v9 =	vld [tilespmem:s6+$0xFFFFFFD0]  }
0x3a9: {  	v11 =	vld [tilespmem:s6+$0xFFFFFFE0]  }
0x3aa: {  	s29 =	sshll.u32 s22, $0xA;
	v10 =	vld [tilespmem:s6+$0xFFFFFFF0];
	s28 =	spop (v2sf)  }
0x3ab: {  	v8 =	vld [tilespmem:s6+$0x0];
	s10 =	sor.u32 s29, s28  }
0x3ac: {  	v6 =	vld [tilespmem:s6+$0x10];
	v12 =	vand.u32 $0x7FFFFFFF, v7;
	v5 =	vmov s10  }
0x3ad: {  	v13 =	vand.u32 $0x7FFFFFFF, v9;
	v7 =	vld [tilespmem:s6+$0x20];
	vm1 =	vlt.s32 v12, v5  }
0x3ae: {  	s21 =	simm.s32 $0xC0;
	v9 =	vld [tilespmem:s6+$0xFFFFFFC0];
	s10 =	simm.s32 $0x0;
	vm0 =	vlt.s32 v13, v5;
	v12 =	vand.u32 $0x7FFFFFFF, v11;
	v11 =	vsel vm1, $0x0, v4  }
.LBB2_72:
0x3af: {  	v13 =	vld [tilespmem:s21+$0x30];
	s10 =	sadd.s32 $0x80, s10;
	v14 =	vsel vm0, $0x0, v4;
	vm0 =	vlt.s32 v12, v5;
	v10 =	vand.u32 $0x7FFFFFFF, v10;
	[tilespmem:s6+$0x30] =	vst v11  }
0x3b0: {  	v11 =	vld [tilespmem:s21+$0xFFFFFFD0];
	p1 =	slt.u32 s10, $0x3F80;
	[tilespmem:s6+$0xFFFFFFD0] =	vst v14;
	v12 =	vsel vm0, $0x0, v4;
	vm0 =	vlt.s32 v10, v5;
	v8 =	vand.u32 $0x7FFFFFFF, v8  }
0x3b1: {  	v14 =	vld [tilespmem:s21+$0xFFFFFFE0];
	[tilespmem:s6+$0xFFFFFFE0] =	vst v12;
	v12 =	vsel vm0, $0x0, v4;
	vm0 =	vlt.s32 v8, v5;
	v6 =	vand.u32 $0x7FFFFFFF, v6  }
.Ltmp18:
0x3b2: {  	v10 =	vld [tilespmem:s21+$0xFFFFFFF0];
	[tilespmem:s6+$0xFFFFFFF0] =	vst v12;
	v12 =	vsel vm0, $0x0, v4;
	vm0 =	vlt.s32 v6, v5;
	v6 =	vand.u32 $0x7FFFFFFF, v7;
	(pc) =	sbr.rel @p1 .LBB2_72-.Ltmp18, $4  }
0x3b3: {  	v8 =	vld [tilespmem:s21+$0x0];
	v7 =	vand.u32 $0x7FFFFFFF, v9;
	[tilespmem:s6+$0x0] =	vst v12;
	v9 =	vsel vm0, $0x0, v4;
	vm0 =	vlt.s32 v6, v5  }
0x3b4: {  	v6 =	vld [tilespmem:s21+$0x10];
	v12 =	vand.u32 $0x7FFFFFFF, v13;
	vm1 =	vlt.s32 v7, v5;
	[tilespmem:s6+$0x10] =	vst v9;
	v9 =	vsel vm0, $0x0, v4  }
0x3b5: {  	v11 =	vand.u32 $0x7FFFFFFF, v11;
	v7 =	vld [tilespmem:s21+$0x20];
	vm2 =	vlt.s32 v12, v5;
	v13 =	vsel vm1, $0x0, v4;
	[tilespmem:s6+$0x20] =	vst v9  }
0x3b6: {  	v9 =	vld [tilespmem:s21+$0xFFFFFFC0];
	vm0 =	vlt.s32 v11, v5;
	v12 =	vand.u32 $0x7FFFFFFF, v14;
	v11 =	vsel vm2, $0x0, v4;
	[tilespmem:s6+$0xFFFFFFC0] =	vst v13;
	s6 =	smov.u32 s21;
	s21 =	sadd.s32 $0x80, s21  }
0x3b7: {  	v13 =	vsel vm0, $0x0, v4;
	vm0 =	vlt.s32 v12, v5;
	v10 =	vand.u32 $0x7FFFFFFF, v10;
	[tilespmem:s6+$0x30] =	vst v11  }
0x3b8: {  	[tilespmem:s6+$0xFFFFFFD0] =	vst v13;
	v11 =	vsel vm0, $0x0, v4;
	vm0 =	vlt.s32 v10, v5;
	v8 =	vand.u32 $0x7FFFFFFF, v8  }
0x3b9: {  	[tilespmem:s6+$0xFFFFFFE0] =	vst v11;
	v10 =	vsel vm0, $0x0, v4;
	vm0 =	vlt.s32 v8, v5;
	v6 =	vand.u32 $0x7FFFFFFF, v6  }
0x3ba: {  	[tilespmem:s6+$0xFFFFFFF0] =	vst v10;
	v8 =	vsel vm0, $0x0, v4;
	vm0 =	vlt.s32 v6, v5;
	v6 =	vand.u32 $0x7FFFFFFF, v7  }
0x3bb: {  	v7 =	vand.u32 $0x7FFFFFFF, v9;
	[tilespmem:s6+$0x0] =	vst v8;
	v8 =	vsel vm0, $0x0, v4;
	vm0 =	vlt.s32 v6, v5  }
0x3bc: {  	vm1 =	vlt.s32 v7, v5;
	[tilespmem:s6+$0x10] =	vst v8;
	v6 =	vsel vm0, $0x0, v4  }
0x3bd: {  	v7 =	vsel vm1, $0x0, v4;
	[tilespmem:s6+$0x20] =	vst v6  }
0x3be: {  	[tilespmem:s6+$0xFFFFFFC0] =	vst v7  }
0x3bf: {  	s6 =	rddreg [dreg:$0xc]  }
0x3c0: {  	[hbm4b:s6+s2] =	stream.linear.scatter [tilespmem:s2], [sflag:$0x1], $0x4000, $0x38;
	[tilespmem:$0x18800] =	vst v63  }
0x3c1: {  	s6 =	simm.s32 $0x4070  }
0x3c2: {  	v7 =	vld [tilespmem:s6+$0x0]  }
0x3c3: {  	v9 =	vld [tilespmem:s6+$0xFFFFFFA0]  }
0x3c4: {  	v11 =	vld [tilespmem:s6+$0xFFFFFFB0]  }
0x3c5: {  	v10 =	vld [tilespmem:s6+$0xFFFFFFC0]  }
0x3c6: {  	v8 =	vld [tilespmem:s6+$0xFFFFFFD0]  }
0x3c7: {  	v6 =	vld [tilespmem:s6+$0xFFFFFFE0];
	v12 =	vand.u32 $0x7FFFFFFF, v7  }
0x3c8: {  	s10 =	simm.s32 $0x4000;
	v13 =	vand.u32 $0x7FFFFFFF, v9;
	v7 =	vld [tilespmem:s6+$0xFFFFFFF0];
	vm1 =	vlt.s32 v12, v5  }
0x3c9: {  	s21 =	simm.s32 $0x40F0;
	s22 =	simm.s32 $0x4000;
	s23 =	simm.s32 $0x8000;
	v9 =	vld [tilespmem:s6+$0xFFFFFF90];
	vm0 =	vlt.s32 v13, v5;
	v12 =	vand.u32 $0x7FFFFFFF, v11;
	v11 =	vsel vm1, $0x0, v4  }
.LBB2_74:
0x3ca: {  	v13 =	vld [tilespmem:s21+$0x0];
	s10 =	sadd.s32 $0x80, s10;
	v14 =	vsel vm0, $0x0, v4;
	vm0 =	vlt.s32 v12, v5;
	v10 =	vand.u32 $0x7FFFFFFF, v10;
	[tilespmem:s6+$0x0] =	vst v11  }
0x3cb: {  	v11 =	vld [tilespmem:s21+$0xFFFFFFA0];
	p1 =	slt.u32 s10, $0x7F80;
	[tilespmem:s6+$0xFFFFFFA0] =	vst v14;
	v12 =	vsel vm0, $0x0, v4;
	vm0 =	vlt.s32 v10, v5;
	v8 =	vand.u32 $0x7FFFFFFF, v8  }
0x3cc: {  	v14 =	vld [tilespmem:s21+$0xFFFFFFB0];
	[tilespmem:s6+$0xFFFFFFB0] =	vst v12;
	v12 =	vsel vm0, $0x0, v4;
	vm0 =	vlt.s32 v8, v5;
	v6 =	vand.u32 $0x7FFFFFFF, v6  }
.Ltmp19:
0x3cd: {  	v10 =	vld [tilespmem:s21+$0xFFFFFFC0];
	[tilespmem:s6+$0xFFFFFFC0] =	vst v12;
	v12 =	vsel vm0, $0x0, v4;
	vm0 =	vlt.s32 v6, v5;
	v6 =	vand.u32 $0x7FFFFFFF, v7;
	(pc) =	sbr.rel @p1 .LBB2_74-.Ltmp19, $4  }
0x3ce: {  	v8 =	vld [tilespmem:s21+$0xFFFFFFD0];
	v7 =	vand.u32 $0x7FFFFFFF, v9;
	[tilespmem:s6+$0xFFFFFFD0] =	vst v12;
	v9 =	vsel vm0, $0x0, v4;
	vm0 =	vlt.s32 v6, v5  }
0x3cf: {  	v6 =	vld [tilespmem:s21+$0xFFFFFFE0];
	v12 =	vand.u32 $0x7FFFFFFF, v13;
	vm1 =	vlt.s32 v7, v5;
	[tilespmem:s6+$0xFFFFFFE0] =	vst v9;
	v9 =	vsel vm0, $0x0, v4  }
0x3d0: {  	v11 =	vand.u32 $0x7FFFFFFF, v11;
	v7 =	vld [tilespmem:s21+$0xFFFFFFF0];
	vm2 =	vlt.s32 v12, v5;
	v13 =	vsel vm1, $0x0, v4;
	[tilespmem:s6+$0xFFFFFFF0] =	vst v9  }
0x3d1: {  	v9 =	vld [tilespmem:s21+$0xFFFFFF90];
	vm0 =	vlt.s32 v11, v5;
	v12 =	vand.u32 $0x7FFFFFFF, v14;
	v11 =	vsel vm2, $0x0, v4;
	[tilespmem:s6+$0xFFFFFF90] =	vst v13;
	s6 =	smov.u32 s21;
	s21 =	sadd.s32 $0x80, s21  }
0x3d2: {  	v13 =	vsel vm0, $0x0, v4;
	vm0 =	vlt.s32 v12, v5;
	v10 =	vand.u32 $0x7FFFFFFF, v10;
	[tilespmem:s6+$0x0] =	vst v11  }
0x3d3: {  	[tilespmem:s6+$0xFFFFFFA0] =	vst v13;
	v11 =	vsel vm0, $0x0, v4;
	vm0 =	vlt.s32 v10, v5;
	v8 =	vand.u32 $0x7FFFFFFF, v8  }
0x3d4: {  	[tilespmem:s6+$0xFFFFFFB0] =	vst v11;
	v10 =	vsel vm0, $0x0, v4;
	vm0 =	vlt.s32 v8, v5;
	v6 =	vand.u32 $0x7FFFFFFF, v6  }
0x3d5: {  	[tilespmem:s6+$0xFFFFFFC0] =	vst v10;
	v8 =	vsel vm0, $0x0, v4;
	vm0 =	vlt.s32 v6, v5;
	v6 =	vand.u32 $0x7FFFFFFF, v7  }
0x3d6: {  	v7 =	vand.u32 $0x7FFFFFFF, v9;
	[tilespmem:s6+$0xFFFFFFD0] =	vst v8;
	v8 =	vsel vm0, $0x0, v4;
	vm0 =	vlt.s32 v6, v5  }
0x3d7: {  	vm1 =	vlt.s32 v7, v5;
	[tilespmem:s6+$0xFFFFFFE0] =	vst v8;
	v6 =	vsel vm0, $0x0, v4  }
0x3d8: {  	v7 =	vsel vm1, $0x0, v4;
	[tilespmem:s6+$0xFFFFFFF0] =	vst v6  }
0x3d9: {  	[tilespmem:s6+$0xFFFFFF90] =	vst v7  }
0x3da: {  	s6 =	rddreg [dreg:$0xd]  }
0x3db: {  	[hbm4b:s6+s2] =	stream.linear.scatter [tilespmem:s22], [sflag:$0x2], $0x4000, $0x38;
	[tilespmem:$0x18800] =	vst v63  }
0x3dc: {  	s6 =	simm.s32 $0x8070  }
0x3dd: {  	v7 =	vld [tilespmem:s6+$0x0]  }
0x3de: {  	v9 =	vld [tilespmem:s6+$0xFFFFFFA0]  }
0x3df: {  	v11 =	vld [tilespmem:s6+$0xFFFFFFB0]  }
0x3e0: {  	v10 =	vld [tilespmem:s6+$0xFFFFFFC0]  }
0x3e1: {  	v8 =	vld [tilespmem:s6+$0xFFFFFFD0]  }
0x3e2: {  	v6 =	vld [tilespmem:s6+$0xFFFFFFE0];
	v12 =	vand.u32 $0x7FFFFFFF, v7  }
0x3e3: {  	v13 =	vand.u32 $0x7FFFFFFF, v9;
	v7 =	vld [tilespmem:s6+$0xFFFFFFF0];
	vm1 =	vlt.s32 v12, v5  }
0x3e4: {  	s10 =	simm.s32 $0x8000;
	s21 =	simm.s32 $0x80F0;
	v9 =	vld [tilespmem:s6+$0xFFFFFF90];
	vm0 =	vlt.s32 v13, v5;
	v12 =	vand.u32 $0x7FFFFFFF, v11;
	v11 =	vsel vm1, $0x0, v4  }
.LBB2_76:
0x3e5: {  	v13 =	vld [tilespmem:s21+$0x0];
	s10 =	sadd.s32 $0x80, s10;
	v14 =	vsel vm0, $0x0, v4;
	vm0 =	vlt.s32 v12, v5;
	v10 =	vand.u32 $0x7FFFFFFF, v10;
	[tilespmem:s6+$0x0] =	vst v11  }
0x3e6: {  	v11 =	vld [tilespmem:s21+$0xFFFFFFA0];
	p1 =	slt.u32 s10, $0xBF80;
	[tilespmem:s6+$0xFFFFFFA0] =	vst v14;
	v12 =	vsel vm0, $0x0, v4;
	vm0 =	vlt.s32 v10, v5;
	v8 =	vand.u32 $0x7FFFFFFF, v8  }
0x3e7: {  	v14 =	vld [tilespmem:s21+$0xFFFFFFB0];
	[tilespmem:s6+$0xFFFFFFB0] =	vst v12;
	v12 =	vsel vm0, $0x0, v4;
	vm0 =	vlt.s32 v8, v5;
	v6 =	vand.u32 $0x7FFFFFFF, v6  }
.Ltmp20:
0x3e8: {  	v10 =	vld [tilespmem:s21+$0xFFFFFFC0];
	[tilespmem:s6+$0xFFFFFFC0] =	vst v12;
	v12 =	vsel vm0, $0x0, v4;
	vm0 =	vlt.s32 v6, v5;
	v6 =	vand.u32 $0x7FFFFFFF, v7;
	(pc) =	sbr.rel @p1 .LBB2_76-.Ltmp20, $4  }
0x3e9: {  	v8 =	vld [tilespmem:s21+$0xFFFFFFD0];
	v7 =	vand.u32 $0x7FFFFFFF, v9;
	[tilespmem:s6+$0xFFFFFFD0] =	vst v12;
	v9 =	vsel vm0, $0x0, v4;
	vm0 =	vlt.s32 v6, v5  }
0x3ea: {  	v6 =	vld [tilespmem:s21+$0xFFFFFFE0];
	v12 =	vand.u32 $0x7FFFFFFF, v13;
	vm1 =	vlt.s32 v7, v5;
	[tilespmem:s6+$0xFFFFFFE0] =	vst v9;
	v9 =	vsel vm0, $0x0, v4  }
0x3eb: {  	v11 =	vand.u32 $0x7FFFFFFF, v11;
	v7 =	vld [tilespmem:s21+$0xFFFFFFF0];
	vm2 =	vlt.s32 v12, v5;
	v13 =	vsel vm1, $0x0, v4;
	[tilespmem:s6+$0xFFFFFFF0] =	vst v9  }
0x3ec: {  	v9 =	vld [tilespmem:s21+$0xFFFFFF90];
	vm0 =	vlt.s32 v11, v5;
	v12 =	vand.u32 $0x7FFFFFFF, v14;
	v11 =	vsel vm2, $0x0, v4;
	[tilespmem:s6+$0xFFFFFF90] =	vst v13;
	s6 =	smov.u32 s21;
	s21 =	sadd.s32 $0x80, s21  }
0x3ed: {  	v13 =	vsel vm0, $0x0, v4;
	vm0 =	vlt.s32 v12, v5;
	v10 =	vand.u32 $0x7FFFFFFF, v10;
	[tilespmem:s6+$0x0] =	vst v11  }
0x3ee: {  	[tilespmem:s6+$0xFFFFFFA0] =	vst v13;
	v11 =	vsel vm0, $0x0, v4;
	vm0 =	vlt.s32 v10, v5;
	v8 =	vand.u32 $0x7FFFFFFF, v8  }
0x3ef: {  	[tilespmem:s6+$0xFFFFFFB0] =	vst v11;
	v10 =	vsel vm0, $0x0, v4;
	vm0 =	vlt.s32 v8, v5;
	v6 =	vand.u32 $0x7FFFFFFF, v6  }
0x3f0: {  	[tilespmem:s6+$0xFFFFFFC0] =	vst v10;
	v8 =	vsel vm0, $0x0, v4;
	vm0 =	vlt.s32 v6, v5;
	v6 =	vand.u32 $0x7FFFFFFF, v7  }
0x3f1: {  	v7 =	vand.u32 $0x7FFFFFFF, v9;
	[tilespmem:s6+$0xFFFFFFD0] =	vst v8;
	v8 =	vsel vm0, $0x0, v4;
	vm0 =	vlt.s32 v6, v5  }
0x3f2: {  	vm1 =	vlt.s32 v7, v5;
	[tilespmem:s6+$0xFFFFFFE0] =	vst v8;
	v6 =	vsel vm0, $0x0, v4  }
0x3f3: {  	v7 =	vsel vm1, $0x0, v4;
	[tilespmem:s6+$0xFFFFFFF0] =	vst v6  }
0x3f4: {  	[tilespmem:s6+$0xFFFFFF90] =	vst v7  }
0x3f5: {  	s6 =	rddreg [dreg:$0xe]  }
0x3f6: {  	[hbm4b:s6+s2] =	stream.linear.scatter [tilespmem:s23], [sflag:$0x3], $0x4000, $0x38;
	[tilespmem:$0x18800] =	vst v63  }
0x3f7: {  	s6 =	simm.s32 $0xC070  }
0x3f8: {  	v7 =	vld [tilespmem:s6+$0x0]  }
0x3f9: {  	v9 =	vld [tilespmem:s6+$0xFFFFFFA0]  }
0x3fa: {  	v11 =	vld [tilespmem:s6+$0xFFFFFFB0]  }
0x3fb: {  	v10 =	vld [tilespmem:s6+$0xFFFFFFC0]  }
0x3fc: {  	v8 =	vld [tilespmem:s6+$0xFFFFFFD0]  }
0x3fd: {  	v6 =	vld [tilespmem:s6+$0xFFFFFFE0];
	v12 =	vand.u32 $0x7FFFFFFF, v7  }
0x3fe: {  	v13 =	vand.u32 $0x7FFFFFFF, v9;
	v7 =	vld [tilespmem:s6+$0xFFFFFFF0];
	vm1 =	vlt.s32 v12, v5  }
0x3ff: {  	s10 =	simm.s32 $0xC000;
	s21 =	simm.s32 $0xC0F0;
	v9 =	vld [tilespmem:s6+$0xFFFFFF90];
	vm0 =	vlt.s32 v13, v5;
	v12 =	vand.u32 $0x7FFFFFFF, v11;
	v11 =	vsel vm1, $0x0, v4  }
.LBB2_78:
0x400: {  	v13 =	vld [tilespmem:s21+$0x0];
	s10 =	sadd.s32 $0x80, s10;
	v14 =	vsel vm0, $0x0, v4;
	vm0 =	vlt.s32 v12, v5;
	v10 =	vand.u32 $0x7FFFFFFF, v10;
	[tilespmem:s6+$0x0] =	vst v11  }
0x401: {  	v8 =	vand.u32 $0x7FFFFFFF, v8;
	v11 =	vld [tilespmem:s21+$0xFFFFFFA0];
	p1 =	slt.u32 s10, $0xFF80;
	[tilespmem:s6+$0xFFFFFFA0] =	vst v14;
	v12 =	vsel vm0, $0x0, v4;
	vm0 =	vlt.s32 v10, v5  }
0x402: {  	v6 =	vand.u32 $0x7FFFFFFF, v6;
	v14 =	vld [tilespmem:s21+$0xFFFFFFB0];
	[tilespmem:s6+$0xFFFFFFB0] =	vst v12;
	v12 =	vsel vm0, $0x0, v4;
	vm0 =	vlt.s32 v8, v5  }
.Ltmp21:
0x403: {  	v10 =	vld [tilespmem:s21+$0xFFFFFFC0];
	[tilespmem:s6+$0xFFFFFFC0] =	vst v12;
	v12 =	vsel vm0, $0x0, v4;
	vm0 =	vlt.s32 v6, v5;
	v6 =	vand.u32 $0x7FFFFFFF, v7;
	(pc) =	sbr.rel @p1 .LBB2_78-.Ltmp21, $4  }
0x404: {  	v7 =	vand.u32 $0x7FFFFFFF, v9;
	v8 =	vld [tilespmem:s21+$0xFFFFFFD0];
	[tilespmem:s6+$0xFFFFFFD0] =	vst v12;
	v9 =	vsel vm0, $0x0, v4;
	vm0 =	vlt.s32 v6, v5  }
0x405: {  	vm1 =	vlt.s32 v7, v5;
	v6 =	vld [tilespmem:s21+$0xFFFFFFE0];
	v12 =	vand.u32 $0x7FFFFFFF, v13;
	[tilespmem:s6+$0xFFFFFFE0] =	vst v9;
	v9 =	vsel vm0, $0x0, v4  }
0x406: {  	v13 =	vsel vm1, $0x0, v4;
	v11 =	vand.u32 $0x7FFFFFFF, v11;
	v7 =	vld [tilespmem:s21+$0xFFFFFFF0];
	vm2 =	vlt.s32 v12, v5;
	[tilespmem:s6+$0xFFFFFFF0] =	vst v9  }
0x407: {  	v9 =	vld [tilespmem:s21+$0xFFFFFF90];
	vm0 =	vlt.s32 v11, v5;
	v12 =	vand.u32 $0x7FFFFFFF, v14;
	v11 =	vsel vm2, $0x0, v4;
	[tilespmem:s6+$0xFFFFFF90] =	vst v13;
	s6 =	smov.u32 s21;
	s21 =	sadd.s32 $0x80, s21  }
.Ltmp22:
0x408: {  	_ = 	snop;
	(pc) =	sbr.rel .LBB2_79-.Ltmp22, $1  }
0x409: {  	_ =	sdelay $0x3  }
.LBB2_2:
0x40a: {  	[tilespmem:s2], [sflag:$0x1] =	stream.strided.gather [hbm4b:s4+s16], $0x2000, s19, s16, $0x38;
	[tilespmem:$0x18800] =	vst v63  }
0x40b: {  	s6 =	sadd.s32 $0x10, s4;
	s21 =	simm.s32 $0x2000  }
0x40c: {  	[tilespmem:s21], [sflag:$0x1] =	stream.strided.gather [hbm4b:s6+s16], $0x2000, s19, s16, $0x38;
	[tilespmem:$0x18800] =	vst v63  }
0x40d: {  	_ = 	snop  }
0x40e: {  	[tilespmem:s22], [sflag:$0x2] =	stream.strided.gather [hbm4b:s5+s16], $0x2000, s19, s16, $0x38;
	[tilespmem:$0x18800] =	vst v63  }
0x40f: {  	s21 =	sadd.s32 $0x10, s5;
	s22 =	simm.s32 $0x6000  }
0x410: {  	[tilespmem:s22], [sflag:$0x2] =	stream.strided.gather [hbm4b:s21+s16], $0x2000, s19, s16, $0x38;
	[tilespmem:$0x18800] =	vst v63  }
0x411: {  	_ = 	snop  }
0x412: {  	[tilespmem:s23], [sflag:$0x3] =	stream.strided.gather [hbm4b:s7+s16], $0x2000, s19, s16, $0x38;
	[tilespmem:$0x18800] =	vst v63  }
0x413: {  	s26 =	simm.s32 $0xA000;
	s23 =	sadd.s32 $0x10, s7  }
0x414: {  	[tilespmem:s26], [sflag:$0x3] =	stream.strided.gather [hbm4b:s23+s16], $0x2000, s19, s16, $0x38;
	[tilespmem:$0x18800] =	vst v63  }
0x415: {  	_ = 	snop  }
0x416: {  	[tilespmem:s10], [sflag:$0x4] =	stream.strided.gather [hbm4b:s8+s16], $0x2000, s19, s16, $0x38;
	[tilespmem:$0x18800] =	vst v63  }
0x417: {  	s28 =	sadd.s32 $0x10, s8;
	s29 =	simm.s32 $0xE000;
	s6 =	simm.s32 $0x10040  }
0x418: {  	[tilespmem:s29], [sflag:$0x4] =	stream.strided.gather [hbm4b:s28+s16], $0x2000, s19, s16, $0x38;
	[tilespmem:$0x18800] =	vst v63  }
0x419: {  	[tilespmem:s6+$0xFFFFFFC0] =	vst v0  }
0x41a: {  	[tilespmem:s6+$0x30] =	vst v0  }
0x41b: {  	[tilespmem:s6+$0x20] =	vst v0  }
0x41c: {  	[tilespmem:s6+$0x10] =	vst v0  }
0x41d: {  	[tilespmem:s6+$0x0] =	vst v0  }
0x41e: {  	[tilespmem:s6+$0xFFFFFFF0] =	vst v0  }
0x41f: {  	s10 =	simm.s32 $0x0;
	[tilespmem:s6+$0xFFFFFFE0] =	vst v0  }
.LBB2_3:
0x420: {  	s10 =	sadd.s32 $0x80, s10;
	[tilespmem:s6+$0xFFFFFFD0] =	vst v0;
	s6 =	sadd.s32 $0x80, s6  }
0x421: {  	[tilespmem:s6+$0xFFFFFFC0] =	vst v0;
	p1 =	slt.u32 s10, $0x380  }
0x422: {  	[tilespmem:s6+$0x30] =	vst v0  }
.Ltmp23:
0x423: {  	[tilespmem:s6+$0x20] =	vst v0;
	(pc) =	sbr.rel @p1 .LBB2_3-.Ltmp23, $4  }
0x424: {  	[tilespmem:s6+$0x10] =	vst v0  }
0x425: {  	[tilespmem:s6+$0x0] =	vst v0  }
0x426: {  	[tilespmem:s6+$0xFFFFFFF0] =	vst v0  }
0x427: {  	[tilespmem:s6+$0xFFFFFFE0] =	vst v0  }
0x428: {  	[tilespmem:s6+$0xFFFFFFD0] =	vst v0  }
0x429: {  	_ =	swait.ge [sflag:s30], $0x4000  }
0x42a: {  	[sflag:s30] =	ssyncset.done $0x0  }
0x42b: {  	s29 =	simm.s32 $0x40;
	[sflag:s30] =	ssyncadd.s32 $0xFFFFC000  }
0x42c: {  	v5 =	vld [tilespmem:s29+$0x30]  }
0x42d: {  	v6 =	vld [tilespmem:s29+$0xFFFFFFD0]  }
0x42e: {  	v7 =	vld [tilespmem:s29+$0xFFFFFFE0]  }
0x42f: {  	v8 =	vld [tilespmem:s29+$0xFFFFFFF0]  }
0x430: {  	v9 =	vld [tilespmem:s29+$0x0]  }
0x431: {  	v5 =	vshrl.u32 v5, $0x15  }
0x432: {  	v6 =	vshrl.u32 v6, $0x15;
	v5 =	vand.u32 $0x3FF, v5  }
0x433: {  	v10 =	vld [tilespmem:s29+$0x10];
	v7 =	vshrl.u32 v7, $0x15;
	v6 =	vand.u32 $0x3FF, v6  }
0x434: {  	v11 =	vld [tilespmem:s29+$0x20];
	v8 =	vshrl.u32 v8, $0x15;
	v7 =	vand.u32 $0x3FF, v7  }
0x435: {  	v12 =	vld [tilespmem:s29+$0xFFFFFFC0];
	v9 =	vshrl.u32 v9, $0x15;
	v8 =	vand.u32 $0x3FF, v8  }
0x436: {  	v9 =	vand.u32 $0x3FF, v9  }
0x437: {  	[tilespmem:v5+s31+$0x0] =	vst.idx.add.s32.msk $0xffff, v1  }
0x438: {  	[tilespmem:v6+s31+$0x0] =	vst.idx.add.s32.msk $0xffff, v1  }
0x439: {  	[tilespmem:v7+s31+$0x0] =	vst.idx.add.s32.msk $0xffff, v1  }
0x43a: {  	v5 =	vshrl.u32 v10, $0x15;
	v6 =	vshrl.u32 v11, $0x15;
	v7 =	vshrl.u32 v12, $0x15;
	[tilespmem:v8+s31+$0x0] =	vst.idx.add.s32.msk $0xffff, v1  }
0x43b: {  	s6 =	simm.s32 $0x0;
	s10 =	simm.s32 $0xC0;
	[tilespmem:v9+s31+$0x0] =	vst.idx.add.s32.msk $0xffff, v1;
	v5 =	vand.u32 $0x3FF, v5;
	v6 =	vand.u32 $0x3FF, v6;
	v7 =	vand.u32 $0x3FF, v7  }
.LBB2_5:
0x43c: {  	v8 =	vld [tilespmem:s10+$0x30];
	s6 =	sadd.s32 $0x80, s6  }
0x43d: {  	v9 =	vld [tilespmem:s10+$0xFFFFFFD0];
	p1 =	slt.u32 s6, $0x3F80  }
0x43e: {  	v10 =	vld [tilespmem:s10+$0xFFFFFFE0]  }
0x43f: {  	v11 =	vld [tilespmem:s10+$0xFFFFFFF0]  }
0x440: {  	v12 =	vld [tilespmem:s10+$0x0]  }
0x441: {  	v13 =	vld [tilespmem:s10+$0x10];
	v8 =	vshrl.u32 v8, $0x15  }
0x442: {  	v9 =	vshrl.u32 v9, $0x15;
	v14 =	vld [tilespmem:s10+$0x20];
	v8 =	vand.u32 $0x3FF, v8  }
0x443: {  	v15 =	vld [tilespmem:s10+$0xFFFFFFC0];
	v9 =	vand.u32 $0x3FF, v9;
	v10 =	vshrl.u32 v10, $0x15  }
0x444: {  	v10 =	vand.u32 $0x3FF, v10;
	v11 =	vshrl.u32 v11, $0x15;
	[tilespmem:v7+s31+$0x0] =	vst.idx.add.s32.msk $0xffff, v1  }
0x445: {  	v11 =	vand.u32 $0x3FF, v11;
	v7 =	vshrl.u32 v12, $0x15;
	[tilespmem:v5+s31+$0x0] =	vst.idx.add.s32.msk $0xffff, v1  }
0x446: {  	v12 =	vand.u32 $0x3FF, v7;
	v5 =	vshrl.u32 v13, $0x15;
	[tilespmem:v6+s31+$0x0] =	vst.idx.add.s32.msk $0xffff, v1  }
.Ltmp24:
0x447: {  	v5 =	vand.u32 $0x3FF, v5;
	v6 =	vshrl.u32 v14, $0x15;
	[tilespmem:v8+s31+$0x0] =	vst.idx.add.s32.msk $0xffff, v1;
	(pc) =	sbr.rel @p1 .LBB2_5-.Ltmp24, $4  }
0x448: {  	v7 =	vshrl.u32 v15, $0x15;
	[tilespmem:v9+s31+$0x0] =	vst.idx.add.s32.msk $0xffff, v1;
	v6 =	vand.u32 $0x3FF, v6  }
0x449: {  	v7 =	vand.u32 $0x3FF, v7;
	[tilespmem:v10+s31+$0x0] =	vst.idx.add.s32.msk $0xffff, v1  }
0x44a: {  	[tilespmem:v11+s31+$0x0] =	vst.idx.add.s32.msk $0xffff, v1  }
0x44b: {  	s10 =	sadd.s32 $0x80, s10;
	[tilespmem:v12+s31+$0x0] =	vst.idx.add.s32.msk $0xffff, v1  }
0x44c: {  	_ =	sdelay $0x3  }
0x44d: {  	[tilespmem:v7+s31+$0x0] =	vst.idx.add.s32.msk $0xffff, v1  }
0x44e: {  	[tilespmem:v5+s31+$0x0] =	vst.idx.add.s32.msk $0xffff, v1  }
0x44f: {  	[tilespmem:v6+s31+$0x0] =	vst.idx.add.s32.msk $0xffff, v1  }
0x450: {  	_ =	swait.ge [sflag:s0], $0x4000  }
0x451: {  	[sflag:s0] =	ssyncset.done $0x0  }
0x452: {  	s6 =	simm.s32 $0x4070;
	[sflag:s0] =	ssyncadd.s32 $0xFFFFC000  }
0x453: {  	v5 =	vld [tilespmem:s6+$0x0]  }
0x454: {  	v6 =	vld [tilespmem:s6+$0xFFFFFFA0]  }
0x455: {  	v7 =	vld [tilespmem:s6+$0xFFFFFFB0]  }
0x456: {  	v8 =	vld [tilespmem:s6+$0xFFFFFFC0]  }
0x457: {  	v9 =	vld [tilespmem:s6+$0xFFFFFFD0]  }
0x458: {  	v5 =	vshrl.u32 v5, $0x15  }
0x459: {  	v6 =	vshrl.u32 v6, $0x15;
	v5 =	vand.u32 $0x3FF, v5  }
0x45a: {  	v10 =	vld [tilespmem:s6+$0xFFFFFFE0];
	v7 =	vshrl.u32 v7, $0x15;
	v6 =	vand.u32 $0x3FF, v6  }
0x45b: {  	v11 =	vld [tilespmem:s6+$0xFFFFFFF0];
	v8 =	vshrl.u32 v8, $0x15;
	v7 =	vand.u32 $0x3FF, v7  }
0x45c: {  	v12 =	vld [tilespmem:s6+$0xFFFFFF90];
	v9 =	vshrl.u32 v9, $0x15;
	v8 =	vand.u32 $0x3FF, v8  }
0x45d: {  	v9 =	vand.u32 $0x3FF, v9  }
0x45e: {  	[tilespmem:v5+s31+$0x0] =	vst.idx.add.s32.msk $0xffff, v1  }
0x45f: {  	[tilespmem:v6+s31+$0x0] =	vst.idx.add.s32.msk $0xffff, v1  }
0x460: {  	[tilespmem:v7+s31+$0x0] =	vst.idx.add.s32.msk $0xffff, v1  }
0x461: {  	v5 =	vshrl.u32 v10, $0x15;
	v6 =	vshrl.u32 v11, $0x15;
	v7 =	vshrl.u32 v12, $0x15;
	[tilespmem:v8+s31+$0x0] =	vst.idx.add.s32.msk $0xffff, v1  }
0x462: {  	s10 =	simm.s32 $0x40F0;
	s6 =	simm.s32 $0x4000;
	[tilespmem:v9+s31+$0x0] =	vst.idx.add.s32.msk $0xffff, v1;
	v5 =	vand.u32 $0x3FF, v5;
	v6 =	vand.u32 $0x3FF, v6;
	v7 =	vand.u32 $0x3FF, v7  }
.LBB2_7:
0x463: {  	v8 =	vld [tilespmem:s10+$0x0];
	s6 =	sadd.s32 $0x80, s6  }
0x464: {  	v9 =	vld [tilespmem:s10+$0xFFFFFFA0];
	p1 =	slt.u32 s6, $0x7F80  }
0x465: {  	v10 =	vld [tilespmem:s10+$0xFFFFFFB0]  }
0x466: {  	v11 =	vld [tilespmem:s10+$0xFFFFFFC0]  }
0x467: {  	v12 =	vld [tilespmem:s10+$0xFFFFFFD0]  }
0x468: {  	v13 =	vld [tilespmem:s10+$0xFFFFFFE0];
	v8 =	vshrl.u32 v8, $0x15  }
0x469: {  	v9 =	vshrl.u32 v9, $0x15;
	v14 =	vld [tilespmem:s10+$0xFFFFFFF0];
	v8 =	vand.u32 $0x3FF, v8  }
0x46a: {  	v15 =	vld [tilespmem:s10+$0xFFFFFF90];
	v9 =	vand.u32 $0x3FF, v9;
	v10 =	vshrl.u32 v10, $0x15  }
0x46b: {  	v10 =	vand.u32 $0x3FF, v10;
	v11 =	vshrl.u32 v11, $0x15;
	[tilespmem:v7+s31+$0x0] =	vst.idx.add.s32.msk $0xffff, v1  }
0x46c: {  	v11 =	vand.u32 $0x3FF, v11;
	v7 =	vshrl.u32 v12, $0x15;
	[tilespmem:v5+s31+$0x0] =	vst.idx.add.s32.msk $0xffff, v1  }
0x46d: {  	v12 =	vand.u32 $0x3FF, v7;
	v5 =	vshrl.u32 v13, $0x15;
	[tilespmem:v6+s31+$0x0] =	vst.idx.add.s32.msk $0xffff, v1  }
.Ltmp25:
0x46e: {  	v5 =	vand.u32 $0x3FF, v5;
	v6 =	vshrl.u32 v14, $0x15;
	[tilespmem:v8+s31+$0x0] =	vst.idx.add.s32.msk $0xffff, v1;
	(pc) =	sbr.rel @p1 .LBB2_7-.Ltmp25, $4  }
0x46f: {  	v7 =	vshrl.u32 v15, $0x15;
	[tilespmem:v9+s31+$0x0] =	vst.idx.add.s32.msk $0xffff, v1;
	v6 =	vand.u32 $0x3FF, v6  }
0x470: {  	v7 =	vand.u32 $0x3FF, v7;
	[tilespmem:v10+s31+$0x0] =	vst.idx.add.s32.msk $0xffff, v1  }
0x471: {  	[tilespmem:v11+s31+$0x0] =	vst.idx.add.s32.msk $0xffff, v1  }
0x472: {  	s10 =	sadd.s32 $0x80, s10;
	[tilespmem:v12+s31+$0x0] =	vst.idx.add.s32.msk $0xffff, v1  }
0x473: {  	_ =	sdelay $0x3  }
0x474: {  	[tilespmem:v7+s31+$0x0] =	vst.idx.add.s32.msk $0xffff, v1  }
0x475: {  	[tilespmem:v5+s31+$0x0] =	vst.idx.add.s32.msk $0xffff, v1  }
0x476: {  	[tilespmem:v6+s31+$0x0] =	vst.idx.add.s32.msk $0xffff, v1  }
0x477: {  	_ =	swait.ge [sflag:s1], $0x4000  }
0x478: {  	[sflag:s1] =	ssyncset.done $0x0  }
0x479: {  	s6 =	simm.s32 $0x8070;
	[sflag:s1] =	ssyncadd.s32 $0xFFFFC000  }
0x47a: {  	v5 =	vld [tilespmem:s6+$0x0]  }
0x47b: {  	v6 =	vld [tilespmem:s6+$0xFFFFFFA0]  }
0x47c: {  	v7 =	vld [tilespmem:s6+$0xFFFFFFB0]  }
0x47d: {  	v8 =	vld [tilespmem:s6+$0xFFFFFFC0]  }
0x47e: {  	v9 =	vld [tilespmem:s6+$0xFFFFFFD0]  }
0x47f: {  	v5 =	vshrl.u32 v5, $0x15  }
0x480: {  	v6 =	vshrl.u32 v6, $0x15;
	v5 =	vand.u32 $0x3FF, v5  }
0x481: {  	v10 =	vld [tilespmem:s6+$0xFFFFFFE0];
	v7 =	vshrl.u32 v7, $0x15;
	v6 =	vand.u32 $0x3FF, v6  }
0x482: {  	v11 =	vld [tilespmem:s6+$0xFFFFFFF0];
	v8 =	vshrl.u32 v8, $0x15;
	v7 =	vand.u32 $0x3FF, v7  }
0x483: {  	v12 =	vld [tilespmem:s6+$0xFFFFFF90];
	v9 =	vshrl.u32 v9, $0x15;
	v8 =	vand.u32 $0x3FF, v8  }
0x484: {  	v9 =	vand.u32 $0x3FF, v9  }
0x485: {  	[tilespmem:v5+s31+$0x0] =	vst.idx.add.s32.msk $0xffff, v1  }
0x486: {  	[tilespmem:v6+s31+$0x0] =	vst.idx.add.s32.msk $0xffff, v1  }
0x487: {  	[tilespmem:v7+s31+$0x0] =	vst.idx.add.s32.msk $0xffff, v1  }
0x488: {  	v5 =	vshrl.u32 v10, $0x15;
	v6 =	vshrl.u32 v11, $0x15;
	v7 =	vshrl.u32 v12, $0x15;
	[tilespmem:v8+s31+$0x0] =	vst.idx.add.s32.msk $0xffff, v1  }
0x489: {  	s10 =	simm.s32 $0x80F0;
	s6 =	simm.s32 $0x8000;
	[tilespmem:v9+s31+$0x0] =	vst.idx.add.s32.msk $0xffff, v1;
	v5 =	vand.u32 $0x3FF, v5;
	v6 =	vand.u32 $0x3FF, v6;
	v7 =	vand.u32 $0x3FF, v7  }
.LBB2_9:
0x48a: {  	v8 =	vld [tilespmem:s10+$0x0];
	s6 =	sadd.s32 $0x80, s6  }
0x48b: {  	v9 =	vld [tilespmem:s10+$0xFFFFFFA0];
	p1 =	slt.u32 s6, $0xBF80  }
0x48c: {  	v10 =	vld [tilespmem:s10+$0xFFFFFFB0]  }
0x48d: {  	v11 =	vld [tilespmem:s10+$0xFFFFFFC0]  }
0x48e: {  	v12 =	vld [tilespmem:s10+$0xFFFFFFD0]  }
0x48f: {  	v13 =	vld [tilespmem:s10+$0xFFFFFFE0];
	v8 =	vshrl.u32 v8, $0x15  }
0x490: {  	v9 =	vshrl.u32 v9, $0x15;
	v14 =	vld [tilespmem:s10+$0xFFFFFFF0];
	v8 =	vand.u32 $0x3FF, v8  }
0x491: {  	v15 =	vld [tilespmem:s10+$0xFFFFFF90];
	v9 =	vand.u32 $0x3FF, v9;
	v10 =	vshrl.u32 v10, $0x15  }
0x492: {  	v10 =	vand.u32 $0x3FF, v10;
	v11 =	vshrl.u32 v11, $0x15;
	[tilespmem:v7+s31+$0x0] =	vst.idx.add.s32.msk $0xffff, v1  }
0x493: {  	v11 =	vand.u32 $0x3FF, v11;
	v7 =	vshrl.u32 v12, $0x15;
	[tilespmem:v5+s31+$0x0] =	vst.idx.add.s32.msk $0xffff, v1  }
0x494: {  	v12 =	vand.u32 $0x3FF, v7;
	v5 =	vshrl.u32 v13, $0x15;
	[tilespmem:v6+s31+$0x0] =	vst.idx.add.s32.msk $0xffff, v1  }
.Ltmp26:
0x495: {  	v5 =	vand.u32 $0x3FF, v5;
	v6 =	vshrl.u32 v14, $0x15;
	[tilespmem:v8+s31+$0x0] =	vst.idx.add.s32.msk $0xffff, v1;
	(pc) =	sbr.rel @p1 .LBB2_9-.Ltmp26, $4  }
0x496: {  	v7 =	vshrl.u32 v15, $0x15;
	[tilespmem:v9+s31+$0x0] =	vst.idx.add.s32.msk $0xffff, v1;
	v6 =	vand.u32 $0x3FF, v6  }
0x497: {  	v7 =	vand.u32 $0x3FF, v7;
	[tilespmem:v10+s31+$0x0] =	vst.idx.add.s32.msk $0xffff, v1  }
0x498: {  	[tilespmem:v11+s31+$0x0] =	vst.idx.add.s32.msk $0xffff, v1  }
0x499: {  	s10 =	sadd.s32 $0x80, s10;
	[tilespmem:v12+s31+$0x0] =	vst.idx.add.s32.msk $0xffff, v1  }
0x49a: {  	_ =	sdelay $0x3  }
0x49b: {  	[tilespmem:v7+s31+$0x0] =	vst.idx.add.s32.msk $0xffff, v1  }
0x49c: {  	[tilespmem:v5+s31+$0x0] =	vst.idx.add.s32.msk $0xffff, v1  }
0x49d: {  	[tilespmem:v6+s31+$0x0] =	vst.idx.add.s32.msk $0xffff, v1  }
0x49e: {  	_ =	swait.ge [sflag:s15], $0x4000  }
0x49f: {  	[sflag:s15] =	ssyncset.done $0x0  }
0x4a0: {  	s6 =	simm.s32 $0xC070;
	[sflag:s15] =	ssyncadd.s32 $0xFFFFC000  }
0x4a1: {  	v5 =	vld [tilespmem:s6+$0x0]  }
0x4a2: {  	v6 =	vld [tilespmem:s6+$0xFFFFFFA0]  }
0x4a3: {  	v7 =	vld [tilespmem:s6+$0xFFFFFFB0]  }
0x4a4: {  	v8 =	vld [tilespmem:s6+$0xFFFFFFC0]  }
0x4a5: {  	v9 =	vld [tilespmem:s6+$0xFFFFFFD0]  }
0x4a6: {  	v5 =	vshrl.u32 v5, $0x15  }
0x4a7: {  	v6 =	vshrl.u32 v6, $0x15;
	v5 =	vand.u32 $0x3FF, v5  }
0x4a8: {  	v10 =	vld [tilespmem:s6+$0xFFFFFFE0];
	v7 =	vshrl.u32 v7, $0x15;
	v6 =	vand.u32 $0x3FF, v6  }
0x4a9: {  	v11 =	vld [tilespmem:s6+$0xFFFFFFF0];
	v8 =	vshrl.u32 v8, $0x15;
	v7 =	vand.u32 $0x3FF, v7  }
0x4aa: {  	v12 =	vld [tilespmem:s6+$0xFFFFFF90];
	v9 =	vshrl.u32 v9, $0x15;
	v8 =	vand.u32 $0x3FF, v8  }
0x4ab: {  	v9 =	vand.u32 $0x3FF, v9  }
0x4ac: {  	[tilespmem:v5+s31+$0x0] =	vst.idx.add.s32.msk $0xffff, v1  }
0x4ad: {  	[tilespmem:v6+s31+$0x0] =	vst.idx.add.s32.msk $0xffff, v1  }
0x4ae: {  	[tilespmem:v7+s31+$0x0] =	vst.idx.add.s32.msk $0xffff, v1  }
0x4af: {  	v5 =	vshrl.u32 v10, $0x15;
	v6 =	vshrl.u32 v11, $0x15;
	v7 =	vshrl.u32 v12, $0x15;
	[tilespmem:v8+s31+$0x0] =	vst.idx.add.s32.msk $0xffff, v1  }
0x4b0: {  	s10 =	simm.s32 $0xC0F0;
	s6 =	simm.s32 $0xC000;
	[tilespmem:v9+s31+$0x0] =	vst.idx.add.s32.msk $0xffff, v1;
	v5 =	vand.u32 $0x3FF, v5;
	v6 =	vand.u32 $0x3FF, v6;
	v7 =	vand.u32 $0x3FF, v7  }
.LBB2_11:
0x4b1: {  	v8 =	vld [tilespmem:s10+$0x0];
	s6 =	sadd.s32 $0x80, s6  }
0x4b2: {  	v9 =	vld [tilespmem:s10+$0xFFFFFFA0];
	p1 =	slt.u32 s6, $0xFF80  }
0x4b3: {  	v10 =	vld [tilespmem:s10+$0xFFFFFFB0]  }
0x4b4: {  	v11 =	vld [tilespmem:s10+$0xFFFFFFC0]  }
0x4b5: {  	v12 =	vld [tilespmem:s10+$0xFFFFFFD0]  }
0x4b6: {  	v13 =	vld [tilespmem:s10+$0xFFFFFFE0];
	v8 =	vshrl.u32 v8, $0x15  }
0x4b7: {  	v9 =	vshrl.u32 v9, $0x15;
	v14 =	vld [tilespmem:s10+$0xFFFFFFF0];
	v8 =	vand.u32 $0x3FF, v8  }
0x4b8: {  	v15 =	vld [tilespmem:s10+$0xFFFFFF90];
	v9 =	vand.u32 $0x3FF, v9;
	v10 =	vshrl.u32 v10, $0x15  }
0x4b9: {  	v10 =	vand.u32 $0x3FF, v10;
	v11 =	vshrl.u32 v11, $0x15;
	[tilespmem:v7+s31+$0x0] =	vst.idx.add.s32.msk $0xffff, v1  }
0x4ba: {  	v11 =	vand.u32 $0x3FF, v11;
	v7 =	vshrl.u32 v12, $0x15;
	[tilespmem:v5+s31+$0x0] =	vst.idx.add.s32.msk $0xffff, v1  }
0x4bb: {  	v12 =	vand.u32 $0x3FF, v7;
	v5 =	vshrl.u32 v13, $0x15;
	[tilespmem:v6+s31+$0x0] =	vst.idx.add.s32.msk $0xffff, v1  }
.Ltmp27:
0x4bc: {  	v5 =	vand.u32 $0x3FF, v5;
	v6 =	vshrl.u32 v14, $0x15;
	[tilespmem:v8+s31+$0x0] =	vst.idx.add.s32.msk $0xffff, v1;
	(pc) =	sbr.rel @p1 .LBB2_11-.Ltmp27, $4  }
0x4bd: {  	v7 =	vshrl.u32 v15, $0x15;
	[tilespmem:v9+s31+$0x0] =	vst.idx.add.s32.msk $0xffff, v1;
	v6 =	vand.u32 $0x3FF, v6  }
0x4be: {  	v7 =	vand.u32 $0x3FF, v7;
	[tilespmem:v10+s31+$0x0] =	vst.idx.add.s32.msk $0xffff, v1  }
0x4bf: {  	[tilespmem:v11+s31+$0x0] =	vst.idx.add.s32.msk $0xffff, v1  }
0x4c0: {  	s10 =	sadd.s32 $0x80, s10;
	[tilespmem:v12+s31+$0x0] =	vst.idx.add.s32.msk $0xffff, v1  }
0x4c1: {  	_ =	sdelay $0x3  }
0x4c2: {  	[tilespmem:v7+s31+$0x0] =	vst.idx.add.s32.msk $0xffff, v1  }
0x4c3: {  	[tilespmem:v5+s31+$0x0] =	vst.idx.add.s32.msk $0xffff, v1  }
0x4c4: {  	[tilespmem:v6+s31+$0x0] =	vst.idx.add.s32.msk $0xffff, v1  }
0x4c5: {  	[hbm4b:s9+s16] =	stream.strided.scatter [tilespmem:s31], [sflag:$0x5], $0x400, s17, s16, $0x38;
	[tilespmem:$0x18800] =	vst v63  }
0x4c6: {  	_ =	swait.ge [sflag:s18], $0x400  }
0x4c7: {  	[sflag:s18] =	ssyncset.done $0x0  }
0x4c8: {  	[sflag:s18] =	ssyncadd.s32 $0xFFFFFC00  }
0x4c9: {  	[bflag:$0x0] =	sbarrier.arrive $0xFFFF  }
0x4ca: {  	[tilespmem:s31], [sflag:$0x5] =	stream.strided.gather [hbm4b:s3+s16], $0x4000, s17, s16, $0x38;
	[tilespmem:$0x18800] =	vst v63  }
0x4cb: {  	_ =	swait.ge [sflag:s18], $0x4000  }
0x4cc: {  	[sflag:s18] =	ssyncset.done $0x0  }
0x4cd: {  	s6 =	simm.s32 $0x12010;
	s10 =	simm.s32 $0x0;
	[sflag:s18] =	ssyncadd.s32 $0xFFFFC000  }
0x4ce: {  	s21 =	sand.u32 $0x3C0, s10;
	v5 =	vld [tilespmem:s6+$0xFFFFDFF0]  }
0x4cf: {  	v6 =	vld [tilespmem:s21+$0x10400]  }
0x4d0: {  	v7 =	vld [tilespmem:s21+$0x10800]  }
0x4d1: {  	v8 =	vld [tilespmem:s21+$0x10C00]  }
0x4d2: {  	v9 =	vld [tilespmem:s21+$0x11000]  }
0x4d3: {  	v10 =	vld [tilespmem:s21+$0x11400]  }
0x4d4: {  	v11 =	vld [tilespmem:s21+$0x11800]  }
0x4d5: {  	v12 =	vld [tilespmem:s21+$0x11C00]  }
0x4d6: {  	v13 =	vld [tilespmem:s21+$0x12000]  }
0x4d7: {  	v14 =	vld [tilespmem:s21+$0x12400]  }
0x4d8: {  	v15 =	vld [tilespmem:s21+$0x12800]  }
0x4d9: {  	v16 =	vld [tilespmem:s21+$0x12C00]  }
0x4da: {  	v17 =	vld [tilespmem:s21+$0x13000]  }
0x4db: {  	v18 =	vld [tilespmem:s21+$0x13400]  }
0x4dc: {  	v19 =	vld [tilespmem:s21+$0x13800]  }
0x4dd: {  	v20 =	vld [tilespmem:s21+$0x13C00]  }
0x4de: {  	v21 =	vld [tilespmem:s6+$0xFFFFE000]  }
0x4df: {  	v22 =	vld [tilespmem:s6+$0xFFFFE400]  }
0x4e0: {  	v23 =	vld [tilespmem:s6+$0xFFFFE010]  }
0x4e1: {  	v24 =	vld [tilespmem:s6+$0xFFFFE410]  }
0x4e2: {  	v25 =	vld [tilespmem:s6+$0xFFFFE020]  }
0x4e3: {  	v26 =	vld [tilespmem:s6+$0xFFFFE420]  }
0x4e4: {  	v27 =	vld [tilespmem:s6+$0xFFFFE800]  }
0x4e5: {  	v28 =	vld [tilespmem:s6+$0xFFFFE810]  }
0x4e6: {  	v29 =	vld [tilespmem:s6+$0xFFFFE820]  }
0x4e7: {  	v30 =	vld [tilespmem:s6+$0xFFFFEC00]  }
0x4e8: {  	v31 =	vld [tilespmem:s6+$0xFFFFEC10]  }
0x4e9: {  	v32 =	vld [tilespmem:s6+$0xFFFFEC20]  }
0x4ea: {  	v33 =	vld [tilespmem:s6+$0xFFFFF000]  }
0x4eb: {  	v34 =	vld [tilespmem:s6+$0xFFFFF010]  }
0x4ec: {  	v35 =	vld [tilespmem:s6+$0xFFFFF020]  }
0x4ed: {  	v36 =	vld [tilespmem:s6+$0xFFFFF400]  }
0x4ee: {  	v37 =	vld [tilespmem:s6+$0xFFFFF410]  }
0x4ef: {  	v38 =	vld [tilespmem:s6+$0xFFFFF420]  }
0x4f0: {  	v39 =	vld [tilespmem:s6+$0xFFFFF800]  }
0x4f1: {  	v51 =	vld [tilespmem:s6+$0x420]  }
0x4f2: {  	v52 =	vld [tilespmem:s6+$0x800]  }
0x4f3: {  	v53 =	vld [tilespmem:s6+$0x810]  }
0x4f4: {  	v54 =	vld [tilespmem:s6+$0x820]  }
0x4f5: {  	v55 =	vld [tilespmem:s6+$0xC00]  }
0x4f6: {  	v58 =	vld [tilespmem:s6+$0xC10]  }
0x4f7: {  	v59 =	vld [tilespmem:s6+$0xC20]  }
0x4f8: {  	v60 =	vld [tilespmem:s6+$0x1000]  }
0x4f9: {  	v61 =	vld [tilespmem:s6+$0x1010]  }
0x4fa: {  	v5 =	vadd.s32 v5, v6;
	v6 =	vld [tilespmem:s6+$0xFFFFF810]  }
0x4fb: {  	v21 =	vadd.s32 v21, v22;
	v5 =	vadd.s32 v7, v5;
	v7 =	vld [tilespmem:s6+$0xFFFFF820]  }
0x4fc: {  	v56 =	vadd.s32 v23, v24;
	v57 =	vadd.s32 v25, v26;
	v5 =	vadd.s32 v8, v5;
	v8 =	vld [tilespmem:s6+$0xFFFFFC00]  }
0x4fd: {  	v21 =	vadd.s32 v27, v21;
	v22 =	vadd.s32 v28, v56;
	v5 =	vadd.s32 v9, v5;
	v9 =	vld [tilespmem:s6+$0xFFFFFC10]  }
0x4fe: {  	v23 =	vadd.s32 v29, v57;
	v21 =	vadd.s32 v30, v21;
	v5 =	vadd.s32 v10, v5;
	v10 =	vld [tilespmem:s6+$0xFFFFFC20]  }
0x4ff: {  	v22 =	vadd.s32 v31, v22;
	v23 =	vadd.s32 v32, v23;
	v5 =	vadd.s32 v11, v5;
	v11 =	vld [tilespmem:s6+$0x0]  }
0x500: {  	v21 =	vadd.s32 v33, v21;
	v22 =	vadd.s32 v34, v22;
	v5 =	vadd.s32 v12, v5;
	v12 =	vld [tilespmem:s6+$0x10]  }
0x501: {  	v23 =	vadd.s32 v35, v23;
	v21 =	vadd.s32 v36, v21;
	v5 =	vadd.s32 v13, v5;
	v13 =	vld [tilespmem:s6+$0x20]  }
0x502: {  	v22 =	vadd.s32 v37, v22;
	v23 =	vadd.s32 v38, v23;
	v5 =	vadd.s32 v14, v5;
	v14 =	vld [tilespmem:s6+$0x400]  }
0x503: {  	v21 =	vadd.s32 v39, v21;
	v6 =	vadd.s32 v6, v22;
	v5 =	vadd.s32 v15, v5;
	v15 =	vld [tilespmem:s6+$0x410]  }
0x504: {  	v62 =	vld [tilespmem:s6+$0x1020];
	v7 =	vadd.s32 v7, v23;
	v8 =	vadd.s32 v8, v21;
	v5 =	vadd.s32 v16, v5  }
0x505: {  	v63 =	vld [tilespmem:s6+$0x1400];
	v6 =	vadd.s32 v9, v6;
	v7 =	vadd.s32 v10, v7;
	v5 =	vadd.s32 v17, v5  }
0x506: {  	v10 =	vld [tilespmem:s6+$0x1410];
	v8 =	vadd.s32 v11, v8;
	v6 =	vadd.s32 v12, v6;
	v5 =	vadd.s32 v18, v5  }
0x507: {  	v12 =	vld [tilespmem:s6+$0x1420];
	v7 =	vadd.s32 v13, v7;
	v5 =	vadd.s32 v19, v5;
	v8 =	vadd.s32 v14, v8  }
0x508: {  	v9 =	vadd.s32 v51, v7;
	v7 =	vld [tilespmem:s6+$0x1800];
	v5 =	vadd.s32 v20, v5;
	v6 =	vadd.s32 v15, v6  }
0x509: {  	v8 =	vadd.s32 v52, v8;
	v9 =	vadd.s32 v54, v9;
	v11 =	vadd.s32 v53, v6;
	v6 =	vld [tilespmem:s6+$0x1810]  }
0x50a: {  	v13 =	vadd.s32 v55, v8;
	v9 =	vadd.s32 v59, v9;
	v8 =	vld [tilespmem:s6+$0x1820];
	v11 =	vadd.s32 v58, v11  }
0x50b: {  	s22 =	simm.s32 $0x18020;
	v13 =	vadd.s32 v60, v13;
	v14 =	vadd.s32 v62, v9;
	v9 =	vld [tilespmem:s6+$0x1C00];
	v11 =	vadd.s32 v61, v11  }
0x50c: {  	s21 =	simm.s32 $0x18010;
	[tilespmem:s22+$0xFFFFFFE0] =	vst v5;
	v13 =	vadd.s32 v63, v13;
	v12 =	vadd.s32 v12, v14;
	v11 =	vadd.s32 v10, v11;
	v10 =	vld [tilespmem:s6+$0x1C10]  }
.LBB2_13:
0x50d: {  	s10 =	sadd.s32 $0x40, s10;
	v5 =	vadd.s32 v7, v13;
	v7 =	vld [tilespmem:s6+$0x1C20];
	s6 =	sadd.s32 $0x40, s6  }
0x50e: {  	v13 =	vld [tilespmem:s6+$0xFFFFDFF0];
	s23 =	sand.u32 $0x3C0, s10;
	p1 =	slt.u32 s10, $0x3C0;
	v6 =	vadd.s32 v6, v11  }
0x50f: {  	v11 =	vld [tilespmem:s23+$0x10400];
	v8 =	vadd.s32 v8, v12  }
0x510: {  	v12 =	vld [tilespmem:s23+$0x10800];
	v5 =	vadd.s32 v9, v5  }
0x511: {  	v9 =	vld [tilespmem:s23+$0x10C00];
	[tilespmem:s22+$0xFFFFFFF0] =	vst v5;
	v5 =	vadd.s32 v10, v6  }
0x512: {  	v6 =	vld [tilespmem:s23+$0x11000];
	[tilespmem:s22+$0x0] =	vst v5;
	v5 =	vadd.s32 v7, v8  }
0x513: {  	v7 =	vld [tilespmem:s23+$0x11400];
	[tilespmem:s22+$0x10] =	vst v5  }
0x514: {  	v5 =	vadd.s32 v13, v11;
	v8 =	vld [tilespmem:s23+$0x11800]  }
0x515: {  	v5 =	vadd.s32 v12, v5;
	v10 =	vld [tilespmem:s23+$0x11C00]  }
0x516: {  	v5 =	vadd.s32 v9, v5;
	v9 =	vld [tilespmem:s23+$0x12000]  }
0x517: {  	v5 =	vadd.s32 v6, v5;
	v6 =	vld [tilespmem:s23+$0x12400]  }
0x518: {  	v5 =	vadd.s32 v7, v5;
	v7 =	vld [tilespmem:s23+$0x12800]  }
0x519: {  	v5 =	vadd.s32 v8, v5;
	v8 =	vld [tilespmem:s23+$0x12C00]  }
0x51a: {  	v5 =	vadd.s32 v10, v5;
	v10 =	vld [tilespmem:s23+$0x13000]  }
0x51b: {  	v5 =	vadd.s32 v9, v5;
	v9 =	vld [tilespmem:s23+$0x13400]  }
0x51c: {  	v5 =	vadd.s32 v6, v5;
	v6 =	vld [tilespmem:s23+$0x13800]  }
0x51d: {  	v5 =	vadd.s32 v7, v5;
	v7 =	vld [tilespmem:s23+$0x13C00]  }
0x51e: {  	v5 =	vadd.s32 v8, v5;
	v8 =	vld [tilespmem:s6+$0xFFFFE000]  }
0x51f: {  	v5 =	vadd.s32 v10, v5;
	v10 =	vld [tilespmem:s6+$0xFFFFE400]  }
0x520: {  	v5 =	vadd.s32 v9, v5;
	v9 =	vld [tilespmem:s6+$0xFFFFE010]  }
0x521: {  	v5 =	vadd.s32 v6, v5;
	v6 =	vld [tilespmem:s6+$0xFFFFE410]  }
0x522: {  	s22 =	sadd.s32 $0x40, s22;
	v5 =	vadd.s32 v7, v5;
	v7 =	vld [tilespmem:s6+$0xFFFFE020]  }
0x523: {  	[tilespmem:s22+$0xFFFFFFE0] =	vst v5;
	v11 =	vld [tilespmem:s6+$0xFFFFE420];
	v5 =	vimm.s32 $0x0  }
0x524: {  	v8 =	vadd.s32 v8, v10;
	v10 =	vld [tilespmem:s6+$0xFFFFE800]  }
0x525: {  	v12 =	vld [tilespmem:s6+$0xFFFFE810]  }
0x526: {  	v6 =	vadd.s32 v9, v6;
	v9 =	vld [tilespmem:s6+$0xFFFFE820]  }
0x527: {  	v13 =	vld [tilespmem:s6+$0xFFFFEC00]  }
0x528: {  	v14 =	vld [tilespmem:s6+$0xFFFFEC10];
	v7 =	vadd.s32 v7, v11  }
0x529: {  	v8 =	vadd.s32 v10, v8;
	v10 =	vld [tilespmem:s6+$0xFFFFEC20]  }
0x52a: {  	v11 =	vld [tilespmem:s6+$0xFFFFF000];
	v6 =	vadd.s32 v12, v6  }
0x52b: {  	v12 =	vld [tilespmem:s6+$0xFFFFF010];
	v7 =	vadd.s32 v9, v7  }
0x52c: {  	v8 =	vadd.s32 v13, v8;
	v9 =	vld [tilespmem:s6+$0xFFFFF020]  }
0x52d: {  	v13 =	vld [tilespmem:s6+$0xFFFFF400];
	v6 =	vadd.s32 v14, v6  }
0x52e: {  	v14 =	vld [tilespmem:s6+$0xFFFFF410];
	v7 =	vadd.s32 v10, v7  }
0x52f: {  	v8 =	vadd.s32 v11, v8;
	v10 =	vld [tilespmem:s6+$0xFFFFF420]  }
0x530: {  	v11 =	vld [tilespmem:s6+$0xFFFFF800];
	v6 =	vadd.s32 v12, v6  }
0x531: {  	v12 =	vld [tilespmem:s6+$0xFFFFF810];
	v7 =	vadd.s32 v9, v7  }
0x532: {  	v8 =	vadd.s32 v13, v8;
	v9 =	vld [tilespmem:s6+$0xFFFFF820]  }
0x533: {  	v13 =	vld [tilespmem:s6+$0xFFFFFC00];
	v6 =	vadd.s32 v14, v6  }
0x534: {  	v14 =	vld [tilespmem:s6+$0xFFFFFC10];
	v7 =	vadd.s32 v10, v7  }
0x535: {  	v8 =	vadd.s32 v11, v8;
	v10 =	vld [tilespmem:s6+$0xFFFFFC20]  }
0x536: {  	v11 =	vld [tilespmem:s6+$0x0];
	v6 =	vadd.s32 v12, v6  }
0x537: {  	v12 =	vld [tilespmem:s6+$0x10];
	v7 =	vadd.s32 v9, v7  }
0x538: {  	v8 =	vadd.s32 v13, v8;
	v9 =	vld [tilespmem:s6+$0x20]  }
0x539: {  	v13 =	vld [tilespmem:s6+$0x400];
	v6 =	vadd.s32 v14, v6  }
0x53a: {  	v14 =	vld [tilespmem:s6+$0x410];
	v7 =	vadd.s32 v10, v7  }
0x53b: {  	v8 =	vadd.s32 v11, v8;
	v10 =	vld [tilespmem:s6+$0x420]  }
0x53c: {  	v11 =	vld [tilespmem:s6+$0x800];
	v6 =	vadd.s32 v12, v6  }
0x53d: {  	v12 =	vld [tilespmem:s6+$0x810];
	v7 =	vadd.s32 v9, v7  }
0x53e: {  	v8 =	vadd.s32 v13, v8;
	v9 =	vld [tilespmem:s6+$0x820]  }
0x53f: {  	v13 =	vld [tilespmem:s6+$0xC00];
	v6 =	vadd.s32 v14, v6  }
0x540: {  	v14 =	vld [tilespmem:s6+$0xC10];
	v7 =	vadd.s32 v10, v7  }
0x541: {  	v8 =	vadd.s32 v11, v8;
	v10 =	vld [tilespmem:s6+$0xC20]  }
0x542: {  	v11 =	vld [tilespmem:s6+$0x1000];
	v6 =	vadd.s32 v12, v6  }
0x543: {  	v12 =	vld [tilespmem:s6+$0x1010];
	v7 =	vadd.s32 v9, v7  }
0x544: {  	v8 =	vadd.s32 v13, v8;
	v9 =	vld [tilespmem:s6+$0x1020]  }
0x545: {  	v13 =	vld [tilespmem:s6+$0x1400];
	v6 =	vadd.s32 v14, v6  }
0x546: {  	v14 =	vld [tilespmem:s6+$0x1410];
	v10 =	vadd.s32 v10, v7  }
0x547: {  	v8 =	vadd.s32 v11, v8;
	v15 =	vld [tilespmem:s6+$0x1420]  }
.Ltmp28:
0x548: {  	v7 =	vld [tilespmem:s6+$0x1800];
	v11 =	vadd.s32 v12, v6;
	(pc) =	sbr.rel @p1 .LBB2_13-.Ltmp28, $4  }
0x549: {  	v6 =	vld [tilespmem:s6+$0x1810];
	v12 =	vadd.s32 v9, v10  }
0x54a: {  	v13 =	vadd.s32 v13, v8;
	v8 =	vld [tilespmem:s6+$0x1820]  }
0x54b: {  	v9 =	vld [tilespmem:s6+$0x1C00];
	v11 =	vadd.s32 v14, v11  }
0x54c: {  	v10 =	vld [tilespmem:s6+$0x1C10];
	v12 =	vadd.s32 v15, v12  }
0x54d: {  	v14 =	vld [tilespmem:s6+$0x1C20];
	_ =	sdelay $0x1  }
0x54e: {  	v7 =	vadd.s32 v7, v13  }
0x54f: {  	v6 =	vadd.s32 v6, v11;
	v7 =	vadd.s32 v9, v7  }
0x550: {  	v8 =	vadd.s32 v8, v12;
	[tilespmem:s22+$0xFFFFFFF0] =	vst v7;
	v6 =	vadd.s32 v10, v6  }
0x551: {  	[tilespmem:s22+$0x0] =	vst v6;
	v6 =	vadd.s32 v14, v8  }
0x552: {  	[tilespmem:s22+$0x10] =	vst v6  }
0x553: {  	v6 =	vld [tilespmem:s21+$0xFFFFFFF0];
	_ =	sdelay $0x2  }
0x554: {  	v7 =	vld [tilespmem:s21+$0x0];
	_ =	sdelay $0x1  }
0x555: {  	s10 =	simm.s32 $0x18030;
	(xrf0) =	vadd.scan.msk.s32 $0xffff, v6  }
0x556: {  	v6 =	vld [tilespmem:s10+$0xFFFFFFF0];
	_ =	sdelay $0x1  }
0x557: {  	(xrf0) =	vadd.scan.msk.s32 $0xffff, v7;
	_ =	sdelay $0x1  }
0x558: {  	s6 =	simm.s32 $0x18050;
	v7 =	vld [tilespmem:s10+$0x0]  }
0x559: {  	v9 =	vld [tilespmem:s6+$0xFFFFFFF0];
	(xrf0) =	vadd.scan.msk.s32 $0xffff, v6;
	v6, _, _ =	vpop (xrf0)  }
0x55a: {  	v6 =	vadd.s32 v5, v6  }
0x55b: {  	v8 =	vperm.xlane v6, v2  }
0x55c: {  	v10, _, _ =	vpop (xrf0)  }
0x55d: {  	(xrf0) =	vadd.scan.msk.s32 $0xffff, v7;
	vm0 =	vlt.s32 v6, $0xE6667;
	v8 =	vadd.s32 v8, v10  }
0x55e: {  	(xrf0) =	vadd.scan.msk.s32 $0xffff, v9;
	[tilespmem:s21+$0xFFFFFFF0] =	vst v6;
	v6 =	vld [tilespmem:s6+$0x0];
	v7 =	vsel vm0, $0x1, v0;
	vm15 =	vlt.s32 v8, $0xE6667  }
0x55f: {  	s23 =	simm.s32 $0x18070;
	v5 =	vadd.s32 v7, v5;
	[tilespmem:s21+$0x0] =	vst v8;
	s21 =	simm.s32 $0x60;
	v8 =	vperm.xlane v8, v2;
	v9, _, _ =	vpop (xrf0);
	v7 =	vsel vm15, $0x1, v0  }
.LBB2_15:
0x560: {  	s21 =	sadd.s32 $0x20, s21  }
0x561: {  	v10 =	vld [tilespmem:s23+$0xFFFFFFF0];
	v9 =	vadd.s32 v8, v9;
	v5 =	vadd.s32 v7, v5;
	p1 =	slt.u32 s21, $0x3E0  }
.Ltmp29:
0x562: {  	[tilespmem:s10+$0xFFFFFFF0] =	vst v9;
	v7 =	vperm.xlane v9, v2;
	vm0 =	vlt.s32 v9, $0xE6667;
	(pc) =	sbr.rel @p1 .LBB2_15-.Ltmp29, $4  }
0x563: {  	(xrf0) =	vadd.scan.msk.s32 $0xffff, v6;
	v11 =	vsel vm0, $0x1, v0;
	v8, _, _ =	vpop (xrf0)  }
0x564: {  	v6 =	vld [tilespmem:s23+$0x0];
	v7 =	vadd.s32 v7, v8  }
0x565: {  	[tilespmem:s10+$0x0] =	vst v7;
	v8 =	vperm.xlane v7, v2;
	vm0 =	vlt.s32 v7, $0xE6667;
	s10 =	smov.u32 s6;
	s6 =	smov.u32 s23  }
0x566: {  	v5 =	vadd.s32 v11, v5;
	s23 =	sadd.s32 $0x20, s23;
	(xrf0) =	vadd.scan.msk.s32 $0xffff, v10;
	v9, _, _ =	vpop (xrf0);
	v7 =	vsel vm0, $0x1, v0  }
0x567: {  	v8 =	vadd.s32 v8, v9  }
0x568: {  	v10 =	vld [tilespmem:s23+$0xFFFFFFF0];
	v9 =	vperm.xlane v8, v2  }
0x569: {  	(xrf0) =	vadd.scan.msk.s32 $0xffff, v6;
	v6, _, _ =	vpop (xrf0)  }
0x56a: {  	v9 =	vadd.s32 v9, v6  }
0x56b: {  	v11 =	vld [tilespmem:s23+$0x0];
	v6 =	vperm.xlane v9, v2  }
0x56c: {  	v61, _, _ =	vpop (xrf0)  }
0x56d: {  	(xrf0) =	vadd.scan.msk.s32 $0xffff, v10;
	v10 =	vadd.s32 v6, v61  }
0x56e: {  	v6 =	vperm.xlane v10, v2  }
0x56f: {  	vm0 =	vlt.s32 v8, $0xE6667;
	v62, _, _ =	vpop (xrf0)  }
0x570: {  	(xrf0) =	vadd.scan.msk.s32 $0xffff, v11;
	v11 =	vadd.s32 v6, v62;
	v6 =	vsel vm0, $0x1, v0;
	_ =	sdelay $0x1  }
0x571: {  	v5 =	vadd.s32 v7, v5;
	v7 =	vperm.xlane v11, v2  }
0x572: {  	vm12 =	vlt.s32 v10, $0xE6667;
	v5 =	vadd.s32 v6, v5;
	v6, _, _ =	vpop (xrf0)  }
0x573: {  	vm11 =	vlt.s32 v9, $0xE6667;
	v7 =	vadd.s32 v7, v6;
	v6 =	vsel vm12, $0x1, v0  }
0x574: {  	v12 =	vsel vm11, $0x1, v0  }
0x575: {  	v5 =	vadd.s32 v12, v5;
	v63 =	vperm.xlane v7, v2  }
0x576: {  	vm13 =	vlt.s32 v11, $0xE6667;
	v5 =	vadd.s32 v6, v5;
	v6, _, _ =	vpop (xrf0)  }
0x577: {  	vm14 =	vlt.s32 v7, $0xE6667;
	v12 =	vadd.s32 v63, v6;
	v6 =	vsel vm13, $0x1, v0  }
0x578: {  	v5 =	vadd.s32 v6, v5;
	v6 =	vsel vm14, $0x1, v0;
	vm15 =	vlt.s32 v12, $0xE6667  }
0x579: {  	v5 =	vadd.s32 v6, v5;
	v6 =	vsel vm15, $0x1, v0  }
0x57a: {  	v5 =	vadd.s32 v6, v5  }
0x57b: {  	(xrf0) =	vadd.scan.msk.s32 $0xffff, v5;
	_ =	sdelay $0x5  }
0x57c: {  	v6, _, _ =	vpop (xrf0)  }
0x57d: {  	(v2sf) =	vpush v6, $0xF;
	_ =	sdelay $0xd  }
0x57e: {  	[tilespmem:s10+$0xFFFFFFF0] =	vst v8  }
0x57f: {  	[tilespmem:s10+$0x0] =	vst v9;
	s21 =	spop (v2sf)  }
0x580: {  	[tilespmem:s6+$0xFFFFFFF0] =	vst v10;
	s22 =	sadd.s32 $0xFFFFFFFF, s21  }
0x581: {  	[tilespmem:s6+$0x0] =	vst v11;
	p1 =	sgt.s32 s22, $0x0  }
0x582: {  	[tilespmem:s23+$0xFFFFFFF0] =	vst v7;
	s22 =	simm.s32 @!p1 $0x0  }
0x583: {  	s6 =	simm.s32 $0x10040;
	[tilespmem:s23+$0x0] =	vst v12;
	s29 =	sand.u32 $0x7FFFFFF0, s22  }
0x584: {  	v5 =	vld [tilespmem:s29+$0x18000];
	[tilespmem:s6+$0xFFFFFFC0] =	vst v0  }
0x585: {  	[tilespmem:s6+$0x30] =	vst v0  }
0x586: {  	[tilespmem:s6+$0x20] =	vst v0  }
0x587: {  	[tilespmem:s6+$0x10] =	vst v0  }
0x588: {  	[tilespmem:s6+$0x0] =	vst v0  }
0x589: {  	[tilespmem:s6+$0xFFFFFFF0] =	vst v0  }
0x58a: {  	s10 =	simm.s32 $0x0;
	[tilespmem:s6+$0xFFFFFFE0] =	vst v0  }
.LBB2_17:
0x58b: {  	s10 =	sadd.s32 $0x80, s10;
	[tilespmem:s6+$0xFFFFFFD0] =	vst v0;
	s6 =	sadd.s32 $0x80, s6  }
0x58c: {  	[tilespmem:s6+$0xFFFFFFC0] =	vst v0;
	p1 =	slt.u32 s10, $0x780  }
0x58d: {  	[tilespmem:s6+$0x30] =	vst v0  }
.Ltmp30:
0x58e: {  	[tilespmem:s6+$0x20] =	vst v0;
	(pc) =	sbr.rel @p1 .LBB2_17-.Ltmp30, $4  }
0x58f: {  	[tilespmem:s6+$0x10] =	vst v0  }
0x590: {  	[tilespmem:s6+$0x0] =	vst v0  }
0x591: {  	[tilespmem:s6+$0xFFFFFFF0] =	vst v0  }
0x592: {  	[tilespmem:s6+$0xFFFFFFE0] =	vst v0  }
0x593: {  	[tilespmem:s6+$0xFFFFFFD0] =	vst v0;
	s10 =	simm.s32 $0x40  }
0x594: {  	v8 =	vld [tilespmem:s10+$0xFFFFFFD0];
	_ =	sdelay $0x1  }
0x595: {  	v10 =	vld [tilespmem:s10+$0x10]  }
0x596: {  	v9 =	vld [tilespmem:s10+$0x30]  }
0x597: {  	v12 =	vld [tilespmem:s10+$0xFFFFFFF0]  }
0x598: {  	v6 =	vbroadcast v6, $0xF;
	v13 =	vshrl.u32 v8, $0xA;
	v8 =	vshrl.u32 v8, $0x15  }
0x599: {  	v7 =	vld [tilespmem:s10+$0x20];
	v8 =	vand.u32 $0x3FF, v8  }
0x59a: {  	vm0 =	veq.s32 v8, v6;
	v8 =	vshrl.u32 v10, $0x15  }
0x59b: {  	v11 =	vshrl.u32 v9, $0x15;
	v14 =	vshrl.u32 v10, $0xA;
	v10 =	vld [tilespmem:s10+$0xFFFFFFE0];
	v8 =	vand.u32 $0x3FF, v8  }
0x59c: {  	v9 =	vshrl.u32 v9, $0xA;
	v15 =	vshrl.u32 v12, $0x15;
	vm3 =	veq.s32 v8, v6  }
0x59d: {  	v16 =	vshrl.u32 v12, $0xA;
	v15 =	vand.u32 $0x3FF, v15;
	v12 =	vand.u32 $0x7FF, v14  }
0x59e: {  	v17 =	vshrl.u32 v7, $0x15;
	v11 =	vand.u32 $0x3FF, v11;
	vm1 =	veq.s32 v15, v6;
	v15 =	vld [tilespmem:s10+$0x0]  }
0x59f: {  	s6 =	simm.s32 $0x0;
	v14 =	vld [tilespmem:s10+$0xFFFFFFC0];
	s10 =	simm.s32 $0xC0;
	v8 =	vand.u32 $0x7FF, v13;
	v13 =	vand.u32 $0x7FF, v16;
	v16 =	vand.u32 $0x3FF, v17  }
.LBB2_19:
0x5a0: {  	v17 =	vld [tilespmem:s10+$0xFFFFFFD0];
	s6 =	sadd.s32 $0x80, s6;
	v18 =	vshrl.u32 v10, $0x15;
	v19 =	vshrl.u32 v7, $0xA;
	vm2 =	veq.s32 v16, v6  }
0x5a1: {  	vm5 =	veq.s32 v11, v6;
	v7 =	vld [tilespmem:s10+$0x20];
	p1 =	slt.u32 s6, $0xFF80;
	v16 =	vand.u32 $0x3FF, v18;
	v18 =	vand.u32 $0x7FF, v19  }
0x5a2: {  	v10 =	vshrl.u32 v10, $0xA;
	v9 =	vand.u32 $0x7FF, v9;
	vm4 =	veq.s32 v16, v6;
	[tilespmem:v12+s31+$0x0] =	vst.idx.add.s32.msk vm3, v1  }
0x5a3: {  	v12 =	vand.u32 $0x7FF, v10;
	v11 =	vld [tilespmem:s10+$0x30];
	v10 =	vshrl.u32 v15, $0xA;
	v15 =	vshrl.u32 v15, $0x15  }
0x5a4: {  	v16 =	vshrl.u32 v14, $0xA;
	v14 =	vshrl.u32 v14, $0x15;
	[tilespmem:v13+s31+$0x0] =	vst.idx.add.s32.msk vm1, v1;
	v13 =	vand.u32 $0x3FF, v15  }
0x5a5: {  	v19 =	vshrl.u32 v17, $0xA;
	v15 =	vld [tilespmem:s10+$0x10];
	v14 =	vand.u32 $0x3FF, v14;
	vm1 =	veq.s32 v13, v6  }
0x5a6: {  	v13 =	vld [tilespmem:s10+$0xFFFFFFF0];
	vm6 =	veq.s32 v14, v6;
	v14 =	vand.u32 $0x7FF, v10  }
0x5a7: {  	v16 =	vand.u32 $0x7FF, v16;
	[tilespmem:v9+s31+$0x0] =	vst.idx.add.s32.msk vm5, v1  }
0x5a8: {  	v9 =	vshrl.u32 v17, $0x15;
	v10 =	vld [tilespmem:s10+$0xFFFFFFE0];
	v17 =	vshrl.u32 v11, $0x15  }
0x5a9: {  	v20 =	vand.u32 $0x3FF, v9;
	v9 =	vshrl.u32 v11, $0xA;
	v11 =	vand.u32 $0x3FF, v17;
	[tilespmem:v8+s31+$0x0] =	vst.idx.add.s32.msk vm0, v1  }
0x5aa: {  	vm0 =	veq.s32 v20, v6;
	v8 =	vshrl.u32 v15, $0xA;
	v15 =	vshrl.u32 v15, $0x15;
	[tilespmem:v12+s31+$0x0] =	vst.idx.add.s32.msk vm4, v1  }
.Ltmp31:
0x5ab: {  	v17 =	vshrl.u32 v13, $0xA;
	v12 =	vshrl.u32 v13, $0x15;
	v13 =	vand.u32 $0x3FF, v15;
	[tilespmem:v14+s31+$0x0] =	vst.idx.add.s32.msk vm1, v1;
	(pc) =	sbr.rel @p1 .LBB2_19-.Ltmp31, $4  }
0x5ac: {  	v14 =	vand.u32 $0x3FF, v12;
	vm3 =	veq.s32 v13, v6;
	[tilespmem:v16+s31+$0x0] =	vst.idx.add.s32.msk vm6, v1  }
0x5ad: {  	v12 =	vand.u32 $0x7FF, v8;
	[tilespmem:v18+s31+$0x0] =	vst.idx.add.s32.msk vm2, v1  }
0x5ae: {  	v16 =	vshrl.u32 v7, $0x15;
	vm1 =	veq.s32 v14, v6;
	v15 =	vld [tilespmem:s10+$0x0]  }
0x5af: {  	v8 =	vand.u32 $0x7FF, v19;
	v13 =	vand.u32 $0x7FF, v17;
	v16 =	vand.u32 $0x3FF, v16;
	v14 =	vld [tilespmem:s10+$0xFFFFFFC0];
	s10 =	sadd.s32 $0x80, s10  }
0x5b0: {  	v17 =	vshrl.u32 v10, $0x15  }
0x5b1: {  	vm2 =	veq.s32 v11, v6;
	v10 =	vshrl.u32 v10, $0xA;
	v9 =	vand.u32 $0x7FF, v9  }
0x5b2: {  	v7 =	vshrl.u32 v7, $0xA;
	vm15 =	veq.s32 v16, v6;
	v17 =	vand.u32 $0x3FF, v17  }
0x5b3: {  	v10 =	vand.u32 $0x7FF, v10;
	v7 =	vand.u32 $0x7FF, v7;
	v11 =	vshrl.u32 v15, $0x15  }
0x5b4: {  	vm4 =	veq.s32 v17, v6;
	v48 =	vshrl.u32 v14, $0x15;
	v11 =	vand.u32 $0x3FF, v11  }
0x5b5: {  	[tilespmem:v12+s31+$0x0] =	vst.idx.add.s32.msk vm3, v1;
	v15 =	vshrl.u32 v15, $0xA;
	v17 =	vand.u32 $0x3FF, v48;
	vm5 =	veq.s32 v11, v6  }
0x5b6: {  	[tilespmem:v13+s31+$0x0] =	vst.idx.add.s32.msk vm1, v1;
	v12 =	vand.u32 $0x7FF, v15;
	v11 =	vshrl.u32 v14, $0xA;
	vm14 =	veq.s32 v17, v6  }
0x5b7: {  	[tilespmem:v8+s31+$0x0] =	vst.idx.add.s32.msk vm0, v1;
	v6 =	vand.u32 $0x7FF, v11  }
0x5b8: {  	[tilespmem:v9+s31+$0x0] =	vst.idx.add.s32.msk vm2, v1  }
0x5b9: {  	[tilespmem:v7+s31+$0x0] =	vst.idx.add.s32.msk vm15, v1  }
0x5ba: {  	[tilespmem:v10+s31+$0x0] =	vst.idx.add.s32.msk vm4, v1  }
0x5bb: {  	[tilespmem:v12+s31+$0x0] =	vst.idx.add.s32.msk vm5, v1  }
0x5bc: {  	[tilespmem:v6+s31+$0x0] =	vst.idx.add.s32.msk vm14, v1  }
0x5bd: {  	s6 =	rddreg [dreg:$0x10]  }
0x5be: {  	[hbm4b:s6+s16] =	stream.strided.scatter [tilespmem:s31], [sflag:$0x5], $0x800, s17, s16, $0x38;
	[tilespmem:$0x18800] =	vst v63  }
0x5bf: {  	_ =	swait.ge [sflag:s18], $0x800  }
0x5c0: {  	[sflag:s18] =	ssyncset.done $0x0  }
0x5c1: {  	[sflag:s18] =	ssyncadd.s32 $0xFFFFF800  }
0x5c2: {  	[bflag:$0x0] =	sbarrier.arrive $0xFFFF  }
0x5c3: {  	[tilespmem:s31], [sflag:$0x5] =	stream.strided.gather [hbm4b:s3+s16], $0x8000, s17, s16, $0x38;
	[tilespmem:$0x18800] =	vst v63  }
0x5c4: {  	_ =	swait.ge [sflag:s18], $0x8000  }
0x5c5: {  	[sflag:s18] =	ssyncset.done $0x0  }
0x5c6: {  	s10 =	simm.s32 $0x0;
	s6 =	simm.s32 $0x0;
	[sflag:s18] =	ssyncadd.s32 $0xFFFF8000  }
0x5c7: {  	s23 =	sand.u32 $0x7C0, s10;
	v6 =	vld [tilespmem:s6+$0x10000]  }
0x5c8: {  	v7 =	vld [tilespmem:s23+$0x10800]  }
0x5c9: {  	v8 =	vld [tilespmem:s23+$0x11000]  }
0x5ca: {  	v9 =	vld [tilespmem:s23+$0x11800]  }
0x5cb: {  	v10 =	vld [tilespmem:s23+$0x12000]  }
0x5cc: {  	v11 =	vld [tilespmem:s23+$0x12800]  }
0x5cd: {  	v12 =	vld [tilespmem:s23+$0x13000]  }
0x5ce: {  	v13 =	vld [tilespmem:s23+$0x13800]  }
0x5cf: {  	v14 =	vld [tilespmem:s23+$0x14000]  }
0x5d0: {  	v15 =	vld [tilespmem:s23+$0x14800]  }
0x5d1: {  	v49 =	vld [tilespmem:s23+$0x15000]  }
0x5d2: {  	v50 =	vld [tilespmem:s23+$0x15800]  }
0x5d3: {  	v18 =	vld [tilespmem:s23+$0x16000]  }
0x5d4: {  	v19 =	vld [tilespmem:s23+$0x16800]  }
0x5d5: {  	v20 =	vld [tilespmem:s23+$0x17000]  }
0x5d6: {  	v21 =	vld [tilespmem:s23+$0x17800]  }
0x5d7: {  	v22 =	vld [tilespmem:s6+$0x10010]  }
0x5d8: {  	v23 =	vld [tilespmem:s6+$0x10810]  }
0x5d9: {  	v24 =	vld [tilespmem:s6+$0x10020]  }
0x5da: {  	v25 =	vld [tilespmem:s6+$0x10820]  }
0x5db: {  	v26 =	vld [tilespmem:s6+$0x10030]  }
0x5dc: {  	v27 =	vld [tilespmem:s6+$0x10830]  }
0x5dd: {  	v28 =	vld [tilespmem:s6+$0x11010]  }
0x5de: {  	v29 =	vld [tilespmem:s6+$0x11020]  }
0x5df: {  	v30 =	vld [tilespmem:s6+$0x11030]  }
0x5e0: {  	v31 =	vld [tilespmem:s6+$0x11810]  }
0x5e1: {  	v32 =	vld [tilespmem:s6+$0x11820]  }
0x5e2: {  	v33 =	vld [tilespmem:s6+$0x11830]  }
0x5e3: {  	v34 =	vld [tilespmem:s6+$0x12010]  }
0x5e4: {  	v35 =	vld [tilespmem:s6+$0x12020]  }
0x5e5: {  	v36 =	vld [tilespmem:s6+$0x12030]  }
0x5e6: {  	v37 =	vld [tilespmem:s6+$0x12810]  }
0x5e7: {  	v38 =	vld [tilespmem:s6+$0x12820]  }
0x5e8: {  	v39 =	vld [tilespmem:s6+$0x12830]  }
0x5e9: {  	v40 =	vld [tilespmem:s6+$0x13010]  }
0x5ea: {  	v51 =	vld [tilespmem:s6+$0x14820]  }
0x5eb: {  	v52 =	vld [tilespmem:s6+$0x14830];
	v6 =	vadd.s32 v6, v7  }
0x5ec: {  	v53 =	vld [tilespmem:s6+$0x15010];
	v6 =	vadd.s32 v8, v6  }
0x5ed: {  	v54 =	vld [tilespmem:s6+$0x15020];
	v6 =	vadd.s32 v9, v6  }
0x5ee: {  	v55 =	vld [tilespmem:s6+$0x15030];
	v6 =	vadd.s32 v10, v6  }
0x5ef: {  	v41 =	vld [tilespmem:s6+$0x15810];
	v6 =	vadd.s32 v11, v6  }
0x5f0: {  	v58 =	vld [tilespmem:s6+$0x15820];
	v6 =	vadd.s32 v12, v6  }
0x5f1: {  	v59 =	vld [tilespmem:s6+$0x15830];
	v6 =	vadd.s32 v13, v6  }
0x5f2: {  	v60 =	vld [tilespmem:s6+$0x16010];
	v6 =	vadd.s32 v14, v6  }
0x5f3: {  	v61 =	vld [tilespmem:s6+$0x16020];
	v6 =	vadd.s32 v15, v6  }
0x5f4: {  	v7 =	vld [tilespmem:s6+$0x13020];
	v6 =	vadd.s32 v49, v6  }
0x5f5: {  	v8 =	vld [tilespmem:s6+$0x13030];
	v6 =	vadd.s32 v50, v6  }
0x5f6: {  	v9 =	vld [tilespmem:s6+$0x13810];
	v6 =	vadd.s32 v18, v6  }
0x5f7: {  	v10 =	vld [tilespmem:s6+$0x13820];
	v6 =	vadd.s32 v19, v6  }
0x5f8: {  	v56 =	vadd.s32 v24, v25;
	v11 =	vld [tilespmem:s6+$0x13830];
	v6 =	vadd.s32 v20, v6  }
0x5f9: {  	v57 =	vadd.s32 v26, v27;
	v12 =	vld [tilespmem:s6+$0x14010];
	v21 =	vadd.s32 v21, v6;
	v6 =	vadd.s32 v22, v23  }
0x5fa: {  	v13 =	vld [tilespmem:s6+$0x14020];
	v22 =	vadd.s32 v29, v56;
	v23 =	vadd.s32 v30, v57;
	v6 =	vadd.s32 v28, v6  }
0x5fb: {  	v14 =	vld [tilespmem:s6+$0x14030];
	v22 =	vadd.s32 v32, v22;
	v23 =	vadd.s32 v33, v23;
	v6 =	vadd.s32 v31, v6  }
0x5fc: {  	v15 =	vld [tilespmem:s6+$0x14810];
	v22 =	vadd.s32 v35, v22;
	v23 =	vadd.s32 v36, v23;
	v6 =	vadd.s32 v34, v6  }
0x5fd: {  	v62 =	vld [tilespmem:s6+$0x16030];
	v22 =	vadd.s32 v38, v22;
	v23 =	vadd.s32 v39, v23;
	v6 =	vadd.s32 v37, v6  }
0x5fe: {  	v63 =	vld [tilespmem:s6+$0x16810];
	v7 =	vadd.s32 v7, v22;
	v8 =	vadd.s32 v8, v23;
	v6 =	vadd.s32 v40, v6  }
0x5ff: {  	v7 =	vadd.s32 v10, v7;
	v8 =	vadd.s32 v11, v8;
	v10 =	vld [tilespmem:s6+$0x16820];
	v6 =	vadd.s32 v9, v6  }
0x600: {  	v7 =	vadd.s32 v13, v7;
	v8 =	vadd.s32 v14, v8;
	v6 =	vadd.s32 v12, v6;
	v12 =	vld [tilespmem:s6+$0x16830]  }
0x601: {  	v7 =	vadd.s32 v51, v7;
	v8 =	vadd.s32 v52, v8;
	v9 =	vadd.s32 v15, v6;
	v6 =	vld [tilespmem:s6+$0x17010]  }
0x602: {  	v11 =	vadd.s32 v54, v7;
	v8 =	vadd.s32 v55, v8;
	v7 =	vld [tilespmem:s6+$0x17020];
	v9 =	vadd.s32 v53, v9  }
0x603: {  	v11 =	vadd.s32 v58, v11;
	v13 =	vadd.s32 v59, v8;
	v8 =	vld [tilespmem:s6+$0x17030];
	v9 =	vadd.s32 v41, v9  }
0x604: {  	v11 =	vadd.s32 v61, v11;
	v15 =	vadd.s32 v62, v13;
	v14 =	vadd.s32 v60, v9;
	v9 =	vld [tilespmem:s6+$0x17810]  }
0x605: {  	s23 =	simm.s32 $0x100;
	[tilespmem:s6+$0x18000] =	vst v21;
	v11 =	vadd.s32 v10, v11;
	v10 =	vld [tilespmem:s6+$0x17820];
	v13 =	vadd.s32 v63, v14;
	v12 =	vadd.s32 v12, v15  }
.LBB2_21:
0x606: {  	s10 =	sadd.s32 $0x40, s10;
	s26 =	sshra.s32 s23, $0x2;
	v6 =	vadd.s32 v6, v13;
	v13 =	vld [tilespmem:s6+$0x17830]  }
0x607: {  	v14 =	vld [tilespmem:s26+$0x10000];
	s28 =	sand.u32 $0x7C0, s10;
	p1 =	slt.u32 s10, $0x7C0;
	v7 =	vadd.s32 v7, v11  }
0x608: {  	v11 =	vld [tilespmem:s28+$0x10800];
	v8 =	vadd.s32 v8, v12  }
0x609: {  	v12 =	vld [tilespmem:s28+$0x11000];
	v6 =	vadd.s32 v9, v6  }
0x60a: {  	v9 =	vld [tilespmem:s28+$0x11800];
	[tilespmem:s6+$0x18010] =	vst v6;
	v6 =	vadd.s32 v10, v7  }
0x60b: {  	v7 =	vld [tilespmem:s28+$0x12000];
	[tilespmem:s6+$0x18020] =	vst v6;
	v6 =	vadd.s32 v13, v8  }
0x60c: {  	v8 =	vld [tilespmem:s28+$0x12800];
	[tilespmem:s6+$0x18030] =	vst v6;
	s6 =	smov.u32 s26  }
0x60d: {  	v6 =	vadd.s32 v14, v11;
	v10 =	vld [tilespmem:s28+$0x13000]  }
0x60e: {  	v6 =	vadd.s32 v12, v6;
	v11 =	vld [tilespmem:s28+$0x13800]  }
0x60f: {  	v6 =	vadd.s32 v9, v6;
	v9 =	vld [tilespmem:s28+$0x14000]  }
0x610: {  	v6 =	vadd.s32 v7, v6;
	v7 =	vld [tilespmem:s28+$0x14800]  }
0x611: {  	v6 =	vadd.s32 v8, v6;
	v8 =	vld [tilespmem:s28+$0x15000]  }
0x612: {  	v6 =	vadd.s32 v10, v6;
	v10 =	vld [tilespmem:s28+$0x15800]  }
0x613: {  	v6 =	vadd.s32 v11, v6;
	v11 =	vld [tilespmem:s28+$0x16000]  }
0x614: {  	v6 =	vadd.s32 v9, v6;
	v9 =	vld [tilespmem:s28+$0x16800]  }
0x615: {  	v6 =	vadd.s32 v7, v6;
	v7 =	vld [tilespmem:s28+$0x17000]  }
0x616: {  	v6 =	vadd.s32 v8, v6;
	v8 =	vld [tilespmem:s28+$0x17800]  }
0x617: {  	v6 =	vadd.s32 v10, v6;
	v10 =	vld [tilespmem:s6+$0x10010]  }
0x618: {  	v6 =	vadd.s32 v11, v6;
	v11 =	vld [tilespmem:s6+$0x10810]  }
0x619: {  	v6 =	vadd.s32 v9, v6;
	v9 =	vld [tilespmem:s6+$0x10020]  }
0x61a: {  	v6 =	vadd.s32 v7, v6;
	v7 =	vld [tilespmem:s6+$0x10820]  }
0x61b: {  	v6 =	vadd.s32 v8, v6;
	v8 =	vld [tilespmem:s6+$0x10030]  }
0x61c: {  	[tilespmem:s6+$0x18000] =	vst v6;
	v6 =	vld [tilespmem:s6+$0x10830]  }
0x61d: {  	v10 =	vadd.s32 v10, v11;
	v11 =	vld [tilespmem:s6+$0x11010]  }
0x61e: {  	v12 =	vld [tilespmem:s6+$0x11020]  }
0x61f: {  	v7 =	vadd.s32 v9, v7;
	v9 =	vld [tilespmem:s6+$0x11030]  }
0x620: {  	v13 =	vld [tilespmem:s6+$0x11810]  }
0x621: {  	v14 =	vld [tilespmem:s6+$0x11820];
	v6 =	vadd.s32 v8, v6  }
0x622: {  	v8 =	vadd.s32 v11, v10;
	v10 =	vld [tilespmem:s6+$0x11830]  }
0x623: {  	v11 =	vld [tilespmem:s6+$0x12010];
	v7 =	vadd.s32 v12, v7  }
0x624: {  	v12 =	vld [tilespmem:s6+$0x12020];
	v6 =	vadd.s32 v9, v6  }
0x625: {  	v8 =	vadd.s32 v13, v8;
	v9 =	vld [tilespmem:s6+$0x12030]  }
0x626: {  	v13 =	vld [tilespmem:s6+$0x12810];
	v7 =	vadd.s32 v14, v7  }
0x627: {  	v14 =	vld [tilespmem:s6+$0x12820];
	v6 =	vadd.s32 v10, v6  }
0x628: {  	v8 =	vadd.s32 v11, v8;
	v10 =	vld [tilespmem:s6+$0x12830]  }
0x629: {  	v11 =	vld [tilespmem:s6+$0x13010];
	v7 =	vadd.s32 v12, v7  }
0x62a: {  	v12 =	vld [tilespmem:s6+$0x13020];
	v6 =	vadd.s32 v9, v6  }
0x62b: {  	v8 =	vadd.s32 v13, v8;
	v9 =	vld [tilespmem:s6+$0x13030]  }
0x62c: {  	v13 =	vld [tilespmem:s6+$0x13810];
	v7 =	vadd.s32 v14, v7  }
0x62d: {  	v14 =	vld [tilespmem:s6+$0x13820];
	v6 =	vadd.s32 v10, v6  }
0x62e: {  	v8 =	vadd.s32 v11, v8;
	v10 =	vld [tilespmem:s6+$0x13830]  }
0x62f: {  	v11 =	vld [tilespmem:s6+$0x14010];
	v7 =	vadd.s32 v12, v7  }
0x630: {  	v12 =	vld [tilespmem:s6+$0x14020];
	v6 =	vadd.s32 v9, v6  }
0x631: {  	v8 =	vadd.s32 v13, v8;
	v9 =	vld [tilespmem:s6+$0x14030]  }
0x632: {  	v13 =	vld [tilespmem:s6+$0x14810];
	v7 =	vadd.s32 v14, v7  }
0x633: {  	v14 =	vld [tilespmem:s6+$0x14820];
	v6 =	vadd.s32 v10, v6  }
0x634: {  	v8 =	vadd.s32 v11, v8;
	v10 =	vld [tilespmem:s6+$0x14830]  }
0x635: {  	v11 =	vld [tilespmem:s6+$0x15010];
	v7 =	vadd.s32 v12, v7  }
0x636: {  	v12 =	vld [tilespmem:s6+$0x15020];
	v6 =	vadd.s32 v9, v6  }
0x637: {  	v8 =	vadd.s32 v13, v8;
	v9 =	vld [tilespmem:s6+$0x15030]  }
0x638: {  	v13 =	vld [tilespmem:s6+$0x15810];
	v7 =	vadd.s32 v14, v7  }
0x639: {  	v14 =	vld [tilespmem:s6+$0x15820];
	v6 =	vadd.s32 v10, v6  }
0x63a: {  	v8 =	vadd.s32 v11, v8;
	v10 =	vld [tilespmem:s6+$0x15830]  }
0x63b: {  	v11 =	vld [tilespmem:s6+$0x16010];
	v7 =	vadd.s32 v12, v7  }
0x63c: {  	v12 =	vld [tilespmem:s6+$0x16020];
	v6 =	vadd.s32 v9, v6  }
0x63d: {  	v8 =	vadd.s32 v13, v8;
	v9 =	vld [tilespmem:s6+$0x16030]  }
0x63e: {  	v13 =	vld [tilespmem:s6+$0x16810];
	v7 =	vadd.s32 v14, v7  }
0x63f: {  	v14 =	vld [tilespmem:s6+$0x16820];
	v10 =	vadd.s32 v10, v6  }
0x640: {  	v8 =	vadd.s32 v11, v8;
	v15 =	vld [tilespmem:s6+$0x16830]  }
.Ltmp32:
0x641: {  	v6 =	vld [tilespmem:s6+$0x17010];
	v11 =	vadd.s32 v12, v7;
	(pc) =	sbr.rel @p1 .LBB2_21-.Ltmp32, $4  }
0x642: {  	v7 =	vld [tilespmem:s6+$0x17020];
	v12 =	vadd.s32 v9, v10  }
0x643: {  	v13 =	vadd.s32 v13, v8;
	v8 =	vld [tilespmem:s6+$0x17030]  }
0x644: {  	v9 =	vld [tilespmem:s6+$0x17810];
	v11 =	vadd.s32 v14, v11  }
0x645: {  	s23 =	sadd.s32 $0x100, s23;
	v10 =	vld [tilespmem:s6+$0x17820];
	v12 =	vadd.s32 v15, v12  }
0x646: {  	v14 =	vld [tilespmem:s6+$0x17830];
	_ =	sdelay $0x1  }
0x647: {  	v6 =	vadd.s32 v6, v13  }
0x648: {  	v7 =	vadd.s32 v7, v11;
	v6 =	vadd.s32 v9, v6  }
0x649: {  	v8 =	vadd.s32 v8, v12;
	[tilespmem:s6+$0x18010] =	vst v6;
	v6 =	vadd.s32 v10, v7  }
0x64a: {  	s28 =	sand.u32 $0xF, s22;
	[tilespmem:s6+$0x18020] =	vst v6;
	v6 =	vadd.s32 v14, v8  }
0x64b: {  	[tilespmem:s6+$0x18030] =	vst v6;
	v6 =	vmov s28  }
0x64c: {  	v5 =	vxor.u32 $0x80000000, v5;
	vm0 =	veq.s32 v6, v3  }
0x64d: {  	v5 =	vnsel vm0, $0x80000000, v5  }
0x64e: {  	(xrf0) =	vmax.scan.msk.u32 $0xffff, v5;
	_ =	sdelay $0x5  }
0x64f: {  	v5, _, _ =	vpop (xrf0)  }
0x650: {  	(v2sf) =	vpush v5, $0xF;
	_ =	sdelay $0xa  }
0x651: {  	s23 =	simm.s32 $0x18010  }
0x652: {  	v6 =	vld [tilespmem:s23+$0xFFFFFFF0];
	_ =	sdelay $0x2  }
0x653: {  	v8 =	vld [tilespmem:s23+$0x0];
	s29 =	spop (v2sf)  }
0x654: {  	s6 =	sxor.u32 $0x80000000, s29  }
0x655: {  	(xrf0) =	vadd.scan.msk.s32 $0xffff, v6;
	s22 =	ssub.s32 $0xE6666, s6;
	s6 =	simm.s32 $0x18030  }
0x656: {  	v6 =	vld [tilespmem:s6+$0xFFFFFFF0];
	_ =	sdelay $0x1  }
0x657: {  	(xrf0) =	vadd.scan.msk.s32 $0xffff, v8;
	_ =	sdelay $0x1  }
0x658: {  	s10 =	simm.s32 $0x18050;
	v8 =	vld [tilespmem:s6+$0x0]  }
0x659: {  	v7 =	vimm.s32 $0x0;
	v10 =	vld [tilespmem:s10+$0xFFFFFFF0];
	(xrf0) =	vadd.scan.msk.s32 $0xffff, v6;
	v6, _, _ =	vpop (xrf0)  }
0x65a: {  	p1 =	sgt.s32 s21, $0x0;
	v6 =	vadd.s32 v7, v6  }
0x65b: {  	s22 =	simm.s32 @!p1 $0xE6666;
	v9 =	vperm.xlane v6, v2  }
0x65c: {  	v5 =	vmov s22;
	v11, _, _ =	vpop (xrf0)  }
0x65d: {  	(xrf0) =	vadd.scan.msk.s32 $0xffff, v8;
	vm14 =	vle.s32 v6, v5;
	v9 =	vadd.s32 v9, v11  }
0x65e: {  	[tilespmem:s23+$0xFFFFFFF0] =	vst v6;
	v6 =	vld [tilespmem:s10+$0x0];
	(xrf0) =	vadd.scan.msk.s32 $0xffff, v10;
	v8 =	vsel vm14, $0x1, v0;
	vm15 =	vle.s32 v9, v5  }
0x65f: {  	s26 =	simm.s32 $0x18070;
	v7 =	vadd.s32 v8, v7;
	[tilespmem:s23+$0x0] =	vst v9;
	s23 =	simm.s32 $0x60;
	v9 =	vperm.xlane v9, v2;
	v10, _, _ =	vpop (xrf0);
	v8 =	vsel vm15, $0x1, v0  }
.LBB2_23:
0x660: {  	s23 =	sadd.s32 $0x20, s23  }
0x661: {  	v11 =	vld [tilespmem:s26+$0xFFFFFFF0];
	v10 =	vadd.s32 v9, v10;
	v7 =	vadd.s32 v8, v7;
	p1 =	slt.u32 s23, $0x7E0  }
.Ltmp33:
0x662: {  	[tilespmem:s6+$0xFFFFFFF0] =	vst v10;
	v8 =	vperm.xlane v10, v2;
	vm0 =	vle.s32 v10, v5;
	(pc) =	sbr.rel @p1 .LBB2_23-.Ltmp33, $4  }
0x663: {  	(xrf0) =	vadd.scan.msk.s32 $0xffff, v6;
	v12 =	vsel vm0, $0x1, v0;
	v9, _, _ =	vpop (xrf0)  }
0x664: {  	v6 =	vld [tilespmem:s26+$0x0];
	v8 =	vadd.s32 v8, v9  }
0x665: {  	[tilespmem:s6+$0x0] =	vst v8;
	v9 =	vperm.xlane v8, v2;
	vm0 =	vle.s32 v8, v5;
	s6 =	smov.u32 s10;
	s10 =	smov.u32 s26  }
0x666: {  	v7 =	vadd.s32 v12, v7;
	s26 =	sadd.s32 $0x20, s26;
	(xrf0) =	vadd.scan.msk.s32 $0xffff, v11;
	v10, _, _ =	vpop (xrf0);
	v8 =	vsel vm0, $0x1, v0  }
0x667: {  	v11 =	vld [tilespmem:s26+$0xFFFFFFF0];
	v9 =	vadd.s32 v9, v10  }
0x668: {  	v10 =	vperm.xlane v9, v2  }
0x669: {  	(xrf0) =	vadd.scan.msk.s32 $0xffff, v6;
	v6, _, _ =	vpop (xrf0)  }
0x66a: {  	v12 =	vld [tilespmem:s26+$0x0];
	v6 =	vadd.s32 v10, v6  }
0x66b: {  	v10 =	vperm.xlane v6, v2  }
0x66c: {  	(xrf0) =	vadd.scan.msk.s32 $0xffff, v11;
	v55, _, _ =	vpop (xrf0)  }
0x66d: {  	v10 =	vadd.s32 v10, v55  }
0x66e: {  	v11 =	vperm.xlane v10, v2  }
0x66f: {  	(xrf0) =	vadd.scan.msk.s32 $0xffff, v12;
	v56, _, _ =	vpop (xrf0)  }
0x670: {  	vm0 =	vle.s32 v9, v5;
	v11 =	vadd.s32 v11, v56  }
0x671: {  	v7 =	vadd.s32 v8, v7;
	v57 =	vsel vm0, $0x1, v0;
	v12 =	vperm.xlane v11, v2  }
0x672: {  	v7 =	vadd.s32 v57, v7;
	vm11 =	vle.s32 v6, v5;
	v58, _, _ =	vpop (xrf0)  }
0x673: {  	v13 =	vsel vm11, $0x1, v0;
	vm12 =	vle.s32 v10, v5;
	v8 =	vadd.s32 v12, v58  }
0x674: {  	v7 =	vadd.s32 v13, v7;
	v59 =	vsel vm12, $0x1, v0;
	v60 =	vperm.xlane v8, v2  }
0x675: {  	v7 =	vadd.s32 v59, v7;
	vm13 =	vle.s32 v11, v5;
	v61, _, _ =	vpop (xrf0)  }
0x676: {  	v62 =	vsel vm13, $0x1, v0;
	vm14 =	vle.s32 v8, v5;
	v12 =	vadd.s32 v60, v61  }
0x677: {  	v7 =	vadd.s32 v62, v7;
	v63 =	vsel vm14, $0x1, v0;
	vm15 =	vle.s32 v12, v5  }
0x678: {  	v5 =	vadd.s32 v63, v7;
	v7 =	vsel vm15, $0x1, v0  }
0x679: {  	v5 =	vadd.s32 v7, v5  }
0x67a: {  	(xrf0) =	vadd.scan.msk.s32 $0xffff, v5;
	_ =	sdelay $0x5  }
0x67b: {  	v5, _, _ =	vpop (xrf0)  }
0x67c: {  	(v2sf) =	vpush v5, $0xF;
	_ =	sdelay $0xd  }
0x67d: {  	[tilespmem:s6+$0xFFFFFFF0] =	vst v9  }
0x67e: {  	[tilespmem:s6+$0x0] =	vst v6;
	s23 =	spop (v2sf)  }
0x67f: {  	[tilespmem:s10+$0xFFFFFFF0] =	vst v10;
	s6 =	sadd.s32 $0xFFFFFFFF, s23  }
0x680: {  	[tilespmem:s10+$0x0] =	vst v11;
	p1 =	sgt.s32 s6, $0x0  }
0x681: {  	[tilespmem:s26+$0xFFFFFFF0] =	vst v8;
	s6 =	simm.s32 @!p1 $0x0  }
0x682: {  	s10 =	simm.s32 $0x10040;
	[tilespmem:s26+$0x0] =	vst v12;
	s29 =	sand.u32 $0x7FFFFFF0, s6  }
0x683: {  	v5 =	vld [tilespmem:s29+$0x18000];
	[tilespmem:s10+$0xFFFFFFC0] =	vst v0  }
0x684: {  	[tilespmem:s10+$0x30] =	vst v0  }
0x685: {  	[tilespmem:s10+$0x20] =	vst v0  }
0x686: {  	[tilespmem:s10+$0x10] =	vst v0  }
0x687: {  	[tilespmem:s10+$0x0] =	vst v0  }
0x688: {  	[tilespmem:s10+$0xFFFFFFF0] =	vst v0  }
0x689: {  	s26 =	simm.s32 $0x0;
	[tilespmem:s10+$0xFFFFFFE0] =	vst v0  }
.LBB2_25:
0x68a: {  	s26 =	sadd.s32 $0x80, s26;
	[tilespmem:s10+$0xFFFFFFD0] =	vst v0;
	s10 =	sadd.s32 $0x80, s10  }
0x68b: {  	[tilespmem:s10+$0xFFFFFFC0] =	vst v0;
	p1 =	slt.u32 s26, $0x380  }
0x68c: {  	[tilespmem:s10+$0x30] =	vst v0  }
.Ltmp34:
0x68d: {  	[tilespmem:s10+$0x20] =	vst v0;
	(pc) =	sbr.rel @p1 .LBB2_25-.Ltmp34, $4  }
0x68e: {  	[tilespmem:s10+$0x10] =	vst v0  }
0x68f: {  	[tilespmem:s10+$0x0] =	vst v0  }
0x690: {  	[tilespmem:s10+$0xFFFFFFF0] =	vst v0  }
0x691: {  	[tilespmem:s10+$0xFFFFFFE0] =	vst v0  }
0x692: {  	[tilespmem:s10+$0xFFFFFFD0] =	vst v0;
	s29 =	simm.s32 $0x40  }
0x693: {  	v8 =	vld [tilespmem:s29+$0x30]  }
0x694: {  	v7 =	vld [tilespmem:s29+$0xFFFFFFD0]  }
0x695: {  	v9 =	vld [tilespmem:s29+$0xFFFFFFE0]  }
0x696: {  	v11 =	vld [tilespmem:s29+$0xFFFFFFF0]  }
0x697: {  	v13 =	vld [tilespmem:s29+$0x0]  }
0x698: {  	s28 =	sshll.u32 s21, $0xB;
	v14 =	vld [tilespmem:s29+$0x10]  }
0x699: {  	s21 =	sor.u32 s28, s23;
	v16 =	vld [tilespmem:s29+$0xFFFFFFC0]  }
0x69a: {  	v6 =	vmov s21;
	v10 =	vshrl.u32 v8, $0xA  }
0x69b: {  	v12 =	vshrl.u32 v7, $0xA;
	v15 =	vand.u32 $0x3FF, v7;
	v17 =	vshrl.u32 v9, $0xA  }
0x69c: {  	v7 =	vld [tilespmem:s29+$0x20];
	v59 =	vshrl.u32 v11, $0xA;
	v8 =	vand.u32 $0x3FF, v8;
	v10 =	vand.u32 $0x1FFFFF, v10  }
0x69d: {  	v60 =	vshrl.u32 v13, $0xA;
	v12 =	vand.u32 $0x1FFFFF, v12;
	vm4 =	veq.s32 v10, v6  }
0x69e: {  	v61 =	vshrl.u32 v14, $0xA;
	v18 =	vshrl.u32 v16, $0xA;
	vm7 =	veq.s32 v12, v6  }
0x69f: {  	v11 =	vand.u32 $0x3FF, v11;
	v63 =	vand.u32 $0x1FFFFF, v18;
	v10 =	vand.u32 $0x1FFFFF, v17  }
0x6a0: {  	v12 =	vand.u32 $0x1FFFFF, v59;
	vm5 =	veq.s32 v63, v6;
	vm0 =	veq.s32 v10, v6  }
0x6a1: {  	v10 =	vand.u32 $0x1FFFFF, v60;
	vm1 =	veq.s32 v12, v6;
	v62 =	vshrl.u32 v7, $0xA  }
0x6a2: {  	v12 =	vand.u32 $0x1FFFFF, v61;
	vm2 =	veq.s32 v10, v6;
	v10 =	vand.u32 $0x1FFFFF, v62  }
0x6a3: {  	vm3 =	veq.s32 v12, v6;
	v12 =	vand.u32 $0x3FF, v16;
	vm6 =	veq.s32 v10, v6;
	[tilespmem:v8+s31+$0x0] =	vst.idx.add.s32.msk vm4, v1  }
0x6a4: {  	s10 =	simm.s32 $0x0;
	s26 =	simm.s32 $0xC0;
	v10 =	vand.u32 $0x3FF, v9;
	v9 =	vand.u32 $0x3FF, v13;
	[tilespmem:v15+s31+$0x0] =	vst.idx.add.s32.msk vm7, v1;
	v8 =	vand.u32 $0x3FF, v14  }
.LBB2_27:
0x6a5: {  	v13 =	vld [tilespmem:s26+$0x30];
	s10 =	sadd.s32 $0x80, s10;
	v14 =	vand.u32 $0x3FF, v7;
	vm4 =	vmmov vm6  }
0x6a6: {  	v7 =	vld [tilespmem:s26+$0xFFFFFFD0];
	p1 =	slt.u32 s10, $0xFF80  }
0x6a7: {  	v15 =	vld [tilespmem:s26+$0xFFFFFFE0]  }
0x6a8: {  	v16 =	vld [tilespmem:s26+$0xFFFFFFF0]  }
0x6a9: {  	v17 =	vld [tilespmem:s26+$0x0]  }
0x6aa: {  	v18 =	vld [tilespmem:s26+$0x10];
	v19 =	vshrl.u32 v13, $0xA  }
0x6ab: {  	v20 =	vshrl.u32 v7, $0xA;
	v21 =	vand.u32 $0x3FF, v7;
	v7 =	vld [tilespmem:s26+$0x20];
	v19 =	vand.u32 $0x1FFFFF, v19  }
0x6ac: {  	v22 =	vld [tilespmem:s26+$0xFFFFFFC0];
	v20 =	vand.u32 $0x1FFFFF, v20;
	v23 =	vshrl.u32 v15, $0xA;
	vm7 =	veq.s32 v19, v6  }
0x6ad: {  	v13 =	vand.u32 $0x3FF, v13;
	v19 =	vand.u32 $0x1FFFFF, v23;
	v23 =	vshrl.u32 v16, $0xA;
	[tilespmem:v12+s31+$0x0] =	vst.idx.add.s32.msk vm5, v1  }
0x6ae: {  	vm8 =	veq.s32 v20, v6;
	v12 =	vand.u32 $0x1FFFFF, v23;
	v20 =	vshrl.u32 v17, $0xA;
	[tilespmem:v10+s31+$0x0] =	vst.idx.add.s32.msk vm0, v1  }
0x6af: {  	vm0 =	veq.s32 v19, v6;
	v10 =	vand.u32 $0x1FFFFF, v20;
	v19 =	vshrl.u32 v18, $0xA;
	[tilespmem:v11+s31+$0x0] =	vst.idx.add.s32.msk vm1, v1  }
.Ltmp35:
0x6b0: {  	vm1 =	veq.s32 v12, v6;
	v11 =	vand.u32 $0x1FFFFF, v19;
	v12 =	vshrl.u32 v7, $0xA;
	[tilespmem:v9+s31+$0x0] =	vst.idx.add.s32.msk vm2, v1;
	(pc) =	sbr.rel @p1 .LBB2_27-.Ltmp35, $4  }
0x6b1: {  	vm2 =	veq.s32 v10, v6;
	v9 =	vshrl.u32 v22, $0xA;
	v10 =	vand.u32 $0x1FFFFF, v12;
	[tilespmem:v8+s31+$0x0] =	vst.idx.add.s32.msk vm3, v1  }
0x6b2: {  	vm3 =	veq.s32 v11, v6;
	v8 =	vand.u32 $0x1FFFFF, v9;
	vm6 =	veq.s32 v10, v6;
	[tilespmem:v13+s31+$0x0] =	vst.idx.add.s32.msk vm7, v1  }
0x6b3: {  	v12 =	vand.u32 $0x3FF, v22;
	v10 =	vand.u32 $0x3FF, v15;
	vm5 =	veq.s32 v8, v6;
	[tilespmem:v14+s31+$0x0] =	vst.idx.add.s32.msk vm4, v1  }
0x6b4: {  	s26 =	sadd.s32 $0x80, s26;
	v11 =	vand.u32 $0x3FF, v16;
	v9 =	vand.u32 $0x3FF, v17;
	v8 =	vand.u32 $0x3FF, v18;
	[tilespmem:v21+s31+$0x0] =	vst.idx.add.s32.msk vm8, v1  }
0x6b5: {  	_ =	sdelay $0x4  }
0x6b6: {  	v6 =	vand.u32 $0x3FF, v7;
	[tilespmem:v12+s31+$0x0] =	vst.idx.add.s32.msk vm5, v1  }
0x6b7: {  	[tilespmem:v10+s31+$0x0] =	vst.idx.add.s32.msk vm0, v1  }
0x6b8: {  	[tilespmem:v11+s31+$0x0] =	vst.idx.add.s32.msk vm1, v1  }
0x6b9: {  	[tilespmem:v9+s31+$0x0] =	vst.idx.add.s32.msk vm2, v1  }
0x6ba: {  	[tilespmem:v8+s31+$0x0] =	vst.idx.add.s32.msk vm3, v1  }
0x6bb: {  	[tilespmem:v6+s31+$0x0] =	vst.idx.add.s32.msk vm6, v1  }
0x6bc: {  	[hbm4b:s9+s16] =	stream.strided.scatter [tilespmem:s31], [sflag:$0x5], $0x400, s17, s16, $0x38;
	[tilespmem:$0x18800] =	vst v63  }
0x6bd: {  	_ =	swait.ge [sflag:s18], $0x400  }
0x6be: {  	[sflag:s18] =	ssyncset.done $0x0  }
0x6bf: {  	[sflag:s18] =	ssyncadd.s32 $0xFFFFFC00  }
0x6c0: {  	[bflag:$0x0] =	sbarrier.arrive $0xFFFF  }
0x6c1: {  	[tilespmem:s31], [sflag:$0x5] =	stream.strided.gather [hbm4b:s3+s16], $0x4000, s17, s16, $0x38;
	[tilespmem:$0x18800] =	vst v63  }
0x6c2: {  	_ =	swait.ge [sflag:s18], $0x4000  }
0x6c3: {  	[sflag:s18] =	ssyncset.done $0x0  }
0x6c4: {  	s26 =	simm.s32 $0x12010;
	s28 =	simm.s32 $0x0;
	[sflag:s18] =	ssyncadd.s32 $0xFFFFC000  }
0x6c5: {  	s29 =	sand.u32 $0x3C0, s28;
	v6 =	vld [tilespmem:s26+$0xFFFFDFF0]  }
0x6c6: {  	v7 =	vld [tilespmem:s29+$0x10400]  }
0x6c7: {  	v8 =	vld [tilespmem:s29+$0x10800]  }
0x6c8: {  	v9 =	vld [tilespmem:s29+$0x10C00]  }
0x6c9: {  	v10 =	vld [tilespmem:s29+$0x11000]  }
0x6ca: {  	v11 =	vld [tilespmem:s29+$0x11400]  }
0x6cb: {  	v12 =	vld [tilespmem:s29+$0x11800]  }
0x6cc: {  	v13 =	vld [tilespmem:s29+$0x11C00]  }
0x6cd: {  	v14 =	vld [tilespmem:s29+$0x12000]  }
0x6ce: {  	v15 =	vld [tilespmem:s29+$0x12400]  }
0x6cf: {  	v16 =	vld [tilespmem:s29+$0x12800]  }
0x6d0: {  	v17 =	vld [tilespmem:s29+$0x12C00]  }
0x6d1: {  	v18 =	vld [tilespmem:s29+$0x13000]  }
0x6d2: {  	v19 =	vld [tilespmem:s29+$0x13400]  }
0x6d3: {  	v20 =	vld [tilespmem:s29+$0x13800]  }
0x6d4: {  	v21 =	vld [tilespmem:s29+$0x13C00]  }
0x6d5: {  	v22 =	vld [tilespmem:s26+$0xFFFFE000]  }
0x6d6: {  	v23 =	vld [tilespmem:s26+$0xFFFFE400]  }
0x6d7: {  	v24 =	vld [tilespmem:s26+$0xFFFFE010]  }
0x6d8: {  	v25 =	vld [tilespmem:s26+$0xFFFFE410]  }
0x6d9: {  	v26 =	vld [tilespmem:s26+$0xFFFFE020]  }
0x6da: {  	v27 =	vld [tilespmem:s26+$0xFFFFE420]  }
0x6db: {  	v28 =	vld [tilespmem:s26+$0xFFFFE800]  }
0x6dc: {  	v29 =	vld [tilespmem:s26+$0xFFFFE810]  }
0x6dd: {  	v30 =	vld [tilespmem:s26+$0xFFFFE820]  }
0x6de: {  	v31 =	vld [tilespmem:s26+$0xFFFFEC00]  }
0x6df: {  	v32 =	vld [tilespmem:s26+$0xFFFFEC10]  }
0x6e0: {  	v33 =	vld [tilespmem:s26+$0xFFFFEC20]  }
0x6e1: {  	v34 =	vld [tilespmem:s26+$0xFFFFF000]  }
0x6e2: {  	v35 =	vld [tilespmem:s26+$0xFFFFF010]  }
0x6e3: {  	v36 =	vld [tilespmem:s26+$0xFFFFF020]  }
0x6e4: {  	v37 =	vld [tilespmem:s26+$0xFFFFF400]  }
0x6e5: {  	v38 =	vld [tilespmem:s26+$0xFFFFF410]  }
0x6e6: {  	v39 =	vld [tilespmem:s26+$0xFFFFF420]  }
0x6e7: {  	v40 =	vld [tilespmem:s26+$0xFFFFF800]  }
0x6e8: {  	v51 =	vld [tilespmem:s26+$0x410]  }
0x6e9: {  	v52 =	vld [tilespmem:s26+$0x420];
	v6 =	vadd.s32 v6, v7  }
0x6ea: {  	v53 =	vld [tilespmem:s26+$0x800];
	v6 =	vadd.s32 v8, v6  }
0x6eb: {  	v54 =	vld [tilespmem:s26+$0x810];
	v6 =	vadd.s32 v9, v6  }
0x6ec: {  	v55 =	vld [tilespmem:s26+$0x820];
	v6 =	vadd.s32 v10, v6  }
0x6ed: {  	v41 =	vld [tilespmem:s26+$0xC00];
	v6 =	vadd.s32 v11, v6  }
0x6ee: {  	v58 =	vld [tilespmem:s26+$0xC10];
	v6 =	vadd.s32 v12, v6  }
0x6ef: {  	v59 =	vld [tilespmem:s26+$0xC20];
	v6 =	vadd.s32 v13, v6  }
0x6f0: {  	v60 =	vld [tilespmem:s26+$0x1000];
	v6 =	vadd.s32 v14, v6  }
0x6f1: {  	v61 =	vld [tilespmem:s26+$0x1010];
	v6 =	vadd.s32 v15, v6  }
0x6f2: {  	v7 =	vld [tilespmem:s26+$0xFFFFF810];
	v6 =	vadd.s32 v16, v6  }
0x6f3: {  	v8 =	vld [tilespmem:s26+$0xFFFFF820];
	v6 =	vadd.s32 v17, v6  }
0x6f4: {  	v9 =	vld [tilespmem:s26+$0xFFFFFC00];
	v6 =	vadd.s32 v18, v6  }
0x6f5: {  	v10 =	vld [tilespmem:s26+$0xFFFFFC10];
	v6 =	vadd.s32 v19, v6  }
0x6f6: {  	vm4 =	vmmov vm6;
	v56 =	vadd.s32 v24, v25;
	v11 =	vld [tilespmem:s26+$0xFFFFFC20];
	v6 =	vadd.s32 v20, v6  }
0x6f7: {  	v57 =	vadd.s32 v26, v27;
	v12 =	vld [tilespmem:s26+$0x0];
	v21 =	vadd.s32 v21, v6;
	v6 =	vadd.s32 v22, v23  }
0x6f8: {  	v13 =	vld [tilespmem:s26+$0x10];
	v22 =	vadd.s32 v29, v56;
	v23 =	vadd.s32 v30, v57;
	v6 =	vadd.s32 v28, v6  }
0x6f9: {  	v14 =	vld [tilespmem:s26+$0x20];
	v22 =	vadd.s32 v32, v22;
	v23 =	vadd.s32 v33, v23;
	v6 =	vadd.s32 v31, v6  }
0x6fa: {  	v15 =	vld [tilespmem:s26+$0x400];
	v22 =	vadd.s32 v35, v22;
	v23 =	vadd.s32 v36, v23;
	v6 =	vadd.s32 v34, v6  }
0x6fb: {  	v62 =	vld [tilespmem:s26+$0x1020];
	v22 =	vadd.s32 v38, v22;
	v23 =	vadd.s32 v39, v23;
	v6 =	vadd.s32 v37, v6  }
0x6fc: {  	v63 =	vld [tilespmem:s26+$0x1400];
	v7 =	vadd.s32 v7, v22;
	v8 =	vadd.s32 v8, v23;
	v6 =	vadd.s32 v40, v6  }
0x6fd: {  	v7 =	vadd.s32 v10, v7;
	v8 =	vadd.s32 v11, v8;
	v10 =	vld [tilespmem:s26+$0x1410];
	v6 =	vadd.s32 v9, v6  }
0x6fe: {  	v7 =	vadd.s32 v13, v7;
	v8 =	vadd.s32 v14, v8;
	v6 =	vadd.s32 v12, v6;
	v12 =	vld [tilespmem:s26+$0x1420]  }
0x6ff: {  	v9 =	vadd.s32 v51, v7;
	v8 =	vadd.s32 v52, v8;
	v7 =	vld [tilespmem:s26+$0x1800];
	v6 =	vadd.s32 v15, v6  }
0x700: {  	v9 =	vadd.s32 v54, v9;
	v8 =	vadd.s32 v55, v8;
	v11 =	vadd.s32 v53, v6;
	v6 =	vld [tilespmem:s26+$0x1810]  }
0x701: {  	v9 =	vadd.s32 v58, v9;
	v13 =	vadd.s32 v59, v8;
	v8 =	vld [tilespmem:s26+$0x1820];
	v11 =	vadd.s32 v41, v11  }
0x702: {  	s10 =	simm.s32 $0x18020;
	v14 =	vadd.s32 v61, v9;
	v15 =	vadd.s32 v62, v13;
	v9 =	vld [tilespmem:s26+$0x1C00];
	v11 =	vadd.s32 v60, v11  }
0x703: {  	[tilespmem:s10+$0xFFFFFFE0] =	vst v21;
	v13 =	vadd.s32 v63, v11;
	v11 =	vadd.s32 v10, v14;
	v10 =	vld [tilespmem:s26+$0x1C10];
	v12 =	vadd.s32 v12, v15  }
.LBB2_29:
0x704: {  	s28 =	sadd.s32 $0x40, s28;
	v7 =	vadd.s32 v7, v13;
	v13 =	vld [tilespmem:s26+$0x1C20];
	s26 =	sadd.s32 $0x40, s26  }
0x705: {  	v14 =	vld [tilespmem:s26+$0xFFFFDFF0];
	s29 =	sand.u32 $0x3C0, s28;
	p1 =	slt.u32 s28, $0x3C0;
	v6 =	vadd.s32 v6, v11  }
0x706: {  	v11 =	vld [tilespmem:s29+$0x10400];
	v8 =	vadd.s32 v8, v12  }
0x707: {  	v12 =	vld [tilespmem:s29+$0x10800];
	v7 =	vadd.s32 v9, v7  }
0x708: {  	v9 =	vld [tilespmem:s29+$0x10C00];
	[tilespmem:s10+$0xFFFFFFF0] =	vst v7;
	v6 =	vadd.s32 v10, v6  }
0x709: {  	v7 =	vld [tilespmem:s29+$0x11000];
	[tilespmem:s10+$0x0] =	vst v6;
	v6 =	vadd.s32 v13, v8  }
0x70a: {  	v8 =	vld [tilespmem:s29+$0x11400];
	[tilespmem:s10+$0x10] =	vst v6  }
0x70b: {  	v6 =	vadd.s32 v14, v11;
	v10 =	vld [tilespmem:s29+$0x11800]  }
0x70c: {  	v6 =	vadd.s32 v12, v6;
	v11 =	vld [tilespmem:s29+$0x11C00]  }
0x70d: {  	v6 =	vadd.s32 v9, v6;
	v9 =	vld [tilespmem:s29+$0x12000]  }
0x70e: {  	v6 =	vadd.s32 v7, v6;
	v7 =	vld [tilespmem:s29+$0x12400]  }
0x70f: {  	v6 =	vadd.s32 v8, v6;
	v8 =	vld [tilespmem:s29+$0x12800]  }
0x710: {  	v6 =	vadd.s32 v10, v6;
	v10 =	vld [tilespmem:s29+$0x12C00]  }
0x711: {  	v6 =	vadd.s32 v11, v6;
	v11 =	vld [tilespmem:s29+$0x13000]  }
0x712: {  	v6 =	vadd.s32 v9, v6;
	v9 =	vld [tilespmem:s29+$0x13400]  }
0x713: {  	v6 =	vadd.s32 v7, v6;
	v7 =	vld [tilespmem:s29+$0x13800]  }
0x714: {  	v6 =	vadd.s32 v8, v6;
	v8 =	vld [tilespmem:s29+$0x13C00]  }
0x715: {  	v6 =	vadd.s32 v10, v6;
	v10 =	vld [tilespmem:s26+$0xFFFFE000]  }
0x716: {  	v6 =	vadd.s32 v11, v6;
	v11 =	vld [tilespmem:s26+$0xFFFFE400]  }
0x717: {  	v6 =	vadd.s32 v9, v6;
	v9 =	vld [tilespmem:s26+$0xFFFFE010]  }
0x718: {  	v6 =	vadd.s32 v7, v6;
	v7 =	vld [tilespmem:s26+$0xFFFFE410]  }
0x719: {  	s10 =	sadd.s32 $0x40, s10;
	v6 =	vadd.s32 v8, v6;
	v8 =	vld [tilespmem:s26+$0xFFFFE020]  }
0x71a: {  	[tilespmem:s10+$0xFFFFFFE0] =	vst v6;
	v6 =	vld [tilespmem:s26+$0xFFFFE420]  }
0x71b: {  	v10 =	vadd.s32 v10, v11;
	v11 =	vld [tilespmem:s26+$0xFFFFE800]  }
0x71c: {  	v12 =	vld [tilespmem:s26+$0xFFFFE810]  }
0x71d: {  	v7 =	vadd.s32 v9, v7;
	v9 =	vld [tilespmem:s26+$0xFFFFE820]  }
0x71e: {  	v13 =	vld [tilespmem:s26+$0xFFFFEC00]  }
0x71f: {  	v14 =	vld [tilespmem:s26+$0xFFFFEC10];
	v6 =	vadd.s32 v8, v6  }
0x720: {  	v8 =	vadd.s32 v11, v10;
	v10 =	vld [tilespmem:s26+$0xFFFFEC20]  }
0x721: {  	v11 =	vld [tilespmem:s26+$0xFFFFF000];
	v7 =	vadd.s32 v12, v7  }
0x722: {  	v12 =	vld [tilespmem:s26+$0xFFFFF010];
	v6 =	vadd.s32 v9, v6  }
0x723: {  	v8 =	vadd.s32 v13, v8;
	v9 =	vld [tilespmem:s26+$0xFFFFF020]  }
0x724: {  	v13 =	vld [tilespmem:s26+$0xFFFFF400];
	v7 =	vadd.s32 v14, v7  }
0x725: {  	v14 =	vld [tilespmem:s26+$0xFFFFF410];
	v6 =	vadd.s32 v10, v6  }
0x726: {  	v8 =	vadd.s32 v11, v8;
	v10 =	vld [tilespmem:s26+$0xFFFFF420]  }
0x727: {  	v11 =	vld [tilespmem:s26+$0xFFFFF800];
	v7 =	vadd.s32 v12, v7  }
0x728: {  	v12 =	vld [tilespmem:s26+$0xFFFFF810];
	v6 =	vadd.s32 v9, v6  }
0x729: {  	v8 =	vadd.s32 v13, v8;
	v9 =	vld [tilespmem:s26+$0xFFFFF820]  }
0x72a: {  	v13 =	vld [tilespmem:s26+$0xFFFFFC00];
	v7 =	vadd.s32 v14, v7  }
0x72b: {  	v14 =	vld [tilespmem:s26+$0xFFFFFC10];
	v6 =	vadd.s32 v10, v6  }
0x72c: {  	v8 =	vadd.s32 v11, v8;
	v10 =	vld [tilespmem:s26+$0xFFFFFC20]  }
0x72d: {  	v11 =	vld [tilespmem:s26+$0x0];
	v7 =	vadd.s32 v12, v7  }
0x72e: {  	v12 =	vld [tilespmem:s26+$0x10];
	v6 =	vadd.s32 v9, v6  }
0x72f: {  	v8 =	vadd.s32 v13, v8;
	v9 =	vld [tilespmem:s26+$0x20]  }
0x730: {  	v13 =	vld [tilespmem:s26+$0x400];
	v7 =	vadd.s32 v14, v7  }
0x731: {  	v14 =	vld [tilespmem:s26+$0x410];
	v6 =	vadd.s32 v10, v6  }
0x732: {  	v8 =	vadd.s32 v11, v8;
	v10 =	vld [tilespmem:s26+$0x420]  }
0x733: {  	v11 =	vld [tilespmem:s26+$0x800];
	v7 =	vadd.s32 v12, v7  }
0x734: {  	v12 =	vld [tilespmem:s26+$0x810];
	v6 =	vadd.s32 v9, v6  }
0x735: {  	v8 =	vadd.s32 v13, v8;
	v9 =	vld [tilespmem:s26+$0x820]  }
0x736: {  	v13 =	vld [tilespmem:s26+$0xC00];
	v7 =	vadd.s32 v14, v7  }
0x737: {  	v14 =	vld [tilespmem:s26+$0xC10];
	v6 =	vadd.s32 v10, v6  }
0x738: {  	v8 =	vadd.s32 v11, v8;
	v10 =	vld [tilespmem:s26+$0xC20]  }
0x739: {  	v11 =	vld [tilespmem:s26+$0x1000];
	v7 =	vadd.s32 v12, v7  }
0x73a: {  	v12 =	vld [tilespmem:s26+$0x1010];
	v6 =	vadd.s32 v9, v6  }
0x73b: {  	v8 =	vadd.s32 v13, v8;
	v9 =	vld [tilespmem:s26+$0x1020]  }
0x73c: {  	v13 =	vld [tilespmem:s26+$0x1400];
	v14 =	vadd.s32 v14, v7  }
0x73d: {  	v15 =	vld [tilespmem:s26+$0x1410];
	v10 =	vadd.s32 v10, v6  }
0x73e: {  	v8 =	vadd.s32 v11, v8;
	v16 =	vld [tilespmem:s26+$0x1420]  }
.Ltmp36:
0x73f: {  	v7 =	vld [tilespmem:s26+$0x1800];
	v11 =	vadd.s32 v12, v14;
	(pc) =	sbr.rel @p1 .LBB2_29-.Ltmp36, $4  }
0x740: {  	v6 =	vld [tilespmem:s26+$0x1810];
	v12 =	vadd.s32 v9, v10  }
0x741: {  	v13 =	vadd.s32 v13, v8;
	v8 =	vld [tilespmem:s26+$0x1820]  }
0x742: {  	v9 =	vld [tilespmem:s26+$0x1C00];
	v11 =	vadd.s32 v15, v11  }
0x743: {  	v10 =	vld [tilespmem:s26+$0x1C10];
	v12 =	vadd.s32 v16, v12  }
0x744: {  	v14 =	vld [tilespmem:s26+$0x1C20];
	_ =	sdelay $0x2  }
0x745: {  	v6 =	vadd.s32 v6, v11  }
0x746: {  	v8 =	vadd.s32 v8, v12;
	v6 =	vadd.s32 v10, v6  }
0x747: {  	s6 =	sand.u32 $0xF, s6;
	[tilespmem:s10+$0x0] =	vst v6;
	v6 =	vadd.s32 v14, v8  }
0x748: {  	[tilespmem:s10+$0x10] =	vst v6;
	v6 =	vmov s6  }
0x749: {  	v5 =	vxor.u32 $0x80000000, v5;
	vm0 =	veq.s32 v6, v3  }
0x74a: {  	v5 =	vnsel vm0, $0x80000000, v5  }
0x74b: {  	(xrf0) =	vmax.scan.msk.u32 $0xffff, v5;
	_ =	sdelay $0x5  }
0x74c: {  	v5, _, _ =	vpop (xrf0)  }
0x74d: {  	(v2sf) =	vpush v5, $0xF;
	_ =	sdelay $0xa  }
0x74e: {  	v7 =	vadd.s32 v7, v13  }
0x74f: {  	v7 =	vadd.s32 v9, v7  }
0x750: {  	s29 =	simm.s32 $0x18010;
	[tilespmem:s10+$0xFFFFFFF0] =	vst v7  }
0x751: {  	v6 =	vld [tilespmem:s29+$0xFFFFFFF0]  }
0x752: {  	s28 =	spop (v2sf)  }
0x753: {  	p1 =	sgt.s32 s23, $0x0;
	s6 =	sxor.u32 $0x80000000, s28  }
0x754: {  	v8 =	vld [tilespmem:s29+$0x0];
	s6 =	simm.s32 @!p1 $0x0  }
0x755: {  	s6 =	ssub.s32 s22, s6  }
0x756: {  	(xrf0) =	vadd.scan.msk.s32 $0xffff, v6;
	v5 =	vmov s6;
	s6 =	simm.s32 $0x18030  }
0x757: {  	v6 =	vld [tilespmem:s6+$0xFFFFFFF0];
	_ =	sdelay $0x1  }
0x758: {  	(xrf0) =	vadd.scan.msk.s32 $0xffff, v8;
	_ =	sdelay $0x1  }
0x759: {  	s10 =	simm.s32 $0x18050;
	v8 =	vld [tilespmem:s6+$0x0]  }
0x75a: {  	v7 =	vimm.s32 $0x0;
	v10 =	vld [tilespmem:s10+$0xFFFFFFF0];
	(xrf0) =	vadd.scan.msk.s32 $0xffff, v6;
	v6, _, _ =	vpop (xrf0)  }
0x75b: {  	v6 =	vadd.s32 v7, v6  }
0x75c: {  	v9 =	vperm.xlane v6, v2  }
0x75d: {  	v11, _, _ =	vpop (xrf0)  }
0x75e: {  	(xrf0) =	vadd.scan.msk.s32 $0xffff, v8;
	vm14 =	vle.s32 v6, v5;
	v9 =	vadd.s32 v9, v11  }
0x75f: {  	[tilespmem:s29+$0xFFFFFFF0] =	vst v6;
	v6 =	vld [tilespmem:s10+$0x0];
	(xrf0) =	vadd.scan.msk.s32 $0xffff, v10;
	v8 =	vsel vm14, $0x1, v0;
	vm15 =	vle.s32 v9, v5  }
0x760: {  	s23 =	simm.s32 $0x60;
	s22 =	simm.s32 $0x18070;
	v7 =	vadd.s32 v8, v7;
	[tilespmem:s29+$0x0] =	vst v9;
	v9 =	vperm.xlane v9, v2;
	v10, _, _ =	vpop (xrf0);
	v8 =	vsel vm15, $0x1, v0  }
.LBB2_31:
0x761: {  	s23 =	sadd.s32 $0x20, s23  }
0x762: {  	v11 =	vld [tilespmem:s22+$0xFFFFFFF0];
	v10 =	vadd.s32 v9, v10;
	v7 =	vadd.s32 v8, v7;
	p1 =	slt.u32 s23, $0x3E0  }
.Ltmp37:
0x763: {  	[tilespmem:s6+$0xFFFFFFF0] =	vst v10;
	v8 =	vperm.xlane v10, v2;
	vm0 =	vle.s32 v10, v5;
	(pc) =	sbr.rel @p1 .LBB2_31-.Ltmp37, $4  }
0x764: {  	(xrf0) =	vadd.scan.msk.s32 $0xffff, v6;
	v12 =	vsel vm0, $0x1, v0;
	v9, _, _ =	vpop (xrf0)  }
0x765: {  	v6 =	vld [tilespmem:s22+$0x0];
	v8 =	vadd.s32 v8, v9  }
0x766: {  	[tilespmem:s6+$0x0] =	vst v8;
	v9 =	vperm.xlane v8, v2;
	vm0 =	vle.s32 v8, v5;
	s6 =	smov.u32 s10;
	s10 =	smov.u32 s22  }
0x767: {  	v7 =	vadd.s32 v12, v7;
	s22 =	sadd.s32 $0x20, s22;
	(xrf0) =	vadd.scan.msk.s32 $0xffff, v11;
	v10, _, _ =	vpop (xrf0);
	v8 =	vsel vm0, $0x1, v0  }
0x768: {  	v11 =	vld [tilespmem:s22+$0xFFFFFFF0];
	v9 =	vadd.s32 v9, v10  }
0x769: {  	v10 =	vperm.xlane v9, v2  }
0x76a: {  	(xrf0) =	vadd.scan.msk.s32 $0xffff, v6;
	v6, _, _ =	vpop (xrf0)  }
0x76b: {  	v12 =	vld [tilespmem:s22+$0x0];
	v6 =	vadd.s32 v10, v6  }
0x76c: {  	v10 =	vperm.xlane v6, v2  }
0x76d: {  	(xrf0) =	vadd.scan.msk.s32 $0xffff, v11;
	v11, _, _ =	vpop (xrf0)  }
0x76e: {  	v10 =	vadd.s32 v10, v11  }
0x76f: {  	vm0 =	vle.s32 v9, v5;
	v11 =	vperm.xlane v10, v2  }
0x770: {  	v7 =	vadd.s32 v8, v7;
	v8 =	vsel vm0, $0x1, v0;
	(xrf0) =	vadd.scan.msk.s32 $0xffff, v12;
	v12, _, _ =	vpop (xrf0)  }
0x771: {  	v11 =	vadd.s32 v11, v12  }
0x772: {  	vm0 =	vle.s32 v6, v5;
	v12 =	vperm.xlane v11, v2  }
0x773: {  	v7 =	vadd.s32 v8, v7;
	v13 =	vsel vm0, $0x1, v0;
	vm0 =	vle.s32 v10, v5;
	v8, _, _ =	vpop (xrf0)  }
0x774: {  	v8 =	vadd.s32 v12, v8;
	v12 =	vsel vm0, $0x1, v0;
	_ =	sdelay $0x1  }
0x775: {  	v7 =	vadd.s32 v13, v7;
	v13 =	vperm.xlane v8, v2  }
0x776: {  	vm0 =	vle.s32 v11, v5;
	v7 =	vadd.s32 v12, v7;
	v12, _, _ =	vpop (xrf0)  }
0x777: {  	v12 =	vadd.s32 v13, v12;
	v13 =	vsel vm0, $0x1, v0;
	vm0 =	vle.s32 v8, v5  }
0x778: {  	v7 =	vadd.s32 v13, v7;
	vm1 =	vle.s32 v12, v5;
	v5 =	vsel vm0, $0x1, v0  }
0x779: {  	v5 =	vadd.s32 v5, v7;
	v7 =	vsel vm1, $0x1, v0  }
0x77a: {  	v5 =	vadd.s32 v7, v5  }
0x77b: {  	(xrf0) =	vadd.scan.msk.s32 $0xffff, v5;
	_ =	sdelay $0x5  }
0x77c: {  	v5, _, _ =	vpop (xrf0)  }
0x77d: {  	(v2sf) =	vpush v5, $0xF;
	_ =	sdelay $0x5  }
0x77e: {  	[tilespmem:s6+$0xFFFFFFF0] =	vst v9  }
0x77f: {  	[tilespmem:s6+$0x0] =	vst v6  }
0x780: {  	[tilespmem:s10+$0xFFFFFFF0] =	vst v10  }
0x781: {  	[tilespmem:s10+$0x0] =	vst v11  }
0x782: {  	[tilespmem:s22+$0xFFFFFFF0] =	vst v8  }
0x783: {  	s6 =	simm.s32 $0x40;
	[tilespmem:s22+$0x0] =	vst v12  }
0x784: {  	v7 =	vld [tilespmem:s6+$0x30]  }
0x785: {  	v9 =	vld [tilespmem:s6+$0xFFFFFFD0]  }
0x786: {  	v11 =	vld [tilespmem:s6+$0xFFFFFFE0]  }
0x787: {  	s21 =	sshll.u32 s21, $0xA;
	v10 =	vld [tilespmem:s6+$0xFFFFFFF0];
	s29 =	spop (v2sf)  }
0x788: {  	v8 =	vld [tilespmem:s6+$0x0];
	s10 =	sor.u32 s21, s29  }
0x789: {  	v6 =	vld [tilespmem:s6+$0x10];
	v12 =	vand.u32 $0x7FFFFFFF, v7;
	v5 =	vmov s10  }
0x78a: {  	v13 =	vand.u32 $0x7FFFFFFF, v9;
	v7 =	vld [tilespmem:s6+$0x20];
	vm1 =	vlt.s32 v12, v5  }
0x78b: {  	v9 =	vld [tilespmem:s6+$0xFFFFFFC0];
	s21 =	simm.s32 $0xC0;
	s10 =	simm.s32 $0x0;
	vm0 =	vlt.s32 v13, v5;
	v12 =	vand.u32 $0x7FFFFFFF, v11;
	v11 =	vsel vm1, $0x0, v4  }
.LBB2_33:
0x78c: {  	v13 =	vld [tilespmem:s21+$0x30];
	s10 =	sadd.s32 $0x80, s10;
	v14 =	vsel vm0, $0x0, v4;
	vm0 =	vlt.s32 v12, v5;
	v10 =	vand.u32 $0x7FFFFFFF, v10;
	[tilespmem:s6+$0x30] =	vst v11  }
0x78d: {  	v11 =	vld [tilespmem:s21+$0xFFFFFFD0];
	p1 =	slt.u32 s10, $0x3F80;
	[tilespmem:s6+$0xFFFFFFD0] =	vst v14;
	v12 =	vsel vm0, $0x0, v4;
	vm0 =	vlt.s32 v10, v5;
	v8 =	vand.u32 $0x7FFFFFFF, v8  }
0x78e: {  	v14 =	vld [tilespmem:s21+$0xFFFFFFE0];
	[tilespmem:s6+$0xFFFFFFE0] =	vst v12;
	v12 =	vsel vm0, $0x0, v4;
	vm0 =	vlt.s32 v8, v5;
	v6 =	vand.u32 $0x7FFFFFFF, v6  }
.Ltmp38:
0x78f: {  	v10 =	vld [tilespmem:s21+$0xFFFFFFF0];
	[tilespmem:s6+$0xFFFFFFF0] =	vst v12;
	v12 =	vsel vm0, $0x0, v4;
	vm0 =	vlt.s32 v6, v5;
	v6 =	vand.u32 $0x7FFFFFFF, v7;
	(pc) =	sbr.rel @p1 .LBB2_33-.Ltmp38, $4  }
0x790: {  	v8 =	vld [tilespmem:s21+$0x0];
	v7 =	vand.u32 $0x7FFFFFFF, v9;
	[tilespmem:s6+$0x0] =	vst v12;
	v9 =	vsel vm0, $0x0, v4;
	vm0 =	vlt.s32 v6, v5  }
0x791: {  	v6 =	vld [tilespmem:s21+$0x10];
	v12 =	vand.u32 $0x7FFFFFFF, v13;
	vm1 =	vlt.s32 v7, v5;
	[tilespmem:s6+$0x10] =	vst v9;
	v9 =	vsel vm0, $0x0, v4  }
0x792: {  	v11 =	vand.u32 $0x7FFFFFFF, v11;
	v7 =	vld [tilespmem:s21+$0x20];
	vm2 =	vlt.s32 v12, v5;
	v13 =	vsel vm1, $0x0, v4;
	[tilespmem:s6+$0x20] =	vst v9  }
0x793: {  	v9 =	vld [tilespmem:s21+$0xFFFFFFC0];
	vm0 =	vlt.s32 v11, v5;
	v12 =	vand.u32 $0x7FFFFFFF, v14;
	v11 =	vsel vm2, $0x0, v4;
	[tilespmem:s6+$0xFFFFFFC0] =	vst v13;
	s6 =	smov.u32 s21;
	s21 =	sadd.s32 $0x80, s21  }
0x794: {  	v13 =	vsel vm0, $0x0, v4;
	vm0 =	vlt.s32 v12, v5;
	v10 =	vand.u32 $0x7FFFFFFF, v10;
	[tilespmem:s6+$0x30] =	vst v11  }
0x795: {  	[tilespmem:s6+$0xFFFFFFD0] =	vst v13;
	v11 =	vsel vm0, $0x0, v4;
	vm0 =	vlt.s32 v10, v5;
	v8 =	vand.u32 $0x7FFFFFFF, v8  }
0x796: {  	[tilespmem:s6+$0xFFFFFFE0] =	vst v11;
	v10 =	vsel vm0, $0x0, v4;
	vm0 =	vlt.s32 v8, v5;
	v6 =	vand.u32 $0x7FFFFFFF, v6  }
0x797: {  	[tilespmem:s6+$0xFFFFFFF0] =	vst v10;
	v8 =	vsel vm0, $0x0, v4;
	vm0 =	vlt.s32 v6, v5;
	v6 =	vand.u32 $0x7FFFFFFF, v7  }
0x798: {  	v7 =	vand.u32 $0x7FFFFFFF, v9;
	[tilespmem:s6+$0x0] =	vst v8;
	v8 =	vsel vm0, $0x0, v4;
	vm0 =	vlt.s32 v6, v5  }
0x799: {  	vm1 =	vlt.s32 v7, v5;
	[tilespmem:s6+$0x10] =	vst v8;
	v6 =	vsel vm0, $0x0, v4  }
0x79a: {  	v7 =	vsel vm1, $0x0, v4;
	[tilespmem:s6+$0x20] =	vst v6  }
0x79b: {  	[tilespmem:s6+$0xFFFFFFC0] =	vst v7  }
0x79c: {  	[hbm4b:s11+s16] =	stream.strided.scatter [tilespmem:s2], [sflag:$0x1], $0x2000, s19, s16, $0x38;
	[tilespmem:$0x18800] =	vst v63  }
0x79d: {  	s29 =	sadd.s32 $0x10, s11;
	s10 =	simm.s32 $0x2000;
	s6 =	simm.s32 $0x4070  }
0x79e: {  	[hbm4b:s29+s16] =	stream.strided.scatter [tilespmem:s10], [sflag:$0x1], $0x2000, s19, s16, $0x38;
	[tilespmem:$0x18800] =	vst v63  }
0x79f: {  	v7 =	vld [tilespmem:s6+$0x0]  }
0x7a0: {  	v9 =	vld [tilespmem:s6+$0xFFFFFFA0]  }
0x7a1: {  	v11 =	vld [tilespmem:s6+$0xFFFFFFB0]  }
0x7a2: {  	v10 =	vld [tilespmem:s6+$0xFFFFFFC0]  }
0x7a3: {  	v8 =	vld [tilespmem:s6+$0xFFFFFFD0]  }
0x7a4: {  	v6 =	vld [tilespmem:s6+$0xFFFFFFE0];
	v12 =	vand.u32 $0x7FFFFFFF, v7  }
0x7a5: {  	s21 =	simm.s32 $0x40F0;
	v13 =	vand.u32 $0x7FFFFFFF, v9;
	v7 =	vld [tilespmem:s6+$0xFFFFFFF0];
	vm1 =	vlt.s32 v12, v5  }
0x7a6: {  	s22 =	simm.s32 $0x4000;
	s23 =	simm.s32 $0x8000;
	s10 =	simm.s32 $0x4000;
	v9 =	vld [tilespmem:s6+$0xFFFFFF90];
	vm0 =	vlt.s32 v13, v5;
	v12 =	vand.u32 $0x7FFFFFFF, v11;
	v11 =	vsel vm1, $0x0, v4  }
.LBB2_35:
0x7a7: {  	v13 =	vld [tilespmem:s21+$0x0];
	s10 =	sadd.s32 $0x80, s10;
	v14 =	vsel vm0, $0x0, v4;
	vm0 =	vlt.s32 v12, v5;
	v10 =	vand.u32 $0x7FFFFFFF, v10;
	[tilespmem:s6+$0x0] =	vst v11  }
0x7a8: {  	v11 =	vld [tilespmem:s21+$0xFFFFFFA0];
	p1 =	slt.u32 s10, $0x7F80;
	[tilespmem:s6+$0xFFFFFFA0] =	vst v14;
	v12 =	vsel vm0, $0x0, v4;
	vm0 =	vlt.s32 v10, v5;
	v8 =	vand.u32 $0x7FFFFFFF, v8  }
0x7a9: {  	v14 =	vld [tilespmem:s21+$0xFFFFFFB0];
	[tilespmem:s6+$0xFFFFFFB0] =	vst v12;
	v12 =	vsel vm0, $0x0, v4;
	vm0 =	vlt.s32 v8, v5;
	v6 =	vand.u32 $0x7FFFFFFF, v6  }
.Ltmp39:
0x7aa: {  	v10 =	vld [tilespmem:s21+$0xFFFFFFC0];
	[tilespmem:s6+$0xFFFFFFC0] =	vst v12;
	v12 =	vsel vm0, $0x0, v4;
	vm0 =	vlt.s32 v6, v5;
	v6 =	vand.u32 $0x7FFFFFFF, v7;
	(pc) =	sbr.rel @p1 .LBB2_35-.Ltmp39, $4  }
0x7ab: {  	v8 =	vld [tilespmem:s21+$0xFFFFFFD0];
	v7 =	vand.u32 $0x7FFFFFFF, v9;
	[tilespmem:s6+$0xFFFFFFD0] =	vst v12;
	v9 =	vsel vm0, $0x0, v4;
	vm0 =	vlt.s32 v6, v5  }
0x7ac: {  	v6 =	vld [tilespmem:s21+$0xFFFFFFE0];
	v12 =	vand.u32 $0x7FFFFFFF, v13;
	vm1 =	vlt.s32 v7, v5;
	[tilespmem:s6+$0xFFFFFFE0] =	vst v9;
	v9 =	vsel vm0, $0x0, v4  }
0x7ad: {  	v11 =	vand.u32 $0x7FFFFFFF, v11;
	v7 =	vld [tilespmem:s21+$0xFFFFFFF0];
	vm2 =	vlt.s32 v12, v5;
	v13 =	vsel vm1, $0x0, v4;
	[tilespmem:s6+$0xFFFFFFF0] =	vst v9  }
0x7ae: {  	v9 =	vld [tilespmem:s21+$0xFFFFFF90];
	vm0 =	vlt.s32 v11, v5;
	v12 =	vand.u32 $0x7FFFFFFF, v14;
	v11 =	vsel vm2, $0x0, v4;
	[tilespmem:s6+$0xFFFFFF90] =	vst v13;
	s6 =	smov.u32 s21;
	s21 =	sadd.s32 $0x80, s21  }
0x7af: {  	v13 =	vsel vm0, $0x0, v4;
	vm0 =	vlt.s32 v12, v5;
	v10 =	vand.u32 $0x7FFFFFFF, v10;
	[tilespmem:s6+$0x0] =	vst v11  }
0x7b0: {  	[tilespmem:s6+$0xFFFFFFA0] =	vst v13;
	v11 =	vsel vm0, $0x0, v4;
	vm0 =	vlt.s32 v10, v5;
	v8 =	vand.u32 $0x7FFFFFFF, v8  }
0x7b1: {  	[tilespmem:s6+$0xFFFFFFB0] =	vst v11;
	v10 =	vsel vm0, $0x0, v4;
	vm0 =	vlt.s32 v8, v5;
	v6 =	vand.u32 $0x7FFFFFFF, v6  }
0x7b2: {  	[tilespmem:s6+$0xFFFFFFC0] =	vst v10;
	v8 =	vsel vm0, $0x0, v4;
	vm0 =	vlt.s32 v6, v5;
	v6 =	vand.u32 $0x7FFFFFFF, v7  }
0x7b3: {  	v7 =	vand.u32 $0x7FFFFFFF, v9;
	[tilespmem:s6+$0xFFFFFFD0] =	vst v8;
	v8 =	vsel vm0, $0x0, v4;
	vm0 =	vlt.s32 v6, v5  }
0x7b4: {  	vm1 =	vlt.s32 v7, v5;
	[tilespmem:s6+$0xFFFFFFE0] =	vst v8;
	v6 =	vsel vm0, $0x0, v4  }
0x7b5: {  	v7 =	vsel vm1, $0x0, v4;
	[tilespmem:s6+$0xFFFFFFF0] =	vst v6  }
0x7b6: {  	[tilespmem:s6+$0xFFFFFF90] =	vst v7  }
0x7b7: {  	[hbm4b:s12+s16] =	stream.strided.scatter [tilespmem:s22], [sflag:$0x2], $0x2000, s19, s16, $0x38;
	[tilespmem:$0x18800] =	vst v63  }
0x7b8: {  	s29 =	sadd.s32 $0x10, s12;
	s10 =	simm.s32 $0x6000;
	s6 =	simm.s32 $0x8070  }
0x7b9: {  	[hbm4b:s29+s16] =	stream.strided.scatter [tilespmem:s10], [sflag:$0x2], $0x2000, s19, s16, $0x38;
	[tilespmem:$0x18800] =	vst v63  }
0x7ba: {  	v7 =	vld [tilespmem:s6+$0x0]  }
0x7bb: {  	v9 =	vld [tilespmem:s6+$0xFFFFFFA0]  }
0x7bc: {  	v11 =	vld [tilespmem:s6+$0xFFFFFFB0]  }
0x7bd: {  	v10 =	vld [tilespmem:s6+$0xFFFFFFC0]  }
0x7be: {  	v8 =	vld [tilespmem:s6+$0xFFFFFFD0]  }
0x7bf: {  	v6 =	vld [tilespmem:s6+$0xFFFFFFE0];
	v12 =	vand.u32 $0x7FFFFFFF, v7  }
0x7c0: {  	v13 =	vand.u32 $0x7FFFFFFF, v9;
	v7 =	vld [tilespmem:s6+$0xFFFFFFF0];
	vm1 =	vlt.s32 v12, v5  }
0x7c1: {  	s21 =	simm.s32 $0x80F0;
	s10 =	simm.s32 $0x8000;
	v9 =	vld [tilespmem:s6+$0xFFFFFF90];
	vm0 =	vlt.s32 v13, v5;
	v12 =	vand.u32 $0x7FFFFFFF, v11;
	v11 =	vsel vm1, $0x0, v4  }
.LBB2_37:
0x7c2: {  	v13 =	vld [tilespmem:s21+$0x0];
	s10 =	sadd.s32 $0x80, s10;
	v14 =	vsel vm0, $0x0, v4;
	vm0 =	vlt.s32 v12, v5;
	v10 =	vand.u32 $0x7FFFFFFF, v10;
	[tilespmem:s6+$0x0] =	vst v11  }
0x7c3: {  	v11 =	vld [tilespmem:s21+$0xFFFFFFA0];
	p1 =	slt.u32 s10, $0xBF80;
	[tilespmem:s6+$0xFFFFFFA0] =	vst v14;
	v12 =	vsel vm0, $0x0, v4;
	vm0 =	vlt.s32 v10, v5;
	v8 =	vand.u32 $0x7FFFFFFF, v8  }
0x7c4: {  	v14 =	vld [tilespmem:s21+$0xFFFFFFB0];
	[tilespmem:s6+$0xFFFFFFB0] =	vst v12;
	v12 =	vsel vm0, $0x0, v4;
	vm0 =	vlt.s32 v8, v5;
	v6 =	vand.u32 $0x7FFFFFFF, v6  }
.Ltmp40:
0x7c5: {  	v10 =	vld [tilespmem:s21+$0xFFFFFFC0];
	[tilespmem:s6+$0xFFFFFFC0] =	vst v12;
	v12 =	vsel vm0, $0x0, v4;
	vm0 =	vlt.s32 v6, v5;
	v6 =	vand.u32 $0x7FFFFFFF, v7;
	(pc) =	sbr.rel @p1 .LBB2_37-.Ltmp40, $4  }
0x7c6: {  	v8 =	vld [tilespmem:s21+$0xFFFFFFD0];
	v7 =	vand.u32 $0x7FFFFFFF, v9;
	[tilespmem:s6+$0xFFFFFFD0] =	vst v12;
	v9 =	vsel vm0, $0x0, v4;
	vm0 =	vlt.s32 v6, v5  }
0x7c7: {  	v6 =	vld [tilespmem:s21+$0xFFFFFFE0];
	v12 =	vand.u32 $0x7FFFFFFF, v13;
	vm1 =	vlt.s32 v7, v5;
	[tilespmem:s6+$0xFFFFFFE0] =	vst v9;
	v9 =	vsel vm0, $0x0, v4  }
0x7c8: {  	v11 =	vand.u32 $0x7FFFFFFF, v11;
	v7 =	vld [tilespmem:s21+$0xFFFFFFF0];
	vm2 =	vlt.s32 v12, v5;
	v13 =	vsel vm1, $0x0, v4;
	[tilespmem:s6+$0xFFFFFFF0] =	vst v9  }
0x7c9: {  	v9 =	vld [tilespmem:s21+$0xFFFFFF90];
	vm0 =	vlt.s32 v11, v5;
	v12 =	vand.u32 $0x7FFFFFFF, v14;
	v11 =	vsel vm2, $0x0, v4;
	[tilespmem:s6+$0xFFFFFF90] =	vst v13;
	s6 =	smov.u32 s21;
	s21 =	sadd.s32 $0x80, s21  }
0x7ca: {  	v13 =	vsel vm0, $0x0, v4;
	vm0 =	vlt.s32 v12, v5;
	v10 =	vand.u32 $0x7FFFFFFF, v10;
	[tilespmem:s6+$0x0] =	vst v11  }
0x7cb: {  	[tilespmem:s6+$0xFFFFFFA0] =	vst v13;
	v11 =	vsel vm0, $0x0, v4;
	vm0 =	vlt.s32 v10, v5;
	v8 =	vand.u32 $0x7FFFFFFF, v8  }
0x7cc: {  	[tilespmem:s6+$0xFFFFFFB0] =	vst v11;
	v10 =	vsel vm0, $0x0, v4;
	vm0 =	vlt.s32 v8, v5;
	v6 =	vand.u32 $0x7FFFFFFF, v6  }
0x7cd: {  	[tilespmem:s6+$0xFFFFFFC0] =	vst v10;
	v8 =	vsel vm0, $0x0, v4;
	vm0 =	vlt.s32 v6, v5;
	v6 =	vand.u32 $0x7FFFFFFF, v7  }
0x7ce: {  	v7 =	vand.u32 $0x7FFFFFFF, v9;
	[tilespmem:s6+$0xFFFFFFD0] =	vst v8;
	v8 =	vsel vm0, $0x0, v4;
	vm0 =	vlt.s32 v6, v5  }
0x7cf: {  	vm1 =	vlt.s32 v7, v5;
	[tilespmem:s6+$0xFFFFFFE0] =	vst v8;
	v6 =	vsel vm0, $0x0, v4  }
0x7d0: {  	v7 =	vsel vm1, $0x0, v4;
	[tilespmem:s6+$0xFFFFFFF0] =	vst v6  }
0x7d1: {  	[tilespmem:s6+$0xFFFFFF90] =	vst v7  }
0x7d2: {  	[hbm4b:s13+s16] =	stream.strided.scatter [tilespmem:s23], [sflag:$0x3], $0x2000, s19, s16, $0x38;
	[tilespmem:$0x18800] =	vst v63  }
0x7d3: {  	s29 =	sadd.s32 $0x10, s13;
	s10 =	simm.s32 $0xA000;
	s6 =	simm.s32 $0xC070  }
0x7d4: {  	[hbm4b:s29+s16] =	stream.strided.scatter [tilespmem:s10], [sflag:$0x3], $0x2000, s19, s16, $0x38;
	[tilespmem:$0x18800] =	vst v63  }
0x7d5: {  	v7 =	vld [tilespmem:s6+$0x0]  }
0x7d6: {  	v9 =	vld [tilespmem:s6+$0xFFFFFFA0]  }
0x7d7: {  	v11 =	vld [tilespmem:s6+$0xFFFFFFB0]  }
0x7d8: {  	v10 =	vld [tilespmem:s6+$0xFFFFFFC0]  }
0x7d9: {  	v8 =	vld [tilespmem:s6+$0xFFFFFFD0]  }
0x7da: {  	v6 =	vld [tilespmem:s6+$0xFFFFFFE0];
	v12 =	vand.u32 $0x7FFFFFFF, v7  }
0x7db: {  	v13 =	vand.u32 $0x7FFFFFFF, v9;
	v7 =	vld [tilespmem:s6+$0xFFFFFFF0];
	vm1 =	vlt.s32 v12, v5  }
0x7dc: {  	s21 =	simm.s32 $0xC0F0;
	s10 =	simm.s32 $0xC000;
	v9 =	vld [tilespmem:s6+$0xFFFFFF90];
	vm0 =	vlt.s32 v13, v5;
	v12 =	vand.u32 $0x7FFFFFFF, v11;
	v11 =	vsel vm1, $0x0, v4  }
.LBB2_39:
0x7dd: {  	v13 =	vld [tilespmem:s21+$0x0];
	s10 =	sadd.s32 $0x80, s10;
	v14 =	vsel vm0, $0x0, v4;
	vm0 =	vlt.s32 v12, v5;
	v10 =	vand.u32 $0x7FFFFFFF, v10;
	[tilespmem:s6+$0x0] =	vst v11  }
0x7de: {  	v11 =	vld [tilespmem:s21+$0xFFFFFFA0];
	p1 =	slt.u32 s10, $0xFF80;
	[tilespmem:s6+$0xFFFFFFA0] =	vst v14;
	v12 =	vsel vm0, $0x0, v4;
	vm0 =	vlt.s32 v10, v5;
	v8 =	vand.u32 $0x7FFFFFFF, v8  }
0x7df: {  	v14 =	vld [tilespmem:s21+$0xFFFFFFB0];
	[tilespmem:s6+$0xFFFFFFB0] =	vst v12;
	v12 =	vsel vm0, $0x0, v4;
	vm0 =	vlt.s32 v8, v5;
	v6 =	vand.u32 $0x7FFFFFFF, v6  }
.Ltmp41:
0x7e0: {  	v10 =	vld [tilespmem:s21+$0xFFFFFFC0];
	[tilespmem:s6+$0xFFFFFFC0] =	vst v12;
	v12 =	vsel vm0, $0x0, v4;
	vm0 =	vlt.s32 v6, v5;
	v6 =	vand.u32 $0x7FFFFFFF, v7;
	(pc) =	sbr.rel @p1 .LBB2_39-.Ltmp41, $4  }
0x7e1: {  	v8 =	vld [tilespmem:s21+$0xFFFFFFD0];
	v7 =	vand.u32 $0x7FFFFFFF, v9;
	[tilespmem:s6+$0xFFFFFFD0] =	vst v12;
	v9 =	vsel vm0, $0x0, v4;
	vm0 =	vlt.s32 v6, v5  }
0x7e2: {  	v6 =	vld [tilespmem:s21+$0xFFFFFFE0];
	v12 =	vand.u32 $0x7FFFFFFF, v13;
	vm1 =	vlt.s32 v7, v5;
	[tilespmem:s6+$0xFFFFFFE0] =	vst v9;
	v9 =	vsel vm0, $0x0, v4  }
0x7e3: {  	v11 =	vand.u32 $0x7FFFFFFF, v11;
	v7 =	vld [tilespmem:s21+$0xFFFFFFF0];
	vm2 =	vlt.s32 v12, v5;
	v13 =	vsel vm1, $0x0, v4;
	[tilespmem:s6+$0xFFFFFFF0] =	vst v9  }
0x7e4: {  	v9 =	vld [tilespmem:s21+$0xFFFFFF90];
	vm0 =	vlt.s32 v11, v5;
	v12 =	vand.u32 $0x7FFFFFFF, v14;
	v11 =	vsel vm2, $0x0, v4;
	[tilespmem:s6+$0xFFFFFF90] =	vst v13;
	s6 =	smov.u32 s21;
	s21 =	sadd.s32 $0x80, s21  }
0x7e5: {  	v13 =	vsel vm0, $0x0, v4;
	vm11 =	vlt.s32 v12, v5;
	v10 =	vand.u32 $0x7FFFFFFF, v10;
	[tilespmem:s6+$0x0] =	vst v11  }
0x7e6: {  	[tilespmem:s6+$0xFFFFFFA0] =	vst v13;
	v62 =	vsel vm11, $0x0, v4;
	vm12 =	vlt.s32 v10, v5;
	v8 =	vand.u32 $0x7FFFFFFF, v8  }
0x7e7: {  	[tilespmem:s6+$0xFFFFFFB0] =	vst v62;
	v10 =	vsel vm12, $0x0, v4;
	vm13 =	vlt.s32 v8, v5;
	v6 =	vand.u32 $0x7FFFFFFF, v6  }
0x7e8: {  	[tilespmem:s6+$0xFFFFFFC0] =	vst v10;
	v8 =	vsel vm13, $0x0, v4;
	vm14 =	vlt.s32 v6, v5;
	v6 =	vand.u32 $0x7FFFFFFF, v7  }
0x7e9: {  	v7 =	vand.u32 $0x7FFFFFFF, v9;
	[tilespmem:s6+$0xFFFFFFD0] =	vst v8;
	v63 =	vsel vm14, $0x0, v4;
	vm15 =	vlt.s32 v6, v5  }
0x7ea: {  	vm1 =	vlt.s32 v7, v5;
	[tilespmem:s6+$0xFFFFFFE0] =	vst v63;
	v5 =	vsel vm15, $0x0, v4  }
.Ltmp42:
0x7eb: {  	v6 =	vsel vm1, $0x0, v4;
	[tilespmem:s6+$0xFFFFFFF0] =	vst v5;
	(pc) =	sbr.rel .LBB2_80-.Ltmp42, $4  }
0x7ec: {  	s10 =	simm.s32 $0xC000;
	[tilespmem:s6+$0xFFFFFF90] =	vst v6  }
0x7ed: {  	[hbm4b:s14+s16] =	stream.strided.scatter [tilespmem:s10], [sflag:$0x4], $0x2000, s19, s16, $0x38;
	[tilespmem:$0x18800] =	vst v63  }
0x7ee: {  	s29 =	sadd.s32 $0x10, s14;
	s21 =	simm.s32 $0xE000  }
0x7ef: {  	[hbm4b:s29+s16] =	stream.strided.scatter [tilespmem:s21], [sflag:$0x4], $0x2000, s19, s16, $0x38;
	[tilespmem:$0x18800] =	vst v63  }
.LBB2_81:
0x7f0: {  	_ =	sfence.sel $0x180000  }
0x7f1: {  	[bflag:$0x0] =	sbarrier.arrive $0xFFFF  }
0x7f2: {  	_ =	strace $0x90000047  }
0x7f3: {  	s0 =	stileid.u32;
	[bflag:$0x2] =	sbarrier.arrive $0xFFFF  }
0x7f4: {  	p0 =	sne.s32 s0, $0x0;
	s0 =	rddreg [dreg:$0x5]  }
0x7f5: {  	s0 =	sadd.s32 @!p0 $0x100000, s0  }
0x7f6: {  	[sflag:s0] =	ssyncadd.tile.s32 @!p0 $0x1;
	_ =	shalt  }
.Lfunc_end2:
_tile_overlayer_lowered:
.L_overlay_start_2:
0x7f7: {  	(tag) =	ssettag $0x2  }
0x7f8: {  	s0 =	rddreg [dreg:$0x0];
	s2 =	stileid.u32  }
0x7f9: {  	s1 =	rddreg [dreg:$0x1];
	p0 =	sne.s32 s2, $0x0  }
0x7fa: {  	s3 =	rddreg [dreg:$0x2];
	[bflag:$0x3] =	sbarrier.arrive $0xFFFF;
	s2 =	simm.s32 @!p0 $0x1C05  }
0x7fb: {  	[timem:s3], [sflag:s2] =	dma.local @!p0 [hbm:s0], s1  }
0x7fc: {  	s0 =	simm.s32 @!p0 $0x5  }
0x7fd: {  	_ =	swait.ge @!p0 [sflag:s0], s1  }
0x7fe: {  	s1 =	ssub.s32 @!p0 $0x0, s1;
	[sflag:s0] =	ssyncset.done @!p0 $0x0  }
0x7ff: {  	[sflag:s0] =	ssyncadd.s32 @!p0 s1  }
0x800: {  	[bflag:$0x3] =	sbarrier.arrive $0xFFFF  }
0x801: {  	_ =	shalt  }

</sc_bundles>
